<compile_context>
chip_gen: v7x
topology: tpu7x:2x2x1
jax: 0.10.2.dev20260603
libtpu: 0.0.44.dev20260713+nightly
codegen_flags: <defaults>
</compile_context>

<pallas_src>
import jax
import jax.numpy as jnp
from jax import lax
from jax.experimental import pallas as pl
from jax.experimental.pallas import tpu as pltpu
from jax.experimental.pallas import tpu_sc as plsc

B, S = 16384, 50
D = 32
NC, NS = 2, 16
NW = NC * NS
CW = B // NW
TCW = CW // 128
L = 16


def _body(idx_hbm, table_hbm, out_hbm, idx_v, r0, r1, st0, st1,
          g0, g1, s0, s1):
    rows = (r0, r1)
    stage = (st0, st1)
    gsem = (g0, g1)
    ssem = (s0, s1)
    wid = lax.axis_index("s") * NC + lax.axis_index("c")
    b0 = wid * CW

    pltpu.sync_copy(idx_hbm.at[:, pl.ds(b0, CW)], idx_v)

    def gather_desc(bf, s):
        return pltpu.make_async_copy(
            table_hbm.at[idx_v.at[s]], rows[bf], gsem[bf])

    def store_desc(bf, s):
        return pltpu.make_async_copy(
            stage[bf],
            out_hbm.at[pl.ds(s * 4, 4), pl.ds(wid * TCW, TCW), :, :],
            ssem[bf])

    iota = lax.iota(jnp.int32, L)
    zero = iota * 0

    def transpose(bf):
        rbuf = rows[bf]
        sbuf = stage[bf]

        def j_body(jb, carry):
            row = iota + jb * L
            tcl_v = zero + (jb // 8)
            l_v = iota + (jb & 7) * L
            for d0 in range(D):
                col = iota ^ d0
                v = plsc.load_gather(rbuf, [row, col])
                plsc.store_scatter(
                    sbuf, [col >> 3, tcl_v, col & 7, l_v], v)
            return carry

        lax.fori_loop(0, CW // L, j_body, 0)

    gather_desc(0, 0).start()
    gather_desc(1, 1).start()
    for s in (0, 1):
        bf = s & 1
        gather_desc(bf, s).wait()
        transpose(bf)
        store_desc(bf, s).start()
        gather_desc(bf, s + 2).start()

    def main_body(g, carry):
        s_pair = 2 + 2 * g
        for bf in (0, 1):
            s = s_pair + bf
            gather_desc(bf, s).wait()
            store_desc(bf, s - 2).wait()
            transpose(bf)
            store_desc(bf, s).start()
            gather_desc(bf, s + 2).start()
        return carry

    lax.fori_loop(0, (S - 4) // 2, main_body, 0)

    for s in (S - 2, S - 1):
        bf = s & 1
        gather_desc(bf, s).wait()
        store_desc(bf, s - 2).wait()
        transpose(bf)
        store_desc(bf, s).start()
    store_desc(0, S - 2).wait()
    store_desc(1, S - 1).wait()


def kernel(xy_id, emb_table):
    idx2d = xy_id.astype(jnp.int32).T
    mesh = plsc.VectorSubcoreMesh(core_axis_name="c", subcore_axis_name="s")
    run = pl.kernel(
        _body,
        mesh=mesh,
        out_type=jax.ShapeDtypeStruct((200, 128, 8, 128), jnp.float32),
        scratch_types=[
            pltpu.VMEM((S, CW), jnp.int32),
            pltpu.VMEM((CW, D), jnp.float32),
            pltpu.VMEM((CW, D), jnp.float32),
            pltpu.VMEM((4, TCW, 8, 128), jnp.float32),
            pltpu.VMEM((4, TCW, 8, 128), jnp.float32),
            pltpu.SemaphoreType.DMA,
            pltpu.SemaphoreType.DMA,
            pltpu.SemaphoreType.DMA,
            pltpu.SemaphoreType.DMA,
        ],
        compiler_params=pltpu.CompilerParams(
            use_tc_tiling_on_sc=False, needs_layout_passes=False),
    )
    out4 = run(idx2d, emb_table.reshape(1000000, D))
    return out4.transpose(0, 2, 1, 3).reshape(S, D, B).transpose(2, 0, 1)

# --- scband reference (transcript-rebuilt; emitter-appended) ---
"""Pipeline reference for scband-xyembedding-17197049053512 (READ-ONLY COPY).

The authoritative reference and input builder live on the scoring server;
editing this copy changes nothing except your own understanding.
"""

import jax, jax.numpy as jnp
import numpy as np

N_XY = 1000000
EMB_DIM = 32

def setup_inputs(seed: int = 0) -> dict:
    key = jax.random.key(seed)
    k1, k2 = jax.random.split(key)
    xy_id = jax.random.randint(k1, (16384, 50), 0, N_XY, dtype=jnp.int64 if jax.config.jax_enable_x64 else jnp.int32)
    emb_table = jax.random.normal(k2, (N_XY, EMB_DIM), dtype=jnp.float32)
    return {"xy_id": xy_id, "emb_table": emb_table}

def reference(xy_id, emb_table):
    # nn.Embedding forward: gather rows of the table by index
    return jnp.take(emb_table, xy_id, axis=0)

if __name__ == "__main__":
    import jax
    _d = setup_inputs()
    print(jax.jit(kernel)(*tuple(_d.values())))

</pallas_src>

<mosaic_0001>
#map = affine_map<(d0, d1) -> (0, 0)>
#map1 = affine_map<(d0, d1) -> (0, 0, 0, 0)>
module attributes {stable_mosaic.version = 14 : i64} {
  func.func @_body(%arg0: i32, %arg1: i32, %arg2: memref<50x16384xi32, #tpu.memory_space<hbm>>, %arg3: memref<1000000x32xf32, #tpu.memory_space<hbm>>, %arg4: memref<200x128x8x128xf32, #tpu.memory_space<hbm>>, %arg5: memref<50x512xi32, #tpu.memory_space<vmem>>, %arg6: memref<512x32xf32, #tpu.memory_space<vmem>>, %arg7: memref<512x32xf32, #tpu.memory_space<vmem>>, %arg8: memref<4x4x8x128xf32, #tpu.memory_space<vmem>>, %arg9: memref<4x4x8x128xf32, #tpu.memory_space<vmem>>, %arg10: memref<!tpu.dma_semaphore, #tpu.memory_space<semaphore_mem>>, %arg11: memref<!tpu.dma_semaphore, #tpu.memory_space<semaphore_mem>>, %arg12: memref<!tpu.dma_semaphore, #tpu.memory_space<semaphore_mem>>, %arg13: memref<!tpu.dma_semaphore, #tpu.memory_space<semaphore_mem>>) attributes {dimension_semantics = [#tpu.dimension_semantics<core_parallel>, #tpu.dimension_semantics<subcore_parallel>], iteration_bounds = array<i64: 2, 16>, scalar_prefetch = 0 : i64, scratch_operands = 9 : i64, tpu.core_type = #tpu.core_type<sc_vector_subcore>, window_params = [{transform_indices = #map}, {transform_indices = #map}, {transform_indices = #map1}]} {
    %mul3A = arith.constant 2 : i32
    %mul3A_0 = arith.muli %arg1, %mul3A : i32
    %add3A = arith.addi %mul3A_0, %arg0 : i32
    %mul3A_1 = arith.constant 512 : i32
    %mul3A_2 = arith.muli %add3A, %mul3A_1 : i32
    "tpu.region"() ({
      %run_scoped3A = tpu.sem_alloc : memref<!tpu.dma_semaphore, #tpu.memory_space<semaphore_mem>>
      %dma_start3A_169 = arith.constant 0 : i32
      %dma_start3A_170 = tpu.memref_slice %arg2[%dma_start3A_169, %mul3A_2] : memref<50x16384xi32, #tpu.memory_space<hbm>> -> memref<50x512xi32, #tpu.memory_space<hbm>>
      %dma_start3A_171 = arith.constant 0 : i32
      %dma_start3A_172 = tpu.memref_slice %arg2[%dma_start3A_171, %mul3A_2] : memref<50x16384xi32, #tpu.memory_space<hbm>> -> memref<50x512xi32, #tpu.memory_space<hbm>>
      tpu.enqueue_dma source(%dma_start3A_172 : memref<50x512xi32, #tpu.memory_space<hbm>>) target(%arg5 : memref<50x512xi32, #tpu.memory_space<vmem>>) target_semaphore(%run_scoped3A : memref<!tpu.dma_semaphore, #tpu.memory_space<semaphore_mem>>)
      %dma_wait3A_173 = arith.constant 0 : i32
      %dma_wait3A_174 = tpu.memref_slice %arg2[%dma_wait3A_173, %mul3A_2] : memref<50x16384xi32, #tpu.memory_space<hbm>> -> memref<50x512xi32, #tpu.memory_space<hbm>>
      %dma_wait3A_175 = arith.constant 0 : i32
      %dma_wait3A_176 = tpu.memref_slice %arg2[%dma_wait3A_175, %mul3A_2] : memref<50x16384xi32, #tpu.memory_space<hbm>> -> memref<50x512xi32, #tpu.memory_space<hbm>>
      tpu.wait_dma2 semaphore(%run_scoped3A : memref<!tpu.dma_semaphore, #tpu.memory_space<semaphore_mem>>) src(%dma_wait3A_176 : memref<50x512xi32, #tpu.memory_space<hbm>>) dst(%arg5 : memref<50x512xi32, #tpu.memory_space<vmem>>)
      tpu.yield
    }) : () -> ()
    %iota3A = tpu.iota {dimensions = array<i32: 0>} : vector<16xi32>
    %mul3A_3 = arith.constant 0 : i32
    %mul3A_4 = vector.broadcast %mul3A_3 : i32 to vector<16xi32>
    %mul3A_5 = arith.muli %iota3A, %mul3A_4 : vector<16xi32>
    %dma_start3A = arith.constant 0 : i32
    %dma_start3A_6 = arith.constant 0 : i32
    %dma_start3A_7 = tpu.memref_slice %arg5[%dma_start3A, %dma_start3A_6] : memref<50x512xi32, #tpu.memory_space<vmem>> -> memref<1x512xi32, #tpu.memory_space<vmem>>
    %dma_start3A_8 = tpu.memref_squeeze %dma_start3A_7 : memref<1x512xi32, #tpu.memory_space<vmem>> -> memref<512xi32, #tpu.memory_space<vmem>>
    %dma_start3A_9 = arith.constant 0 : i32
    %dma_start3A_10 = arith.constant 0 : i32
    %dma_start3A_11 = tpu.memref_slice %arg3[%dma_start3A_9, %dma_start3A_10] : memref<1000000x32xf32, #tpu.memory_space<hbm>> -> memref<1000000x32xf32, #tpu.memory_space<hbm>>
    tpu.enqueue_indirect_dma source(%dma_start3A_11 : memref<1000000x32xf32, #tpu.memory_space<hbm>>) target(%arg6 : memref<512x32xf32, #tpu.memory_space<vmem>>) offsets(%dma_start3A_8 : memref<512xi32, #tpu.memory_space<vmem>>) semaphore(%arg10 : memref<!tpu.dma_semaphore, #tpu.memory_space<semaphore_mem>>)
    %dma_start3A_12 = arith.constant 1 : i32
    %dma_start3A_13 = arith.constant 0 : i32
    %dma_start3A_14 = tpu.memref_slice %arg5[%dma_start3A_12, %dma_start3A_13] : memref<50x512xi32, #tpu.memory_space<vmem>> -> memref<1x512xi32, #tpu.memory_space<vmem>>
    %dma_start3A_15 = tpu.memref_squeeze %dma_start3A_14 : memref<1x512xi32, #tpu.memory_space<vmem>> -> memref<512xi32, #tpu.memory_space<vmem>>
    %dma_start3A_16 = arith.constant 0 : i32
    %dma_start3A_17 = arith.constant 0 : i32
    %dma_start3A_18 = tpu.memref_slice %arg3[%dma_start3A_16, %dma_start3A_17] : memref<1000000x32xf32, #tpu.memory_space<hbm>> -> memref<1000000x32xf32, #tpu.memory_space<hbm>>
    tpu.enqueue_indirect_dma source(%dma_start3A_18 : memref<1000000x32xf32, #tpu.memory_space<hbm>>) target(%arg7 : memref<512x32xf32, #tpu.memory_space<vmem>>) offsets(%dma_start3A_15 : memref<512xi32, #tpu.memory_space<vmem>>) semaphore(%arg11 : memref<!tpu.dma_semaphore, #tpu.memory_space<semaphore_mem>>)
    %dma_wait3A = arith.constant 0 : i32
    %dma_wait3A_19 = arith.constant 0 : i32
    %dma_wait3A_20 = tpu.memref_slice %arg5[%dma_wait3A, %dma_wait3A_19] : memref<50x512xi32, #tpu.memory_space<vmem>> -> memref<1x512xi32, #tpu.memory_space<vmem>>
    %dma_wait3A_21 = tpu.memref_squeeze %dma_wait3A_20 : memref<1x512xi32, #tpu.memory_space<vmem>> -> memref<512xi32, #tpu.memory_space<vmem>>
    %dma_wait3A_22 = arith.constant 0 : i32
    %dma_wait3A_23 = arith.constant 0 : i32
    %dma_wait3A_24 = tpu.memref_slice %arg3[%dma_wait3A_22, %dma_wait3A_23] : memref<1000000x32xf32, #tpu.memory_space<hbm>> -> memref<1000000x32xf32, #tpu.memory_space<hbm>>
    tpu.wait_indirect_dma semaphore(%arg10 : memref<!tpu.dma_semaphore, #tpu.memory_space<semaphore_mem>>) src(%dma_wait3A_24 : memref<1000000x32xf32, #tpu.memory_space<hbm>>) dst(%arg6 : memref<512x32xf32, #tpu.memory_space<vmem>>)
    %scan3A = arith.constant 0 : i32
    %scan3A_25 = arith.constant 0 : i32
    %scan3A_26 = arith.constant 32 : i32
    %scan3A_27 = arith.addi %scan3A_25, %scan3A_26 : i32
    %scan3A_28 = arith.constant 1 : i32
    scf.for %scan3A_169 = %scan3A_25 to %scan3A_27 step %scan3A_28  : i32 {
      %mul3A_170 = arith.constant 16 : i32
      %mul3A_171 = arith.muli %scan3A_169, %mul3A_170 : i32
      %add3A_172 = vector.broadcast %mul3A_171 : i32 to vector<16xi32>
      %add3A_173 = arith.addi %iota3A, %add3A_172 : vector<16xi32>
      %jit3A = arith.constant 8 : i32
      %div3A = arith.divsi %scan3A_169, %jit3A : i32
      %sign3A = arith.constant 0 : i32
      %sign3A_174 = arith.cmpi sgt, %scan3A_169, %sign3A : i32
      %sign3A_175 = arith.extui %sign3A_174 : i1 to i32
      %sign3A_176 = arith.constant 0 : i32
      %sign3A_177 = arith.cmpi slt, %scan3A_169, %sign3A_176 : i32
      %sign3A_178 = arith.extui %sign3A_177 : i1 to i32
      %sign3A_179 = arith.subi %sign3A_175, %sign3A_178 : i32
      %sign3A_180 = arith.constant 0 : i32
      %sign3A_181 = arith.cmpi sgt, %jit3A, %sign3A_180 : i32
      %sign3A_182 = arith.extui %sign3A_181 : i1 to i32
      %sign3A_183 = arith.constant 0 : i32
      %sign3A_184 = arith.cmpi slt, %jit3A, %sign3A_183 : i32
      %sign3A_185 = arith.extui %sign3A_184 : i1 to i32
      %sign3A_186 = arith.subi %sign3A_182, %sign3A_185 : i32
      %ne3A = arith.cmpi ne, %sign3A_179, %sign3A_186 : i32
      %rem3A = arith.remsi %scan3A_169, %jit3A : i32
      %ne3A_187 = arith.constant 0 : i32
      %ne3A_188 = arith.cmpi ne, %rem3A, %ne3A_187 : i32
      %and3A = arith.andi %ne3A, %ne3A_188 : i1
      %sub3A = arith.constant 1 : i32
      %sub3A_189 = arith.subi %div3A, %sub3A : i32
      %select_n3A = arith.select %and3A, %sub3A_189, %div3A : i32
      %add3A_190 = vector.broadcast %select_n3A : i32 to vector<16xi32>
      %add3A_191 = arith.addi %mul3A_5, %add3A_190 : vector<16xi32>
      %and3A_192 = arith.constant 7 : i32
      %and3A_193 = arith.andi %scan3A_169, %and3A_192 : i32
      %mul3A_194 = arith.constant 16 : i32
      %mul3A_195 = arith.muli %and3A_193, %mul3A_194 : i32
      %add3A_196 = vector.broadcast %mul3A_195 : i32 to vector<16xi32>
      %add3A_197 = arith.addi %iota3A, %add3A_196 : vector<16xi32>
      %xor3A = arith.constant 0 : i32
      %xor3A_198 = vector.broadcast %xor3A : i32 to vector<16xi32>
      %xor3A_199 = arith.xori %iota3A, %xor3A_198 : vector<16xi32>
      %gather3A = tpu.vector_load_idx %arg6[%add3A_173, %xor3A_199] : memref<512x32xf32, #tpu.memory_space<vmem>>[vector<16xi32>, vector<16xi32>], vector<16xf32>,
      %shift_right_arithmetic3A = arith.constant 3 : i32
      %shift_right_arithmetic3A_200 = vector.broadcast %shift_right_arithmetic3A : i32 to vector<16xi32>
      %shift_right_arithmetic3A_201 = arith.shrsi %xor3A_199, %shift_right_arithmetic3A_200 : vector<16xi32>
      %and3A_202 = arith.constant 7 : i32
      %and3A_203 = vector.broadcast %and3A_202 : i32 to vector<16xi32>
      %and3A_204 = arith.andi %xor3A_199, %and3A_203 : vector<16xi32>
      tpu.vector_store_idx %arg8[%shift_right_arithmetic3A_201, %add3A_191, %and3A_204, %add3A_197], %gather3A : memref<4x4x8x128xf32, #tpu.memory_space<vmem>>[vector<16xi32>, vector<16xi32>, vector<16xi32>, vector<16xi32>], vector<16xf32>,
      %xor3A_205 = arith.constant 1 : i32
      %xor3A_206 = vector.broadcast %xor3A_205 : i32 to vector<16xi32>
      %xor3A_207 = arith.xori %iota3A, %xor3A_206 : vector<16xi32>
      %gather3A_208 = tpu.vector_load_idx %arg6[%add3A_173, %xor3A_207] : memref<512x32xf32, #tpu.memory_space<vmem>>[vector<16xi32>, vector<16xi32>], vector<16xf32>,
      %shift_right_arithmetic3A_209 = arith.constant 3 : i32
      %shift_right_arithmetic3A_210 = vector.broadcast %shift_right_arithmetic3A_209 : i32 to vector<16xi32>
      %shift_right_arithmetic3A_211 = arith.shrsi %xor3A_207, %shift_right_arithmetic3A_210 : vector<16xi32>
      %and3A_212 = arith.constant 7 : i32
      %and3A_213 = vector.broadcast %and3A_212 : i32 to vector<16xi32>
      %and3A_214 = arith.andi %xor3A_207, %and3A_213 : vector<16xi32>
      tpu.vector_store_idx %arg8[%shift_right_arithmetic3A_211, %add3A_191, %and3A_214, %add3A_197], %gather3A_208 : memref<4x4x8x128xf32, #tpu.memory_space<vmem>>[vector<16xi32>, vector<16xi32>, vector<16xi32>, vector<16xi32>], vector<16xf32>,
      %xor3A_215 = arith.constant 2 : i32
      %xor3A_216 = vector.broadcast %xor3A_215 : i32 to vector<16xi32>
      %xor3A_217 = arith.xori %iota3A, %xor3A_216 : vector<16xi32>
      %gather3A_218 = tpu.vector_load_idx %arg6[%add3A_173, %xor3A_217] : memref<512x32xf32, #tpu.memory_space<vmem>>[vector<16xi32>, vector<16xi32>], vector<16xf32>,
      %shift_right_arithmetic3A_219 = arith.constant 3 : i32
      %shift_right_arithmetic3A_220 = vector.broadcast %shift_right_arithmetic3A_219 : i32 to vector<16xi32>
      %shift_right_arithmetic3A_221 = arith.shrsi %xor3A_217, %shift_right_arithmetic3A_220 : vector<16xi32>
      %and3A_222 = arith.constant 7 : i32
      %and3A_223 = vector.broadcast %and3A_222 : i32 to vector<16xi32>
      %and3A_224 = arith.andi %xor3A_217, %and3A_223 : vector<16xi32>
      tpu.vector_store_idx %arg8[%shift_right_arithmetic3A_221, %add3A_191, %and3A_224, %add3A_197], %gather3A_218 : memref<4x4x8x128xf32, #tpu.memory_space<vmem>>[vector<16xi32>, vector<16xi32>, vector<16xi32>, vector<16xi32>], vector<16xf32>,
      %xor3A_225 = arith.constant 3 : i32
      %xor3A_226 = vector.broadcast %xor3A_225 : i32 to vector<16xi32>
      %xor3A_227 = arith.xori %iota3A, %xor3A_226 : vector<16xi32>
      %gather3A_228 = tpu.vector_load_idx %arg6[%add3A_173, %xor3A_227] : memref<512x32xf32, #tpu.memory_space<vmem>>[vector<16xi32>, vector<16xi32>], vector<16xf32>,
      %shift_right_arithmetic3A_229 = arith.constant 3 : i32
      %shift_right_arithmetic3A_230 = vector.broadcast %shift_right_arithmetic3A_229 : i32 to vector<16xi32>
      %shift_right_arithmetic3A_231 = arith.shrsi %xor3A_227, %shift_right_arithmetic3A_230 : vector<16xi32>
      %and3A_232 = arith.constant 7 : i32
      %and3A_233 = vector.broadcast %and3A_232 : i32 to vector<16xi32>
      %and3A_234 = arith.andi %xor3A_227, %and3A_233 : vector<16xi32>
      tpu.vector_store_idx %arg8[%shift_right_arithmetic3A_231, %add3A_191, %and3A_234, %add3A_197], %gather3A_228 : memref<4x4x8x128xf32, #tpu.memory_space<vmem>>[vector<16xi32>, vector<16xi32>, vector<16xi32>, vector<16xi32>], vector<16xf32>,
      %xor3A_235 = arith.constant 4 : i32
      %xor3A_236 = vector.broadcast %xor3A_235 : i32 to vector<16xi32>
      %xor3A_237 = arith.xori %iota3A, %xor3A_236 : vector<16xi32>
      %gather3A_238 = tpu.vector_load_idx %arg6[%add3A_173, %xor3A_237] : memref<512x32xf32, #tpu.memory_space<vmem>>[vector<16xi32>, vector<16xi32>], vector<16xf32>,
      %shift_right_arithmetic3A_239 = arith.constant 3 : i32
      %shift_right_arithmetic3A_240 = vector.broadcast %shift_right_arithmetic3A_239 : i32 to vector<16xi32>
      %shift_right_arithmetic3A_241 = arith.shrsi %xor3A_237, %shift_right_arithmetic3A_240 : vector<16xi32>
      %and3A_242 = arith.constant 7 : i32
      %and3A_243 = vector.broadcast %and3A_242 : i32 to vector<16xi32>
      %and3A_244 = arith.andi %xor3A_237, %and3A_243 : vector<16xi32>
      tpu.vector_store_idx %arg8[%shift_right_arithmetic3A_241, %add3A_191, %and3A_244, %add3A_197], %gather3A_238 : memref<4x4x8x128xf32, #tpu.memory_space<vmem>>[vector<16xi32>, vector<16xi32>, vector<16xi32>, vector<16xi32>], vector<16xf32>,
      %xor3A_245 = arith.constant 5 : i32
      %xor3A_246 = vector.broadcast %xor3A_245 : i32 to vector<16xi32>
      %xor3A_247 = arith.xori %iota3A, %xor3A_246 : vector<16xi32>
      %gather3A_248 = tpu.vector_load_idx %arg6[%add3A_173, %xor3A_247] : memref<512x32xf32, #tpu.memory_space<vmem>>[vector<16xi32>, vector<16xi32>], vector<16xf32>,
      %shift_right_arithmetic3A_249 = arith.constant 3 : i32
      %shift_right_arithmetic3A_250 = vector.broadcast %shift_right_arithmetic3A_249 : i32 to vector<16xi32>
      %shift_right_arithmetic3A_251 = arith.shrsi %xor3A_247, %shift_right_arithmetic3A_250 : vector<16xi32>
      %and3A_252 = arith.constant 7 : i32
      %and3A_253 = vector.broadcast %and3A_252 : i32 to vector<16xi32>
      %and3A_254 = arith.andi %xor3A_247, %and3A_253 : vector<16xi32>
      tpu.vector_store_idx %arg8[%shift_right_arithmetic3A_251, %add3A_191, %and3A_254, %add3A_197], %gather3A_248 : memref<4x4x8x128xf32, #tpu.memory_space<vmem>>[vector<16xi32>, vector<16xi32>, vector<16xi32>, vector<16xi32>], vector<16xf32>,
      %xor3A_255 = arith.constant 6 : i32
      %xor3A_256 = vector.broadcast %xor3A_255 : i32 to vector<16xi32>
      %xor3A_257 = arith.xori %iota3A, %xor3A_256 : vector<16xi32>
      %gather3A_258 = tpu.vector_load_idx %arg6[%add3A_173, %xor3A_257] : memref<512x32xf32, #tpu.memory_space<vmem>>[vector<16xi32>, vector<16xi32>], vector<16xf32>,
      %shift_right_arithmetic3A_259 = arith.constant 3 : i32
      %shift_right_arithmetic3A_260 = vector.broadcast %shift_right_arithmetic3A_259 : i32 to vector<16xi32>
      %shift_right_arithmetic3A_261 = arith.shrsi %xor3A_257, %shift_right_arithmetic3A_260 : vector<16xi32>
      %and3A_262 = arith.constant 7 : i32
      %and3A_263 = vector.broadcast %and3A_262 : i32 to vector<16xi32>
      %and3A_264 = arith.andi %xor3A_257, %and3A_263 : vector<16xi32>
      tpu.vector_store_idx %arg8[%shift_right_arithmetic3A_261, %add3A_191, %and3A_264, %add3A_197], %gather3A_258 : memref<4x4x8x128xf32, #tpu.memory_space<vmem>>[vector<16xi32>, vector<16xi32>, vector<16xi32>, vector<16xi32>], vector<16xf32>,
      %xor3A_265 = arith.constant 7 : i32
      %xor3A_266 = vector.broadcast %xor3A_265 : i32 to vector<16xi32>
      %xor3A_267 = arith.xori %iota3A, %xor3A_266 : vector<16xi32>
      %gather3A_268 = tpu.vector_load_idx %arg6[%add3A_173, %xor3A_267] : memref<512x32xf32, #tpu.memory_space<vmem>>[vector<16xi32>, vector<16xi32>], vector<16xf32>,
      %shift_right_arithmetic3A_269 = arith.constant 3 : i32
      %shift_right_arithmetic3A_270 = vector.broadcast %shift_right_arithmetic3A_269 : i32 to vector<16xi32>
      %shift_right_arithmetic3A_271 = arith.shrsi %xor3A_267, %shift_right_arithmetic3A_270 : vector<16xi32>
      %and3A_272 = arith.constant 7 : i32
      %and3A_273 = vector.broadcast %and3A_272 : i32 to vector<16xi32>
      %and3A_274 = arith.andi %xor3A_267, %and3A_273 : vector<16xi32>
      tpu.vector_store_idx %arg8[%shift_right_arithmetic3A_271, %add3A_191, %and3A_274, %add3A_197], %gather3A_268 : memref<4x4x8x128xf32, #tpu.memory_space<vmem>>[vector<16xi32>, vector<16xi32>, vector<16xi32>, vector<16xi32>], vector<16xf32>,
      %xor3A_275 = arith.constant 8 : i32
      %xor3A_276 = vector.broadcast %xor3A_275 : i32 to vector<16xi32>
      %xor3A_277 = arith.xori %iota3A, %xor3A_276 : vector<16xi32>
      %gather3A_278 = tpu.vector_load_idx %arg6[%add3A_173, %xor3A_277] : memref<512x32xf32, #tpu.memory_space<vmem>>[vector<16xi32>, vector<16xi32>], vector<16xf32>,
      %shift_right_arithmetic3A_279 = arith.constant 3 : i32
      %shift_right_arithmetic3A_280 = vector.broadcast %shift_right_arithmetic3A_279 : i32 to vector<16xi32>
      %shift_right_arithmetic3A_281 = arith.shrsi %xor3A_277, %shift_right_arithmetic3A_280 : vector<16xi32>
      %and3A_282 = arith.constant 7 : i32
      %and3A_283 = vector.broadcast %and3A_282 : i32 to vector<16xi32>
      %and3A_284 = arith.andi %xor3A_277, %and3A_283 : vector<16xi32>
      tpu.vector_store_idx %arg8[%shift_right_arithmetic3A_281, %add3A_191, %and3A_284, %add3A_197], %gather3A_278 : memref<4x4x8x128xf32, #tpu.memory_space<vmem>>[vector<16xi32>, vector<16xi32>, vector<16xi32>, vector<16xi32>], vector<16xf32>,
      %xor3A_285 = arith.constant 9 : i32
      %xor3A_286 = vector.broadcast %xor3A_285 : i32 to vector<16xi32>
      %xor3A_287 = arith.xori %iota3A, %xor3A_286 : vector<16xi32>
      %gather3A_288 = tpu.vector_load_idx %arg6[%add3A_173, %xor3A_287] : memref<512x32xf32, #tpu.memory_space<vmem>>[vector<16xi32>, vector<16xi32>], vector<16xf32>,
      %shift_right_arithmetic3A_289 = arith.constant 3 : i32
      %shift_right_arithmetic3A_290 = vector.broadcast %shift_right_arithmetic3A_289 : i32 to vector<16xi32>
      %shift_right_arithmetic3A_291 = arith.shrsi %xor3A_287, %shift_right_arithmetic3A_290 : vector<16xi32>
      %and3A_292 = arith.constant 7 : i32
      %and3A_293 = vector.broadcast %and3A_292 : i32 to vector<16xi32>
      %and3A_294 = arith.andi %xor3A_287, %and3A_293 : vector<16xi32>
      tpu.vector_store_idx %arg8[%shift_right_arithmetic3A_291, %add3A_191, %and3A_294, %add3A_197], %gather3A_288 : memref<4x4x8x128xf32, #tpu.memory_space<vmem>>[vector<16xi32>, vector<16xi32>, vector<16xi32>, vector<16xi32>], vector<16xf32>,
      %xor3A_295 = arith.constant 10 : i32
      %xor3A_296 = vector.broadcast %xor3A_295 : i32 to vector<16xi32>
      %xor3A_297 = arith.xori %iota3A, %xor3A_296 : vector<16xi32>
      %gather3A_298 = tpu.vector_load_idx %arg6[%add3A_173, %xor3A_297] : memref<512x32xf32, #tpu.memory_space<vmem>>[vector<16xi32>, vector<16xi32>], vector<16xf32>,
      %shift_right_arithmetic3A_299 = arith.constant 3 : i32
      %shift_right_arithmetic3A_300 = vector.broadcast %shift_right_arithmetic3A_299 : i32 to vector<16xi32>
      %shift_right_arithmetic3A_301 = arith.shrsi %xor3A_297, %shift_right_arithmetic3A_300 : vector<16xi32>
      %and3A_302 = arith.constant 7 : i32
      %and3A_303 = vector.broadcast %and3A_302 : i32 to vector<16xi32>
      %and3A_304 = arith.andi %xor3A_297, %and3A_303 : vector<16xi32>
      tpu.vector_store_idx %arg8[%shift_right_arithmetic3A_301, %add3A_191, %and3A_304, %add3A_197], %gather3A_298 : memref<4x4x8x128xf32, #tpu.memory_space<vmem>>[vector<16xi32>, vector<16xi32>, vector<16xi32>, vector<16xi32>], vector<16xf32>,
      %xor3A_305 = arith.constant 11 : i32
      %xor3A_306 = vector.broadcast %xor3A_305 : i32 to vector<16xi32>
      %xor3A_307 = arith.xori %iota3A, %xor3A_306 : vector<16xi32>
      %gather3A_308 = tpu.vector_load_idx %arg6[%add3A_173, %xor3A_307] : memref<512x32xf32, #tpu.memory_space<vmem>>[vector<16xi32>, vector<16xi32>], vector<16xf32>,
      %shift_right_arithmetic3A_309 = arith.constant 3 : i32
      %shift_right_arithmetic3A_310 = vector.broadcast %shift_right_arithmetic3A_309 : i32 to vector<16xi32>
      %shift_right_arithmetic3A_311 = arith.shrsi %xor3A_307, %shift_right_arithmetic3A_310 : vector<16xi32>
      %and3A_312 = arith.constant 7 : i32
      %and3A_313 = vector.broadcast %and3A_312 : i32 to vector<16xi32>
      %and3A_314 = arith.andi %xor3A_307, %and3A_313 : vector<16xi32>
      tpu.vector_store_idx %arg8[%shift_right_arithmetic3A_311, %add3A_191, %and3A_314, %add3A_197], %gather3A_308 : memref<4x4x8x128xf32, #tpu.memory_space<vmem>>[vector<16xi32>, vector<16xi32>, vector<16xi32>, vector<16xi32>], vector<16xf32>,
      %xor3A_315 = arith.constant 12 : i32
      %xor3A_316 = vector.broadcast %xor3A_315 : i32 to vector<16xi32>
      %xor3A_317 = arith.xori %iota3A, %xor3A_316 : vector<16xi32>
      %gather3A_318 = tpu.vector_load_idx %arg6[%add3A_173, %xor3A_317] : memref<512x32xf32, #tpu.memory_space<vmem>>[vector<16xi32>, vector<16xi32>], vector<16xf32>,
      %shift_right_arithmetic3A_319 = arith.constant 3 : i32
      %shift_right_arithmetic3A_320 = vector.broadcast %shift_right_arithmetic3A_319 : i32 to vector<16xi32>
      %shift_right_arithmetic3A_321 = arith.shrsi %xor3A_317, %shift_right_arithmetic3A_320 : vector<16xi32>
      %and3A_322 = arith.constant 7 : i32
      %and3A_323 = vector.broadcast %and3A_322 : i32 to vector<16xi32>
      %and3A_324 = arith.andi %xor3A_317, %and3A_323 : vector<16xi32>
      tpu.vector_store_idx %arg8[%shift_right_arithmetic3A_321, %add3A_191, %and3A_324, %add3A_197], %gather3A_318 : memref<4x4x8x128xf32, #tpu.memory_space<vmem>>[vector<16xi32>, vector<16xi32>, vector<16xi32>, vector<16xi32>], vector<16xf32>,
      %xor3A_325 = arith.constant 13 : i32
      %xor3A_326 = vector.broadcast %xor3A_325 : i32 to vector<16xi32>
      %xor3A_327 = arith.xori %iota3A, %xor3A_326 : vector<16xi32>
      %gather3A_328 = tpu.vector_load_idx %arg6[%add3A_173, %xor3A_327] : memref<512x32xf32, #tpu.memory_space<vmem>>[vector<16xi32>, vector<16xi32>], vector<16xf32>,
      %shift_right_arithmetic3A_329 = arith.constant 3 : i32
      %shift_right_arithmetic3A_330 = vector.broadcast %shift_right_arithmetic3A_329 : i32 to vector<16xi32>
      %shift_right_arithmetic3A_331 = arith.shrsi %xor3A_327, %shift_right_arithmetic3A_330 : vector<16xi32>
      %and3A_332 = arith.constant 7 : i32
      %and3A_333 = vector.broadcast %and3A_332 : i32 to vector<16xi32>
      %and3A_334 = arith.andi %xor3A_327, %and3A_333 : vector<16xi32>
      tpu.vector_store_idx %arg8[%shift_right_arithmetic3A_331, %add3A_191, %and3A_334, %add3A_197], %gather3A_328 : memref<4x4x8x128xf32, #tpu.memory_space<vmem>>[vector<16xi32>, vector<16xi32>, vector<16xi32>, vector<16xi32>], vector<16xf32>,
      %xor3A_335 = arith.constant 14 : i32
      %xor3A_336 = vector.broadcast %xor3A_335 : i32 to vector<16xi32>
      %xor3A_337 = arith.xori %iota3A, %xor3A_336 : vector<16xi32>
      %gather3A_338 = tpu.vector_load_idx %arg6[%add3A_173, %xor3A_337] : memref<512x32xf32, #tpu.memory_space<vmem>>[vector<16xi32>, vector<16xi32>], vector<16xf32>,
      %shift_right_arithmetic3A_339 = arith.constant 3 : i32
      %shift_right_arithmetic3A_340 = vector.broadcast %shift_right_arithmetic3A_339 : i32 to vector<16xi32>
      %shift_right_arithmetic3A_341 = arith.shrsi %xor3A_337, %shift_right_arithmetic3A_340 : vector<16xi32>
      %and3A_342 = arith.constant 7 : i32
      %and3A_343 = vector.broadcast %and3A_342 : i32 to vector<16xi32>
      %and3A_344 = arith.andi %xor3A_337, %and3A_343 : vector<16xi32>
      tpu.vector_store_idx %arg8[%shift_right_arithmetic3A_341, %add3A_191, %and3A_344, %add3A_197], %gather3A_338 : memref<4x4x8x128xf32, #tpu.memory_space<vmem>>[vector<16xi32>, vector<16xi32>, vector<16xi32>, vector<16xi32>], vector<16xf32>,
      %xor3A_345 = arith.constant 15 : i32
      %xor3A_346 = vector.broadcast %xor3A_345 : i32 to vector<16xi32>
      %xor3A_347 = arith.xori %iota3A, %xor3A_346 : vector<16xi32>
      %gather3A_348 = tpu.vector_load_idx %arg6[%add3A_173, %xor3A_347] : memref<512x32xf32, #tpu.memory_space<vmem>>[vector<16xi32>, vector<16xi32>], vector<16xf32>,
      %shift_right_arithmetic3A_349 = arith.constant 3 : i32
      %shift_right_arithmetic3A_350 = vector.broadcast %shift_right_arithmetic3A_349 : i32 to vector<16xi32>
      %shift_right_arithmetic3A_351 = arith.shrsi %xor3A_347, %shift_right_arithmetic3A_350 : vector<16xi32>
      %and3A_352 = arith.constant 7 : i32
      %and3A_353 = vector.broadcast %and3A_352 : i32 to vector<16xi32>
      %and3A_354 = arith.andi %xor3A_347, %and3A_353 : vector<16xi32>
      tpu.vector_store_idx %arg8[%shift_right_arithmetic3A_351, %add3A_191, %and3A_354, %add3A_197], %gather3A_348 : memref<4x4x8x128xf32, #tpu.memory_space<vmem>>[vector<16xi32>, vector<16xi32>, vector<16xi32>, vector<16xi32>], vector<16xf32>,
      %xor3A_355 = arith.constant 16 : i32
      %xor3A_356 = vector.broadcast %xor3A_355 : i32 to vector<16xi32>
      %xor3A_357 = arith.xori %iota3A, %xor3A_356 : vector<16xi32>
      %gather3A_358 = tpu.vector_load_idx %arg6[%add3A_173, %xor3A_357] : memref<512x32xf32, #tpu.memory_space<vmem>>[vector<16xi32>, vector<16xi32>], vector<16xf32>,
      %shift_right_arithmetic3A_359 = arith.constant 3 : i32
      %shift_right_arithmetic3A_360 = vector.broadcast %shift_right_arithmetic3A_359 : i32 to vector<16xi32>
      %shift_right_arithmetic3A_361 = arith.shrsi %xor3A_357, %shift_right_arithmetic3A_360 : vector<16xi32>
      %and3A_362 = arith.constant 7 : i32
      %and3A_363 = vector.broadcast %and3A_362 : i32 to vector<16xi32>
      %and3A_364 = arith.andi %xor3A_357, %and3A_363 : vector<16xi32>
      tpu.vector_store_idx %arg8[%shift_right_arithmetic3A_361, %add3A_191, %and3A_364, %add3A_197], %gather3A_358 : memref<4x4x8x128xf32, #tpu.memory_space<vmem>>[vector<16xi32>, vector<16xi32>, vector<16xi32>, vector<16xi32>], vector<16xf32>,
      %xor3A_365 = arith.constant 17 : i32
      %xor3A_366 = vector.broadcast %xor3A_365 : i32 to vector<16xi32>
      %xor3A_367 = arith.xori %iota3A, %xor3A_366 : vector<16xi32>
      %gather3A_368 = tpu.vector_load_idx %arg6[%add3A_173, %xor3A_367] : memref<512x32xf32, #tpu.memory_space<vmem>>[vector<16xi32>, vector<16xi32>], vector<16xf32>,
      %shift_right_arithmetic3A_369 = arith.constant 3 : i32
      %shift_right_arithmetic3A_370 = vector.broadcast %shift_right_arithmetic3A_369 : i32 to vector<16xi32>
      %shift_right_arithmetic3A_371 = arith.shrsi %xor3A_367, %shift_right_arithmetic3A_370 : vector<16xi32>
      %and3A_372 = arith.constant 7 : i32
      %and3A_373 = vector.broadcast %and3A_372 : i32 to vector<16xi32>
      %and3A_374 = arith.andi %xor3A_367, %and3A_373 : vector<16xi32>
      tpu.vector_store_idx %arg8[%shift_right_arithmetic3A_371, %add3A_191, %and3A_374, %add3A_197], %gather3A_368 : memref<4x4x8x128xf32, #tpu.memory_space<vmem>>[vector<16xi32>, vector<16xi32>, vector<16xi32>, vector<16xi32>], vector<16xf32>,
      %xor3A_375 = arith.constant 18 : i32
      %xor3A_376 = vector.broadcast %xor3A_375 : i32 to vector<16xi32>
      %xor3A_377 = arith.xori %iota3A, %xor3A_376 : vector<16xi32>
      %gather3A_378 = tpu.vector_load_idx %arg6[%add3A_173, %xor3A_377] : memref<512x32xf32, #tpu.memory_space<vmem>>[vector<16xi32>, vector<16xi32>], vector<16xf32>,
      %shift_right_arithmetic3A_379 = arith.constant 3 : i32
      %shift_right_arithmetic3A_380 = vector.broadcast %shift_right_arithmetic3A_379 : i32 to vector<16xi32>
      %shift_right_arithmetic3A_381 = arith.shrsi %xor3A_377, %shift_right_arithmetic3A_380 : vector<16xi32>
      %and3A_382 = arith.constant 7 : i32
      %and3A_383 = vector.broadcast %and3A_382 : i32 to vector<16xi32>
      %and3A_384 = arith.andi %xor3A_377, %and3A_383 : vector<16xi32>
      tpu.vector_store_idx %arg8[%shift_right_arithmetic3A_381, %add3A_191, %and3A_384, %add3A_197], %gather3A_378 : memref<4x4x8x128xf32, #tpu.memory_space<vmem>>[vector<16xi32>, vector<16xi32>, vector<16xi32>, vector<16xi32>], vector<16xf32>,
      %xor3A_385 = arith.constant 19 : i32
      %xor3A_386 = vector.broadcast %xor3A_385 : i32 to vector<16xi32>
      %xor3A_387 = arith.xori %iota3A, %xor3A_386 : vector<16xi32>
      %gather3A_388 = tpu.vector_load_idx %arg6[%add3A_173, %xor3A_387] : memref<512x32xf32, #tpu.memory_space<vmem>>[vector<16xi32>, vector<16xi32>], vector<16xf32>,
      %shift_right_arithmetic3A_389 = arith.constant 3 : i32
      %shift_right_arithmetic3A_390 = vector.broadcast %shift_right_arithmetic3A_389 : i32 to vector<16xi32>
      %shift_right_arithmetic3A_391 = arith.shrsi %xor3A_387, %shift_right_arithmetic3A_390 : vector<16xi32>
      %and3A_392 = arith.constant 7 : i32
      %and3A_393 = vector.broadcast %and3A_392 : i32 to vector<16xi32>
      %and3A_394 = arith.andi %xor3A_387, %and3A_393 : vector<16xi32>
      tpu.vector_store_idx %arg8[%shift_right_arithmetic3A_391, %add3A_191, %and3A_394, %add3A_197], %gather3A_388 : memref<4x4x8x128xf32, #tpu.memory_space<vmem>>[vector<16xi32>, vector<16xi32>, vector<16xi32>, vector<16xi32>], vector<16xf32>,
      %xor3A_395 = arith.constant 20 : i32
      %xor3A_396 = vector.broadcast %xor3A_395 : i32 to vector<16xi32>
      %xor3A_397 = arith.xori %iota3A, %xor3A_396 : vector<16xi32>
      %gather3A_398 = tpu.vector_load_idx %arg6[%add3A_173, %xor3A_397] : memref<512x32xf32, #tpu.memory_space<vmem>>[vector<16xi32>, vector<16xi32>], vector<16xf32>,
      %shift_right_arithmetic3A_399 = arith.constant 3 : i32
      %shift_right_arithmetic3A_400 = vector.broadcast %shift_right_arithmetic3A_399 : i32 to vector<16xi32>
      %shift_right_arithmetic3A_401 = arith.shrsi %xor3A_397, %shift_right_arithmetic3A_400 : vector<16xi32>
      %and3A_402 = arith.constant 7 : i32
      %and3A_403 = vector.broadcast %and3A_402 : i32 to vector<16xi32>
      %and3A_404 = arith.andi %xor3A_397, %and3A_403 : vector<16xi32>
      tpu.vector_store_idx %arg8[%shift_right_arithmetic3A_401, %add3A_191, %and3A_404, %add3A_197], %gather3A_398 : memref<4x4x8x128xf32, #tpu.memory_space<vmem>>[vector<16xi32>, vector<16xi32>, vector<16xi32>, vector<16xi32>], vector<16xf32>,
      %xor3A_405 = arith.constant 21 : i32
      %xor3A_406 = vector.broadcast %xor3A_405 : i32 to vector<16xi32>
      %xor3A_407 = arith.xori %iota3A, %xor3A_406 : vector<16xi32>
      %gather3A_408 = tpu.vector_load_idx %arg6[%add3A_173, %xor3A_407] : memref<512x32xf32, #tpu.memory_space<vmem>>[vector<16xi32>, vector<16xi32>], vector<16xf32>,
      %shift_right_arithmetic3A_409 = arith.constant 3 : i32
      %shift_right_arithmetic3A_410 = vector.broadcast %shift_right_arithmetic3A_409 : i32 to vector<16xi32>
      %shift_right_arithmetic3A_411 = arith.shrsi %xor3A_407, %shift_right_arithmetic3A_410 : vector<16xi32>
      %and3A_412 = arith.constant 7 : i32
      %and3A_413 = vector.broadcast %and3A_412 : i32 to vector<16xi32>
      %and3A_414 = arith.andi %xor3A_407, %and3A_413 : vector<16xi32>
      tpu.vector_store_idx %arg8[%shift_right_arithmetic3A_411, %add3A_191, %and3A_414, %add3A_197], %gather3A_408 : memref<4x4x8x128xf32, #tpu.memory_space<vmem>>[vector<16xi32>, vector<16xi32>, vector<16xi32>, vector<16xi32>], vector<16xf32>,
      %xor3A_415 = arith.constant 22 : i32
      %xor3A_416 = vector.broadcast %xor3A_415 : i32 to vector<16xi32>
      %xor3A_417 = arith.xori %iota3A, %xor3A_416 : vector<16xi32>
      %gather3A_418 = tpu.vector_load_idx %arg6[%add3A_173, %xor3A_417] : memref<512x32xf32, #tpu.memory_space<vmem>>[vector<16xi32>, vector<16xi32>], vector<16xf32>,
      %shift_right_arithmetic3A_419 = arith.constant 3 : i32
      %shift_right_arithmetic3A_420 = vector.broadcast %shift_right_arithmetic3A_419 : i32 to vector<16xi32>
      %shift_right_arithmetic3A_421 = arith.shrsi %xor3A_417, %shift_right_arithmetic3A_420 : vector<16xi32>
      %and3A_422 = arith.constant 7 : i32
      %and3A_423 = vector.broadcast %and3A_422 : i32 to vector<16xi32>
      %and3A_424 = arith.andi %xor3A_417, %and3A_423 : vector<16xi32>
      tpu.vector_store_idx %arg8[%shift_right_arithmetic3A_421, %add3A_191, %and3A_424, %add3A_197], %gather3A_418 : memref<4x4x8x128xf32, #tpu.memory_space<vmem>>[vector<16xi32>, vector<16xi32>, vector<16xi32>, vector<16xi32>], vector<16xf32>,
      %xor3A_425 = arith.constant 23 : i32
      %xor3A_426 = vector.broadcast %xor3A_425 : i32 to vector<16xi32>
      %xor3A_427 = arith.xori %iota3A, %xor3A_426 : vector<16xi32>
      %gather3A_428 = tpu.vector_load_idx %arg6[%add3A_173, %xor3A_427] : memref<512x32xf32, #tpu.memory_space<vmem>>[vector<16xi32>, vector<16xi32>], vector<16xf32>,
      %shift_right_arithmetic3A_429 = arith.constant 3 : i32
      %shift_right_arithmetic3A_430 = vector.broadcast %shift_right_arithmetic3A_429 : i32 to vector<16xi32>
      %shift_right_arithmetic3A_431 = arith.shrsi %xor3A_427, %shift_right_arithmetic3A_430 : vector<16xi32>
      %and3A_432 = arith.constant 7 : i32
      %and3A_433 = vector.broadcast %and3A_432 : i32 to vector<16xi32>
      %and3A_434 = arith.andi %xor3A_427, %and3A_433 : vector<16xi32>
      tpu.vector_store_idx %arg8[%shift_right_arithmetic3A_431, %add3A_191, %and3A_434, %add3A_197], %gather3A_428 : memref<4x4x8x128xf32, #tpu.memory_space<vmem>>[vector<16xi32>, vector<16xi32>, vector<16xi32>, vector<16xi32>], vector<16xf32>,
      %xor3A_435 = arith.constant 24 : i32
      %xor3A_436 = vector.broadcast %xor3A_435 : i32 to vector<16xi32>
      %xor3A_437 = arith.xori %iota3A, %xor3A_436 : vector<16xi32>
      %gather3A_438 = tpu.vector_load_idx %arg6[%add3A_173, %xor3A_437] : memref<512x32xf32, #tpu.memory_space<vmem>>[vector<16xi32>, vector<16xi32>], vector<16xf32>,
      %shift_right_arithmetic3A_439 = arith.constant 3 : i32
      %shift_right_arithmetic3A_440 = vector.broadcast %shift_right_arithmetic3A_439 : i32 to vector<16xi32>
      %shift_right_arithmetic3A_441 = arith.shrsi %xor3A_437, %shift_right_arithmetic3A_440 : vector<16xi32>
      %and3A_442 = arith.constant 7 : i32
      %and3A_443 = vector.broadcast %and3A_442 : i32 to vector<16xi32>
      %and3A_444 = arith.andi %xor3A_437, %and3A_443 : vector<16xi32>
      tpu.vector_store_idx %arg8[%shift_right_arithmetic3A_441, %add3A_191, %and3A_444, %add3A_197], %gather3A_438 : memref<4x4x8x128xf32, #tpu.memory_space<vmem>>[vector<16xi32>, vector<16xi32>, vector<16xi32>, vector<16xi32>], vector<16xf32>,
      %xor3A_445 = arith.constant 25 : i32
      %xor3A_446 = vector.broadcast %xor3A_445 : i32 to vector<16xi32>
      %xor3A_447 = arith.xori %iota3A, %xor3A_446 : vector<16xi32>
      %gather3A_448 = tpu.vector_load_idx %arg6[%add3A_173, %xor3A_447] : memref<512x32xf32, #tpu.memory_space<vmem>>[vector<16xi32>, vector<16xi32>], vector<16xf32>,
      %shift_right_arithmetic3A_449 = arith.constant 3 : i32
      %shift_right_arithmetic3A_450 = vector.broadcast %shift_right_arithmetic3A_449 : i32 to vector<16xi32>
      %shift_right_arithmetic3A_451 = arith.shrsi %xor3A_447, %shift_right_arithmetic3A_450 : vector<16xi32>
      %and3A_452 = arith.constant 7 : i32
      %and3A_453 = vector.broadcast %and3A_452 : i32 to vector<16xi32>
      %and3A_454 = arith.andi %xor3A_447, %and3A_453 : vector<16xi32>
      tpu.vector_store_idx %arg8[%shift_right_arithmetic3A_451, %add3A_191, %and3A_454, %add3A_197], %gather3A_448 : memref<4x4x8x128xf32, #tpu.memory_space<vmem>>[vector<16xi32>, vector<16xi32>, vector<16xi32>, vector<16xi32>], vector<16xf32>,
      %xor3A_455 = arith.constant 26 : i32
      %xor3A_456 = vector.broadcast %xor3A_455 : i32 to vector<16xi32>
      %xor3A_457 = arith.xori %iota3A, %xor3A_456 : vector<16xi32>
      %gather3A_458 = tpu.vector_load_idx %arg6[%add3A_173, %xor3A_457] : memref<512x32xf32, #tpu.memory_space<vmem>>[vector<16xi32>, vector<16xi32>], vector<16xf32>,
      %shift_right_arithmetic3A_459 = arith.constant 3 : i32
      %shift_right_arithmetic3A_460 = vector.broadcast %shift_right_arithmetic3A_459 : i32 to vector<16xi32>
      %shift_right_arithmetic3A_461 = arith.shrsi %xor3A_457, %shift_right_arithmetic3A_460 : vector<16xi32>
      %and3A_462 = arith.constant 7 : i32
      %and3A_463 = vector.broadcast %and3A_462 : i32 to vector<16xi32>
      %and3A_464 = arith.andi %xor3A_457, %and3A_463 : vector<16xi32>
      tpu.vector_store_idx %arg8[%shift_right_arithmetic3A_461, %add3A_191, %and3A_464, %add3A_197], %gather3A_458 : memref<4x4x8x128xf32, #tpu.memory_space<vmem>>[vector<16xi32>, vector<16xi32>, vector<16xi32>, vector<16xi32>], vector<16xf32>,
      %xor3A_465 = arith.constant 27 : i32
      %xor3A_466 = vector.broadcast %xor3A_465 : i32 to vector<16xi32>
      %xor3A_467 = arith.xori %iota3A, %xor3A_466 : vector<16xi32>
      %gather3A_468 = tpu.vector_load_idx %arg6[%add3A_173, %xor3A_467] : memref<512x32xf32, #tpu.memory_space<vmem>>[vector<16xi32>, vector<16xi32>], vector<16xf32>,
      %shift_right_arithmetic3A_469 = arith.constant 3 : i32
      %shift_right_arithmetic3A_470 = vector.broadcast %shift_right_arithmetic3A_469 : i32 to vector<16xi32>
      %shift_right_arithmetic3A_471 = arith.shrsi %xor3A_467, %shift_right_arithmetic3A_470 : vector<16xi32>
      %and3A_472 = arith.constant 7 : i32
      %and3A_473 = vector.broadcast %and3A_472 : i32 to vector<16xi32>
      %and3A_474 = arith.andi %xor3A_467, %and3A_473 : vector<16xi32>
      tpu.vector_store_idx %arg8[%shift_right_arithmetic3A_471, %add3A_191, %and3A_474, %add3A_197], %gather3A_468 : memref<4x4x8x128xf32, #tpu.memory_space<vmem>>[vector<16xi32>, vector<16xi32>, vector<16xi32>, vector<16xi32>], vector<16xf32>,
      %xor3A_475 = arith.constant 28 : i32
      %xor3A_476 = vector.broadcast %xor3A_475 : i32 to vector<16xi32>
      %xor3A_477 = arith.xori %iota3A, %xor3A_476 : vector<16xi32>
      %gather3A_478 = tpu.vector_load_idx %arg6[%add3A_173, %xor3A_477] : memref<512x32xf32, #tpu.memory_space<vmem>>[vector<16xi32>, vector<16xi32>], vector<16xf32>,
      %shift_right_arithmetic3A_479 = arith.constant 3 : i32
      %shift_right_arithmetic3A_480 = vector.broadcast %shift_right_arithmetic3A_479 : i32 to vector<16xi32>
      %shift_right_arithmetic3A_481 = arith.shrsi %xor3A_477, %shift_right_arithmetic3A_480 : vector<16xi32>
      %and3A_482 = arith.constant 7 : i32
      %and3A_483 = vector.broadcast %and3A_482 : i32 to vector<16xi32>
      %and3A_484 = arith.andi %xor3A_477, %and3A_483 : vector<16xi32>
      tpu.vector_store_idx %arg8[%shift_right_arithmetic3A_481, %add3A_191, %and3A_484, %add3A_197], %gather3A_478 : memref<4x4x8x128xf32, #tpu.memory_space<vmem>>[vector<16xi32>, vector<16xi32>, vector<16xi32>, vector<16xi32>], vector<16xf32>,
      %xor3A_485 = arith.constant 29 : i32
      %xor3A_486 = vector.broadcast %xor3A_485 : i32 to vector<16xi32>
      %xor3A_487 = arith.xori %iota3A, %xor3A_486 : vector<16xi32>
      %gather3A_488 = tpu.vector_load_idx %arg6[%add3A_173, %xor3A_487] : memref<512x32xf32, #tpu.memory_space<vmem>>[vector<16xi32>, vector<16xi32>], vector<16xf32>,
      %shift_right_arithmetic3A_489 = arith.constant 3 : i32
      %shift_right_arithmetic3A_490 = vector.broadcast %shift_right_arithmetic3A_489 : i32 to vector<16xi32>
      %shift_right_arithmetic3A_491 = arith.shrsi %xor3A_487, %shift_right_arithmetic3A_490 : vector<16xi32>
      %and3A_492 = arith.constant 7 : i32
      %and3A_493 = vector.broadcast %and3A_492 : i32 to vector<16xi32>
      %and3A_494 = arith.andi %xor3A_487, %and3A_493 : vector<16xi32>
      tpu.vector_store_idx %arg8[%shift_right_arithmetic3A_491, %add3A_191, %and3A_494, %add3A_197], %gather3A_488 : memref<4x4x8x128xf32, #tpu.memory_space<vmem>>[vector<16xi32>, vector<16xi32>, vector<16xi32>, vector<16xi32>], vector<16xf32>,
      %xor3A_495 = arith.constant 30 : i32
      %xor3A_496 = vector.broadcast %xor3A_495 : i32 to vector<16xi32>
      %xor3A_497 = arith.xori %iota3A, %xor3A_496 : vector<16xi32>
      %gather3A_498 = tpu.vector_load_idx %arg6[%add3A_173, %xor3A_497] : memref<512x32xf32, #tpu.memory_space<vmem>>[vector<16xi32>, vector<16xi32>], vector<16xf32>,
      %shift_right_arithmetic3A_499 = arith.constant 3 : i32
      %shift_right_arithmetic3A_500 = vector.broadcast %shift_right_arithmetic3A_499 : i32 to vector<16xi32>
      %shift_right_arithmetic3A_501 = arith.shrsi %xor3A_497, %shift_right_arithmetic3A_500 : vector<16xi32>
      %and3A_502 = arith.constant 7 : i32
      %and3A_503 = vector.broadcast %and3A_502 : i32 to vector<16xi32>
      %and3A_504 = arith.andi %xor3A_497, %and3A_503 : vector<16xi32>
      tpu.vector_store_idx %arg8[%shift_right_arithmetic3A_501, %add3A_191, %and3A_504, %add3A_197], %gather3A_498 : memref<4x4x8x128xf32, #tpu.memory_space<vmem>>[vector<16xi32>, vector<16xi32>, vector<16xi32>, vector<16xi32>], vector<16xf32>,
      %xor3A_505 = arith.constant 31 : i32
      %xor3A_506 = vector.broadcast %xor3A_505 : i32 to vector<16xi32>
      %xor3A_507 = arith.xori %iota3A, %xor3A_506 : vector<16xi32>
      %gather3A_508 = tpu.vector_load_idx %arg6[%add3A_173, %xor3A_507] : memref<512x32xf32, #tpu.memory_space<vmem>>[vector<16xi32>, vector<16xi32>], vector<16xf32>,
      %shift_right_arithmetic3A_509 = arith.constant 3 : i32
      %shift_right_arithmetic3A_510 = vector.broadcast %shift_right_arithmetic3A_509 : i32 to vector<16xi32>
      %shift_right_arithmetic3A_511 = arith.shrsi %xor3A_507, %shift_right_arithmetic3A_510 : vector<16xi32>
      %and3A_512 = arith.constant 7 : i32
      %and3A_513 = vector.broadcast %and3A_512 : i32 to vector<16xi32>
      %and3A_514 = arith.andi %xor3A_507, %and3A_513 : vector<16xi32>
      tpu.vector_store_idx %arg8[%shift_right_arithmetic3A_511, %add3A_191, %and3A_514, %add3A_197], %gather3A_508 : memref<4x4x8x128xf32, #tpu.memory_space<vmem>>[vector<16xi32>, vector<16xi32>, vector<16xi32>, vector<16xi32>], vector<16xf32>,
    }
    %scan3A_29 = arith.constant 32 : i32
    %mul3A_30 = arith.constant 4 : i32
    %mul3A_31 = arith.muli %add3A, %mul3A_30 : i32
    %dma_start3A_32 = arith.constant 0 : i32
    %dma_start3A_33 = arith.constant 0 : i32
    %dma_start3A_34 = arith.constant 0 : i32
    %dma_start3A_35 = tpu.memref_slice %arg4[%dma_start3A_32, %mul3A_31, %dma_start3A_33, %dma_start3A_34] : memref<200x128x8x128xf32, #tpu.memory_space<hbm>> -> memref<4x4x8x128xf32, #tpu.memory_space<hbm>>
    %dma_start3A_36 = arith.constant 0 : i32
    %dma_start3A_37 = arith.constant 0 : i32
    %dma_start3A_38 = arith.constant 0 : i32
    %dma_start3A_39 = tpu.memref_slice %arg4[%dma_start3A_36, %mul3A_31, %dma_start3A_37, %dma_start3A_38] : memref<200x128x8x128xf32, #tpu.memory_space<hbm>> -> memref<4x4x8x128xf32, #tpu.memory_space<hbm>>
    tpu.enqueue_dma source(%arg8 : memref<4x4x8x128xf32, #tpu.memory_space<vmem>>) target(%dma_start3A_39 : memref<4x4x8x128xf32, #tpu.memory_space<hbm>>) target_semaphore(%arg12 : memref<!tpu.dma_semaphore, #tpu.memory_space<semaphore_mem>>)
    %dma_start3A_40 = arith.constant 2 : i32
    %dma_start3A_41 = arith.constant 0 : i32
    %dma_start3A_42 = tpu.memref_slice %arg5[%dma_start3A_40, %dma_start3A_41] : memref<50x512xi32, #tpu.memory_space<vmem>> -> memref<1x512xi32, #tpu.memory_space<vmem>>
    %dma_start3A_43 = tpu.memref_squeeze %dma_start3A_42 : memref<1x512xi32, #tpu.memory_space<vmem>> -> memref<512xi32, #tpu.memory_space<vmem>>
    %dma_start3A_44 = arith.constant 0 : i32
    %dma_start3A_45 = arith.constant 0 : i32
    %dma_start3A_46 = tpu.memref_slice %arg3[%dma_start3A_44, %dma_start3A_45] : memref<1000000x32xf32, #tpu.memory_space<hbm>> -> memref<1000000x32xf32, #tpu.memory_space<hbm>>
    tpu.enqueue_indirect_dma source(%dma_start3A_46 : memref<1000000x32xf32, #tpu.memory_space<hbm>>) target(%arg6 : memref<512x32xf32, #tpu.memory_space<vmem>>) offsets(%dma_start3A_43 : memref<512xi32, #tpu.memory_space<vmem>>) semaphore(%arg10 : memref<!tpu.dma_semaphore, #tpu.memory_space<semaphore_mem>>)
    %dma_wait3A_47 = arith.constant 1 : i32
    %dma_wait3A_48 = arith.constant 0 : i32
    %dma_wait3A_49 = tpu.memref_slice %arg5[%dma_wait3A_47, %dma_wait3A_48] : memref<50x512xi32, #tpu.memory_space<vmem>> -> memref<1x512xi32, #tpu.memory_space<vmem>>
    %dma_wait3A_50 = tpu.memref_squeeze %dma_wait3A_49 : memref<1x512xi32, #tpu.memory_space<vmem>> -> memref<512xi32, #tpu.memory_space<vmem>>
    %dma_wait3A_51 = arith.constant 0 : i32
    %dma_wait3A_52 = arith.constant 0 : i32
    %dma_wait3A_53 = tpu.memref_slice %arg3[%dma_wait3A_51, %dma_wait3A_52] : memref<1000000x32xf32, #tpu.memory_space<hbm>> -> memref<1000000x32xf32, #tpu.memory_space<hbm>>
    tpu.wait_indirect_dma semaphore(%arg11 : memref<!tpu.dma_semaphore, #tpu.memory_space<semaphore_mem>>) src(%dma_wait3A_53 : memref<1000000x32xf32, #tpu.memory_space<hbm>>) dst(%arg7 : memref<512x32xf32, #tpu.memory_space<vmem>>)
    %scan3A_54 = arith.constant 0 : i32
    %scan3A_55 = arith.constant 0 : i32
    %scan3A_56 = arith.constant 32 : i32
    %scan3A_57 = arith.addi %scan3A_55, %scan3A_56 : i32
    %scan3A_58 = arith.constant 1 : i32
    scf.for %scan3A_169 = %scan3A_55 to %scan3A_57 step %scan3A_58  : i32 {
      %mul3A_170 = arith.constant 16 : i32
      %mul3A_171 = arith.muli %scan3A_169, %mul3A_170 : i32
      %add3A_172 = vector.broadcast %mul3A_171 : i32 to vector<16xi32>
      %add3A_173 = arith.addi %iota3A, %add3A_172 : vector<16xi32>
      %jit3A = arith.constant 8 : i32
      %div3A = arith.divsi %scan3A_169, %jit3A : i32
      %sign3A = arith.constant 0 : i32
      %sign3A_174 = arith.cmpi sgt, %scan3A_169, %sign3A : i32
      %sign3A_175 = arith.extui %sign3A_174 : i1 to i32
      %sign3A_176 = arith.constant 0 : i32
      %sign3A_177 = arith.cmpi slt, %scan3A_169, %sign3A_176 : i32
      %sign3A_178 = arith.extui %sign3A_177 : i1 to i32
      %sign3A_179 = arith.subi %sign3A_175, %sign3A_178 : i32
      %sign3A_180 = arith.constant 0 : i32
      %sign3A_181 = arith.cmpi sgt, %jit3A, %sign3A_180 : i32
      %sign3A_182 = arith.extui %sign3A_181 : i1 to i32
      %sign3A_183 = arith.constant 0 : i32
      %sign3A_184 = arith.cmpi slt, %jit3A, %sign3A_183 : i32
      %sign3A_185 = arith.extui %sign3A_184 : i1 to i32
      %sign3A_186 = arith.subi %sign3A_182, %sign3A_185 : i32
      %ne3A = arith.cmpi ne, %sign3A_179, %sign3A_186 : i32
      %rem3A = arith.remsi %scan3A_169, %jit3A : i32
      %ne3A_187 = arith.constant 0 : i32
      %ne3A_188 = arith.cmpi ne, %rem3A, %ne3A_187 : i32
      %and3A = arith.andi %ne3A, %ne3A_188 : i1
      %sub3A = arith.constant 1 : i32
      %sub3A_189 = arith.subi %div3A, %sub3A : i32
      %select_n3A = arith.select %and3A, %sub3A_189, %div3A : i32
      %add3A_190 = vector.broadcast %select_n3A : i32 to vector<16xi32>
      %add3A_191 = arith.addi %mul3A_5, %add3A_190 : vector<16xi32>
      %and3A_192 = arith.constant 7 : i32
      %and3A_193 = arith.andi %scan3A_169, %and3A_192 : i32
      %mul3A_194 = arith.constant 16 : i32
      %mul3A_195 = arith.muli %and3A_193, %mul3A_194 : i32
      %add3A_196 = vector.broadcast %mul3A_195 : i32 to vector<16xi32>
      %add3A_197 = arith.addi %iota3A, %add3A_196 : vector<16xi32>
      %xor3A = arith.constant 0 : i32
      %xor3A_198 = vector.broadcast %xor3A : i32 to vector<16xi32>
      %xor3A_199 = arith.xori %iota3A, %xor3A_198 : vector<16xi32>
      %gather3A = tpu.vector_load_idx %arg7[%add3A_173, %xor3A_199] : memref<512x32xf32, #tpu.memory_space<vmem>>[vector<16xi32>, vector<16xi32>], vector<16xf32>,
      %shift_right_arithmetic3A = arith.constant 3 : i32
      %shift_right_arithmetic3A_200 = vector.broadcast %shift_right_arithmetic3A : i32 to vector<16xi32>
      %shift_right_arithmetic3A_201 = arith.shrsi %xor3A_199, %shift_right_arithmetic3A_200 : vector<16xi32>
      %and3A_202 = arith.constant 7 : i32
      %and3A_203 = vector.broadcast %and3A_202 : i32 to vector<16xi32>
      %and3A_204 = arith.andi %xor3A_199, %and3A_203 : vector<16xi32>
      tpu.vector_store_idx %arg9[%shift_right_arithmetic3A_201, %add3A_191, %and3A_204, %add3A_197], %gather3A : memref<4x4x8x128xf32, #tpu.memory_space<vmem>>[vector<16xi32>, vector<16xi32>, vector<16xi32>, vector<16xi32>], vector<16xf32>,
      %xor3A_205 = arith.constant 1 : i32
      %xor3A_206 = vector.broadcast %xor3A_205 : i32 to vector<16xi32>
      %xor3A_207 = arith.xori %iota3A, %xor3A_206 : vector<16xi32>
      %gather3A_208 = tpu.vector_load_idx %arg7[%add3A_173, %xor3A_207] : memref<512x32xf32, #tpu.memory_space<vmem>>[vector<16xi32>, vector<16xi32>], vector<16xf32>,
      %shift_right_arithmetic3A_209 = arith.constant 3 : i32
      %shift_right_arithmetic3A_210 = vector.broadcast %shift_right_arithmetic3A_209 : i32 to vector<16xi32>
      %shift_right_arithmetic3A_211 = arith.shrsi %xor3A_207, %shift_right_arithmetic3A_210 : vector<16xi32>
      %and3A_212 = arith.constant 7 : i32
      %and3A_213 = vector.broadcast %and3A_212 : i32 to vector<16xi32>
      %and3A_214 = arith.andi %xor3A_207, %and3A_213 : vector<16xi32>
      tpu.vector_store_idx %arg9[%shift_right_arithmetic3A_211, %add3A_191, %and3A_214, %add3A_197], %gather3A_208 : memref<4x4x8x128xf32, #tpu.memory_space<vmem>>[vector<16xi32>, vector<16xi32>, vector<16xi32>, vector<16xi32>], vector<16xf32>,
      %xor3A_215 = arith.constant 2 : i32
      %xor3A_216 = vector.broadcast %xor3A_215 : i32 to vector<16xi32>
      %xor3A_217 = arith.xori %iota3A, %xor3A_216 : vector<16xi32>
      %gather3A_218 = tpu.vector_load_idx %arg7[%add3A_173, %xor3A_217] : memref<512x32xf32, #tpu.memory_space<vmem>>[vector<16xi32>, vector<16xi32>], vector<16xf32>,
      %shift_right_arithmetic3A_219 = arith.constant 3 : i32
      %shift_right_arithmetic3A_220 = vector.broadcast %shift_right_arithmetic3A_219 : i32 to vector<16xi32>
      %shift_right_arithmetic3A_221 = arith.shrsi %xor3A_217, %shift_right_arithmetic3A_220 : vector<16xi32>
      %and3A_222 = arith.constant 7 : i32
      %and3A_223 = vector.broadcast %and3A_222 : i32 to vector<16xi32>
      %and3A_224 = arith.andi %xor3A_217, %and3A_223 : vector<16xi32>
      tpu.vector_store_idx %arg9[%shift_right_arithmetic3A_221, %add3A_191, %and3A_224, %add3A_197], %gather3A_218 : memref<4x4x8x128xf32, #tpu.memory_space<vmem>>[vector<16xi32>, vector<16xi32>, vector<16xi32>, vector<16xi32>], vector<16xf32>,
      %xor3A_225 = arith.constant 3 : i32
      %xor3A_226 = vector.broadcast %xor3A_225 : i32 to vector<16xi32>
      %xor3A_227 = arith.xori %iota3A, %xor3A_226 : vector<16xi32>
      %gather3A_228 = tpu.vector_load_idx %arg7[%add3A_173, %xor3A_227] : memref<512x32xf32, #tpu.memory_space<vmem>>[vector<16xi32>, vector<16xi32>], vector<16xf32>,
      %shift_right_arithmetic3A_229 = arith.constant 3 : i32
      %shift_right_arithmetic3A_230 = vector.broadcast %shift_right_arithmetic3A_229 : i32 to vector<16xi32>
      %shift_right_arithmetic3A_231 = arith.shrsi %xor3A_227, %shift_right_arithmetic3A_230 : vector<16xi32>
      %and3A_232 = arith.constant 7 : i32
      %and3A_233 = vector.broadcast %and3A_232 : i32 to vector<16xi32>
      %and3A_234 = arith.andi %xor3A_227, %and3A_233 : vector<16xi32>
      tpu.vector_store_idx %arg9[%shift_right_arithmetic3A_231, %add3A_191, %and3A_234, %add3A_197], %gather3A_228 : memref<4x4x8x128xf32, #tpu.memory_space<vmem>>[vector<16xi32>, vector<16xi32>, vector<16xi32>, vector<16xi32>], vector<16xf32>,
      %xor3A_235 = arith.constant 4 : i32
      %xor3A_236 = vector.broadcast %xor3A_235 : i32 to vector<16xi32>
      %xor3A_237 = arith.xori %iota3A, %xor3A_236 : vector<16xi32>
      %gather3A_238 = tpu.vector_load_idx %arg7[%add3A_173, %xor3A_237] : memref<512x32xf32, #tpu.memory_space<vmem>>[vector<16xi32>, vector<16xi32>], vector<16xf32>,
      %shift_right_arithmetic3A_239 = arith.constant 3 : i32
      %shift_right_arithmetic3A_240 = vector.broadcast %shift_right_arithmetic3A_239 : i32 to vector<16xi32>
      %shift_right_arithmetic3A_241 = arith.shrsi %xor3A_237, %shift_right_arithmetic3A_240 : vector<16xi32>
      %and3A_242 = arith.constant 7 : i32
      %and3A_243 = vector.broadcast %and3A_242 : i32 to vector<16xi32>
      %and3A_244 = arith.andi %xor3A_237, %and3A_243 : vector<16xi32>
      tpu.vector_store_idx %arg9[%shift_right_arithmetic3A_241, %add3A_191, %and3A_244, %add3A_197], %gather3A_238 : memref<4x4x8x128xf32, #tpu.memory_space<vmem>>[vector<16xi32>, vector<16xi32>, vector<16xi32>, vector<16xi32>], vector<16xf32>,
      %xor3A_245 = arith.constant 5 : i32
      %xor3A_246 = vector.broadcast %xor3A_245 : i32 to vector<16xi32>
      %xor3A_247 = arith.xori %iota3A, %xor3A_246 : vector<16xi32>
      %gather3A_248 = tpu.vector_load_idx %arg7[%add3A_173, %xor3A_247] : memref<512x32xf32, #tpu.memory_space<vmem>>[vector<16xi32>, vector<16xi32>], vector<16xf32>,
      %shift_right_arithmetic3A_249 = arith.constant 3 : i32
      %shift_right_arithmetic3A_250 = vector.broadcast %shift_right_arithmetic3A_249 : i32 to vector<16xi32>
      %shift_right_arithmetic3A_251 = arith.shrsi %xor3A_247, %shift_right_arithmetic3A_250 : vector<16xi32>
      %and3A_252 = arith.constant 7 : i32
      %and3A_253 = vector.broadcast %and3A_252 : i32 to vector<16xi32>
      %and3A_254 = arith.andi %xor3A_247, %and3A_253 : vector<16xi32>
      tpu.vector_store_idx %arg9[%shift_right_arithmetic3A_251, %add3A_191, %and3A_254, %add3A_197], %gather3A_248 : memref<4x4x8x128xf32, #tpu.memory_space<vmem>>[vector<16xi32>, vector<16xi32>, vector<16xi32>, vector<16xi32>], vector<16xf32>,
      %xor3A_255 = arith.constant 6 : i32
      %xor3A_256 = vector.broadcast %xor3A_255 : i32 to vector<16xi32>
      %xor3A_257 = arith.xori %iota3A, %xor3A_256 : vector<16xi32>
      %gather3A_258 = tpu.vector_load_idx %arg7[%add3A_173, %xor3A_257] : memref<512x32xf32, #tpu.memory_space<vmem>>[vector<16xi32>, vector<16xi32>], vector<16xf32>,
      %shift_right_arithmetic3A_259 = arith.constant 3 : i32
      %shift_right_arithmetic3A_260 = vector.broadcast %shift_right_arithmetic3A_259 : i32 to vector<16xi32>
      %shift_right_arithmetic3A_261 = arith.shrsi %xor3A_257, %shift_right_arithmetic3A_260 : vector<16xi32>
      %and3A_262 = arith.constant 7 : i32
      %and3A_263 = vector.broadcast %and3A_262 : i32 to vector<16xi32>
      %and3A_264 = arith.andi %xor3A_257, %and3A_263 : vector<16xi32>
      tpu.vector_store_idx %arg9[%shift_right_arithmetic3A_261, %add3A_191, %and3A_264, %add3A_197], %gather3A_258 : memref<4x4x8x128xf32, #tpu.memory_space<vmem>>[vector<16xi32>, vector<16xi32>, vector<16xi32>, vector<16xi32>], vector<16xf32>,
      %xor3A_265 = arith.constant 7 : i32
      %xor3A_266 = vector.broadcast %xor3A_265 : i32 to vector<16xi32>
      %xor3A_267 = arith.xori %iota3A, %xor3A_266 : vector<16xi32>
      %gather3A_268 = tpu.vector_load_idx %arg7[%add3A_173, %xor3A_267] : memref<512x32xf32, #tpu.memory_space<vmem>>[vector<16xi32>, vector<16xi32>], vector<16xf32>,
      %shift_right_arithmetic3A_269 = arith.constant 3 : i32
      %shift_right_arithmetic3A_270 = vector.broadcast %shift_right_arithmetic3A_269 : i32 to vector<16xi32>
      %shift_right_arithmetic3A_271 = arith.shrsi %xor3A_267, %shift_right_arithmetic3A_270 : vector<16xi32>
      %and3A_272 = arith.constant 7 : i32
      %and3A_273 = vector.broadcast %and3A_272 : i32 to vector<16xi32>
      %and3A_274 = arith.andi %xor3A_267, %and3A_273 : vector<16xi32>
      tpu.vector_store_idx %arg9[%shift_right_arithmetic3A_271, %add3A_191, %and3A_274, %add3A_197], %gather3A_268 : memref<4x4x8x128xf32, #tpu.memory_space<vmem>>[vector<16xi32>, vector<16xi32>, vector<16xi32>, vector<16xi32>], vector<16xf32>,
      %xor3A_275 = arith.constant 8 : i32
      %xor3A_276 = vector.broadcast %xor3A_275 : i32 to vector<16xi32>
      %xor3A_277 = arith.xori %iota3A, %xor3A_276 : vector<16xi32>
      %gather3A_278 = tpu.vector_load_idx %arg7[%add3A_173, %xor3A_277] : memref<512x32xf32, #tpu.memory_space<vmem>>[vector<16xi32>, vector<16xi32>], vector<16xf32>,
      %shift_right_arithmetic3A_279 = arith.constant 3 : i32
      %shift_right_arithmetic3A_280 = vector.broadcast %shift_right_arithmetic3A_279 : i32 to vector<16xi32>
      %shift_right_arithmetic3A_281 = arith.shrsi %xor3A_277, %shift_right_arithmetic3A_280 : vector<16xi32>
      %and3A_282 = arith.constant 7 : i32
      %and3A_283 = vector.broadcast %and3A_282 : i32 to vector<16xi32>
      %and3A_284 = arith.andi %xor3A_277, %and3A_283 : vector<16xi32>
      tpu.vector_store_idx %arg9[%shift_right_arithmetic3A_281, %add3A_191, %and3A_284, %add3A_197], %gather3A_278 : memref<4x4x8x128xf32, #tpu.memory_space<vmem>>[vector<16xi32>, vector<16xi32>, vector<16xi32>, vector<16xi32>], vector<16xf32>,
      %xor3A_285 = arith.constant 9 : i32
      %xor3A_286 = vector.broadcast %xor3A_285 : i32 to vector<16xi32>
      %xor3A_287 = arith.xori %iota3A, %xor3A_286 : vector<16xi32>
      %gather3A_288 = tpu.vector_load_idx %arg7[%add3A_173, %xor3A_287] : memref<512x32xf32, #tpu.memory_space<vmem>>[vector<16xi32>, vector<16xi32>], vector<16xf32>,
      %shift_right_arithmetic3A_289 = arith.constant 3 : i32
      %shift_right_arithmetic3A_290 = vector.broadcast %shift_right_arithmetic3A_289 : i32 to vector<16xi32>
      %shift_right_arithmetic3A_291 = arith.shrsi %xor3A_287, %shift_right_arithmetic3A_290 : vector<16xi32>
      %and3A_292 = arith.constant 7 : i32
      %and3A_293 = vector.broadcast %and3A_292 : i32 to vector<16xi32>
      %and3A_294 = arith.andi %xor3A_287, %and3A_293 : vector<16xi32>
      tpu.vector_store_idx %arg9[%shift_right_arithmetic3A_291, %add3A_191, %and3A_294, %add3A_197], %gather3A_288 : memref<4x4x8x128xf32, #tpu.memory_space<vmem>>[vector<16xi32>, vector<16xi32>, vector<16xi32>, vector<16xi32>], vector<16xf32>,
      %xor3A_295 = arith.constant 10 : i32
      %xor3A_296 = vector.broadcast %xor3A_295 : i32 to vector<16xi32>
      %xor3A_297 = arith.xori %iota3A, %xor3A_296 : vector<16xi32>
      %gather3A_298 = tpu.vector_load_idx %arg7[%add3A_173, %xor3A_297] : memref<512x32xf32, #tpu.memory_space<vmem>>[vector<16xi32>, vector<16xi32>], vector<16xf32>,
      %shift_right_arithmetic3A_299 = arith.constant 3 : i32
      %shift_right_arithmetic3A_300 = vector.broadcast %shift_right_arithmetic3A_299 : i32 to vector<16xi32>
      %shift_right_arithmetic3A_301 = arith.shrsi %xor3A_297, %shift_right_arithmetic3A_300 : vector<16xi32>
      %and3A_302 = arith.constant 7 : i32
      %and3A_303 = vector.broadcast %and3A_302 : i32 to vector<16xi32>
      %and3A_304 = arith.andi %xor3A_297, %and3A_303 : vector<16xi32>
      tpu.vector_store_idx %arg9[%shift_right_arithmetic3A_301, %add3A_191, %and3A_304, %add3A_197], %gather3A_298 : memref<4x4x8x128xf32, #tpu.memory_space<vmem>>[vector<16xi32>, vector<16xi32>, vector<16xi32>, vector<16xi32>], vector<16xf32>,
      %xor3A_305 = arith.constant 11 : i32
      %xor3A_306 = vector.broadcast %xor3A_305 : i32 to vector<16xi32>
      %xor3A_307 = arith.xori %iota3A, %xor3A_306 : vector<16xi32>
      %gather3A_308 = tpu.vector_load_idx %arg7[%add3A_173, %xor3A_307] : memref<512x32xf32, #tpu.memory_space<vmem>>[vector<16xi32>, vector<16xi32>], vector<16xf32>,
      %shift_right_arithmetic3A_309 = arith.constant 3 : i32
      %shift_right_arithmetic3A_310 = vector.broadcast %shift_right_arithmetic3A_309 : i32 to vector<16xi32>
      %shift_right_arithmetic3A_311 = arith.shrsi %xor3A_307, %shift_right_arithmetic3A_310 : vector<16xi32>
      %and3A_312 = arith.constant 7 : i32
      %and3A_313 = vector.broadcast %and3A_312 : i32 to vector<16xi32>
      %and3A_314 = arith.andi %xor3A_307, %and3A_313 : vector<16xi32>
      tpu.vector_store_idx %arg9[%shift_right_arithmetic3A_311, %add3A_191, %and3A_314, %add3A_197], %gather3A_308 : memref<4x4x8x128xf32, #tpu.memory_space<vmem>>[vector<16xi32>, vector<16xi32>, vector<16xi32>, vector<16xi32>], vector<16xf32>,
      %xor3A_315 = arith.constant 12 : i32
      %xor3A_316 = vector.broadcast %xor3A_315 : i32 to vector<16xi32>
      %xor3A_317 = arith.xori %iota3A, %xor3A_316 : vector<16xi32>
      %gather3A_318 = tpu.vector_load_idx %arg7[%add3A_173, %xor3A_317] : memref<512x32xf32, #tpu.memory_space<vmem>>[vector<16xi32>, vector<16xi32>], vector<16xf32>,
      %shift_right_arithmetic3A_319 = arith.constant 3 : i32
      %shift_right_arithmetic3A_320 = vector.broadcast %shift_right_arithmetic3A_319 : i32 to vector<16xi32>
      %shift_right_arithmetic3A_321 = arith.shrsi %xor3A_317, %shift_right_arithmetic3A_320 : vector<16xi32>
      %and3A_322 = arith.constant 7 : i32
      %and3A_323 = vector.broadcast %and3A_322 : i32 to vector<16xi32>
      %and3A_324 = arith.andi %xor3A_317, %and3A_323 : vector<16xi32>
      tpu.vector_store_idx %arg9[%shift_right_arithmetic3A_321, %add3A_191, %and3A_324, %add3A_197], %gather3A_318 : memref<4x4x8x128xf32, #tpu.memory_space<vmem>>[vector<16xi32>, vector<16xi32>, vector<16xi32>, vector<16xi32>], vector<16xf32>,
      %xor3A_325 = arith.constant 13 : i32
      %xor3A_326 = vector.broadcast %xor3A_325 : i32 to vector<16xi32>
      %xor3A_327 = arith.xori %iota3A, %xor3A_326 : vector<16xi32>
      %gather3A_328 = tpu.vector_load_idx %arg7[%add3A_173, %xor3A_327] : memref<512x32xf32, #tpu.memory_space<vmem>>[vector<16xi32>, vector<16xi32>], vector<16xf32>,
      %shift_right_arithmetic3A_329 = arith.constant 3 : i32
      %shift_right_arithmetic3A_330 = vector.broadcast %shift_right_arithmetic3A_329 : i32 to vector<16xi32>
      %shift_right_arithmetic3A_331 = arith.shrsi %xor3A_327, %shift_right_arithmetic3A_330 : vector<16xi32>
      %and3A_332 = arith.constant 7 : i32
      %and3A_333 = vector.broadcast %and3A_332 : i32 to vector<16xi32>
      %and3A_334 = arith.andi %xor3A_327, %and3A_333 : vector<16xi32>
      tpu.vector_store_idx %arg9[%shift_right_arithmetic3A_331, %add3A_191, %and3A_334, %add3A_197], %gather3A_328 : memref<4x4x8x128xf32, #tpu.memory_space<vmem>>[vector<16xi32>, vector<16xi32>, vector<16xi32>, vector<16xi32>], vector<16xf32>,
      %xor3A_335 = arith.constant 14 : i32
      %xor3A_336 = vector.broadcast %xor3A_335 : i32 to vector<16xi32>
      %xor3A_337 = arith.xori %iota3A, %xor3A_336 : vector<16xi32>
      %gather3A_338 = tpu.vector_load_idx %arg7[%add3A_173, %xor3A_337] : memref<512x32xf32, #tpu.memory_space<vmem>>[vector<16xi32>, vector<16xi32>], vector<16xf32>,
      %shift_right_arithmetic3A_339 = arith.constant 3 : i32
      %shift_right_arithmetic3A_340 = vector.broadcast %shift_right_arithmetic3A_339 : i32 to vector<16xi32>
      %shift_right_arithmetic3A_341 = arith.shrsi %xor3A_337, %shift_right_arithmetic3A_340 : vector<16xi32>
      %and3A_342 = arith.constant 7 : i32
      %and3A_343 = vector.broadcast %and3A_342 : i32 to vector<16xi32>
      %and3A_344 = arith.andi %xor3A_337, %and3A_343 : vector<16xi32>
      tpu.vector_store_idx %arg9[%shift_right_arithmetic3A_341, %add3A_191, %and3A_344, %add3A_197], %gather3A_338 : memref<4x4x8x128xf32, #tpu.memory_space<vmem>>[vector<16xi32>, vector<16xi32>, vector<16xi32>, vector<16xi32>], vector<16xf32>,
      %xor3A_345 = arith.constant 15 : i32
      %xor3A_346 = vector.broadcast %xor3A_345 : i32 to vector<16xi32>
      %xor3A_347 = arith.xori %iota3A, %xor3A_346 : vector<16xi32>
      %gather3A_348 = tpu.vector_load_idx %arg7[%add3A_173, %xor3A_347] : memref<512x32xf32, #tpu.memory_space<vmem>>[vector<16xi32>, vector<16xi32>], vector<16xf32>,
      %shift_right_arithmetic3A_349 = arith.constant 3 : i32
      %shift_right_arithmetic3A_350 = vector.broadcast %shift_right_arithmetic3A_349 : i32 to vector<16xi32>
      %shift_right_arithmetic3A_351 = arith.shrsi %xor3A_347, %shift_right_arithmetic3A_350 : vector<16xi32>
      %and3A_352 = arith.constant 7 : i32
      %and3A_353 = vector.broadcast %and3A_352 : i32 to vector<16xi32>
      %and3A_354 = arith.andi %xor3A_347, %and3A_353 : vector<16xi32>
      tpu.vector_store_idx %arg9[%shift_right_arithmetic3A_351, %add3A_191, %and3A_354, %add3A_197], %gather3A_348 : memref<4x4x8x128xf32, #tpu.memory_space<vmem>>[vector<16xi32>, vector<16xi32>, vector<16xi32>, vector<16xi32>], vector<16xf32>,
      %xor3A_355 = arith.constant 16 : i32
      %xor3A_356 = vector.broadcast %xor3A_355 : i32 to vector<16xi32>
      %xor3A_357 = arith.xori %iota3A, %xor3A_356 : vector<16xi32>
      %gather3A_358 = tpu.vector_load_idx %arg7[%add3A_173, %xor3A_357] : memref<512x32xf32, #tpu.memory_space<vmem>>[vector<16xi32>, vector<16xi32>], vector<16xf32>,
      %shift_right_arithmetic3A_359 = arith.constant 3 : i32
      %shift_right_arithmetic3A_360 = vector.broadcast %shift_right_arithmetic3A_359 : i32 to vector<16xi32>
      %shift_right_arithmetic3A_361 = arith.shrsi %xor3A_357, %shift_right_arithmetic3A_360 : vector<16xi32>
      %and3A_362 = arith.constant 7 : i32
      %and3A_363 = vector.broadcast %and3A_362 : i32 to vector<16xi32>
      %and3A_364 = arith.andi %xor3A_357, %and3A_363 : vector<16xi32>
      tpu.vector_store_idx %arg9[%shift_right_arithmetic3A_361, %add3A_191, %and3A_364, %add3A_197], %gather3A_358 : memref<4x4x8x128xf32, #tpu.memory_space<vmem>>[vector<16xi32>, vector<16xi32>, vector<16xi32>, vector<16xi32>], vector<16xf32>,
      %xor3A_365 = arith.constant 17 : i32
      %xor3A_366 = vector.broadcast %xor3A_365 : i32 to vector<16xi32>
      %xor3A_367 = arith.xori %iota3A, %xor3A_366 : vector<16xi32>
      %gather3A_368 = tpu.vector_load_idx %arg7[%add3A_173, %xor3A_367] : memref<512x32xf32, #tpu.memory_space<vmem>>[vector<16xi32>, vector<16xi32>], vector<16xf32>,
      %shift_right_arithmetic3A_369 = arith.constant 3 : i32
      %shift_right_arithmetic3A_370 = vector.broadcast %shift_right_arithmetic3A_369 : i32 to vector<16xi32>
      %shift_right_arithmetic3A_371 = arith.shrsi %xor3A_367, %shift_right_arithmetic3A_370 : vector<16xi32>
      %and3A_372 = arith.constant 7 : i32
      %and3A_373 = vector.broadcast %and3A_372 : i32 to vector<16xi32>
      %and3A_374 = arith.andi %xor3A_367, %and3A_373 : vector<16xi32>
      tpu.vector_store_idx %arg9[%shift_right_arithmetic3A_371, %add3A_191, %and3A_374, %add3A_197], %gather3A_368 : memref<4x4x8x128xf32, #tpu.memory_space<vmem>>[vector<16xi32>, vector<16xi32>, vector<16xi32>, vector<16xi32>], vector<16xf32>,
      %xor3A_375 = arith.constant 18 : i32
      %xor3A_376 = vector.broadcast %xor3A_375 : i32 to vector<16xi32>
      %xor3A_377 = arith.xori %iota3A, %xor3A_376 : vector<16xi32>
      %gather3A_378 = tpu.vector_load_idx %arg7[%add3A_173, %xor3A_377] : memref<512x32xf32, #tpu.memory_space<vmem>>[vector<16xi32>, vector<16xi32>], vector<16xf32>,
      %shift_right_arithmetic3A_379 = arith.constant 3 : i32
      %shift_right_arithmetic3A_380 = vector.broadcast %shift_right_arithmetic3A_379 : i32 to vector<16xi32>
      %shift_right_arithmetic3A_381 = arith.shrsi %xor3A_377, %shift_right_arithmetic3A_380 : vector<16xi32>
      %and3A_382 = arith.constant 7 : i32
      %and3A_383 = vector.broadcast %and3A_382 : i32 to vector<16xi32>
      %and3A_384 = arith.andi %xor3A_377, %and3A_383 : vector<16xi32>
      tpu.vector_store_idx %arg9[%shift_right_arithmetic3A_381, %add3A_191, %and3A_384, %add3A_197], %gather3A_378 : memref<4x4x8x128xf32, #tpu.memory_space<vmem>>[vector<16xi32>, vector<16xi32>, vector<16xi32>, vector<16xi32>], vector<16xf32>,
      %xor3A_385 = arith.constant 19 : i32
      %xor3A_386 = vector.broadcast %xor3A_385 : i32 to vector<16xi32>
      %xor3A_387 = arith.xori %iota3A, %xor3A_386 : vector<16xi32>
      %gather3A_388 = tpu.vector_load_idx %arg7[%add3A_173, %xor3A_387] : memref<512x32xf32, #tpu.memory_space<vmem>>[vector<16xi32>, vector<16xi32>], vector<16xf32>,
      %shift_right_arithmetic3A_389 = arith.constant 3 : i32
      %shift_right_arithmetic3A_390 = vector.broadcast %shift_right_arithmetic3A_389 : i32 to vector<16xi32>
      %shift_right_arithmetic3A_391 = arith.shrsi %xor3A_387, %shift_right_arithmetic3A_390 : vector<16xi32>
      %and3A_392 = arith.constant 7 : i32
      %and3A_393 = vector.broadcast %and3A_392 : i32 to vector<16xi32>
      %and3A_394 = arith.andi %xor3A_387, %and3A_393 : vector<16xi32>
      tpu.vector_store_idx %arg9[%shift_right_arithmetic3A_391, %add3A_191, %and3A_394, %add3A_197], %gather3A_388 : memref<4x4x8x128xf32, #tpu.memory_space<vmem>>[vector<16xi32>, vector<16xi32>, vector<16xi32>, vector<16xi32>], vector<16xf32>,
      %xor3A_395 = arith.constant 20 : i32
      %xor3A_396 = vector.broadcast %xor3A_395 : i32 to vector<16xi32>
      %xor3A_397 = arith.xori %iota3A, %xor3A_396 : vector<16xi32>
      %gather3A_398 = tpu.vector_load_idx %arg7[%add3A_173, %xor3A_397] : memref<512x32xf32, #tpu.memory_space<vmem>>[vector<16xi32>, vector<16xi32>], vector<16xf32>,
      %shift_right_arithmetic3A_399 = arith.constant 3 : i32
      %shift_right_arithmetic3A_400 = vector.broadcast %shift_right_arithmetic3A_399 : i32 to vector<16xi32>
      %shift_right_arithmetic3A_401 = arith.shrsi %xor3A_397, %shift_right_arithmetic3A_400 : vector<16xi32>
      %and3A_402 = arith.constant 7 : i32
      %and3A_403 = vector.broadcast %and3A_402 : i32 to vector<16xi32>
      %and3A_404 = arith.andi %xor3A_397, %and3A_403 : vector<16xi32>
      tpu.vector_store_idx %arg9[%shift_right_arithmetic3A_401, %add3A_191, %and3A_404, %add3A_197], %gather3A_398 : memref<4x4x8x128xf32, #tpu.memory_space<vmem>>[vector<16xi32>, vector<16xi32>, vector<16xi32>, vector<16xi32>], vector<16xf32>,
      %xor3A_405 = arith.constant 21 : i32
      %xor3A_406 = vector.broadcast %xor3A_405 : i32 to vector<16xi32>
      %xor3A_407 = arith.xori %iota3A, %xor3A_406 : vector<16xi32>
      %gather3A_408 = tpu.vector_load_idx %arg7[%add3A_173, %xor3A_407] : memref<512x32xf32, #tpu.memory_space<vmem>>[vector<16xi32>, vector<16xi32>], vector<16xf32>,
      %shift_right_arithmetic3A_409 = arith.constant 3 : i32
      %shift_right_arithmetic3A_410 = vector.broadcast %shift_right_arithmetic3A_409 : i32 to vector<16xi32>
      %shift_right_arithmetic3A_411 = arith.shrsi %xor3A_407, %shift_right_arithmetic3A_410 : vector<16xi32>
      %and3A_412 = arith.constant 7 : i32
      %and3A_413 = vector.broadcast %and3A_412 : i32 to vector<16xi32>
      %and3A_414 = arith.andi %xor3A_407, %and3A_413 : vector<16xi32>
      tpu.vector_store_idx %arg9[%shift_right_arithmetic3A_411, %add3A_191, %and3A_414, %add3A_197], %gather3A_408 : memref<4x4x8x128xf32, #tpu.memory_space<vmem>>[vector<16xi32>, vector<16xi32>, vector<16xi32>, vector<16xi32>], vector<16xf32>,
      %xor3A_415 = arith.constant 22 : i32
      %xor3A_416 = vector.broadcast %xor3A_415 : i32 to vector<16xi32>
      %xor3A_417 = arith.xori %iota3A, %xor3A_416 : vector<16xi32>
      %gather3A_418 = tpu.vector_load_idx %arg7[%add3A_173, %xor3A_417] : memref<512x32xf32, #tpu.memory_space<vmem>>[vector<16xi32>, vector<16xi32>], vector<16xf32>,
      %shift_right_arithmetic3A_419 = arith.constant 3 : i32
      %shift_right_arithmetic3A_420 = vector.broadcast %shift_right_arithmetic3A_419 : i32 to vector<16xi32>
      %shift_right_arithmetic3A_421 = arith.shrsi %xor3A_417, %shift_right_arithmetic3A_420 : vector<16xi32>
      %and3A_422 = arith.constant 7 : i32
      %and3A_423 = vector.broadcast %and3A_422 : i32 to vector<16xi32>
      %and3A_424 = arith.andi %xor3A_417, %and3A_423 : vector<16xi32>
      tpu.vector_store_idx %arg9[%shift_right_arithmetic3A_421, %add3A_191, %and3A_424, %add3A_197], %gather3A_418 : memref<4x4x8x128xf32, #tpu.memory_space<vmem>>[vector<16xi32>, vector<16xi32>, vector<16xi32>, vector<16xi32>], vector<16xf32>,
      %xor3A_425 = arith.constant 23 : i32
      %xor3A_426 = vector.broadcast %xor3A_425 : i32 to vector<16xi32>
      %xor3A_427 = arith.xori %iota3A, %xor3A_426 : vector<16xi32>
      %gather3A_428 = tpu.vector_load_idx %arg7[%add3A_173, %xor3A_427] : memref<512x32xf32, #tpu.memory_space<vmem>>[vector<16xi32>, vector<16xi32>], vector<16xf32>,
      %shift_right_arithmetic3A_429 = arith.constant 3 : i32
      %shift_right_arithmetic3A_430 = vector.broadcast %shift_right_arithmetic3A_429 : i32 to vector<16xi32>
      %shift_right_arithmetic3A_431 = arith.shrsi %xor3A_427, %shift_right_arithmetic3A_430 : vector<16xi32>
      %and3A_432 = arith.constant 7 : i32
      %and3A_433 = vector.broadcast %and3A_432 : i32 to vector<16xi32>
      %and3A_434 = arith.andi %xor3A_427, %and3A_433 : vector<16xi32>
      tpu.vector_store_idx %arg9[%shift_right_arithmetic3A_431, %add3A_191, %and3A_434, %add3A_197], %gather3A_428 : memref<4x4x8x128xf32, #tpu.memory_space<vmem>>[vector<16xi32>, vector<16xi32>, vector<16xi32>, vector<16xi32>], vector<16xf32>,
      %xor3A_435 = arith.constant 24 : i32
      %xor3A_436 = vector.broadcast %xor3A_435 : i32 to vector<16xi32>
      %xor3A_437 = arith.xori %iota3A, %xor3A_436 : vector<16xi32>
      %gather3A_438 = tpu.vector_load_idx %arg7[%add3A_173, %xor3A_437] : memref<512x32xf32, #tpu.memory_space<vmem>>[vector<16xi32>, vector<16xi32>], vector<16xf32>,
      %shift_right_arithmetic3A_439 = arith.constant 3 : i32
      %shift_right_arithmetic3A_440 = vector.broadcast %shift_right_arithmetic3A_439 : i32 to vector<16xi32>
      %shift_right_arithmetic3A_441 = arith.shrsi %xor3A_437, %shift_right_arithmetic3A_440 : vector<16xi32>
      %and3A_442 = arith.constant 7 : i32
      %and3A_443 = vector.broadcast %and3A_442 : i32 to vector<16xi32>
      %and3A_444 = arith.andi %xor3A_437, %and3A_443 : vector<16xi32>
      tpu.vector_store_idx %arg9[%shift_right_arithmetic3A_441, %add3A_191, %and3A_444, %add3A_197], %gather3A_438 : memref<4x4x8x128xf32, #tpu.memory_space<vmem>>[vector<16xi32>, vector<16xi32>, vector<16xi32>, vector<16xi32>], vector<16xf32>,
      %xor3A_445 = arith.constant 25 : i32
      %xor3A_446 = vector.broadcast %xor3A_445 : i32 to vector<16xi32>
      %xor3A_447 = arith.xori %iota3A, %xor3A_446 : vector<16xi32>
      %gather3A_448 = tpu.vector_load_idx %arg7[%add3A_173, %xor3A_447] : memref<512x32xf32, #tpu.memory_space<vmem>>[vector<16xi32>, vector<16xi32>], vector<16xf32>,
      %shift_right_arithmetic3A_449 = arith.constant 3 : i32
      %shift_right_arithmetic3A_450 = vector.broadcast %shift_right_arithmetic3A_449 : i32 to vector<16xi32>
      %shift_right_arithmetic3A_451 = arith.shrsi %xor3A_447, %shift_right_arithmetic3A_450 : vector<16xi32>
      %and3A_452 = arith.constant 7 : i32
      %and3A_453 = vector.broadcast %and3A_452 : i32 to vector<16xi32>
      %and3A_454 = arith.andi %xor3A_447, %and3A_453 : vector<16xi32>
      tpu.vector_store_idx %arg9[%shift_right_arithmetic3A_451, %add3A_191, %and3A_454, %add3A_197], %gather3A_448 : memref<4x4x8x128xf32, #tpu.memory_space<vmem>>[vector<16xi32>, vector<16xi32>, vector<16xi32>, vector<16xi32>], vector<16xf32>,
      %xor3A_455 = arith.constant 26 : i32
      %xor3A_456 = vector.broadcast %xor3A_455 : i32 to vector<16xi32>
      %xor3A_457 = arith.xori %iota3A, %xor3A_456 : vector<16xi32>
      %gather3A_458 = tpu.vector_load_idx %arg7[%add3A_173, %xor3A_457] : memref<512x32xf32, #tpu.memory_space<vmem>>[vector<16xi32>, vector<16xi32>], vector<16xf32>,
      %shift_right_arithmetic3A_459 = arith.constant 3 : i32
      %shift_right_arithmetic3A_460 = vector.broadcast %shift_right_arithmetic3A_459 : i32 to vector<16xi32>
      %shift_right_arithmetic3A_461 = arith.shrsi %xor3A_457, %shift_right_arithmetic3A_460 : vector<16xi32>
      %and3A_462 = arith.constant 7 : i32
      %and3A_463 = vector.broadcast %and3A_462 : i32 to vector<16xi32>
      %and3A_464 = arith.andi %xor3A_457, %and3A_463 : vector<16xi32>
      tpu.vector_store_idx %arg9[%shift_right_arithmetic3A_461, %add3A_191, %and3A_464, %add3A_197], %gather3A_458 : memref<4x4x8x128xf32, #tpu.memory_space<vmem>>[vector<16xi32>, vector<16xi32>, vector<16xi32>, vector<16xi32>], vector<16xf32>,
      %xor3A_465 = arith.constant 27 : i32
      %xor3A_466 = vector.broadcast %xor3A_465 : i32 to vector<16xi32>
      %xor3A_467 = arith.xori %iota3A, %xor3A_466 : vector<16xi32>
      %gather3A_468 = tpu.vector_load_idx %arg7[%add3A_173, %xor3A_467] : memref<512x32xf32, #tpu.memory_space<vmem>>[vector<16xi32>, vector<16xi32>], vector<16xf32>,
      %shift_right_arithmetic3A_469 = arith.constant 3 : i32
      %shift_right_arithmetic3A_470 = vector.broadcast %shift_right_arithmetic3A_469 : i32 to vector<16xi32>
      %shift_right_arithmetic3A_471 = arith.shrsi %xor3A_467, %shift_right_arithmetic3A_470 : vector<16xi32>
      %and3A_472 = arith.constant 7 : i32
      %and3A_473 = vector.broadcast %and3A_472 : i32 to vector<16xi32>
      %and3A_474 = arith.andi %xor3A_467, %and3A_473 : vector<16xi32>
      tpu.vector_store_idx %arg9[%shift_right_arithmetic3A_471, %add3A_191, %and3A_474, %add3A_197], %gather3A_468 : memref<4x4x8x128xf32, #tpu.memory_space<vmem>>[vector<16xi32>, vector<16xi32>, vector<16xi32>, vector<16xi32>], vector<16xf32>,
      %xor3A_475 = arith.constant 28 : i32
      %xor3A_476 = vector.broadcast %xor3A_475 : i32 to vector<16xi32>
      %xor3A_477 = arith.xori %iota3A, %xor3A_476 : vector<16xi32>
      %gather3A_478 = tpu.vector_load_idx %arg7[%add3A_173, %xor3A_477] : memref<512x32xf32, #tpu.memory_space<vmem>>[vector<16xi32>, vector<16xi32>], vector<16xf32>,
      %shift_right_arithmetic3A_479 = arith.constant 3 : i32
      %shift_right_arithmetic3A_480 = vector.broadcast %shift_right_arithmetic3A_479 : i32 to vector<16xi32>
      %shift_right_arithmetic3A_481 = arith.shrsi %xor3A_477, %shift_right_arithmetic3A_480 : vector<16xi32>
      %and3A_482 = arith.constant 7 : i32
      %and3A_483 = vector.broadcast %and3A_482 : i32 to vector<16xi32>
      %and3A_484 = arith.andi %xor3A_477, %and3A_483 : vector<16xi32>
      tpu.vector_store_idx %arg9[%shift_right_arithmetic3A_481, %add3A_191, %and3A_484, %add3A_197], %gather3A_478 : memref<4x4x8x128xf32, #tpu.memory_space<vmem>>[vector<16xi32>, vector<16xi32>, vector<16xi32>, vector<16xi32>], vector<16xf32>,
      %xor3A_485 = arith.constant 29 : i32
      %xor3A_486 = vector.broadcast %xor3A_485 : i32 to vector<16xi32>
      %xor3A_487 = arith.xori %iota3A, %xor3A_486 : vector<16xi32>
      %gather3A_488 = tpu.vector_load_idx %arg7[%add3A_173, %xor3A_487] : memref<512x32xf32, #tpu.memory_space<vmem>>[vector<16xi32>, vector<16xi32>], vector<16xf32>,
      %shift_right_arithmetic3A_489 = arith.constant 3 : i32
      %shift_right_arithmetic3A_490 = vector.broadcast %shift_right_arithmetic3A_489 : i32 to vector<16xi32>
      %shift_right_arithmetic3A_491 = arith.shrsi %xor3A_487, %shift_right_arithmetic3A_490 : vector<16xi32>
      %and3A_492 = arith.constant 7 : i32
      %and3A_493 = vector.broadcast %and3A_492 : i32 to vector<16xi32>
      %and3A_494 = arith.andi %xor3A_487, %and3A_493 : vector<16xi32>
      tpu.vector_store_idx %arg9[%shift_right_arithmetic3A_491, %add3A_191, %and3A_494, %add3A_197], %gather3A_488 : memref<4x4x8x128xf32, #tpu.memory_space<vmem>>[vector<16xi32>, vector<16xi32>, vector<16xi32>, vector<16xi32>], vector<16xf32>,
      %xor3A_495 = arith.constant 30 : i32
      %xor3A_496 = vector.broadcast %xor3A_495 : i32 to vector<16xi32>
      %xor3A_497 = arith.xori %iota3A, %xor3A_496 : vector<16xi32>
      %gather3A_498 = tpu.vector_load_idx %arg7[%add3A_173, %xor3A_497] : memref<512x32xf32, #tpu.memory_space<vmem>>[vector<16xi32>, vector<16xi32>], vector<16xf32>,
      %shift_right_arithmetic3A_499 = arith.constant 3 : i32
      %shift_right_arithmetic3A_500 = vector.broadcast %shift_right_arithmetic3A_499 : i32 to vector<16xi32>
      %shift_right_arithmetic3A_501 = arith.shrsi %xor3A_497, %shift_right_arithmetic3A_500 : vector<16xi32>
      %and3A_502 = arith.constant 7 : i32
      %and3A_503 = vector.broadcast %and3A_502 : i32 to vector<16xi32>
      %and3A_504 = arith.andi %xor3A_497, %and3A_503 : vector<16xi32>
      tpu.vector_store_idx %arg9[%shift_right_arithmetic3A_501, %add3A_191, %and3A_504, %add3A_197], %gather3A_498 : memref<4x4x8x128xf32, #tpu.memory_space<vmem>>[vector<16xi32>, vector<16xi32>, vector<16xi32>, vector<16xi32>], vector<16xf32>,
      %xor3A_505 = arith.constant 31 : i32
      %xor3A_506 = vector.broadcast %xor3A_505 : i32 to vector<16xi32>
      %xor3A_507 = arith.xori %iota3A, %xor3A_506 : vector<16xi32>
      %gather3A_508 = tpu.vector_load_idx %arg7[%add3A_173, %xor3A_507] : memref<512x32xf32, #tpu.memory_space<vmem>>[vector<16xi32>, vector<16xi32>], vector<16xf32>,
      %shift_right_arithmetic3A_509 = arith.constant 3 : i32
      %shift_right_arithmetic3A_510 = vector.broadcast %shift_right_arithmetic3A_509 : i32 to vector<16xi32>
      %shift_right_arithmetic3A_511 = arith.shrsi %xor3A_507, %shift_right_arithmetic3A_510 : vector<16xi32>
      %and3A_512 = arith.constant 7 : i32
      %and3A_513 = vector.broadcast %and3A_512 : i32 to vector<16xi32>
      %and3A_514 = arith.andi %xor3A_507, %and3A_513 : vector<16xi32>
      tpu.vector_store_idx %arg9[%shift_right_arithmetic3A_511, %add3A_191, %and3A_514, %add3A_197], %gather3A_508 : memref<4x4x8x128xf32, #tpu.memory_space<vmem>>[vector<16xi32>, vector<16xi32>, vector<16xi32>, vector<16xi32>], vector<16xf32>,
    }
    %scan3A_59 = arith.constant 32 : i32
    %mul3A_60 = arith.constant 4 : i32
    %mul3A_61 = arith.muli %add3A, %mul3A_60 : i32
    %dma_start3A_62 = arith.constant 4 : i32
    %dma_start3A_63 = arith.constant 0 : i32
    %dma_start3A_64 = arith.constant 0 : i32
    %dma_start3A_65 = tpu.memref_slice %arg4[%dma_start3A_62, %mul3A_61, %dma_start3A_63, %dma_start3A_64] : memref<200x128x8x128xf32, #tpu.memory_space<hbm>> -> memref<4x4x8x128xf32, #tpu.memory_space<hbm>>
    %dma_start3A_66 = arith.constant 4 : i32
    %dma_start3A_67 = arith.constant 0 : i32
    %dma_start3A_68 = arith.constant 0 : i32
    %dma_start3A_69 = tpu.memref_slice %arg4[%dma_start3A_66, %mul3A_61, %dma_start3A_67, %dma_start3A_68] : memref<200x128x8x128xf32, #tpu.memory_space<hbm>> -> memref<4x4x8x128xf32, #tpu.memory_space<hbm>>
    tpu.enqueue_dma source(%arg9 : memref<4x4x8x128xf32, #tpu.memory_space<vmem>>) target(%dma_start3A_69 : memref<4x4x8x128xf32, #tpu.memory_space<hbm>>) target_semaphore(%arg13 : memref<!tpu.dma_semaphore, #tpu.memory_space<semaphore_mem>>)
    %dma_start3A_70 = arith.constant 3 : i32
    %dma_start3A_71 = arith.constant 0 : i32
    %dma_start3A_72 = tpu.memref_slice %arg5[%dma_start3A_70, %dma_start3A_71] : memref<50x512xi32, #tpu.memory_space<vmem>> -> memref<1x512xi32, #tpu.memory_space<vmem>>
    %dma_start3A_73 = tpu.memref_squeeze %dma_start3A_72 : memref<1x512xi32, #tpu.memory_space<vmem>> -> memref<512xi32, #tpu.memory_space<vmem>>
    %dma_start3A_74 = arith.constant 0 : i32
    %dma_start3A_75 = arith.constant 0 : i32
    %dma_start3A_76 = tpu.memref_slice %arg3[%dma_start3A_74, %dma_start3A_75] : memref<1000000x32xf32, #tpu.memory_space<hbm>> -> memref<1000000x32xf32, #tpu.memory_space<hbm>>
    tpu.enqueue_indirect_dma source(%dma_start3A_76 : memref<1000000x32xf32, #tpu.memory_space<hbm>>) target(%arg7 : memref<512x32xf32, #tpu.memory_space<vmem>>) offsets(%dma_start3A_73 : memref<512xi32, #tpu.memory_space<vmem>>) semaphore(%arg11 : memref<!tpu.dma_semaphore, #tpu.memory_space<semaphore_mem>>)
    %scan3A_77 = arith.constant 0 : i32
    %scan3A_78 = arith.constant 0 : i32
    %scan3A_79 = arith.constant 23 : i32
    %scan3A_80 = arith.addi %scan3A_78, %scan3A_79 : i32
    %scan3A_81 = arith.constant 1 : i32
    scf.for %scan3A_169 = %scan3A_78 to %scan3A_80 step %scan3A_81  : i32 {
      %mul3A_170 = arith.constant 2 : i32
      %mul3A_171 = arith.muli %mul3A_170, %scan3A_169 : i32
      %add3A_172 = arith.constant 2 : i32
      %add3A_173 = arith.addi %add3A_172, %mul3A_171 : i32
      %add3A_174 = arith.constant 0 : i32
      %add3A_175 = arith.addi %add3A_173, %add3A_174 : i32
      %dma_wait3A_176 = arith.constant 0 : i32
      %dma_wait3A_177 = tpu.memref_slice %arg5[%add3A_175, %dma_wait3A_176] : memref<50x512xi32, #tpu.memory_space<vmem>> -> memref<1x512xi32, #tpu.memory_space<vmem>>
      %dma_wait3A_178 = tpu.memref_squeeze %dma_wait3A_177 : memref<1x512xi32, #tpu.memory_space<vmem>> -> memref<512xi32, #tpu.memory_space<vmem>>
      %dma_wait3A_179 = arith.constant 0 : i32
      %dma_wait3A_180 = arith.constant 0 : i32
      %dma_wait3A_181 = tpu.memref_slice %arg3[%dma_wait3A_179, %dma_wait3A_180] : memref<1000000x32xf32, #tpu.memory_space<hbm>> -> memref<1000000x32xf32, #tpu.memory_space<hbm>>
      tpu.wait_indirect_dma semaphore(%arg10 : memref<!tpu.dma_semaphore, #tpu.memory_space<semaphore_mem>>) src(%dma_wait3A_181 : memref<1000000x32xf32, #tpu.memory_space<hbm>>) dst(%arg6 : memref<512x32xf32, #tpu.memory_space<vmem>>)
      %sub3A = arith.constant 2 : i32
      %sub3A_182 = arith.subi %add3A_175, %sub3A : i32
      %mul3A_183 = arith.constant 4 : i32
      %mul3A_184 = arith.muli %sub3A_182, %mul3A_183 : i32
      %mul3A_185 = arith.constant 4 : i32
      %mul3A_186 = arith.muli %add3A, %mul3A_185 : i32
      %dma_wait3A_187 = arith.constant 0 : i32
      %dma_wait3A_188 = arith.constant 0 : i32
      %dma_wait3A_189 = tpu.memref_slice %arg4[%mul3A_184, %mul3A_186, %dma_wait3A_187, %dma_wait3A_188] : memref<200x128x8x128xf32, #tpu.memory_space<hbm>> -> memref<4x4x8x128xf32, #tpu.memory_space<hbm>>
      %dma_wait3A_190 = arith.constant 0 : i32
      %dma_wait3A_191 = arith.constant 0 : i32
      %dma_wait3A_192 = tpu.memref_slice %arg4[%mul3A_184, %mul3A_186, %dma_wait3A_190, %dma_wait3A_191] : memref<200x128x8x128xf32, #tpu.memory_space<hbm>> -> memref<4x4x8x128xf32, #tpu.memory_space<hbm>>
      tpu.wait_dma2 semaphore(%arg12 : memref<!tpu.dma_semaphore, #tpu.memory_space<semaphore_mem>>) src(%arg8 : memref<4x4x8x128xf32, #tpu.memory_space<vmem>>) dst(%dma_wait3A_192 : memref<4x4x8x128xf32, #tpu.memory_space<hbm>>)
      %scan3A_193 = arith.constant 0 : i32
      %scan3A_194 = arith.constant 0 : i32
      %scan3A_195 = arith.constant 32 : i32
      %scan3A_196 = arith.addi %scan3A_194, %scan3A_195 : i32
      %scan3A_197 = arith.constant 1 : i32
      scf.for %scan3A_261 = %scan3A_194 to %scan3A_196 step %scan3A_197  : i32 {
        %mul3A_262 = arith.constant 16 : i32
        %mul3A_263 = arith.muli %scan3A_261, %mul3A_262 : i32
        %add3A_264 = vector.broadcast %mul3A_263 : i32 to vector<16xi32>
        %add3A_265 = arith.addi %iota3A, %add3A_264 : vector<16xi32>
        %jit3A = arith.constant 8 : i32
        %div3A = arith.divsi %scan3A_261, %jit3A : i32
        %sign3A = arith.constant 0 : i32
        %sign3A_266 = arith.cmpi sgt, %scan3A_261, %sign3A : i32
        %sign3A_267 = arith.extui %sign3A_266 : i1 to i32
        %sign3A_268 = arith.constant 0 : i32
        %sign3A_269 = arith.cmpi slt, %scan3A_261, %sign3A_268 : i32
        %sign3A_270 = arith.extui %sign3A_269 : i1 to i32
        %sign3A_271 = arith.subi %sign3A_267, %sign3A_270 : i32
        %sign3A_272 = arith.constant 0 : i32
        %sign3A_273 = arith.cmpi sgt, %jit3A, %sign3A_272 : i32
        %sign3A_274 = arith.extui %sign3A_273 : i1 to i32
        %sign3A_275 = arith.constant 0 : i32
        %sign3A_276 = arith.cmpi slt, %jit3A, %sign3A_275 : i32
        %sign3A_277 = arith.extui %sign3A_276 : i1 to i32
        %sign3A_278 = arith.subi %sign3A_274, %sign3A_277 : i32
        %ne3A = arith.cmpi ne, %sign3A_271, %sign3A_278 : i32
        %rem3A = arith.remsi %scan3A_261, %jit3A : i32
        %ne3A_279 = arith.constant 0 : i32
        %ne3A_280 = arith.cmpi ne, %rem3A, %ne3A_279 : i32
        %and3A = arith.andi %ne3A, %ne3A_280 : i1
        %sub3A_281 = arith.constant 1 : i32
        %sub3A_282 = arith.subi %div3A, %sub3A_281 : i32
        %select_n3A = arith.select %and3A, %sub3A_282, %div3A : i32
        %add3A_283 = vector.broadcast %select_n3A : i32 to vector<16xi32>
        %add3A_284 = arith.addi %mul3A_5, %add3A_283 : vector<16xi32>
        %and3A_285 = arith.constant 7 : i32
        %and3A_286 = arith.andi %scan3A_261, %and3A_285 : i32
        %mul3A_287 = arith.constant 16 : i32
        %mul3A_288 = arith.muli %and3A_286, %mul3A_287 : i32
        %add3A_289 = vector.broadcast %mul3A_288 : i32 to vector<16xi32>
        %add3A_290 = arith.addi %iota3A, %add3A_289 : vector<16xi32>
        %xor3A = arith.constant 0 : i32
        %xor3A_291 = vector.broadcast %xor3A : i32 to vector<16xi32>
        %xor3A_292 = arith.xori %iota3A, %xor3A_291 : vector<16xi32>
        %gather3A = tpu.vector_load_idx %arg6[%add3A_265, %xor3A_292] : memref<512x32xf32, #tpu.memory_space<vmem>>[vector<16xi32>, vector<16xi32>], vector<16xf32>,
        %shift_right_arithmetic3A = arith.constant 3 : i32
        %shift_right_arithmetic3A_293 = vector.broadcast %shift_right_arithmetic3A : i32 to vector<16xi32>
        %shift_right_arithmetic3A_294 = arith.shrsi %xor3A_292, %shift_right_arithmetic3A_293 : vector<16xi32>
        %and3A_295 = arith.constant 7 : i32
        %and3A_296 = vector.broadcast %and3A_295 : i32 to vector<16xi32>
        %and3A_297 = arith.andi %xor3A_292, %and3A_296 : vector<16xi32>
        tpu.vector_store_idx %arg8[%shift_right_arithmetic3A_294, %add3A_284, %and3A_297, %add3A_290], %gather3A : memref<4x4x8x128xf32, #tpu.memory_space<vmem>>[vector<16xi32>, vector<16xi32>, vector<16xi32>, vector<16xi32>], vector<16xf32>,
        %xor3A_298 = arith.constant 1 : i32
        %xor3A_299 = vector.broadcast %xor3A_298 : i32 to vector<16xi32>
        %xor3A_300 = arith.xori %iota3A, %xor3A_299 : vector<16xi32>
        %gather3A_301 = tpu.vector_load_idx %arg6[%add3A_265, %xor3A_300] : memref<512x32xf32, #tpu.memory_space<vmem>>[vector<16xi32>, vector<16xi32>], vector<16xf32>,
        %shift_right_arithmetic3A_302 = arith.constant 3 : i32
        %shift_right_arithmetic3A_303 = vector.broadcast %shift_right_arithmetic3A_302 : i32 to vector<16xi32>
        %shift_right_arithmetic3A_304 = arith.shrsi %xor3A_300, %shift_right_arithmetic3A_303 : vector<16xi32>
        %and3A_305 = arith.constant 7 : i32
        %and3A_306 = vector.broadcast %and3A_305 : i32 to vector<16xi32>
        %and3A_307 = arith.andi %xor3A_300, %and3A_306 : vector<16xi32>
        tpu.vector_store_idx %arg8[%shift_right_arithmetic3A_304, %add3A_284, %and3A_307, %add3A_290], %gather3A_301 : memref<4x4x8x128xf32, #tpu.memory_space<vmem>>[vector<16xi32>, vector<16xi32>, vector<16xi32>, vector<16xi32>], vector<16xf32>,
        %xor3A_308 = arith.constant 2 : i32
        %xor3A_309 = vector.broadcast %xor3A_308 : i32 to vector<16xi32>
        %xor3A_310 = arith.xori %iota3A, %xor3A_309 : vector<16xi32>
        %gather3A_311 = tpu.vector_load_idx %arg6[%add3A_265, %xor3A_310] : memref<512x32xf32, #tpu.memory_space<vmem>>[vector<16xi32>, vector<16xi32>], vector<16xf32>,
        %shift_right_arithmetic3A_312 = arith.constant 3 : i32
        %shift_right_arithmetic3A_313 = vector.broadcast %shift_right_arithmetic3A_312 : i32 to vector<16xi32>
        %shift_right_arithmetic3A_314 = arith.shrsi %xor3A_310, %shift_right_arithmetic3A_313 : vector<16xi32>
        %and3A_315 = arith.constant 7 : i32
        %and3A_316 = vector.broadcast %and3A_315 : i32 to vector<16xi32>
        %and3A_317 = arith.andi %xor3A_310, %and3A_316 : vector<16xi32>
        tpu.vector_store_idx %arg8[%shift_right_arithmetic3A_314, %add3A_284, %and3A_317, %add3A_290], %gather3A_311 : memref<4x4x8x128xf32, #tpu.memory_space<vmem>>[vector<16xi32>, vector<16xi32>, vector<16xi32>, vector<16xi32>], vector<16xf32>,
        %xor3A_318 = arith.constant 3 : i32
        %xor3A_319 = vector.broadcast %xor3A_318 : i32 to vector<16xi32>
        %xor3A_320 = arith.xori %iota3A, %xor3A_319 : vector<16xi32>
        %gather3A_321 = tpu.vector_load_idx %arg6[%add3A_265, %xor3A_320] : memref<512x32xf32, #tpu.memory_space<vmem>>[vector<16xi32>, vector<16xi32>], vector<16xf32>,
        %shift_right_arithmetic3A_322 = arith.constant 3 : i32
        %shift_right_arithmetic3A_323 = vector.broadcast %shift_right_arithmetic3A_322 : i32 to vector<16xi32>
        %shift_right_arithmetic3A_324 = arith.shrsi %xor3A_320, %shift_right_arithmetic3A_323 : vector<16xi32>
        %and3A_325 = arith.constant 7 : i32
        %and3A_326 = vector.broadcast %and3A_325 : i32 to vector<16xi32>
        %and3A_327 = arith.andi %xor3A_320, %and3A_326 : vector<16xi32>
        tpu.vector_store_idx %arg8[%shift_right_arithmetic3A_324, %add3A_284, %and3A_327, %add3A_290], %gather3A_321 : memref<4x4x8x128xf32, #tpu.memory_space<vmem>>[vector<16xi32>, vector<16xi32>, vector<16xi32>, vector<16xi32>], vector<16xf32>,
        %xor3A_328 = arith.constant 4 : i32
        %xor3A_329 = vector.broadcast %xor3A_328 : i32 to vector<16xi32>
        %xor3A_330 = arith.xori %iota3A, %xor3A_329 : vector<16xi32>
        %gather3A_331 = tpu.vector_load_idx %arg6[%add3A_265, %xor3A_330] : memref<512x32xf32, #tpu.memory_space<vmem>>[vector<16xi32>, vector<16xi32>], vector<16xf32>,
        %shift_right_arithmetic3A_332 = arith.constant 3 : i32
        %shift_right_arithmetic3A_333 = vector.broadcast %shift_right_arithmetic3A_332 : i32 to vector<16xi32>
        %shift_right_arithmetic3A_334 = arith.shrsi %xor3A_330, %shift_right_arithmetic3A_333 : vector<16xi32>
        %and3A_335 = arith.constant 7 : i32
        %and3A_336 = vector.broadcast %and3A_335 : i32 to vector<16xi32>
        %and3A_337 = arith.andi %xor3A_330, %and3A_336 : vector<16xi32>
        tpu.vector_store_idx %arg8[%shift_right_arithmetic3A_334, %add3A_284, %and3A_337, %add3A_290], %gather3A_331 : memref<4x4x8x128xf32, #tpu.memory_space<vmem>>[vector<16xi32>, vector<16xi32>, vector<16xi32>, vector<16xi32>], vector<16xf32>,
        %xor3A_338 = arith.constant 5 : i32
        %xor3A_339 = vector.broadcast %xor3A_338 : i32 to vector<16xi32>
        %xor3A_340 = arith.xori %iota3A, %xor3A_339 : vector<16xi32>
        %gather3A_341 = tpu.vector_load_idx %arg6[%add3A_265, %xor3A_340] : memref<512x32xf32, #tpu.memory_space<vmem>>[vector<16xi32>, vector<16xi32>], vector<16xf32>,
        %shift_right_arithmetic3A_342 = arith.constant 3 : i32
        %shift_right_arithmetic3A_343 = vector.broadcast %shift_right_arithmetic3A_342 : i32 to vector<16xi32>
        %shift_right_arithmetic3A_344 = arith.shrsi %xor3A_340, %shift_right_arithmetic3A_343 : vector<16xi32>
        %and3A_345 = arith.constant 7 : i32
        %and3A_346 = vector.broadcast %and3A_345 : i32 to vector<16xi32>
        %and3A_347 = arith.andi %xor3A_340, %and3A_346 : vector<16xi32>
        tpu.vector_store_idx %arg8[%shift_right_arithmetic3A_344, %add3A_284, %and3A_347, %add3A_290], %gather3A_341 : memref<4x4x8x128xf32, #tpu.memory_space<vmem>>[vector<16xi32>, vector<16xi32>, vector<16xi32>, vector<16xi32>], vector<16xf32>,
        %xor3A_348 = arith.constant 6 : i32
        %xor3A_349 = vector.broadcast %xor3A_348 : i32 to vector<16xi32>
        %xor3A_350 = arith.xori %iota3A, %xor3A_349 : vector<16xi32>
        %gather3A_351 = tpu.vector_load_idx %arg6[%add3A_265, %xor3A_350] : memref<512x32xf32, #tpu.memory_space<vmem>>[vector<16xi32>, vector<16xi32>], vector<16xf32>,
        %shift_right_arithmetic3A_352 = arith.constant 3 : i32
        %shift_right_arithmetic3A_353 = vector.broadcast %shift_right_arithmetic3A_352 : i32 to vector<16xi32>
        %shift_right_arithmetic3A_354 = arith.shrsi %xor3A_350, %shift_right_arithmetic3A_353 : vector<16xi32>
        %and3A_355 = arith.constant 7 : i32
        %and3A_356 = vector.broadcast %and3A_355 : i32 to vector<16xi32>
        %and3A_357 = arith.andi %xor3A_350, %and3A_356 : vector<16xi32>
        tpu.vector_store_idx %arg8[%shift_right_arithmetic3A_354, %add3A_284, %and3A_357, %add3A_290], %gather3A_351 : memref<4x4x8x128xf32, #tpu.memory_space<vmem>>[vector<16xi32>, vector<16xi32>, vector<16xi32>, vector<16xi32>], vector<16xf32>,
        %xor3A_358 = arith.constant 7 : i32
        %xor3A_359 = vector.broadcast %xor3A_358 : i32 to vector<16xi32>
        %xor3A_360 = arith.xori %iota3A, %xor3A_359 : vector<16xi32>
        %gather3A_361 = tpu.vector_load_idx %arg6[%add3A_265, %xor3A_360] : memref<512x32xf32, #tpu.memory_space<vmem>>[vector<16xi32>, vector<16xi32>], vector<16xf32>,
        %shift_right_arithmetic3A_362 = arith.constant 3 : i32
        %shift_right_arithmetic3A_363 = vector.broadcast %shift_right_arithmetic3A_362 : i32 to vector<16xi32>
        %shift_right_arithmetic3A_364 = arith.shrsi %xor3A_360, %shift_right_arithmetic3A_363 : vector<16xi32>
        %and3A_365 = arith.constant 7 : i32
        %and3A_366 = vector.broadcast %and3A_365 : i32 to vector<16xi32>
        %and3A_367 = arith.andi %xor3A_360, %and3A_366 : vector<16xi32>
        tpu.vector_store_idx %arg8[%shift_right_arithmetic3A_364, %add3A_284, %and3A_367, %add3A_290], %gather3A_361 : memref<4x4x8x128xf32, #tpu.memory_space<vmem>>[vector<16xi32>, vector<16xi32>, vector<16xi32>, vector<16xi32>], vector<16xf32>,
        %xor3A_368 = arith.constant 8 : i32
        %xor3A_369 = vector.broadcast %xor3A_368 : i32 to vector<16xi32>
        %xor3A_370 = arith.xori %iota3A, %xor3A_369 : vector<16xi32>
        %gather3A_371 = tpu.vector_load_idx %arg6[%add3A_265, %xor3A_370] : memref<512x32xf32, #tpu.memory_space<vmem>>[vector<16xi32>, vector<16xi32>], vector<16xf32>,
        %shift_right_arithmetic3A_372 = arith.constant 3 : i32
        %shift_right_arithmetic3A_373 = vector.broadcast %shift_right_arithmetic3A_372 : i32 to vector<16xi32>
        %shift_right_arithmetic3A_374 = arith.shrsi %xor3A_370, %shift_right_arithmetic3A_373 : vector<16xi32>
        %and3A_375 = arith.constant 7 : i32
        %and3A_376 = vector.broadcast %and3A_375 : i32 to vector<16xi32>
        %and3A_377 = arith.andi %xor3A_370, %and3A_376 : vector<16xi32>
        tpu.vector_store_idx %arg8[%shift_right_arithmetic3A_374, %add3A_284, %and3A_377, %add3A_290], %gather3A_371 : memref<4x4x8x128xf32, #tpu.memory_space<vmem>>[vector<16xi32>, vector<16xi32>, vector<16xi32>, vector<16xi32>], vector<16xf32>,
        %xor3A_378 = arith.constant 9 : i32
        %xor3A_379 = vector.broadcast %xor3A_378 : i32 to vector<16xi32>
        %xor3A_380 = arith.xori %iota3A, %xor3A_379 : vector<16xi32>
        %gather3A_381 = tpu.vector_load_idx %arg6[%add3A_265, %xor3A_380] : memref<512x32xf32, #tpu.memory_space<vmem>>[vector<16xi32>, vector<16xi32>], vector<16xf32>,
        %shift_right_arithmetic3A_382 = arith.constant 3 : i32
        %shift_right_arithmetic3A_383 = vector.broadcast %shift_right_arithmetic3A_382 : i32 to vector<16xi32>
        %shift_right_arithmetic3A_384 = arith.shrsi %xor3A_380, %shift_right_arithmetic3A_383 : vector<16xi32>
        %and3A_385 = arith.constant 7 : i32
        %and3A_386 = vector.broadcast %and3A_385 : i32 to vector<16xi32>
        %and3A_387 = arith.andi %xor3A_380, %and3A_386 : vector<16xi32>
        tpu.vector_store_idx %arg8[%shift_right_arithmetic3A_384, %add3A_284, %and3A_387, %add3A_290], %gather3A_381 : memref<4x4x8x128xf32, #tpu.memory_space<vmem>>[vector<16xi32>, vector<16xi32>, vector<16xi32>, vector<16xi32>], vector<16xf32>,
        %xor3A_388 = arith.constant 10 : i32
        %xor3A_389 = vector.broadcast %xor3A_388 : i32 to vector<16xi32>
        %xor3A_390 = arith.xori %iota3A, %xor3A_389 : vector<16xi32>
        %gather3A_391 = tpu.vector_load_idx %arg6[%add3A_265, %xor3A_390] : memref<512x32xf32, #tpu.memory_space<vmem>>[vector<16xi32>, vector<16xi32>], vector<16xf32>,
        %shift_right_arithmetic3A_392 = arith.constant 3 : i32
        %shift_right_arithmetic3A_393 = vector.broadcast %shift_right_arithmetic3A_392 : i32 to vector<16xi32>
        %shift_right_arithmetic3A_394 = arith.shrsi %xor3A_390, %shift_right_arithmetic3A_393 : vector<16xi32>
        %and3A_395 = arith.constant 7 : i32
        %and3A_396 = vector.broadcast %and3A_395 : i32 to vector<16xi32>
        %and3A_397 = arith.andi %xor3A_390, %and3A_396 : vector<16xi32>
        tpu.vector_store_idx %arg8[%shift_right_arithmetic3A_394, %add3A_284, %and3A_397, %add3A_290], %gather3A_391 : memref<4x4x8x128xf32, #tpu.memory_space<vmem>>[vector<16xi32>, vector<16xi32>, vector<16xi32>, vector<16xi32>], vector<16xf32>,
        %xor3A_398 = arith.constant 11 : i32
        %xor3A_399 = vector.broadcast %xor3A_398 : i32 to vector<16xi32>
        %xor3A_400 = arith.xori %iota3A, %xor3A_399 : vector<16xi32>
        %gather3A_401 = tpu.vector_load_idx %arg6[%add3A_265, %xor3A_400] : memref<512x32xf32, #tpu.memory_space<vmem>>[vector<16xi32>, vector<16xi32>], vector<16xf32>,
        %shift_right_arithmetic3A_402 = arith.constant 3 : i32
        %shift_right_arithmetic3A_403 = vector.broadcast %shift_right_arithmetic3A_402 : i32 to vector<16xi32>
        %shift_right_arithmetic3A_404 = arith.shrsi %xor3A_400, %shift_right_arithmetic3A_403 : vector<16xi32>
        %and3A_405 = arith.constant 7 : i32
        %and3A_406 = vector.broadcast %and3A_405 : i32 to vector<16xi32>
        %and3A_407 = arith.andi %xor3A_400, %and3A_406 : vector<16xi32>
        tpu.vector_store_idx %arg8[%shift_right_arithmetic3A_404, %add3A_284, %and3A_407, %add3A_290], %gather3A_401 : memref<4x4x8x128xf32, #tpu.memory_space<vmem>>[vector<16xi32>, vector<16xi32>, vector<16xi32>, vector<16xi32>], vector<16xf32>,
        %xor3A_408 = arith.constant 12 : i32
        %xor3A_409 = vector.broadcast %xor3A_408 : i32 to vector<16xi32>
        %xor3A_410 = arith.xori %iota3A, %xor3A_409 : vector<16xi32>
        %gather3A_411 = tpu.vector_load_idx %arg6[%add3A_265, %xor3A_410] : memref<512x32xf32, #tpu.memory_space<vmem>>[vector<16xi32>, vector<16xi32>], vector<16xf32>,
        %shift_right_arithmetic3A_412 = arith.constant 3 : i32
        %shift_right_arithmetic3A_413 = vector.broadcast %shift_right_arithmetic3A_412 : i32 to vector<16xi32>
        %shift_right_arithmetic3A_414 = arith.shrsi %xor3A_410, %shift_right_arithmetic3A_413 : vector<16xi32>
        %and3A_415 = arith.constant 7 : i32
        %and3A_416 = vector.broadcast %and3A_415 : i32 to vector<16xi32>
        %and3A_417 = arith.andi %xor3A_410, %and3A_416 : vector<16xi32>
        tpu.vector_store_idx %arg8[%shift_right_arithmetic3A_414, %add3A_284, %and3A_417, %add3A_290], %gather3A_411 : memref<4x4x8x128xf32, #tpu.memory_space<vmem>>[vector<16xi32>, vector<16xi32>, vector<16xi32>, vector<16xi32>], vector<16xf32>,
        %xor3A_418 = arith.constant 13 : i32
        %xor3A_419 = vector.broadcast %xor3A_418 : i32 to vector<16xi32>
        %xor3A_420 = arith.xori %iota3A, %xor3A_419 : vector<16xi32>
        %gather3A_421 = tpu.vector_load_idx %arg6[%add3A_265, %xor3A_420] : memref<512x32xf32, #tpu.memory_space<vmem>>[vector<16xi32>, vector<16xi32>], vector<16xf32>,
        %shift_right_arithmetic3A_422 = arith.constant 3 : i32
        %shift_right_arithmetic3A_423 = vector.broadcast %shift_right_arithmetic3A_422 : i32 to vector<16xi32>
        %shift_right_arithmetic3A_424 = arith.shrsi %xor3A_420, %shift_right_arithmetic3A_423 : vector<16xi32>
        %and3A_425 = arith.constant 7 : i32
        %and3A_426 = vector.broadcast %and3A_425 : i32 to vector<16xi32>
        %and3A_427 = arith.andi %xor3A_420, %and3A_426 : vector<16xi32>
        tpu.vector_store_idx %arg8[%shift_right_arithmetic3A_424, %add3A_284, %and3A_427, %add3A_290], %gather3A_421 : memref<4x4x8x128xf32, #tpu.memory_space<vmem>>[vector<16xi32>, vector<16xi32>, vector<16xi32>, vector<16xi32>], vector<16xf32>,
        %xor3A_428 = arith.constant 14 : i32
        %xor3A_429 = vector.broadcast %xor3A_428 : i32 to vector<16xi32>
        %xor3A_430 = arith.xori %iota3A, %xor3A_429 : vector<16xi32>
        %gather3A_431 = tpu.vector_load_idx %arg6[%add3A_265, %xor3A_430] : memref<512x32xf32, #tpu.memory_space<vmem>>[vector<16xi32>, vector<16xi32>], vector<16xf32>,
        %shift_right_arithmetic3A_432 = arith.constant 3 : i32
        %shift_right_arithmetic3A_433 = vector.broadcast %shift_right_arithmetic3A_432 : i32 to vector<16xi32>
        %shift_right_arithmetic3A_434 = arith.shrsi %xor3A_430, %shift_right_arithmetic3A_433 : vector<16xi32>
        %and3A_435 = arith.constant 7 : i32
        %and3A_436 = vector.broadcast %and3A_435 : i32 to vector<16xi32>
        %and3A_437 = arith.andi %xor3A_430, %and3A_436 : vector<16xi32>
        tpu.vector_store_idx %arg8[%shift_right_arithmetic3A_434, %add3A_284, %and3A_437, %add3A_290], %gather3A_431 : memref<4x4x8x128xf32, #tpu.memory_space<vmem>>[vector<16xi32>, vector<16xi32>, vector<16xi32>, vector<16xi32>], vector<16xf32>,
        %xor3A_438 = arith.constant 15 : i32
        %xor3A_439 = vector.broadcast %xor3A_438 : i32 to vector<16xi32>
        %xor3A_440 = arith.xori %iota3A, %xor3A_439 : vector<16xi32>
        %gather3A_441 = tpu.vector_load_idx %arg6[%add3A_265, %xor3A_440] : memref<512x32xf32, #tpu.memory_space<vmem>>[vector<16xi32>, vector<16xi32>], vector<16xf32>,
        %shift_right_arithmetic3A_442 = arith.constant 3 : i32
        %shift_right_arithmetic3A_443 = vector.broadcast %shift_right_arithmetic3A_442 : i32 to vector<16xi32>
        %shift_right_arithmetic3A_444 = arith.shrsi %xor3A_440, %shift_right_arithmetic3A_443 : vector<16xi32>
        %and3A_445 = arith.constant 7 : i32
        %and3A_446 = vector.broadcast %and3A_445 : i32 to vector<16xi32>
        %and3A_447 = arith.andi %xor3A_440, %and3A_446 : vector<16xi32>
        tpu.vector_store_idx %arg8[%shift_right_arithmetic3A_444, %add3A_284, %and3A_447, %add3A_290], %gather3A_441 : memref<4x4x8x128xf32, #tpu.memory_space<vmem>>[vector<16xi32>, vector<16xi32>, vector<16xi32>, vector<16xi32>], vector<16xf32>,
        %xor3A_448 = arith.constant 16 : i32
        %xor3A_449 = vector.broadcast %xor3A_448 : i32 to vector<16xi32>
        %xor3A_450 = arith.xori %iota3A, %xor3A_449 : vector<16xi32>
        %gather3A_451 = tpu.vector_load_idx %arg6[%add3A_265, %xor3A_450] : memref<512x32xf32, #tpu.memory_space<vmem>>[vector<16xi32>, vector<16xi32>], vector<16xf32>,
        %shift_right_arithmetic3A_452 = arith.constant 3 : i32
        %shift_right_arithmetic3A_453 = vector.broadcast %shift_right_arithmetic3A_452 : i32 to vector<16xi32>
        %shift_right_arithmetic3A_454 = arith.shrsi %xor3A_450, %shift_right_arithmetic3A_453 : vector<16xi32>
        %and3A_455 = arith.constant 7 : i32
        %and3A_456 = vector.broadcast %and3A_455 : i32 to vector<16xi32>
        %and3A_457 = arith.andi %xor3A_450, %and3A_456 : vector<16xi32>
        tpu.vector_store_idx %arg8[%shift_right_arithmetic3A_454, %add3A_284, %and3A_457, %add3A_290], %gather3A_451 : memref<4x4x8x128xf32, #tpu.memory_space<vmem>>[vector<16xi32>, vector<16xi32>, vector<16xi32>, vector<16xi32>], vector<16xf32>,
        %xor3A_458 = arith.constant 17 : i32
        %xor3A_459 = vector.broadcast %xor3A_458 : i32 to vector<16xi32>
        %xor3A_460 = arith.xori %iota3A, %xor3A_459 : vector<16xi32>
        %gather3A_461 = tpu.vector_load_idx %arg6[%add3A_265, %xor3A_460] : memref<512x32xf32, #tpu.memory_space<vmem>>[vector<16xi32>, vector<16xi32>], vector<16xf32>,
        %shift_right_arithmetic3A_462 = arith.constant 3 : i32
        %shift_right_arithmetic3A_463 = vector.broadcast %shift_right_arithmetic3A_462 : i32 to vector<16xi32>
        %shift_right_arithmetic3A_464 = arith.shrsi %xor3A_460, %shift_right_arithmetic3A_463 : vector<16xi32>
        %and3A_465 = arith.constant 7 : i32
        %and3A_466 = vector.broadcast %and3A_465 : i32 to vector<16xi32>
        %and3A_467 = arith.andi %xor3A_460, %and3A_466 : vector<16xi32>
        tpu.vector_store_idx %arg8[%shift_right_arithmetic3A_464, %add3A_284, %and3A_467, %add3A_290], %gather3A_461 : memref<4x4x8x128xf32, #tpu.memory_space<vmem>>[vector<16xi32>, vector<16xi32>, vector<16xi32>, vector<16xi32>], vector<16xf32>,
        %xor3A_468 = arith.constant 18 : i32
        %xor3A_469 = vector.broadcast %xor3A_468 : i32 to vector<16xi32>
        %xor3A_470 = arith.xori %iota3A, %xor3A_469 : vector<16xi32>
        %gather3A_471 = tpu.vector_load_idx %arg6[%add3A_265, %xor3A_470] : memref<512x32xf32, #tpu.memory_space<vmem>>[vector<16xi32>, vector<16xi32>], vector<16xf32>,
        %shift_right_arithmetic3A_472 = arith.constant 3 : i32
        %shift_right_arithmetic3A_473 = vector.broadcast %shift_right_arithmetic3A_472 : i32 to vector<16xi32>
        %shift_right_arithmetic3A_474 = arith.shrsi %xor3A_470, %shift_right_arithmetic3A_473 : vector<16xi32>
        %and3A_475 = arith.constant 7 : i32
        %and3A_476 = vector.broadcast %and3A_475 : i32 to vector<16xi32>
        %and3A_477 = arith.andi %xor3A_470, %and3A_476 : vector<16xi32>
        tpu.vector_store_idx %arg8[%shift_right_arithmetic3A_474, %add3A_284, %and3A_477, %add3A_290], %gather3A_471 : memref<4x4x8x128xf32, #tpu.memory_space<vmem>>[vector<16xi32>, vector<16xi32>, vector<16xi32>, vector<16xi32>], vector<16xf32>,
        %xor3A_478 = arith.constant 19 : i32
        %xor3A_479 = vector.broadcast %xor3A_478 : i32 to vector<16xi32>
        %xor3A_480 = arith.xori %iota3A, %xor3A_479 : vector<16xi32>
        %gather3A_481 = tpu.vector_load_idx %arg6[%add3A_265, %xor3A_480] : memref<512x32xf32, #tpu.memory_space<vmem>>[vector<16xi32>, vector<16xi32>], vector<16xf32>,
        %shift_right_arithmetic3A_482 = arith.constant 3 : i32
        %shift_right_arithmetic3A_483 = vector.broadcast %shift_right_arithmetic3A_482 : i32 to vector<16xi32>
        %shift_right_arithmetic3A_484 = arith.shrsi %xor3A_480, %shift_right_arithmetic3A_483 : vector<16xi32>
        %and3A_485 = arith.constant 7 : i32
        %and3A_486 = vector.broadcast %and3A_485 : i32 to vector<16xi32>
        %and3A_487 = arith.andi %xor3A_480, %and3A_486 : vector<16xi32>
        tpu.vector_store_idx %arg8[%shift_right_arithmetic3A_484, %add3A_284, %and3A_487, %add3A_290], %gather3A_481 : memref<4x4x8x128xf32, #tpu.memory_space<vmem>>[vector<16xi32>, vector<16xi32>, vector<16xi32>, vector<16xi32>], vector<16xf32>,
        %xor3A_488 = arith.constant 20 : i32
        %xor3A_489 = vector.broadcast %xor3A_488 : i32 to vector<16xi32>
        %xor3A_490 = arith.xori %iota3A, %xor3A_489 : vector<16xi32>
        %gather3A_491 = tpu.vector_load_idx %arg6[%add3A_265, %xor3A_490] : memref<512x32xf32, #tpu.memory_space<vmem>>[vector<16xi32>, vector<16xi32>], vector<16xf32>,
        %shift_right_arithmetic3A_492 = arith.constant 3 : i32
        %shift_right_arithmetic3A_493 = vector.broadcast %shift_right_arithmetic3A_492 : i32 to vector<16xi32>
        %shift_right_arithmetic3A_494 = arith.shrsi %xor3A_490, %shift_right_arithmetic3A_493 : vector<16xi32>
        %and3A_495 = arith.constant 7 : i32
        %and3A_496 = vector.broadcast %and3A_495 : i32 to vector<16xi32>
        %and3A_497 = arith.andi %xor3A_490, %and3A_496 : vector<16xi32>
        tpu.vector_store_idx %arg8[%shift_right_arithmetic3A_494, %add3A_284, %and3A_497, %add3A_290], %gather3A_491 : memref<4x4x8x128xf32, #tpu.memory_space<vmem>>[vector<16xi32>, vector<16xi32>, vector<16xi32>, vector<16xi32>], vector<16xf32>,
        %xor3A_498 = arith.constant 21 : i32
        %xor3A_499 = vector.broadcast %xor3A_498 : i32 to vector<16xi32>
        %xor3A_500 = arith.xori %iota3A, %xor3A_499 : vector<16xi32>
        %gather3A_501 = tpu.vector_load_idx %arg6[%add3A_265, %xor3A_500] : memref<512x32xf32, #tpu.memory_space<vmem>>[vector<16xi32>, vector<16xi32>], vector<16xf32>,
        %shift_right_arithmetic3A_502 = arith.constant 3 : i32
        %shift_right_arithmetic3A_503 = vector.broadcast %shift_right_arithmetic3A_502 : i32 to vector<16xi32>
        %shift_right_arithmetic3A_504 = arith.shrsi %xor3A_500, %shift_right_arithmetic3A_503 : vector<16xi32>
        %and3A_505 = arith.constant 7 : i32
        %and3A_506 = vector.broadcast %and3A_505 : i32 to vector<16xi32>
        %and3A_507 = arith.andi %xor3A_500, %and3A_506 : vector<16xi32>
        tpu.vector_store_idx %arg8[%shift_right_arithmetic3A_504, %add3A_284, %and3A_507, %add3A_290], %gather3A_501 : memref<4x4x8x128xf32, #tpu.memory_space<vmem>>[vector<16xi32>, vector<16xi32>, vector<16xi32>, vector<16xi32>], vector<16xf32>,
        %xor3A_508 = arith.constant 22 : i32
        %xor3A_509 = vector.broadcast %xor3A_508 : i32 to vector<16xi32>
        %xor3A_510 = arith.xori %iota3A, %xor3A_509 : vector<16xi32>
        %gather3A_511 = tpu.vector_load_idx %arg6[%add3A_265, %xor3A_510] : memref<512x32xf32, #tpu.memory_space<vmem>>[vector<16xi32>, vector<16xi32>], vector<16xf32>,
        %shift_right_arithmetic3A_512 = arith.constant 3 : i32
        %shift_right_arithmetic3A_513 = vector.broadcast %shift_right_arithmetic3A_512 : i32 to vector<16xi32>
        %shift_right_arithmetic3A_514 = arith.shrsi %xor3A_510, %shift_right_arithmetic3A_513 : vector<16xi32>
        %and3A_515 = arith.constant 7 : i32
        %and3A_516 = vector.broadcast %and3A_515 : i32 to vector<16xi32>
        %and3A_517 = arith.andi %xor3A_510, %and3A_516 : vector<16xi32>
        tpu.vector_store_idx %arg8[%shift_right_arithmetic3A_514, %add3A_284, %and3A_517, %add3A_290], %gather3A_511 : memref<4x4x8x128xf32, #tpu.memory_space<vmem>>[vector<16xi32>, vector<16xi32>, vector<16xi32>, vector<16xi32>], vector<16xf32>,
        %xor3A_518 = arith.constant 23 : i32
        %xor3A_519 = vector.broadcast %xor3A_518 : i32 to vector<16xi32>
        %xor3A_520 = arith.xori %iota3A, %xor3A_519 : vector<16xi32>
        %gather3A_521 = tpu.vector_load_idx %arg6[%add3A_265, %xor3A_520] : memref<512x32xf32, #tpu.memory_space<vmem>>[vector<16xi32>, vector<16xi32>], vector<16xf32>,
        %shift_right_arithmetic3A_522 = arith.constant 3 : i32
        %shift_right_arithmetic3A_523 = vector.broadcast %shift_right_arithmetic3A_522 : i32 to vector<16xi32>
        %shift_right_arithmetic3A_524 = arith.shrsi %xor3A_520, %shift_right_arithmetic3A_523 : vector<16xi32>
        %and3A_525 = arith.constant 7 : i32
        %and3A_526 = vector.broadcast %and3A_525 : i32 to vector<16xi32>
        %and3A_527 = arith.andi %xor3A_520, %and3A_526 : vector<16xi32>
        tpu.vector_store_idx %arg8[%shift_right_arithmetic3A_524, %add3A_284, %and3A_527, %add3A_290], %gather3A_521 : memref<4x4x8x128xf32, #tpu.memory_space<vmem>>[vector<16xi32>, vector<16xi32>, vector<16xi32>, vector<16xi32>], vector<16xf32>,
        %xor3A_528 = arith.constant 24 : i32
        %xor3A_529 = vector.broadcast %xor3A_528 : i32 to vector<16xi32>
        %xor3A_530 = arith.xori %iota3A, %xor3A_529 : vector<16xi32>
        %gather3A_531 = tpu.vector_load_idx %arg6[%add3A_265, %xor3A_530] : memref<512x32xf32, #tpu.memory_space<vmem>>[vector<16xi32>, vector<16xi32>], vector<16xf32>,
        %shift_right_arithmetic3A_532 = arith.constant 3 : i32
        %shift_right_arithmetic3A_533 = vector.broadcast %shift_right_arithmetic3A_532 : i32 to vector<16xi32>
        %shift_right_arithmetic3A_534 = arith.shrsi %xor3A_530, %shift_right_arithmetic3A_533 : vector<16xi32>
        %and3A_535 = arith.constant 7 : i32
        %and3A_536 = vector.broadcast %and3A_535 : i32 to vector<16xi32>
        %and3A_537 = arith.andi %xor3A_530, %and3A_536 : vector<16xi32>
        tpu.vector_store_idx %arg8[%shift_right_arithmetic3A_534, %add3A_284, %and3A_537, %add3A_290], %gather3A_531 : memref<4x4x8x128xf32, #tpu.memory_space<vmem>>[vector<16xi32>, vector<16xi32>, vector<16xi32>, vector<16xi32>], vector<16xf32>,
        %xor3A_538 = arith.constant 25 : i32
        %xor3A_539 = vector.broadcast %xor3A_538 : i32 to vector<16xi32>
        %xor3A_540 = arith.xori %iota3A, %xor3A_539 : vector<16xi32>
        %gather3A_541 = tpu.vector_load_idx %arg6[%add3A_265, %xor3A_540] : memref<512x32xf32, #tpu.memory_space<vmem>>[vector<16xi32>, vector<16xi32>], vector<16xf32>,
        %shift_right_arithmetic3A_542 = arith.constant 3 : i32
        %shift_right_arithmetic3A_543 = vector.broadcast %shift_right_arithmetic3A_542 : i32 to vector<16xi32>
        %shift_right_arithmetic3A_544 = arith.shrsi %xor3A_540, %shift_right_arithmetic3A_543 : vector<16xi32>
        %and3A_545 = arith.constant 7 : i32
        %and3A_546 = vector.broadcast %and3A_545 : i32 to vector<16xi32>
        %and3A_547 = arith.andi %xor3A_540, %and3A_546 : vector<16xi32>
        tpu.vector_store_idx %arg8[%shift_right_arithmetic3A_544, %add3A_284, %and3A_547, %add3A_290], %gather3A_541 : memref<4x4x8x128xf32, #tpu.memory_space<vmem>>[vector<16xi32>, vector<16xi32>, vector<16xi32>, vector<16xi32>], vector<16xf32>,
        %xor3A_548 = arith.constant 26 : i32
        %xor3A_549 = vector.broadcast %xor3A_548 : i32 to vector<16xi32>
        %xor3A_550 = arith.xori %iota3A, %xor3A_549 : vector<16xi32>
        %gather3A_551 = tpu.vector_load_idx %arg6[%add3A_265, %xor3A_550] : memref<512x32xf32, #tpu.memory_space<vmem>>[vector<16xi32>, vector<16xi32>], vector<16xf32>,
        %shift_right_arithmetic3A_552 = arith.constant 3 : i32
        %shift_right_arithmetic3A_553 = vector.broadcast %shift_right_arithmetic3A_552 : i32 to vector<16xi32>
        %shift_right_arithmetic3A_554 = arith.shrsi %xor3A_550, %shift_right_arithmetic3A_553 : vector<16xi32>
        %and3A_555 = arith.constant 7 : i32
        %and3A_556 = vector.broadcast %and3A_555 : i32 to vector<16xi32>
        %and3A_557 = arith.andi %xor3A_550, %and3A_556 : vector<16xi32>
        tpu.vector_store_idx %arg8[%shift_right_arithmetic3A_554, %add3A_284, %and3A_557, %add3A_290], %gather3A_551 : memref<4x4x8x128xf32, #tpu.memory_space<vmem>>[vector<16xi32>, vector<16xi32>, vector<16xi32>, vector<16xi32>], vector<16xf32>,
        %xor3A_558 = arith.constant 27 : i32
        %xor3A_559 = vector.broadcast %xor3A_558 : i32 to vector<16xi32>
        %xor3A_560 = arith.xori %iota3A, %xor3A_559 : vector<16xi32>
        %gather3A_561 = tpu.vector_load_idx %arg6[%add3A_265, %xor3A_560] : memref<512x32xf32, #tpu.memory_space<vmem>>[vector<16xi32>, vector<16xi32>], vector<16xf32>,
        %shift_right_arithmetic3A_562 = arith.constant 3 : i32
        %shift_right_arithmetic3A_563 = vector.broadcast %shift_right_arithmetic3A_562 : i32 to vector<16xi32>
        %shift_right_arithmetic3A_564 = arith.shrsi %xor3A_560, %shift_right_arithmetic3A_563 : vector<16xi32>
        %and3A_565 = arith.constant 7 : i32
        %and3A_566 = vector.broadcast %and3A_565 : i32 to vector<16xi32>
        %and3A_567 = arith.andi %xor3A_560, %and3A_566 : vector<16xi32>
        tpu.vector_store_idx %arg8[%shift_right_arithmetic3A_564, %add3A_284, %and3A_567, %add3A_290], %gather3A_561 : memref<4x4x8x128xf32, #tpu.memory_space<vmem>>[vector<16xi32>, vector<16xi32>, vector<16xi32>, vector<16xi32>], vector<16xf32>,
        %xor3A_568 = arith.constant 28 : i32
        %xor3A_569 = vector.broadcast %xor3A_568 : i32 to vector<16xi32>
        %xor3A_570 = arith.xori %iota3A, %xor3A_569 : vector<16xi32>
        %gather3A_571 = tpu.vector_load_idx %arg6[%add3A_265, %xor3A_570] : memref<512x32xf32, #tpu.memory_space<vmem>>[vector<16xi32>, vector<16xi32>], vector<16xf32>,
        %shift_right_arithmetic3A_572 = arith.constant 3 : i32
        %shift_right_arithmetic3A_573 = vector.broadcast %shift_right_arithmetic3A_572 : i32 to vector<16xi32>
        %shift_right_arithmetic3A_574 = arith.shrsi %xor3A_570, %shift_right_arithmetic3A_573 : vector<16xi32>
        %and3A_575 = arith.constant 7 : i32
        %and3A_576 = vector.broadcast %and3A_575 : i32 to vector<16xi32>
        %and3A_577 = arith.andi %xor3A_570, %and3A_576 : vector<16xi32>
        tpu.vector_store_idx %arg8[%shift_right_arithmetic3A_574, %add3A_284, %and3A_577, %add3A_290], %gather3A_571 : memref<4x4x8x128xf32, #tpu.memory_space<vmem>>[vector<16xi32>, vector<16xi32>, vector<16xi32>, vector<16xi32>], vector<16xf32>,
        %xor3A_578 = arith.constant 29 : i32
        %xor3A_579 = vector.broadcast %xor3A_578 : i32 to vector<16xi32>
        %xor3A_580 = arith.xori %iota3A, %xor3A_579 : vector<16xi32>
        %gather3A_581 = tpu.vector_load_idx %arg6[%add3A_265, %xor3A_580] : memref<512x32xf32, #tpu.memory_space<vmem>>[vector<16xi32>, vector<16xi32>], vector<16xf32>,
        %shift_right_arithmetic3A_582 = arith.constant 3 : i32
        %shift_right_arithmetic3A_583 = vector.broadcast %shift_right_arithmetic3A_582 : i32 to vector<16xi32>
        %shift_right_arithmetic3A_584 = arith.shrsi %xor3A_580, %shift_right_arithmetic3A_583 : vector<16xi32>
        %and3A_585 = arith.constant 7 : i32
        %and3A_586 = vector.broadcast %and3A_585 : i32 to vector<16xi32>
        %and3A_587 = arith.andi %xor3A_580, %and3A_586 : vector<16xi32>
        tpu.vector_store_idx %arg8[%shift_right_arithmetic3A_584, %add3A_284, %and3A_587, %add3A_290], %gather3A_581 : memref<4x4x8x128xf32, #tpu.memory_space<vmem>>[vector<16xi32>, vector<16xi32>, vector<16xi32>, vector<16xi32>], vector<16xf32>,
        %xor3A_588 = arith.constant 30 : i32
        %xor3A_589 = vector.broadcast %xor3A_588 : i32 to vector<16xi32>
        %xor3A_590 = arith.xori %iota3A, %xor3A_589 : vector<16xi32>
        %gather3A_591 = tpu.vector_load_idx %arg6[%add3A_265, %xor3A_590] : memref<512x32xf32, #tpu.memory_space<vmem>>[vector<16xi32>, vector<16xi32>], vector<16xf32>,
        %shift_right_arithmetic3A_592 = arith.constant 3 : i32
        %shift_right_arithmetic3A_593 = vector.broadcast %shift_right_arithmetic3A_592 : i32 to vector<16xi32>
        %shift_right_arithmetic3A_594 = arith.shrsi %xor3A_590, %shift_right_arithmetic3A_593 : vector<16xi32>
        %and3A_595 = arith.constant 7 : i32
        %and3A_596 = vector.broadcast %and3A_595 : i32 to vector<16xi32>
        %and3A_597 = arith.andi %xor3A_590, %and3A_596 : vector<16xi32>
        tpu.vector_store_idx %arg8[%shift_right_arithmetic3A_594, %add3A_284, %and3A_597, %add3A_290], %gather3A_591 : memref<4x4x8x128xf32, #tpu.memory_space<vmem>>[vector<16xi32>, vector<16xi32>, vector<16xi32>, vector<16xi32>], vector<16xf32>,
        %xor3A_598 = arith.constant 31 : i32
        %xor3A_599 = vector.broadcast %xor3A_598 : i32 to vector<16xi32>
        %xor3A_600 = arith.xori %iota3A, %xor3A_599 : vector<16xi32>
        %gather3A_601 = tpu.vector_load_idx %arg6[%add3A_265, %xor3A_600] : memref<512x32xf32, #tpu.memory_space<vmem>>[vector<16xi32>, vector<16xi32>], vector<16xf32>,
        %shift_right_arithmetic3A_602 = arith.constant 3 : i32
        %shift_right_arithmetic3A_603 = vector.broadcast %shift_right_arithmetic3A_602 : i32 to vector<16xi32>
        %shift_right_arithmetic3A_604 = arith.shrsi %xor3A_600, %shift_right_arithmetic3A_603 : vector<16xi32>
        %and3A_605 = arith.constant 7 : i32
        %and3A_606 = vector.broadcast %and3A_605 : i32 to vector<16xi32>
        %and3A_607 = arith.andi %xor3A_600, %and3A_606 : vector<16xi32>
        tpu.vector_store_idx %arg8[%shift_right_arithmetic3A_604, %add3A_284, %and3A_607, %add3A_290], %gather3A_601 : memref<4x4x8x128xf32, #tpu.memory_space<vmem>>[vector<16xi32>, vector<16xi32>, vector<16xi32>, vector<16xi32>], vector<16xf32>,
      }
      %scan3A_198 = arith.constant 32 : i32
      %mul3A_199 = arith.constant 4 : i32
      %mul3A_200 = arith.muli %add3A_175, %mul3A_199 : i32
      %mul3A_201 = arith.constant 4 : i32
      %mul3A_202 = arith.muli %add3A, %mul3A_201 : i32
      %dma_start3A_203 = arith.constant 0 : i32
      %dma_start3A_204 = arith.constant 0 : i32
      %dma_start3A_205 = tpu.memref_slice %arg4[%mul3A_200, %mul3A_202, %dma_start3A_203, %dma_start3A_204] : memref<200x128x8x128xf32, #tpu.memory_space<hbm>> -> memref<4x4x8x128xf32, #tpu.memory_space<hbm>>
      %dma_start3A_206 = arith.constant 0 : i32
      %dma_start3A_207 = arith.constant 0 : i32
      %dma_start3A_208 = tpu.memref_slice %arg4[%mul3A_200, %mul3A_202, %dma_start3A_206, %dma_start3A_207] : memref<200x128x8x128xf32, #tpu.memory_space<hbm>> -> memref<4x4x8x128xf32, #tpu.memory_space<hbm>>
      tpu.enqueue_dma source(%arg8 : memref<4x4x8x128xf32, #tpu.memory_space<vmem>>) target(%dma_start3A_208 : memref<4x4x8x128xf32, #tpu.memory_space<hbm>>) target_semaphore(%arg12 : memref<!tpu.dma_semaphore, #tpu.memory_space<semaphore_mem>>)
      %add3A_209 = arith.constant 2 : i32
      %add3A_210 = arith.addi %add3A_175, %add3A_209 : i32
      %dma_start3A_211 = arith.constant 0 : i32
      %dma_start3A_212 = tpu.memref_slice %arg5[%add3A_210, %dma_start3A_211] : memref<50x512xi32, #tpu.memory_space<vmem>> -> memref<1x512xi32, #tpu.memory_space<vmem>>
      %dma_start3A_213 = tpu.memref_squeeze %dma_start3A_212 : memref<1x512xi32, #tpu.memory_space<vmem>> -> memref<512xi32, #tpu.memory_space<vmem>>
      %dma_start3A_214 = arith.constant 0 : i32
      %dma_start3A_215 = arith.constant 0 : i32
      %dma_start3A_216 = tpu.memref_slice %arg3[%dma_start3A_214, %dma_start3A_215] : memref<1000000x32xf32, #tpu.memory_space<hbm>> -> memref<1000000x32xf32, #tpu.memory_space<hbm>>
      tpu.enqueue_indirect_dma source(%dma_start3A_216 : memref<1000000x32xf32, #tpu.memory_space<hbm>>) target(%arg6 : memref<512x32xf32, #tpu.memory_space<vmem>>) offsets(%dma_start3A_213 : memref<512xi32, #tpu.memory_space<vmem>>) semaphore(%arg10 : memref<!tpu.dma_semaphore, #tpu.memory_space<semaphore_mem>>)
      %add3A_217 = arith.constant 1 : i32
      %add3A_218 = arith.addi %add3A_173, %add3A_217 : i32
      %dma_wait3A_219 = arith.constant 0 : i32
      %dma_wait3A_220 = tpu.memref_slice %arg5[%add3A_218, %dma_wait3A_219] : memref<50x512xi32, #tpu.memory_space<vmem>> -> memref<1x512xi32, #tpu.memory_space<vmem>>
      %dma_wait3A_221 = tpu.memref_squeeze %dma_wait3A_220 : memref<1x512xi32, #tpu.memory_space<vmem>> -> memref<512xi32, #tpu.memory_space<vmem>>
      %dma_wait3A_222 = arith.constant 0 : i32
      %dma_wait3A_223 = arith.constant 0 : i32
      %dma_wait3A_224 = tpu.memref_slice %arg3[%dma_wait3A_222, %dma_wait3A_223] : memref<1000000x32xf32, #tpu.memory_space<hbm>> -> memref<1000000x32xf32, #tpu.memory_space<hbm>>
      tpu.wait_indirect_dma semaphore(%arg11 : memref<!tpu.dma_semaphore, #tpu.memory_space<semaphore_mem>>) src(%dma_wait3A_224 : memref<1000000x32xf32, #tpu.memory_space<hbm>>) dst(%arg7 : memref<512x32xf32, #tpu.memory_space<vmem>>)
      %sub3A_225 = arith.constant 2 : i32
      %sub3A_226 = arith.subi %add3A_218, %sub3A_225 : i32
      %mul3A_227 = arith.constant 4 : i32
      %mul3A_228 = arith.muli %sub3A_226, %mul3A_227 : i32
      %mul3A_229 = arith.constant 4 : i32
      %mul3A_230 = arith.muli %add3A, %mul3A_229 : i32
      %dma_wait3A_231 = arith.constant 0 : i32
      %dma_wait3A_232 = arith.constant 0 : i32
      %dma_wait3A_233 = tpu.memref_slice %arg4[%mul3A_228, %mul3A_230, %dma_wait3A_231, %dma_wait3A_232] : memref<200x128x8x128xf32, #tpu.memory_space<hbm>> -> memref<4x4x8x128xf32, #tpu.memory_space<hbm>>
      %dma_wait3A_234 = arith.constant 0 : i32
      %dma_wait3A_235 = arith.constant 0 : i32
      %dma_wait3A_236 = tpu.memref_slice %arg4[%mul3A_228, %mul3A_230, %dma_wait3A_234, %dma_wait3A_235] : memref<200x128x8x128xf32, #tpu.memory_space<hbm>> -> memref<4x4x8x128xf32, #tpu.memory_space<hbm>>
      tpu.wait_dma2 semaphore(%arg13 : memref<!tpu.dma_semaphore, #tpu.memory_space<semaphore_mem>>) src(%arg9 : memref<4x4x8x128xf32, #tpu.memory_space<vmem>>) dst(%dma_wait3A_236 : memref<4x4x8x128xf32, #tpu.memory_space<hbm>>)
      %scan3A_237 = arith.constant 0 : i32
      %scan3A_238 = arith.constant 0 : i32
      %scan3A_239 = arith.constant 32 : i32
      %scan3A_240 = arith.addi %scan3A_238, %scan3A_239 : i32
      %scan3A_241 = arith.constant 1 : i32
      scf.for %scan3A_261 = %scan3A_238 to %scan3A_240 step %scan3A_241  : i32 {
        %mul3A_262 = arith.constant 16 : i32
        %mul3A_263 = arith.muli %scan3A_261, %mul3A_262 : i32
        %add3A_264 = vector.broadcast %mul3A_263 : i32 to vector<16xi32>
        %add3A_265 = arith.addi %iota3A, %add3A_264 : vector<16xi32>
        %jit3A = arith.constant 8 : i32
        %div3A = arith.divsi %scan3A_261, %jit3A : i32
        %sign3A = arith.constant 0 : i32
        %sign3A_266 = arith.cmpi sgt, %scan3A_261, %sign3A : i32
        %sign3A_267 = arith.extui %sign3A_266 : i1 to i32
        %sign3A_268 = arith.constant 0 : i32
        %sign3A_269 = arith.cmpi slt, %scan3A_261, %sign3A_268 : i32
        %sign3A_270 = arith.extui %sign3A_269 : i1 to i32
        %sign3A_271 = arith.subi %sign3A_267, %sign3A_270 : i32
        %sign3A_272 = arith.constant 0 : i32
        %sign3A_273 = arith.cmpi sgt, %jit3A, %sign3A_272 : i32
        %sign3A_274 = arith.extui %sign3A_273 : i1 to i32
        %sign3A_275 = arith.constant 0 : i32
        %sign3A_276 = arith.cmpi slt, %jit3A, %sign3A_275 : i32
        %sign3A_277 = arith.extui %sign3A_276 : i1 to i32
        %sign3A_278 = arith.subi %sign3A_274, %sign3A_277 : i32
        %ne3A = arith.cmpi ne, %sign3A_271, %sign3A_278 : i32
        %rem3A = arith.remsi %scan3A_261, %jit3A : i32
        %ne3A_279 = arith.constant 0 : i32
        %ne3A_280 = arith.cmpi ne, %rem3A, %ne3A_279 : i32
        %and3A = arith.andi %ne3A, %ne3A_280 : i1
        %sub3A_281 = arith.constant 1 : i32
        %sub3A_282 = arith.subi %div3A, %sub3A_281 : i32
        %select_n3A = arith.select %and3A, %sub3A_282, %div3A : i32
        %add3A_283 = vector.broadcast %select_n3A : i32 to vector<16xi32>
        %add3A_284 = arith.addi %mul3A_5, %add3A_283 : vector<16xi32>
        %and3A_285 = arith.constant 7 : i32
        %and3A_286 = arith.andi %scan3A_261, %and3A_285 : i32
        %mul3A_287 = arith.constant 16 : i32
        %mul3A_288 = arith.muli %and3A_286, %mul3A_287 : i32
        %add3A_289 = vector.broadcast %mul3A_288 : i32 to vector<16xi32>
        %add3A_290 = arith.addi %iota3A, %add3A_289 : vector<16xi32>
        %xor3A = arith.constant 0 : i32
        %xor3A_291 = vector.broadcast %xor3A : i32 to vector<16xi32>
        %xor3A_292 = arith.xori %iota3A, %xor3A_291 : vector<16xi32>
        %gather3A = tpu.vector_load_idx %arg7[%add3A_265, %xor3A_292] : memref<512x32xf32, #tpu.memory_space<vmem>>[vector<16xi32>, vector<16xi32>], vector<16xf32>,
        %shift_right_arithmetic3A = arith.constant 3 : i32
        %shift_right_arithmetic3A_293 = vector.broadcast %shift_right_arithmetic3A : i32 to vector<16xi32>
        %shift_right_arithmetic3A_294 = arith.shrsi %xor3A_292, %shift_right_arithmetic3A_293 : vector<16xi32>
        %and3A_295 = arith.constant 7 : i32
        %and3A_296 = vector.broadcast %and3A_295 : i32 to vector<16xi32>
        %and3A_297 = arith.andi %xor3A_292, %and3A_296 : vector<16xi32>
        tpu.vector_store_idx %arg9[%shift_right_arithmetic3A_294, %add3A_284, %and3A_297, %add3A_290], %gather3A : memref<4x4x8x128xf32, #tpu.memory_space<vmem>>[vector<16xi32>, vector<16xi32>, vector<16xi32>, vector<16xi32>], vector<16xf32>,
        %xor3A_298 = arith.constant 1 : i32
        %xor3A_299 = vector.broadcast %xor3A_298 : i32 to vector<16xi32>
        %xor3A_300 = arith.xori %iota3A, %xor3A_299 : vector<16xi32>
        %gather3A_301 = tpu.vector_load_idx %arg7[%add3A_265, %xor3A_300] : memref<512x32xf32, #tpu.memory_space<vmem>>[vector<16xi32>, vector<16xi32>], vector<16xf32>,
        %shift_right_arithmetic3A_302 = arith.constant 3 : i32
        %shift_right_arithmetic3A_303 = vector.broadcast %shift_right_arithmetic3A_302 : i32 to vector<16xi32>
        %shift_right_arithmetic3A_304 = arith.shrsi %xor3A_300, %shift_right_arithmetic3A_303 : vector<16xi32>
        %and3A_305 = arith.constant 7 : i32
        %and3A_306 = vector.broadcast %and3A_305 : i32 to vector<16xi32>
        %and3A_307 = arith.andi %xor3A_300, %and3A_306 : vector<16xi32>
        tpu.vector_store_idx %arg9[%shift_right_arithmetic3A_304, %add3A_284, %and3A_307, %add3A_290], %gather3A_301 : memref<4x4x8x128xf32, #tpu.memory_space<vmem>>[vector<16xi32>, vector<16xi32>, vector<16xi32>, vector<16xi32>], vector<16xf32>,
        %xor3A_308 = arith.constant 2 : i32
        %xor3A_309 = vector.broadcast %xor3A_308 : i32 to vector<16xi32>
        %xor3A_310 = arith.xori %iota3A, %xor3A_309 : vector<16xi32>
        %gather3A_311 = tpu.vector_load_idx %arg7[%add3A_265, %xor3A_310] : memref<512x32xf32, #tpu.memory_space<vmem>>[vector<16xi32>, vector<16xi32>], vector<16xf32>,
        %shift_right_arithmetic3A_312 = arith.constant 3 : i32
        %shift_right_arithmetic3A_313 = vector.broadcast %shift_right_arithmetic3A_312 : i32 to vector<16xi32>
        %shift_right_arithmetic3A_314 = arith.shrsi %xor3A_310, %shift_right_arithmetic3A_313 : vector<16xi32>
        %and3A_315 = arith.constant 7 : i32
        %and3A_316 = vector.broadcast %and3A_315 : i32 to vector<16xi32>
        %and3A_317 = arith.andi %xor3A_310, %and3A_316 : vector<16xi32>
        tpu.vector_store_idx %arg9[%shift_right_arithmetic3A_314, %add3A_284, %and3A_317, %add3A_290], %gather3A_311 : memref<4x4x8x128xf32, #tpu.memory_space<vmem>>[vector<16xi32>, vector<16xi32>, vector<16xi32>, vector<16xi32>], vector<16xf32>,
        %xor3A_318 = arith.constant 3 : i32
        %xor3A_319 = vector.broadcast %xor3A_318 : i32 to vector<16xi32>
        %xor3A_320 = arith.xori %iota3A, %xor3A_319 : vector<16xi32>
        %gather3A_321 = tpu.vector_load_idx %arg7[%add3A_265, %xor3A_320] : memref<512x32xf32, #tpu.memory_space<vmem>>[vector<16xi32>, vector<16xi32>], vector<16xf32>,
        %shift_right_arithmetic3A_322 = arith.constant 3 : i32
        %shift_right_arithmetic3A_323 = vector.broadcast %shift_right_arithmetic3A_322 : i32 to vector<16xi32>
        %shift_right_arithmetic3A_324 = arith.shrsi %xor3A_320, %shift_right_arithmetic3A_323 : vector<16xi32>
        %and3A_325 = arith.constant 7 : i32
        %and3A_326 = vector.broadcast %and3A_325 : i32 to vector<16xi32>
        %and3A_327 = arith.andi %xor3A_320, %and3A_326 : vector<16xi32>
        tpu.vector_store_idx %arg9[%shift_right_arithmetic3A_324, %add3A_284, %and3A_327, %add3A_290], %gather3A_321 : memref<4x4x8x128xf32, #tpu.memory_space<vmem>>[vector<16xi32>, vector<16xi32>, vector<16xi32>, vector<16xi32>], vector<16xf32>,
        %xor3A_328 = arith.constant 4 : i32
        %xor3A_329 = vector.broadcast %xor3A_328 : i32 to vector<16xi32>
        %xor3A_330 = arith.xori %iota3A, %xor3A_329 : vector<16xi32>
        %gather3A_331 = tpu.vector_load_idx %arg7[%add3A_265, %xor3A_330] : memref<512x32xf32, #tpu.memory_space<vmem>>[vector<16xi32>, vector<16xi32>], vector<16xf32>,
        %shift_right_arithmetic3A_332 = arith.constant 3 : i32
        %shift_right_arithmetic3A_333 = vector.broadcast %shift_right_arithmetic3A_332 : i32 to vector<16xi32>
        %shift_right_arithmetic3A_334 = arith.shrsi %xor3A_330, %shift_right_arithmetic3A_333 : vector<16xi32>
        %and3A_335 = arith.constant 7 : i32
        %and3A_336 = vector.broadcast %and3A_335 : i32 to vector<16xi32>
        %and3A_337 = arith.andi %xor3A_330, %and3A_336 : vector<16xi32>
        tpu.vector_store_idx %arg9[%shift_right_arithmetic3A_334, %add3A_284, %and3A_337, %add3A_290], %gather3A_331 : memref<4x4x8x128xf32, #tpu.memory_space<vmem>>[vector<16xi32>, vector<16xi32>, vector<16xi32>, vector<16xi32>], vector<16xf32>,
        %xor3A_338 = arith.constant 5 : i32
        %xor3A_339 = vector.broadcast %xor3A_338 : i32 to vector<16xi32>
        %xor3A_340 = arith.xori %iota3A, %xor3A_339 : vector<16xi32>
        %gather3A_341 = tpu.vector_load_idx %arg7[%add3A_265, %xor3A_340] : memref<512x32xf32, #tpu.memory_space<vmem>>[vector<16xi32>, vector<16xi32>], vector<16xf32>,
        %shift_right_arithmetic3A_342 = arith.constant 3 : i32
        %shift_right_arithmetic3A_343 = vector.broadcast %shift_right_arithmetic3A_342 : i32 to vector<16xi32>
        %shift_right_arithmetic3A_344 = arith.shrsi %xor3A_340, %shift_right_arithmetic3A_343 : vector<16xi32>
        %and3A_345 = arith.constant 7 : i32
        %and3A_346 = vector.broadcast %and3A_345 : i32 to vector<16xi32>
        %and3A_347 = arith.andi %xor3A_340, %and3A_346 : vector<16xi32>
        tpu.vector_store_idx %arg9[%shift_right_arithmetic3A_344, %add3A_284, %and3A_347, %add3A_290], %gather3A_341 : memref<4x4x8x128xf32, #tpu.memory_space<vmem>>[vector<16xi32>, vector<16xi32>, vector<16xi32>, vector<16xi32>], vector<16xf32>,
        %xor3A_348 = arith.constant 6 : i32
        %xor3A_349 = vector.broadcast %xor3A_348 : i32 to vector<16xi32>
        %xor3A_350 = arith.xori %iota3A, %xor3A_349 : vector<16xi32>
        %gather3A_351 = tpu.vector_load_idx %arg7[%add3A_265, %xor3A_350] : memref<512x32xf32, #tpu.memory_space<vmem>>[vector<16xi32>, vector<16xi32>], vector<16xf32>,
        %shift_right_arithmetic3A_352 = arith.constant 3 : i32
        %shift_right_arithmetic3A_353 = vector.broadcast %shift_right_arithmetic3A_352 : i32 to vector<16xi32>
        %shift_right_arithmetic3A_354 = arith.shrsi %xor3A_350, %shift_right_arithmetic3A_353 : vector<16xi32>
        %and3A_355 = arith.constant 7 : i32
        %and3A_356 = vector.broadcast %and3A_355 : i32 to vector<16xi32>
        %and3A_357 = arith.andi %xor3A_350, %and3A_356 : vector<16xi32>
        tpu.vector_store_idx %arg9[%shift_right_arithmetic3A_354, %add3A_284, %and3A_357, %add3A_290], %gather3A_351 : memref<4x4x8x128xf32, #tpu.memory_space<vmem>>[vector<16xi32>, vector<16xi32>, vector<16xi32>, vector<16xi32>], vector<16xf32>,
        %xor3A_358 = arith.constant 7 : i32
        %xor3A_359 = vector.broadcast %xor3A_358 : i32 to vector<16xi32>
        %xor3A_360 = arith.xori %iota3A, %xor3A_359 : vector<16xi32>
        %gather3A_361 = tpu.vector_load_idx %arg7[%add3A_265, %xor3A_360] : memref<512x32xf32, #tpu.memory_space<vmem>>[vector<16xi32>, vector<16xi32>], vector<16xf32>,
        %shift_right_arithmetic3A_362 = arith.constant 3 : i32
        %shift_right_arithmetic3A_363 = vector.broadcast %shift_right_arithmetic3A_362 : i32 to vector<16xi32>
        %shift_right_arithmetic3A_364 = arith.shrsi %xor3A_360, %shift_right_arithmetic3A_363 : vector<16xi32>
        %and3A_365 = arith.constant 7 : i32
        %and3A_366 = vector.broadcast %and3A_365 : i32 to vector<16xi32>
        %and3A_367 = arith.andi %xor3A_360, %and3A_366 : vector<16xi32>
        tpu.vector_store_idx %arg9[%shift_right_arithmetic3A_364, %add3A_284, %and3A_367, %add3A_290], %gather3A_361 : memref<4x4x8x128xf32, #tpu.memory_space<vmem>>[vector<16xi32>, vector<16xi32>, vector<16xi32>, vector<16xi32>], vector<16xf32>,
        %xor3A_368 = arith.constant 8 : i32
        %xor3A_369 = vector.broadcast %xor3A_368 : i32 to vector<16xi32>
        %xor3A_370 = arith.xori %iota3A, %xor3A_369 : vector<16xi32>
        %gather3A_371 = tpu.vector_load_idx %arg7[%add3A_265, %xor3A_370] : memref<512x32xf32, #tpu.memory_space<vmem>>[vector<16xi32>, vector<16xi32>], vector<16xf32>,
        %shift_right_arithmetic3A_372 = arith.constant 3 : i32
        %shift_right_arithmetic3A_373 = vector.broadcast %shift_right_arithmetic3A_372 : i32 to vector<16xi32>
        %shift_right_arithmetic3A_374 = arith.shrsi %xor3A_370, %shift_right_arithmetic3A_373 : vector<16xi32>
        %and3A_375 = arith.constant 7 : i32
        %and3A_376 = vector.broadcast %and3A_375 : i32 to vector<16xi32>
        %and3A_377 = arith.andi %xor3A_370, %and3A_376 : vector<16xi32>
        tpu.vector_store_idx %arg9[%shift_right_arithmetic3A_374, %add3A_284, %and3A_377, %add3A_290], %gather3A_371 : memref<4x4x8x128xf32, #tpu.memory_space<vmem>>[vector<16xi32>, vector<16xi32>, vector<16xi32>, vector<16xi32>], vector<16xf32>,
        %xor3A_378 = arith.constant 9 : i32
        %xor3A_379 = vector.broadcast %xor3A_378 : i32 to vector<16xi32>
        %xor3A_380 = arith.xori %iota3A, %xor3A_379 : vector<16xi32>
        %gather3A_381 = tpu.vector_load_idx %arg7[%add3A_265, %xor3A_380] : memref<512x32xf32, #tpu.memory_space<vmem>>[vector<16xi32>, vector<16xi32>], vector<16xf32>,
        %shift_right_arithmetic3A_382 = arith.constant 3 : i32
        %shift_right_arithmetic3A_383 = vector.broadcast %shift_right_arithmetic3A_382 : i32 to vector<16xi32>
        %shift_right_arithmetic3A_384 = arith.shrsi %xor3A_380, %shift_right_arithmetic3A_383 : vector<16xi32>
        %and3A_385 = arith.constant 7 : i32
        %and3A_386 = vector.broadcast %and3A_385 : i32 to vector<16xi32>
        %and3A_387 = arith.andi %xor3A_380, %and3A_386 : vector<16xi32>
        tpu.vector_store_idx %arg9[%shift_right_arithmetic3A_384, %add3A_284, %and3A_387, %add3A_290], %gather3A_381 : memref<4x4x8x128xf32, #tpu.memory_space<vmem>>[vector<16xi32>, vector<16xi32>, vector<16xi32>, vector<16xi32>], vector<16xf32>,
        %xor3A_388 = arith.constant 10 : i32
        %xor3A_389 = vector.broadcast %xor3A_388 : i32 to vector<16xi32>
        %xor3A_390 = arith.xori %iota3A, %xor3A_389 : vector<16xi32>
        %gather3A_391 = tpu.vector_load_idx %arg7[%add3A_265, %xor3A_390] : memref<512x32xf32, #tpu.memory_space<vmem>>[vector<16xi32>, vector<16xi32>], vector<16xf32>,
        %shift_right_arithmetic3A_392 = arith.constant 3 : i32
        %shift_right_arithmetic3A_393 = vector.broadcast %shift_right_arithmetic3A_392 : i32 to vector<16xi32>
        %shift_right_arithmetic3A_394 = arith.shrsi %xor3A_390, %shift_right_arithmetic3A_393 : vector<16xi32>
        %and3A_395 = arith.constant 7 : i32
        %and3A_396 = vector.broadcast %and3A_395 : i32 to vector<16xi32>
        %and3A_397 = arith.andi %xor3A_390, %and3A_396 : vector<16xi32>
        tpu.vector_store_idx %arg9[%shift_right_arithmetic3A_394, %add3A_284, %and3A_397, %add3A_290], %gather3A_391 : memref<4x4x8x128xf32, #tpu.memory_space<vmem>>[vector<16xi32>, vector<16xi32>, vector<16xi32>, vector<16xi32>], vector<16xf32>,
        %xor3A_398 = arith.constant 11 : i32
        %xor3A_399 = vector.broadcast %xor3A_398 : i32 to vector<16xi32>
        %xor3A_400 = arith.xori %iota3A, %xor3A_399 : vector<16xi32>
        %gather3A_401 = tpu.vector_load_idx %arg7[%add3A_265, %xor3A_400] : memref<512x32xf32, #tpu.memory_space<vmem>>[vector<16xi32>, vector<16xi32>], vector<16xf32>,
        %shift_right_arithmetic3A_402 = arith.constant 3 : i32
        %shift_right_arithmetic3A_403 = vector.broadcast %shift_right_arithmetic3A_402 : i32 to vector<16xi32>
        %shift_right_arithmetic3A_404 = arith.shrsi %xor3A_400, %shift_right_arithmetic3A_403 : vector<16xi32>
        %and3A_405 = arith.constant 7 : i32
        %and3A_406 = vector.broadcast %and3A_405 : i32 to vector<16xi32>
        %and3A_407 = arith.andi %xor3A_400, %and3A_406 : vector<16xi32>
        tpu.vector_store_idx %arg9[%shift_right_arithmetic3A_404, %add3A_284, %and3A_407, %add3A_290], %gather3A_401 : memref<4x4x8x128xf32, #tpu.memory_space<vmem>>[vector<16xi32>, vector<16xi32>, vector<16xi32>, vector<16xi32>], vector<16xf32>,
        %xor3A_408 = arith.constant 12 : i32
        %xor3A_409 = vector.broadcast %xor3A_408 : i32 to vector<16xi32>
        %xor3A_410 = arith.xori %iota3A, %xor3A_409 : vector<16xi32>
        %gather3A_411 = tpu.vector_load_idx %arg7[%add3A_265, %xor3A_410] : memref<512x32xf32, #tpu.memory_space<vmem>>[vector<16xi32>, vector<16xi32>], vector<16xf32>,
        %shift_right_arithmetic3A_412 = arith.constant 3 : i32
        %shift_right_arithmetic3A_413 = vector.broadcast %shift_right_arithmetic3A_412 : i32 to vector<16xi32>
        %shift_right_arithmetic3A_414 = arith.shrsi %xor3A_410, %shift_right_arithmetic3A_413 : vector<16xi32>
        %and3A_415 = arith.constant 7 : i32
        %and3A_416 = vector.broadcast %and3A_415 : i32 to vector<16xi32>
        %and3A_417 = arith.andi %xor3A_410, %and3A_416 : vector<16xi32>
        tpu.vector_store_idx %arg9[%shift_right_arithmetic3A_414, %add3A_284, %and3A_417, %add3A_290], %gather3A_411 : memref<4x4x8x128xf32, #tpu.memory_space<vmem>>[vector<16xi32>, vector<16xi32>, vector<16xi32>, vector<16xi32>], vector<16xf32>,
        %xor3A_418 = arith.constant 13 : i32
        %xor3A_419 = vector.broadcast %xor3A_418 : i32 to vector<16xi32>
        %xor3A_420 = arith.xori %iota3A, %xor3A_419 : vector<16xi32>
        %gather3A_421 = tpu.vector_load_idx %arg7[%add3A_265, %xor3A_420] : memref<512x32xf32, #tpu.memory_space<vmem>>[vector<16xi32>, vector<16xi32>], vector<16xf32>,
        %shift_right_arithmetic3A_422 = arith.constant 3 : i32
        %shift_right_arithmetic3A_423 = vector.broadcast %shift_right_arithmetic3A_422 : i32 to vector<16xi32>
        %shift_right_arithmetic3A_424 = arith.shrsi %xor3A_420, %shift_right_arithmetic3A_423 : vector<16xi32>
        %and3A_425 = arith.constant 7 : i32
        %and3A_426 = vector.broadcast %and3A_425 : i32 to vector<16xi32>
        %and3A_427 = arith.andi %xor3A_420, %and3A_426 : vector<16xi32>
        tpu.vector_store_idx %arg9[%shift_right_arithmetic3A_424, %add3A_284, %and3A_427, %add3A_290], %gather3A_421 : memref<4x4x8x128xf32, #tpu.memory_space<vmem>>[vector<16xi32>, vector<16xi32>, vector<16xi32>, vector<16xi32>], vector<16xf32>,
        %xor3A_428 = arith.constant 14 : i32
        %xor3A_429 = vector.broadcast %xor3A_428 : i32 to vector<16xi32>
        %xor3A_430 = arith.xori %iota3A, %xor3A_429 : vector<16xi32>
        %gather3A_431 = tpu.vector_load_idx %arg7[%add3A_265, %xor3A_430] : memref<512x32xf32, #tpu.memory_space<vmem>>[vector<16xi32>, vector<16xi32>], vector<16xf32>,
        %shift_right_arithmetic3A_432 = arith.constant 3 : i32
        %shift_right_arithmetic3A_433 = vector.broadcast %shift_right_arithmetic3A_432 : i32 to vector<16xi32>
        %shift_right_arithmetic3A_434 = arith.shrsi %xor3A_430, %shift_right_arithmetic3A_433 : vector<16xi32>
        %and3A_435 = arith.constant 7 : i32
        %and3A_436 = vector.broadcast %and3A_435 : i32 to vector<16xi32>
        %and3A_437 = arith.andi %xor3A_430, %and3A_436 : vector<16xi32>
        tpu.vector_store_idx %arg9[%shift_right_arithmetic3A_434, %add3A_284, %and3A_437, %add3A_290], %gather3A_431 : memref<4x4x8x128xf32, #tpu.memory_space<vmem>>[vector<16xi32>, vector<16xi32>, vector<16xi32>, vector<16xi32>], vector<16xf32>,
        %xor3A_438 = arith.constant 15 : i32
        %xor3A_439 = vector.broadcast %xor3A_438 : i32 to vector<16xi32>
        %xor3A_440 = arith.xori %iota3A, %xor3A_439 : vector<16xi32>
        %gather3A_441 = tpu.vector_load_idx %arg7[%add3A_265, %xor3A_440] : memref<512x32xf32, #tpu.memory_space<vmem>>[vector<16xi32>, vector<16xi32>], vector<16xf32>,
        %shift_right_arithmetic3A_442 = arith.constant 3 : i32
        %shift_right_arithmetic3A_443 = vector.broadcast %shift_right_arithmetic3A_442 : i32 to vector<16xi32>
        %shift_right_arithmetic3A_444 = arith.shrsi %xor3A_440, %shift_right_arithmetic3A_443 : vector<16xi32>
        %and3A_445 = arith.constant 7 : i32
        %and3A_446 = vector.broadcast %and3A_445 : i32 to vector<16xi32>
        %and3A_447 = arith.andi %xor3A_440, %and3A_446 : vector<16xi32>
        tpu.vector_store_idx %arg9[%shift_right_arithmetic3A_444, %add3A_284, %and3A_447, %add3A_290], %gather3A_441 : memref<4x4x8x128xf32, #tpu.memory_space<vmem>>[vector<16xi32>, vector<16xi32>, vector<16xi32>, vector<16xi32>], vector<16xf32>,
        %xor3A_448 = arith.constant 16 : i32
        %xor3A_449 = vector.broadcast %xor3A_448 : i32 to vector<16xi32>
        %xor3A_450 = arith.xori %iota3A, %xor3A_449 : vector<16xi32>
        %gather3A_451 = tpu.vector_load_idx %arg7[%add3A_265, %xor3A_450] : memref<512x32xf32, #tpu.memory_space<vmem>>[vector<16xi32>, vector<16xi32>], vector<16xf32>,
        %shift_right_arithmetic3A_452 = arith.constant 3 : i32
        %shift_right_arithmetic3A_453 = vector.broadcast %shift_right_arithmetic3A_452 : i32 to vector<16xi32>
        %shift_right_arithmetic3A_454 = arith.shrsi %xor3A_450, %shift_right_arithmetic3A_453 : vector<16xi32>
        %and3A_455 = arith.constant 7 : i32
        %and3A_456 = vector.broadcast %and3A_455 : i32 to vector<16xi32>
        %and3A_457 = arith.andi %xor3A_450, %and3A_456 : vector<16xi32>
        tpu.vector_store_idx %arg9[%shift_right_arithmetic3A_454, %add3A_284, %and3A_457, %add3A_290], %gather3A_451 : memref<4x4x8x128xf32, #tpu.memory_space<vmem>>[vector<16xi32>, vector<16xi32>, vector<16xi32>, vector<16xi32>], vector<16xf32>,
        %xor3A_458 = arith.constant 17 : i32
        %xor3A_459 = vector.broadcast %xor3A_458 : i32 to vector<16xi32>
        %xor3A_460 = arith.xori %iota3A, %xor3A_459 : vector<16xi32>
        %gather3A_461 = tpu.vector_load_idx %arg7[%add3A_265, %xor3A_460] : memref<512x32xf32, #tpu.memory_space<vmem>>[vector<16xi32>, vector<16xi32>], vector<16xf32>,
        %shift_right_arithmetic3A_462 = arith.constant 3 : i32
        %shift_right_arithmetic3A_463 = vector.broadcast %shift_right_arithmetic3A_462 : i32 to vector<16xi32>
        %shift_right_arithmetic3A_464 = arith.shrsi %xor3A_460, %shift_right_arithmetic3A_463 : vector<16xi32>
        %and3A_465 = arith.constant 7 : i32
        %and3A_466 = vector.broadcast %and3A_465 : i32 to vector<16xi32>
        %and3A_467 = arith.andi %xor3A_460, %and3A_466 : vector<16xi32>
        tpu.vector_store_idx %arg9[%shift_right_arithmetic3A_464, %add3A_284, %and3A_467, %add3A_290], %gather3A_461 : memref<4x4x8x128xf32, #tpu.memory_space<vmem>>[vector<16xi32>, vector<16xi32>, vector<16xi32>, vector<16xi32>], vector<16xf32>,
        %xor3A_468 = arith.constant 18 : i32
        %xor3A_469 = vector.broadcast %xor3A_468 : i32 to vector<16xi32>
        %xor3A_470 = arith.xori %iota3A, %xor3A_469 : vector<16xi32>
        %gather3A_471 = tpu.vector_load_idx %arg7[%add3A_265, %xor3A_470] : memref<512x32xf32, #tpu.memory_space<vmem>>[vector<16xi32>, vector<16xi32>], vector<16xf32>,
        %shift_right_arithmetic3A_472 = arith.constant 3 : i32
        %shift_right_arithmetic3A_473 = vector.broadcast %shift_right_arithmetic3A_472 : i32 to vector<16xi32>
        %shift_right_arithmetic3A_474 = arith.shrsi %xor3A_470, %shift_right_arithmetic3A_473 : vector<16xi32>
        %and3A_475 = arith.constant 7 : i32
        %and3A_476 = vector.broadcast %and3A_475 : i32 to vector<16xi32>
        %and3A_477 = arith.andi %xor3A_470, %and3A_476 : vector<16xi32>
        tpu.vector_store_idx %arg9[%shift_right_arithmetic3A_474, %add3A_284, %and3A_477, %add3A_290], %gather3A_471 : memref<4x4x8x128xf32, #tpu.memory_space<vmem>>[vector<16xi32>, vector<16xi32>, vector<16xi32>, vector<16xi32>], vector<16xf32>,
        %xor3A_478 = arith.constant 19 : i32
        %xor3A_479 = vector.broadcast %xor3A_478 : i32 to vector<16xi32>
        %xor3A_480 = arith.xori %iota3A, %xor3A_479 : vector<16xi32>
        %gather3A_481 = tpu.vector_load_idx %arg7[%add3A_265, %xor3A_480] : memref<512x32xf32, #tpu.memory_space<vmem>>[vector<16xi32>, vector<16xi32>], vector<16xf32>,
        %shift_right_arithmetic3A_482 = arith.constant 3 : i32
        %shift_right_arithmetic3A_483 = vector.broadcast %shift_right_arithmetic3A_482 : i32 to vector<16xi32>
        %shift_right_arithmetic3A_484 = arith.shrsi %xor3A_480, %shift_right_arithmetic3A_483 : vector<16xi32>
        %and3A_485 = arith.constant 7 : i32
        %and3A_486 = vector.broadcast %and3A_485 : i32 to vector<16xi32>
        %and3A_487 = arith.andi %xor3A_480, %and3A_486 : vector<16xi32>
        tpu.vector_store_idx %arg9[%shift_right_arithmetic3A_484, %add3A_284, %and3A_487, %add3A_290], %gather3A_481 : memref<4x4x8x128xf32, #tpu.memory_space<vmem>>[vector<16xi32>, vector<16xi32>, vector<16xi32>, vector<16xi32>], vector<16xf32>,
        %xor3A_488 = arith.constant 20 : i32
        %xor3A_489 = vector.broadcast %xor3A_488 : i32 to vector<16xi32>
        %xor3A_490 = arith.xori %iota3A, %xor3A_489 : vector<16xi32>
        %gather3A_491 = tpu.vector_load_idx %arg7[%add3A_265, %xor3A_490] : memref<512x32xf32, #tpu.memory_space<vmem>>[vector<16xi32>, vector<16xi32>], vector<16xf32>,
        %shift_right_arithmetic3A_492 = arith.constant 3 : i32
        %shift_right_arithmetic3A_493 = vector.broadcast %shift_right_arithmetic3A_492 : i32 to vector<16xi32>
        %shift_right_arithmetic3A_494 = arith.shrsi %xor3A_490, %shift_right_arithmetic3A_493 : vector<16xi32>
        %and3A_495 = arith.constant 7 : i32
        %and3A_496 = vector.broadcast %and3A_495 : i32 to vector<16xi32>
        %and3A_497 = arith.andi %xor3A_490, %and3A_496 : vector<16xi32>
        tpu.vector_store_idx %arg9[%shift_right_arithmetic3A_494, %add3A_284, %and3A_497, %add3A_290], %gather3A_491 : memref<4x4x8x128xf32, #tpu.memory_space<vmem>>[vector<16xi32>, vector<16xi32>, vector<16xi32>, vector<16xi32>], vector<16xf32>,
        %xor3A_498 = arith.constant 21 : i32
        %xor3A_499 = vector.broadcast %xor3A_498 : i32 to vector<16xi32>
        %xor3A_500 = arith.xori %iota3A, %xor3A_499 : vector<16xi32>
        %gather3A_501 = tpu.vector_load_idx %arg7[%add3A_265, %xor3A_500] : memref<512x32xf32, #tpu.memory_space<vmem>>[vector<16xi32>, vector<16xi32>], vector<16xf32>,
        %shift_right_arithmetic3A_502 = arith.constant 3 : i32
        %shift_right_arithmetic3A_503 = vector.broadcast %shift_right_arithmetic3A_502 : i32 to vector<16xi32>
        %shift_right_arithmetic3A_504 = arith.shrsi %xor3A_500, %shift_right_arithmetic3A_503 : vector<16xi32>
        %and3A_505 = arith.constant 7 : i32
        %and3A_506 = vector.broadcast %and3A_505 : i32 to vector<16xi32>
        %and3A_507 = arith.andi %xor3A_500, %and3A_506 : vector<16xi32>
        tpu.vector_store_idx %arg9[%shift_right_arithmetic3A_504, %add3A_284, %and3A_507, %add3A_290], %gather3A_501 : memref<4x4x8x128xf32, #tpu.memory_space<vmem>>[vector<16xi32>, vector<16xi32>, vector<16xi32>, vector<16xi32>], vector<16xf32>,
        %xor3A_508 = arith.constant 22 : i32
        %xor3A_509 = vector.broadcast %xor3A_508 : i32 to vector<16xi32>
        %xor3A_510 = arith.xori %iota3A, %xor3A_509 : vector<16xi32>
        %gather3A_511 = tpu.vector_load_idx %arg7[%add3A_265, %xor3A_510] : memref<512x32xf32, #tpu.memory_space<vmem>>[vector<16xi32>, vector<16xi32>], vector<16xf32>,
        %shift_right_arithmetic3A_512 = arith.constant 3 : i32
        %shift_right_arithmetic3A_513 = vector.broadcast %shift_right_arithmetic3A_512 : i32 to vector<16xi32>
        %shift_right_arithmetic3A_514 = arith.shrsi %xor3A_510, %shift_right_arithmetic3A_513 : vector<16xi32>
        %and3A_515 = arith.constant 7 : i32
        %and3A_516 = vector.broadcast %and3A_515 : i32 to vector<16xi32>
        %and3A_517 = arith.andi %xor3A_510, %and3A_516 : vector<16xi32>
        tpu.vector_store_idx %arg9[%shift_right_arithmetic3A_514, %add3A_284, %and3A_517, %add3A_290], %gather3A_511 : memref<4x4x8x128xf32, #tpu.memory_space<vmem>>[vector<16xi32>, vector<16xi32>, vector<16xi32>, vector<16xi32>], vector<16xf32>,
        %xor3A_518 = arith.constant 23 : i32
        %xor3A_519 = vector.broadcast %xor3A_518 : i32 to vector<16xi32>
        %xor3A_520 = arith.xori %iota3A, %xor3A_519 : vector<16xi32>
        %gather3A_521 = tpu.vector_load_idx %arg7[%add3A_265, %xor3A_520] : memref<512x32xf32, #tpu.memory_space<vmem>>[vector<16xi32>, vector<16xi32>], vector<16xf32>,
        %shift_right_arithmetic3A_522 = arith.constant 3 : i32
        %shift_right_arithmetic3A_523 = vector.broadcast %shift_right_arithmetic3A_522 : i32 to vector<16xi32>
        %shift_right_arithmetic3A_524 = arith.shrsi %xor3A_520, %shift_right_arithmetic3A_523 : vector<16xi32>
        %and3A_525 = arith.constant 7 : i32
        %and3A_526 = vector.broadcast %and3A_525 : i32 to vector<16xi32>
        %and3A_527 = arith.andi %xor3A_520, %and3A_526 : vector<16xi32>
        tpu.vector_store_idx %arg9[%shift_right_arithmetic3A_524, %add3A_284, %and3A_527, %add3A_290], %gather3A_521 : memref<4x4x8x128xf32, #tpu.memory_space<vmem>>[vector<16xi32>, vector<16xi32>, vector<16xi32>, vector<16xi32>], vector<16xf32>,
        %xor3A_528 = arith.constant 24 : i32
        %xor3A_529 = vector.broadcast %xor3A_528 : i32 to vector<16xi32>
        %xor3A_530 = arith.xori %iota3A, %xor3A_529 : vector<16xi32>
        %gather3A_531 = tpu.vector_load_idx %arg7[%add3A_265, %xor3A_530] : memref<512x32xf32, #tpu.memory_space<vmem>>[vector<16xi32>, vector<16xi32>], vector<16xf32>,
        %shift_right_arithmetic3A_532 = arith.constant 3 : i32
        %shift_right_arithmetic3A_533 = vector.broadcast %shift_right_arithmetic3A_532 : i32 to vector<16xi32>
        %shift_right_arithmetic3A_534 = arith.shrsi %xor3A_530, %shift_right_arithmetic3A_533 : vector<16xi32>
        %and3A_535 = arith.constant 7 : i32
        %and3A_536 = vector.broadcast %and3A_535 : i32 to vector<16xi32>
        %and3A_537 = arith.andi %xor3A_530, %and3A_536 : vector<16xi32>
        tpu.vector_store_idx %arg9[%shift_right_arithmetic3A_534, %add3A_284, %and3A_537, %add3A_290], %gather3A_531 : memref<4x4x8x128xf32, #tpu.memory_space<vmem>>[vector<16xi32>, vector<16xi32>, vector<16xi32>, vector<16xi32>], vector<16xf32>,
        %xor3A_538 = arith.constant 25 : i32
        %xor3A_539 = vector.broadcast %xor3A_538 : i32 to vector<16xi32>
        %xor3A_540 = arith.xori %iota3A, %xor3A_539 : vector<16xi32>
        %gather3A_541 = tpu.vector_load_idx %arg7[%add3A_265, %xor3A_540] : memref<512x32xf32, #tpu.memory_space<vmem>>[vector<16xi32>, vector<16xi32>], vector<16xf32>,
        %shift_right_arithmetic3A_542 = arith.constant 3 : i32
        %shift_right_arithmetic3A_543 = vector.broadcast %shift_right_arithmetic3A_542 : i32 to vector<16xi32>
        %shift_right_arithmetic3A_544 = arith.shrsi %xor3A_540, %shift_right_arithmetic3A_543 : vector<16xi32>
        %and3A_545 = arith.constant 7 : i32
        %and3A_546 = vector.broadcast %and3A_545 : i32 to vector<16xi32>
        %and3A_547 = arith.andi %xor3A_540, %and3A_546 : vector<16xi32>
        tpu.vector_store_idx %arg9[%shift_right_arithmetic3A_544, %add3A_284, %and3A_547, %add3A_290], %gather3A_541 : memref<4x4x8x128xf32, #tpu.memory_space<vmem>>[vector<16xi32>, vector<16xi32>, vector<16xi32>, vector<16xi32>], vector<16xf32>,
        %xor3A_548 = arith.constant 26 : i32
        %xor3A_549 = vector.broadcast %xor3A_548 : i32 to vector<16xi32>
        %xor3A_550 = arith.xori %iota3A, %xor3A_549 : vector<16xi32>
        %gather3A_551 = tpu.vector_load_idx %arg7[%add3A_265, %xor3A_550] : memref<512x32xf32, #tpu.memory_space<vmem>>[vector<16xi32>, vector<16xi32>], vector<16xf32>,
        %shift_right_arithmetic3A_552 = arith.constant 3 : i32
        %shift_right_arithmetic3A_553 = vector.broadcast %shift_right_arithmetic3A_552 : i32 to vector<16xi32>
        %shift_right_arithmetic3A_554 = arith.shrsi %xor3A_550, %shift_right_arithmetic3A_553 : vector<16xi32>
        %and3A_555 = arith.constant 7 : i32
        %and3A_556 = vector.broadcast %and3A_555 : i32 to vector<16xi32>
        %and3A_557 = arith.andi %xor3A_550, %and3A_556 : vector<16xi32>
        tpu.vector_store_idx %arg9[%shift_right_arithmetic3A_554, %add3A_284, %and3A_557, %add3A_290], %gather3A_551 : memref<4x4x8x128xf32, #tpu.memory_space<vmem>>[vector<16xi32>, vector<16xi32>, vector<16xi32>, vector<16xi32>], vector<16xf32>,
        %xor3A_558 = arith.constant 27 : i32
        %xor3A_559 = vector.broadcast %xor3A_558 : i32 to vector<16xi32>
        %xor3A_560 = arith.xori %iota3A, %xor3A_559 : vector<16xi32>
        %gather3A_561 = tpu.vector_load_idx %arg7[%add3A_265, %xor3A_560] : memref<512x32xf32, #tpu.memory_space<vmem>>[vector<16xi32>, vector<16xi32>], vector<16xf32>,
        %shift_right_arithmetic3A_562 = arith.constant 3 : i32
        %shift_right_arithmetic3A_563 = vector.broadcast %shift_right_arithmetic3A_562 : i32 to vector<16xi32>
        %shift_right_arithmetic3A_564 = arith.shrsi %xor3A_560, %shift_right_arithmetic3A_563 : vector<16xi32>
        %and3A_565 = arith.constant 7 : i32
        %and3A_566 = vector.broadcast %and3A_565 : i32 to vector<16xi32>
        %and3A_567 = arith.andi %xor3A_560, %and3A_566 : vector<16xi32>
        tpu.vector_store_idx %arg9[%shift_right_arithmetic3A_564, %add3A_284, %and3A_567, %add3A_290], %gather3A_561 : memref<4x4x8x128xf32, #tpu.memory_space<vmem>>[vector<16xi32>, vector<16xi32>, vector<16xi32>, vector<16xi32>], vector<16xf32>,
        %xor3A_568 = arith.constant 28 : i32
        %xor3A_569 = vector.broadcast %xor3A_568 : i32 to vector<16xi32>
        %xor3A_570 = arith.xori %iota3A, %xor3A_569 : vector<16xi32>
        %gather3A_571 = tpu.vector_load_idx %arg7[%add3A_265, %xor3A_570] : memref<512x32xf32, #tpu.memory_space<vmem>>[vector<16xi32>, vector<16xi32>], vector<16xf32>,
        %shift_right_arithmetic3A_572 = arith.constant 3 : i32
        %shift_right_arithmetic3A_573 = vector.broadcast %shift_right_arithmetic3A_572 : i32 to vector<16xi32>
        %shift_right_arithmetic3A_574 = arith.shrsi %xor3A_570, %shift_right_arithmetic3A_573 : vector<16xi32>
        %and3A_575 = arith.constant 7 : i32
        %and3A_576 = vector.broadcast %and3A_575 : i32 to vector<16xi32>
        %and3A_577 = arith.andi %xor3A_570, %and3A_576 : vector<16xi32>
        tpu.vector_store_idx %arg9[%shift_right_arithmetic3A_574, %add3A_284, %and3A_577, %add3A_290], %gather3A_571 : memref<4x4x8x128xf32, #tpu.memory_space<vmem>>[vector<16xi32>, vector<16xi32>, vector<16xi32>, vector<16xi32>], vector<16xf32>,
        %xor3A_578 = arith.constant 29 : i32
        %xor3A_579 = vector.broadcast %xor3A_578 : i32 to vector<16xi32>
        %xor3A_580 = arith.xori %iota3A, %xor3A_579 : vector<16xi32>
        %gather3A_581 = tpu.vector_load_idx %arg7[%add3A_265, %xor3A_580] : memref<512x32xf32, #tpu.memory_space<vmem>>[vector<16xi32>, vector<16xi32>], vector<16xf32>,
        %shift_right_arithmetic3A_582 = arith.constant 3 : i32
        %shift_right_arithmetic3A_583 = vector.broadcast %shift_right_arithmetic3A_582 : i32 to vector<16xi32>
        %shift_right_arithmetic3A_584 = arith.shrsi %xor3A_580, %shift_right_arithmetic3A_583 : vector<16xi32>
        %and3A_585 = arith.constant 7 : i32
        %and3A_586 = vector.broadcast %and3A_585 : i32 to vector<16xi32>
        %and3A_587 = arith.andi %xor3A_580, %and3A_586 : vector<16xi32>
        tpu.vector_store_idx %arg9[%shift_right_arithmetic3A_584, %add3A_284, %and3A_587, %add3A_290], %gather3A_581 : memref<4x4x8x128xf32, #tpu.memory_space<vmem>>[vector<16xi32>, vector<16xi32>, vector<16xi32>, vector<16xi32>], vector<16xf32>,
        %xor3A_588 = arith.constant 30 : i32
        %xor3A_589 = vector.broadcast %xor3A_588 : i32 to vector<16xi32>
        %xor3A_590 = arith.xori %iota3A, %xor3A_589 : vector<16xi32>
        %gather3A_591 = tpu.vector_load_idx %arg7[%add3A_265, %xor3A_590] : memref<512x32xf32, #tpu.memory_space<vmem>>[vector<16xi32>, vector<16xi32>], vector<16xf32>,
        %shift_right_arithmetic3A_592 = arith.constant 3 : i32
        %shift_right_arithmetic3A_593 = vector.broadcast %shift_right_arithmetic3A_592 : i32 to vector<16xi32>
        %shift_right_arithmetic3A_594 = arith.shrsi %xor3A_590, %shift_right_arithmetic3A_593 : vector<16xi32>
        %and3A_595 = arith.constant 7 : i32
        %and3A_596 = vector.broadcast %and3A_595 : i32 to vector<16xi32>
        %and3A_597 = arith.andi %xor3A_590, %and3A_596 : vector<16xi32>
        tpu.vector_store_idx %arg9[%shift_right_arithmetic3A_594, %add3A_284, %and3A_597, %add3A_290], %gather3A_591 : memref<4x4x8x128xf32, #tpu.memory_space<vmem>>[vector<16xi32>, vector<16xi32>, vector<16xi32>, vector<16xi32>], vector<16xf32>,
        %xor3A_598 = arith.constant 31 : i32
        %xor3A_599 = vector.broadcast %xor3A_598 : i32 to vector<16xi32>
        %xor3A_600 = arith.xori %iota3A, %xor3A_599 : vector<16xi32>
        %gather3A_601 = tpu.vector_load_idx %arg7[%add3A_265, %xor3A_600] : memref<512x32xf32, #tpu.memory_space<vmem>>[vector<16xi32>, vector<16xi32>], vector<16xf32>,
        %shift_right_arithmetic3A_602 = arith.constant 3 : i32
        %shift_right_arithmetic3A_603 = vector.broadcast %shift_right_arithmetic3A_602 : i32 to vector<16xi32>
        %shift_right_arithmetic3A_604 = arith.shrsi %xor3A_600, %shift_right_arithmetic3A_603 : vector<16xi32>
        %and3A_605 = arith.constant 7 : i32
        %and3A_606 = vector.broadcast %and3A_605 : i32 to vector<16xi32>
        %and3A_607 = arith.andi %xor3A_600, %and3A_606 : vector<16xi32>
        tpu.vector_store_idx %arg9[%shift_right_arithmetic3A_604, %add3A_284, %and3A_607, %add3A_290], %gather3A_601 : memref<4x4x8x128xf32, #tpu.memory_space<vmem>>[vector<16xi32>, vector<16xi32>, vector<16xi32>, vector<16xi32>], vector<16xf32>,
      }
      %scan3A_242 = arith.constant 32 : i32
      %mul3A_243 = arith.constant 4 : i32
      %mul3A_244 = arith.muli %add3A_218, %mul3A_243 : i32
      %mul3A_245 = arith.constant 4 : i32
      %mul3A_246 = arith.muli %add3A, %mul3A_245 : i32
      %dma_start3A_247 = arith.constant 0 : i32
      %dma_start3A_248 = arith.constant 0 : i32
      %dma_start3A_249 = tpu.memref_slice %arg4[%mul3A_244, %mul3A_246, %dma_start3A_247, %dma_start3A_248] : memref<200x128x8x128xf32, #tpu.memory_space<hbm>> -> memref<4x4x8x128xf32, #tpu.memory_space<hbm>>
      %dma_start3A_250 = arith.constant 0 : i32
      %dma_start3A_251 = arith.constant 0 : i32
      %dma_start3A_252 = tpu.memref_slice %arg4[%mul3A_244, %mul3A_246, %dma_start3A_250, %dma_start3A_251] : memref<200x128x8x128xf32, #tpu.memory_space<hbm>> -> memref<4x4x8x128xf32, #tpu.memory_space<hbm>>
      tpu.enqueue_dma source(%arg9 : memref<4x4x8x128xf32, #tpu.memory_space<vmem>>) target(%dma_start3A_252 : memref<4x4x8x128xf32, #tpu.memory_space<hbm>>) target_semaphore(%arg13 : memref<!tpu.dma_semaphore, #tpu.memory_space<semaphore_mem>>)
      %add3A_253 = arith.constant 2 : i32
      %add3A_254 = arith.addi %add3A_218, %add3A_253 : i32
      %dma_start3A_255 = arith.constant 0 : i32
      %dma_start3A_256 = tpu.memref_slice %arg5[%add3A_254, %dma_start3A_255] : memref<50x512xi32, #tpu.memory_space<vmem>> -> memref<1x512xi32, #tpu.memory_space<vmem>>
      %dma_start3A_257 = tpu.memref_squeeze %dma_start3A_256 : memref<1x512xi32, #tpu.memory_space<vmem>> -> memref<512xi32, #tpu.memory_space<vmem>>
      %dma_start3A_258 = arith.constant 0 : i32
      %dma_start3A_259 = arith.constant 0 : i32
      %dma_start3A_260 = tpu.memref_slice %arg3[%dma_start3A_258, %dma_start3A_259] : memref<1000000x32xf32, #tpu.memory_space<hbm>> -> memref<1000000x32xf32, #tpu.memory_space<hbm>>
      tpu.enqueue_indirect_dma source(%dma_start3A_260 : memref<1000000x32xf32, #tpu.memory_space<hbm>>) target(%arg7 : memref<512x32xf32, #tpu.memory_space<vmem>>) offsets(%dma_start3A_257 : memref<512xi32, #tpu.memory_space<vmem>>) semaphore(%arg11 : memref<!tpu.dma_semaphore, #tpu.memory_space<semaphore_mem>>)
    }
    %scan3A_82 = arith.constant 23 : i32
    %dma_wait3A_83 = arith.constant 48 : i32
    %dma_wait3A_84 = arith.constant 0 : i32
    %dma_wait3A_85 = tpu.memref_slice %arg5[%dma_wait3A_83, %dma_wait3A_84] : memref<50x512xi32, #tpu.memory_space<vmem>> -> memref<1x512xi32, #tpu.memory_space<vmem>>
    %dma_wait3A_86 = tpu.memref_squeeze %dma_wait3A_85 : memref<1x512xi32, #tpu.memory_space<vmem>> -> memref<512xi32, #tpu.memory_space<vmem>>
    %dma_wait3A_87 = arith.constant 0 : i32
    %dma_wait3A_88 = arith.constant 0 : i32
    %dma_wait3A_89 = tpu.memref_slice %arg3[%dma_wait3A_87, %dma_wait3A_88] : memref<1000000x32xf32, #tpu.memory_space<hbm>> -> memref<1000000x32xf32, #tpu.memory_space<hbm>>
    tpu.wait_indirect_dma semaphore(%arg10 : memref<!tpu.dma_semaphore, #tpu.memory_space<semaphore_mem>>) src(%dma_wait3A_89 : memref<1000000x32xf32, #tpu.memory_space<hbm>>) dst(%arg6 : memref<512x32xf32, #tpu.memory_space<vmem>>)
    %mul3A_90 = arith.constant 4 : i32
    %mul3A_91 = arith.muli %add3A, %mul3A_90 : i32
    %dma_wait3A_92 = arith.constant 184 : i32
    %dma_wait3A_93 = arith.constant 0 : i32
    %dma_wait3A_94 = arith.constant 0 : i32
    %dma_wait3A_95 = tpu.memref_slice %arg4[%dma_wait3A_92, %mul3A_91, %dma_wait3A_93, %dma_wait3A_94] : memref<200x128x8x128xf32, #tpu.memory_space<hbm>> -> memref<4x4x8x128xf32, #tpu.memory_space<hbm>>
    %dma_wait3A_96 = arith.constant 184 : i32
    %dma_wait3A_97 = arith.constant 0 : i32
    %dma_wait3A_98 = arith.constant 0 : i32
    %dma_wait3A_99 = tpu.memref_slice %arg4[%dma_wait3A_96, %mul3A_91, %dma_wait3A_97, %dma_wait3A_98] : memref<200x128x8x128xf32, #tpu.memory_space<hbm>> -> memref<4x4x8x128xf32, #tpu.memory_space<hbm>>
    tpu.wait_dma2 semaphore(%arg12 : memref<!tpu.dma_semaphore, #tpu.memory_space<semaphore_mem>>) src(%arg8 : memref<4x4x8x128xf32, #tpu.memory_space<vmem>>) dst(%dma_wait3A_99 : memref<4x4x8x128xf32, #tpu.memory_space<hbm>>)
    %scan3A_100 = arith.constant 0 : i32
    %scan3A_101 = arith.constant 0 : i32
    %scan3A_102 = arith.constant 32 : i32
    %scan3A_103 = arith.addi %scan3A_101, %scan3A_102 : i32
    %scan3A_104 = arith.constant 1 : i32
    scf.for %scan3A_169 = %scan3A_101 to %scan3A_103 step %scan3A_104  : i32 {
      %mul3A_170 = arith.constant 16 : i32
      %mul3A_171 = arith.muli %scan3A_169, %mul3A_170 : i32
      %add3A_172 = vector.broadcast %mul3A_171 : i32 to vector<16xi32>
      %add3A_173 = arith.addi %iota3A, %add3A_172 : vector<16xi32>
      %jit3A = arith.constant 8 : i32
      %div3A = arith.divsi %scan3A_169, %jit3A : i32
      %sign3A = arith.constant 0 : i32
      %sign3A_174 = arith.cmpi sgt, %scan3A_169, %sign3A : i32
      %sign3A_175 = arith.extui %sign3A_174 : i1 to i32
      %sign3A_176 = arith.constant 0 : i32
      %sign3A_177 = arith.cmpi slt, %scan3A_169, %sign3A_176 : i32
      %sign3A_178 = arith.extui %sign3A_177 : i1 to i32
      %sign3A_179 = arith.subi %sign3A_175, %sign3A_178 : i32
      %sign3A_180 = arith.constant 0 : i32
      %sign3A_181 = arith.cmpi sgt, %jit3A, %sign3A_180 : i32
      %sign3A_182 = arith.extui %sign3A_181 : i1 to i32
      %sign3A_183 = arith.constant 0 : i32
      %sign3A_184 = arith.cmpi slt, %jit3A, %sign3A_183 : i32
      %sign3A_185 = arith.extui %sign3A_184 : i1 to i32
      %sign3A_186 = arith.subi %sign3A_182, %sign3A_185 : i32
      %ne3A = arith.cmpi ne, %sign3A_179, %sign3A_186 : i32
      %rem3A = arith.remsi %scan3A_169, %jit3A : i32
      %ne3A_187 = arith.constant 0 : i32
      %ne3A_188 = arith.cmpi ne, %rem3A, %ne3A_187 : i32
      %and3A = arith.andi %ne3A, %ne3A_188 : i1
      %sub3A = arith.constant 1 : i32
      %sub3A_189 = arith.subi %div3A, %sub3A : i32
      %select_n3A = arith.select %and3A, %sub3A_189, %div3A : i32
      %add3A_190 = vector.broadcast %select_n3A : i32 to vector<16xi32>
      %add3A_191 = arith.addi %mul3A_5, %add3A_190 : vector<16xi32>
      %and3A_192 = arith.constant 7 : i32
      %and3A_193 = arith.andi %scan3A_169, %and3A_192 : i32
      %mul3A_194 = arith.constant 16 : i32
      %mul3A_195 = arith.muli %and3A_193, %mul3A_194 : i32
      %add3A_196 = vector.broadcast %mul3A_195 : i32 to vector<16xi32>
      %add3A_197 = arith.addi %iota3A, %add3A_196 : vector<16xi32>
      %xor3A = arith.constant 0 : i32
      %xor3A_198 = vector.broadcast %xor3A : i32 to vector<16xi32>
      %xor3A_199 = arith.xori %iota3A, %xor3A_198 : vector<16xi32>
      %gather3A = tpu.vector_load_idx %arg6[%add3A_173, %xor3A_199] : memref<512x32xf32, #tpu.memory_space<vmem>>[vector<16xi32>, vector<16xi32>], vector<16xf32>,
      %shift_right_arithmetic3A = arith.constant 3 : i32
      %shift_right_arithmetic3A_200 = vector.broadcast %shift_right_arithmetic3A : i32 to vector<16xi32>
      %shift_right_arithmetic3A_201 = arith.shrsi %xor3A_199, %shift_right_arithmetic3A_200 : vector<16xi32>
      %and3A_202 = arith.constant 7 : i32
      %and3A_203 = vector.broadcast %and3A_202 : i32 to vector<16xi32>
      %and3A_204 = arith.andi %xor3A_199, %and3A_203 : vector<16xi32>
      tpu.vector_store_idx %arg8[%shift_right_arithmetic3A_201, %add3A_191, %and3A_204, %add3A_197], %gather3A : memref<4x4x8x128xf32, #tpu.memory_space<vmem>>[vector<16xi32>, vector<16xi32>, vector<16xi32>, vector<16xi32>], vector<16xf32>,
      %xor3A_205 = arith.constant 1 : i32
      %xor3A_206 = vector.broadcast %xor3A_205 : i32 to vector<16xi32>
      %xor3A_207 = arith.xori %iota3A, %xor3A_206 : vector<16xi32>
      %gather3A_208 = tpu.vector_load_idx %arg6[%add3A_173, %xor3A_207] : memref<512x32xf32, #tpu.memory_space<vmem>>[vector<16xi32>, vector<16xi32>], vector<16xf32>,
      %shift_right_arithmetic3A_209 = arith.constant 3 : i32
      %shift_right_arithmetic3A_210 = vector.broadcast %shift_right_arithmetic3A_209 : i32 to vector<16xi32>
      %shift_right_arithmetic3A_211 = arith.shrsi %xor3A_207, %shift_right_arithmetic3A_210 : vector<16xi32>
      %and3A_212 = arith.constant 7 : i32
      %and3A_213 = vector.broadcast %and3A_212 : i32 to vector<16xi32>
      %and3A_214 = arith.andi %xor3A_207, %and3A_213 : vector<16xi32>
      tpu.vector_store_idx %arg8[%shift_right_arithmetic3A_211, %add3A_191, %and3A_214, %add3A_197], %gather3A_208 : memref<4x4x8x128xf32, #tpu.memory_space<vmem>>[vector<16xi32>, vector<16xi32>, vector<16xi32>, vector<16xi32>], vector<16xf32>,
      %xor3A_215 = arith.constant 2 : i32
      %xor3A_216 = vector.broadcast %xor3A_215 : i32 to vector<16xi32>
      %xor3A_217 = arith.xori %iota3A, %xor3A_216 : vector<16xi32>
      %gather3A_218 = tpu.vector_load_idx %arg6[%add3A_173, %xor3A_217] : memref<512x32xf32, #tpu.memory_space<vmem>>[vector<16xi32>, vector<16xi32>], vector<16xf32>,
      %shift_right_arithmetic3A_219 = arith.constant 3 : i32
      %shift_right_arithmetic3A_220 = vector.broadcast %shift_right_arithmetic3A_219 : i32 to vector<16xi32>
      %shift_right_arithmetic3A_221 = arith.shrsi %xor3A_217, %shift_right_arithmetic3A_220 : vector<16xi32>
      %and3A_222 = arith.constant 7 : i32
      %and3A_223 = vector.broadcast %and3A_222 : i32 to vector<16xi32>
      %and3A_224 = arith.andi %xor3A_217, %and3A_223 : vector<16xi32>
      tpu.vector_store_idx %arg8[%shift_right_arithmetic3A_221, %add3A_191, %and3A_224, %add3A_197], %gather3A_218 : memref<4x4x8x128xf32, #tpu.memory_space<vmem>>[vector<16xi32>, vector<16xi32>, vector<16xi32>, vector<16xi32>], vector<16xf32>,
      %xor3A_225 = arith.constant 3 : i32
      %xor3A_226 = vector.broadcast %xor3A_225 : i32 to vector<16xi32>
      %xor3A_227 = arith.xori %iota3A, %xor3A_226 : vector<16xi32>
      %gather3A_228 = tpu.vector_load_idx %arg6[%add3A_173, %xor3A_227] : memref<512x32xf32, #tpu.memory_space<vmem>>[vector<16xi32>, vector<16xi32>], vector<16xf32>,
      %shift_right_arithmetic3A_229 = arith.constant 3 : i32
      %shift_right_arithmetic3A_230 = vector.broadcast %shift_right_arithmetic3A_229 : i32 to vector<16xi32>
      %shift_right_arithmetic3A_231 = arith.shrsi %xor3A_227, %shift_right_arithmetic3A_230 : vector<16xi32>
      %and3A_232 = arith.constant 7 : i32
      %and3A_233 = vector.broadcast %and3A_232 : i32 to vector<16xi32>
      %and3A_234 = arith.andi %xor3A_227, %and3A_233 : vector<16xi32>
      tpu.vector_store_idx %arg8[%shift_right_arithmetic3A_231, %add3A_191, %and3A_234, %add3A_197], %gather3A_228 : memref<4x4x8x128xf32, #tpu.memory_space<vmem>>[vector<16xi32>, vector<16xi32>, vector<16xi32>, vector<16xi32>], vector<16xf32>,
      %xor3A_235 = arith.constant 4 : i32
      %xor3A_236 = vector.broadcast %xor3A_235 : i32 to vector<16xi32>
      %xor3A_237 = arith.xori %iota3A, %xor3A_236 : vector<16xi32>
      %gather3A_238 = tpu.vector_load_idx %arg6[%add3A_173, %xor3A_237] : memref<512x32xf32, #tpu.memory_space<vmem>>[vector<16xi32>, vector<16xi32>], vector<16xf32>,
      %shift_right_arithmetic3A_239 = arith.constant 3 : i32
      %shift_right_arithmetic3A_240 = vector.broadcast %shift_right_arithmetic3A_239 : i32 to vector<16xi32>
      %shift_right_arithmetic3A_241 = arith.shrsi %xor3A_237, %shift_right_arithmetic3A_240 : vector<16xi32>
      %and3A_242 = arith.constant 7 : i32
      %and3A_243 = vector.broadcast %and3A_242 : i32 to vector<16xi32>
      %and3A_244 = arith.andi %xor3A_237, %and3A_243 : vector<16xi32>
      tpu.vector_store_idx %arg8[%shift_right_arithmetic3A_241, %add3A_191, %and3A_244, %add3A_197], %gather3A_238 : memref<4x4x8x128xf32, #tpu.memory_space<vmem>>[vector<16xi32>, vector<16xi32>, vector<16xi32>, vector<16xi32>], vector<16xf32>,
      %xor3A_245 = arith.constant 5 : i32
      %xor3A_246 = vector.broadcast %xor3A_245 : i32 to vector<16xi32>
      %xor3A_247 = arith.xori %iota3A, %xor3A_246 : vector<16xi32>
      %gather3A_248 = tpu.vector_load_idx %arg6[%add3A_173, %xor3A_247] : memref<512x32xf32, #tpu.memory_space<vmem>>[vector<16xi32>, vector<16xi32>], vector<16xf32>,
      %shift_right_arithmetic3A_249 = arith.constant 3 : i32
      %shift_right_arithmetic3A_250 = vector.broadcast %shift_right_arithmetic3A_249 : i32 to vector<16xi32>
      %shift_right_arithmetic3A_251 = arith.shrsi %xor3A_247, %shift_right_arithmetic3A_250 : vector<16xi32>
      %and3A_252 = arith.constant 7 : i32
      %and3A_253 = vector.broadcast %and3A_252 : i32 to vector<16xi32>
      %and3A_254 = arith.andi %xor3A_247, %and3A_253 : vector<16xi32>
      tpu.vector_store_idx %arg8[%shift_right_arithmetic3A_251, %add3A_191, %and3A_254, %add3A_197], %gather3A_248 : memref<4x4x8x128xf32, #tpu.memory_space<vmem>>[vector<16xi32>, vector<16xi32>, vector<16xi32>, vector<16xi32>], vector<16xf32>,
      %xor3A_255 = arith.constant 6 : i32
      %xor3A_256 = vector.broadcast %xor3A_255 : i32 to vector<16xi32>
      %xor3A_257 = arith.xori %iota3A, %xor3A_256 : vector<16xi32>
      %gather3A_258 = tpu.vector_load_idx %arg6[%add3A_173, %xor3A_257] : memref<512x32xf32, #tpu.memory_space<vmem>>[vector<16xi32>, vector<16xi32>], vector<16xf32>,
      %shift_right_arithmetic3A_259 = arith.constant 3 : i32
      %shift_right_arithmetic3A_260 = vector.broadcast %shift_right_arithmetic3A_259 : i32 to vector<16xi32>
      %shift_right_arithmetic3A_261 = arith.shrsi %xor3A_257, %shift_right_arithmetic3A_260 : vector<16xi32>
      %and3A_262 = arith.constant 7 : i32
      %and3A_263 = vector.broadcast %and3A_262 : i32 to vector<16xi32>
      %and3A_264 = arith.andi %xor3A_257, %and3A_263 : vector<16xi32>
      tpu.vector_store_idx %arg8[%shift_right_arithmetic3A_261, %add3A_191, %and3A_264, %add3A_197], %gather3A_258 : memref<4x4x8x128xf32, #tpu.memory_space<vmem>>[vector<16xi32>, vector<16xi32>, vector<16xi32>, vector<16xi32>], vector<16xf32>,
      %xor3A_265 = arith.constant 7 : i32
      %xor3A_266 = vector.broadcast %xor3A_265 : i32 to vector<16xi32>
      %xor3A_267 = arith.xori %iota3A, %xor3A_266 : vector<16xi32>
      %gather3A_268 = tpu.vector_load_idx %arg6[%add3A_173, %xor3A_267] : memref<512x32xf32, #tpu.memory_space<vmem>>[vector<16xi32>, vector<16xi32>], vector<16xf32>,
      %shift_right_arithmetic3A_269 = arith.constant 3 : i32
      %shift_right_arithmetic3A_270 = vector.broadcast %shift_right_arithmetic3A_269 : i32 to vector<16xi32>
      %shift_right_arithmetic3A_271 = arith.shrsi %xor3A_267, %shift_right_arithmetic3A_270 : vector<16xi32>
      %and3A_272 = arith.constant 7 : i32
      %and3A_273 = vector.broadcast %and3A_272 : i32 to vector<16xi32>
      %and3A_274 = arith.andi %xor3A_267, %and3A_273 : vector<16xi32>
      tpu.vector_store_idx %arg8[%shift_right_arithmetic3A_271, %add3A_191, %and3A_274, %add3A_197], %gather3A_268 : memref<4x4x8x128xf32, #tpu.memory_space<vmem>>[vector<16xi32>, vector<16xi32>, vector<16xi32>, vector<16xi32>], vector<16xf32>,
      %xor3A_275 = arith.constant 8 : i32
      %xor3A_276 = vector.broadcast %xor3A_275 : i32 to vector<16xi32>
      %xor3A_277 = arith.xori %iota3A, %xor3A_276 : vector<16xi32>
      %gather3A_278 = tpu.vector_load_idx %arg6[%add3A_173, %xor3A_277] : memref<512x32xf32, #tpu.memory_space<vmem>>[vector<16xi32>, vector<16xi32>], vector<16xf32>,
      %shift_right_arithmetic3A_279 = arith.constant 3 : i32
      %shift_right_arithmetic3A_280 = vector.broadcast %shift_right_arithmetic3A_279 : i32 to vector<16xi32>
      %shift_right_arithmetic3A_281 = arith.shrsi %xor3A_277, %shift_right_arithmetic3A_280 : vector<16xi32>
      %and3A_282 = arith.constant 7 : i32
      %and3A_283 = vector.broadcast %and3A_282 : i32 to vector<16xi32>
      %and3A_284 = arith.andi %xor3A_277, %and3A_283 : vector<16xi32>
      tpu.vector_store_idx %arg8[%shift_right_arithmetic3A_281, %add3A_191, %and3A_284, %add3A_197], %gather3A_278 : memref<4x4x8x128xf32, #tpu.memory_space<vmem>>[vector<16xi32>, vector<16xi32>, vector<16xi32>, vector<16xi32>], vector<16xf32>,
      %xor3A_285 = arith.constant 9 : i32
      %xor3A_286 = vector.broadcast %xor3A_285 : i32 to vector<16xi32>
      %xor3A_287 = arith.xori %iota3A, %xor3A_286 : vector<16xi32>
      %gather3A_288 = tpu.vector_load_idx %arg6[%add3A_173, %xor3A_287] : memref<512x32xf32, #tpu.memory_space<vmem>>[vector<16xi32>, vector<16xi32>], vector<16xf32>,
      %shift_right_arithmetic3A_289 = arith.constant 3 : i32
      %shift_right_arithmetic3A_290 = vector.broadcast %shift_right_arithmetic3A_289 : i32 to vector<16xi32>
      %shift_right_arithmetic3A_291 = arith.shrsi %xor3A_287, %shift_right_arithmetic3A_290 : vector<16xi32>
      %and3A_292 = arith.constant 7 : i32
      %and3A_293 = vector.broadcast %and3A_292 : i32 to vector<16xi32>
      %and3A_294 = arith.andi %xor3A_287, %and3A_293 : vector<16xi32>
      tpu.vector_store_idx %arg8[%shift_right_arithmetic3A_291, %add3A_191, %and3A_294, %add3A_197], %gather3A_288 : memref<4x4x8x128xf32, #tpu.memory_space<vmem>>[vector<16xi32>, vector<16xi32>, vector<16xi32>, vector<16xi32>], vector<16xf32>,
      %xor3A_295 = arith.constant 10 : i32
      %xor3A_296 = vector.broadcast %xor3A_295 : i32 to vector<16xi32>
      %xor3A_297 = arith.xori %iota3A, %xor3A_296 : vector<16xi32>
      %gather3A_298 = tpu.vector_load_idx %arg6[%add3A_173, %xor3A_297] : memref<512x32xf32, #tpu.memory_space<vmem>>[vector<16xi32>, vector<16xi32>], vector<16xf32>,
      %shift_right_arithmetic3A_299 = arith.constant 3 : i32
      %shift_right_arithmetic3A_300 = vector.broadcast %shift_right_arithmetic3A_299 : i32 to vector<16xi32>
      %shift_right_arithmetic3A_301 = arith.shrsi %xor3A_297, %shift_right_arithmetic3A_300 : vector<16xi32>
      %and3A_302 = arith.constant 7 : i32
      %and3A_303 = vector.broadcast %and3A_302 : i32 to vector<16xi32>
      %and3A_304 = arith.andi %xor3A_297, %and3A_303 : vector<16xi32>
      tpu.vector_store_idx %arg8[%shift_right_arithmetic3A_301, %add3A_191, %and3A_304, %add3A_197], %gather3A_298 : memref<4x4x8x128xf32, #tpu.memory_space<vmem>>[vector<16xi32>, vector<16xi32>, vector<16xi32>, vector<16xi32>], vector<16xf32>,
      %xor3A_305 = arith.constant 11 : i32
      %xor3A_306 = vector.broadcast %xor3A_305 : i32 to vector<16xi32>
      %xor3A_307 = arith.xori %iota3A, %xor3A_306 : vector<16xi32>
      %gather3A_308 = tpu.vector_load_idx %arg6[%add3A_173, %xor3A_307] : memref<512x32xf32, #tpu.memory_space<vmem>>[vector<16xi32>, vector<16xi32>], vector<16xf32>,
      %shift_right_arithmetic3A_309 = arith.constant 3 : i32
      %shift_right_arithmetic3A_310 = vector.broadcast %shift_right_arithmetic3A_309 : i32 to vector<16xi32>
      %shift_right_arithmetic3A_311 = arith.shrsi %xor3A_307, %shift_right_arithmetic3A_310 : vector<16xi32>
      %and3A_312 = arith.constant 7 : i32
      %and3A_313 = vector.broadcast %and3A_312 : i32 to vector<16xi32>
      %and3A_314 = arith.andi %xor3A_307, %and3A_313 : vector<16xi32>
      tpu.vector_store_idx %arg8[%shift_right_arithmetic3A_311, %add3A_191, %and3A_314, %add3A_197], %gather3A_308 : memref<4x4x8x128xf32, #tpu.memory_space<vmem>>[vector<16xi32>, vector<16xi32>, vector<16xi32>, vector<16xi32>], vector<16xf32>,
      %xor3A_315 = arith.constant 12 : i32
      %xor3A_316 = vector.broadcast %xor3A_315 : i32 to vector<16xi32>
      %xor3A_317 = arith.xori %iota3A, %xor3A_316 : vector<16xi32>
      %gather3A_318 = tpu.vector_load_idx %arg6[%add3A_173, %xor3A_317] : memref<512x32xf32, #tpu.memory_space<vmem>>[vector<16xi32>, vector<16xi32>], vector<16xf32>,
      %shift_right_arithmetic3A_319 = arith.constant 3 : i32
      %shift_right_arithmetic3A_320 = vector.broadcast %shift_right_arithmetic3A_319 : i32 to vector<16xi32>
      %shift_right_arithmetic3A_321 = arith.shrsi %xor3A_317, %shift_right_arithmetic3A_320 : vector<16xi32>
      %and3A_322 = arith.constant 7 : i32
      %and3A_323 = vector.broadcast %and3A_322 : i32 to vector<16xi32>
      %and3A_324 = arith.andi %xor3A_317, %and3A_323 : vector<16xi32>
      tpu.vector_store_idx %arg8[%shift_right_arithmetic3A_321, %add3A_191, %and3A_324, %add3A_197], %gather3A_318 : memref<4x4x8x128xf32, #tpu.memory_space<vmem>>[vector<16xi32>, vector<16xi32>, vector<16xi32>, vector<16xi32>], vector<16xf32>,
      %xor3A_325 = arith.constant 13 : i32
      %xor3A_326 = vector.broadcast %xor3A_325 : i32 to vector<16xi32>
      %xor3A_327 = arith.xori %iota3A, %xor3A_326 : vector<16xi32>
      %gather3A_328 = tpu.vector_load_idx %arg6[%add3A_173, %xor3A_327] : memref<512x32xf32, #tpu.memory_space<vmem>>[vector<16xi32>, vector<16xi32>], vector<16xf32>,
      %shift_right_arithmetic3A_329 = arith.constant 3 : i32
      %shift_right_arithmetic3A_330 = vector.broadcast %shift_right_arithmetic3A_329 : i32 to vector<16xi32>
      %shift_right_arithmetic3A_331 = arith.shrsi %xor3A_327, %shift_right_arithmetic3A_330 : vector<16xi32>
      %and3A_332 = arith.constant 7 : i32
      %and3A_333 = vector.broadcast %and3A_332 : i32 to vector<16xi32>
      %and3A_334 = arith.andi %xor3A_327, %and3A_333 : vector<16xi32>
      tpu.vector_store_idx %arg8[%shift_right_arithmetic3A_331, %add3A_191, %and3A_334, %add3A_197], %gather3A_328 : memref<4x4x8x128xf32, #tpu.memory_space<vmem>>[vector<16xi32>, vector<16xi32>, vector<16xi32>, vector<16xi32>], vector<16xf32>,
      %xor3A_335 = arith.constant 14 : i32
      %xor3A_336 = vector.broadcast %xor3A_335 : i32 to vector<16xi32>
      %xor3A_337 = arith.xori %iota3A, %xor3A_336 : vector<16xi32>
      %gather3A_338 = tpu.vector_load_idx %arg6[%add3A_173, %xor3A_337] : memref<512x32xf32, #tpu.memory_space<vmem>>[vector<16xi32>, vector<16xi32>], vector<16xf32>,
      %shift_right_arithmetic3A_339 = arith.constant 3 : i32
      %shift_right_arithmetic3A_340 = vector.broadcast %shift_right_arithmetic3A_339 : i32 to vector<16xi32>
      %shift_right_arithmetic3A_341 = arith.shrsi %xor3A_337, %shift_right_arithmetic3A_340 : vector<16xi32>
      %and3A_342 = arith.constant 7 : i32
      %and3A_343 = vector.broadcast %and3A_342 : i32 to vector<16xi32>
      %and3A_344 = arith.andi %xor3A_337, %and3A_343 : vector<16xi32>
      tpu.vector_store_idx %arg8[%shift_right_arithmetic3A_341, %add3A_191, %and3A_344, %add3A_197], %gather3A_338 : memref<4x4x8x128xf32, #tpu.memory_space<vmem>>[vector<16xi32>, vector<16xi32>, vector<16xi32>, vector<16xi32>], vector<16xf32>,
      %xor3A_345 = arith.constant 15 : i32
      %xor3A_346 = vector.broadcast %xor3A_345 : i32 to vector<16xi32>
      %xor3A_347 = arith.xori %iota3A, %xor3A_346 : vector<16xi32>
      %gather3A_348 = tpu.vector_load_idx %arg6[%add3A_173, %xor3A_347] : memref<512x32xf32, #tpu.memory_space<vmem>>[vector<16xi32>, vector<16xi32>], vector<16xf32>,
      %shift_right_arithmetic3A_349 = arith.constant 3 : i32
      %shift_right_arithmetic3A_350 = vector.broadcast %shift_right_arithmetic3A_349 : i32 to vector<16xi32>
      %shift_right_arithmetic3A_351 = arith.shrsi %xor3A_347, %shift_right_arithmetic3A_350 : vector<16xi32>
      %and3A_352 = arith.constant 7 : i32
      %and3A_353 = vector.broadcast %and3A_352 : i32 to vector<16xi32>
      %and3A_354 = arith.andi %xor3A_347, %and3A_353 : vector<16xi32>
      tpu.vector_store_idx %arg8[%shift_right_arithmetic3A_351, %add3A_191, %and3A_354, %add3A_197], %gather3A_348 : memref<4x4x8x128xf32, #tpu.memory_space<vmem>>[vector<16xi32>, vector<16xi32>, vector<16xi32>, vector<16xi32>], vector<16xf32>,
      %xor3A_355 = arith.constant 16 : i32
      %xor3A_356 = vector.broadcast %xor3A_355 : i32 to vector<16xi32>
      %xor3A_357 = arith.xori %iota3A, %xor3A_356 : vector<16xi32>
      %gather3A_358 = tpu.vector_load_idx %arg6[%add3A_173, %xor3A_357] : memref<512x32xf32, #tpu.memory_space<vmem>>[vector<16xi32>, vector<16xi32>], vector<16xf32>,
      %shift_right_arithmetic3A_359 = arith.constant 3 : i32
      %shift_right_arithmetic3A_360 = vector.broadcast %shift_right_arithmetic3A_359 : i32 to vector<16xi32>
      %shift_right_arithmetic3A_361 = arith.shrsi %xor3A_357, %shift_right_arithmetic3A_360 : vector<16xi32>
      %and3A_362 = arith.constant 7 : i32
      %and3A_363 = vector.broadcast %and3A_362 : i32 to vector<16xi32>
      %and3A_364 = arith.andi %xor3A_357, %and3A_363 : vector<16xi32>
      tpu.vector_store_idx %arg8[%shift_right_arithmetic3A_361, %add3A_191, %and3A_364, %add3A_197], %gather3A_358 : memref<4x4x8x128xf32, #tpu.memory_space<vmem>>[vector<16xi32>, vector<16xi32>, vector<16xi32>, vector<16xi32>], vector<16xf32>,
      %xor3A_365 = arith.constant 17 : i32
      %xor3A_366 = vector.broadcast %xor3A_365 : i32 to vector<16xi32>
      %xor3A_367 = arith.xori %iota3A, %xor3A_366 : vector<16xi32>
      %gather3A_368 = tpu.vector_load_idx %arg6[%add3A_173, %xor3A_367] : memref<512x32xf32, #tpu.memory_space<vmem>>[vector<16xi32>, vector<16xi32>], vector<16xf32>,
      %shift_right_arithmetic3A_369 = arith.constant 3 : i32
      %shift_right_arithmetic3A_370 = vector.broadcast %shift_right_arithmetic3A_369 : i32 to vector<16xi32>
      %shift_right_arithmetic3A_371 = arith.shrsi %xor3A_367, %shift_right_arithmetic3A_370 : vector<16xi32>
      %and3A_372 = arith.constant 7 : i32
      %and3A_373 = vector.broadcast %and3A_372 : i32 to vector<16xi32>
      %and3A_374 = arith.andi %xor3A_367, %and3A_373 : vector<16xi32>
      tpu.vector_store_idx %arg8[%shift_right_arithmetic3A_371, %add3A_191, %and3A_374, %add3A_197], %gather3A_368 : memref<4x4x8x128xf32, #tpu.memory_space<vmem>>[vector<16xi32>, vector<16xi32>, vector<16xi32>, vector<16xi32>], vector<16xf32>,
      %xor3A_375 = arith.constant 18 : i32
      %xor3A_376 = vector.broadcast %xor3A_375 : i32 to vector<16xi32>
      %xor3A_377 = arith.xori %iota3A, %xor3A_376 : vector<16xi32>
      %gather3A_378 = tpu.vector_load_idx %arg6[%add3A_173, %xor3A_377] : memref<512x32xf32, #tpu.memory_space<vmem>>[vector<16xi32>, vector<16xi32>], vector<16xf32>,
      %shift_right_arithmetic3A_379 = arith.constant 3 : i32
      %shift_right_arithmetic3A_380 = vector.broadcast %shift_right_arithmetic3A_379 : i32 to vector<16xi32>
      %shift_right_arithmetic3A_381 = arith.shrsi %xor3A_377, %shift_right_arithmetic3A_380 : vector<16xi32>
      %and3A_382 = arith.constant 7 : i32
      %and3A_383 = vector.broadcast %and3A_382 : i32 to vector<16xi32>
      %and3A_384 = arith.andi %xor3A_377, %and3A_383 : vector<16xi32>
      tpu.vector_store_idx %arg8[%shift_right_arithmetic3A_381, %add3A_191, %and3A_384, %add3A_197], %gather3A_378 : memref<4x4x8x128xf32, #tpu.memory_space<vmem>>[vector<16xi32>, vector<16xi32>, vector<16xi32>, vector<16xi32>], vector<16xf32>,
      %xor3A_385 = arith.constant 19 : i32
      %xor3A_386 = vector.broadcast %xor3A_385 : i32 to vector<16xi32>
      %xor3A_387 = arith.xori %iota3A, %xor3A_386 : vector<16xi32>
      %gather3A_388 = tpu.vector_load_idx %arg6[%add3A_173, %xor3A_387] : memref<512x32xf32, #tpu.memory_space<vmem>>[vector<16xi32>, vector<16xi32>], vector<16xf32>,
      %shift_right_arithmetic3A_389 = arith.constant 3 : i32
      %shift_right_arithmetic3A_390 = vector.broadcast %shift_right_arithmetic3A_389 : i32 to vector<16xi32>
      %shift_right_arithmetic3A_391 = arith.shrsi %xor3A_387, %shift_right_arithmetic3A_390 : vector<16xi32>
      %and3A_392 = arith.constant 7 : i32
      %and3A_393 = vector.broadcast %and3A_392 : i32 to vector<16xi32>
      %and3A_394 = arith.andi %xor3A_387, %and3A_393 : vector<16xi32>
      tpu.vector_store_idx %arg8[%shift_right_arithmetic3A_391, %add3A_191, %and3A_394, %add3A_197], %gather3A_388 : memref<4x4x8x128xf32, #tpu.memory_space<vmem>>[vector<16xi32>, vector<16xi32>, vector<16xi32>, vector<16xi32>], vector<16xf32>,
      %xor3A_395 = arith.constant 20 : i32
      %xor3A_396 = vector.broadcast %xor3A_395 : i32 to vector<16xi32>
      %xor3A_397 = arith.xori %iota3A, %xor3A_396 : vector<16xi32>
      %gather3A_398 = tpu.vector_load_idx %arg6[%add3A_173, %xor3A_397] : memref<512x32xf32, #tpu.memory_space<vmem>>[vector<16xi32>, vector<16xi32>], vector<16xf32>,
      %shift_right_arithmetic3A_399 = arith.constant 3 : i32
      %shift_right_arithmetic3A_400 = vector.broadcast %shift_right_arithmetic3A_399 : i32 to vector<16xi32>
      %shift_right_arithmetic3A_401 = arith.shrsi %xor3A_397, %shift_right_arithmetic3A_400 : vector<16xi32>
      %and3A_402 = arith.constant 7 : i32
      %and3A_403 = vector.broadcast %and3A_402 : i32 to vector<16xi32>
      %and3A_404 = arith.andi %xor3A_397, %and3A_403 : vector<16xi32>
      tpu.vector_store_idx %arg8[%shift_right_arithmetic3A_401, %add3A_191, %and3A_404, %add3A_197], %gather3A_398 : memref<4x4x8x128xf32, #tpu.memory_space<vmem>>[vector<16xi32>, vector<16xi32>, vector<16xi32>, vector<16xi32>], vector<16xf32>,
      %xor3A_405 = arith.constant 21 : i32
      %xor3A_406 = vector.broadcast %xor3A_405 : i32 to vector<16xi32>
      %xor3A_407 = arith.xori %iota3A, %xor3A_406 : vector<16xi32>
      %gather3A_408 = tpu.vector_load_idx %arg6[%add3A_173, %xor3A_407] : memref<512x32xf32, #tpu.memory_space<vmem>>[vector<16xi32>, vector<16xi32>], vector<16xf32>,
      %shift_right_arithmetic3A_409 = arith.constant 3 : i32
      %shift_right_arithmetic3A_410 = vector.broadcast %shift_right_arithmetic3A_409 : i32 to vector<16xi32>
      %shift_right_arithmetic3A_411 = arith.shrsi %xor3A_407, %shift_right_arithmetic3A_410 : vector<16xi32>
      %and3A_412 = arith.constant 7 : i32
      %and3A_413 = vector.broadcast %and3A_412 : i32 to vector<16xi32>
      %and3A_414 = arith.andi %xor3A_407, %and3A_413 : vector<16xi32>
      tpu.vector_store_idx %arg8[%shift_right_arithmetic3A_411, %add3A_191, %and3A_414, %add3A_197], %gather3A_408 : memref<4x4x8x128xf32, #tpu.memory_space<vmem>>[vector<16xi32>, vector<16xi32>, vector<16xi32>, vector<16xi32>], vector<16xf32>,
      %xor3A_415 = arith.constant 22 : i32
      %xor3A_416 = vector.broadcast %xor3A_415 : i32 to vector<16xi32>
      %xor3A_417 = arith.xori %iota3A, %xor3A_416 : vector<16xi32>
      %gather3A_418 = tpu.vector_load_idx %arg6[%add3A_173, %xor3A_417] : memref<512x32xf32, #tpu.memory_space<vmem>>[vector<16xi32>, vector<16xi32>], vector<16xf32>,
      %shift_right_arithmetic3A_419 = arith.constant 3 : i32
      %shift_right_arithmetic3A_420 = vector.broadcast %shift_right_arithmetic3A_419 : i32 to vector<16xi32>
      %shift_right_arithmetic3A_421 = arith.shrsi %xor3A_417, %shift_right_arithmetic3A_420 : vector<16xi32>
      %and3A_422 = arith.constant 7 : i32
      %and3A_423 = vector.broadcast %and3A_422 : i32 to vector<16xi32>
      %and3A_424 = arith.andi %xor3A_417, %and3A_423 : vector<16xi32>
      tpu.vector_store_idx %arg8[%shift_right_arithmetic3A_421, %add3A_191, %and3A_424, %add3A_197], %gather3A_418 : memref<4x4x8x128xf32, #tpu.memory_space<vmem>>[vector<16xi32>, vector<16xi32>, vector<16xi32>, vector<16xi32>], vector<16xf32>,
      %xor3A_425 = arith.constant 23 : i32
      %xor3A_426 = vector.broadcast %xor3A_425 : i32 to vector<16xi32>
      %xor3A_427 = arith.xori %iota3A, %xor3A_426 : vector<16xi32>
      %gather3A_428 = tpu.vector_load_idx %arg6[%add3A_173, %xor3A_427] : memref<512x32xf32, #tpu.memory_space<vmem>>[vector<16xi32>, vector<16xi32>], vector<16xf32>,
      %shift_right_arithmetic3A_429 = arith.constant 3 : i32
      %shift_right_arithmetic3A_430 = vector.broadcast %shift_right_arithmetic3A_429 : i32 to vector<16xi32>
      %shift_right_arithmetic3A_431 = arith.shrsi %xor3A_427, %shift_right_arithmetic3A_430 : vector<16xi32>
      %and3A_432 = arith.constant 7 : i32
      %and3A_433 = vector.broadcast %and3A_432 : i32 to vector<16xi32>
      %and3A_434 = arith.andi %xor3A_427, %and3A_433 : vector<16xi32>
      tpu.vector_store_idx %arg8[%shift_right_arithmetic3A_431, %add3A_191, %and3A_434, %add3A_197], %gather3A_428 : memref<4x4x8x128xf32, #tpu.memory_space<vmem>>[vector<16xi32>, vector<16xi32>, vector<16xi32>, vector<16xi32>], vector<16xf32>,
      %xor3A_435 = arith.constant 24 : i32
      %xor3A_436 = vector.broadcast %xor3A_435 : i32 to vector<16xi32>
      %xor3A_437 = arith.xori %iota3A, %xor3A_436 : vector<16xi32>
      %gather3A_438 = tpu.vector_load_idx %arg6[%add3A_173, %xor3A_437] : memref<512x32xf32, #tpu.memory_space<vmem>>[vector<16xi32>, vector<16xi32>], vector<16xf32>,
      %shift_right_arithmetic3A_439 = arith.constant 3 : i32
      %shift_right_arithmetic3A_440 = vector.broadcast %shift_right_arithmetic3A_439 : i32 to vector<16xi32>
      %shift_right_arithmetic3A_441 = arith.shrsi %xor3A_437, %shift_right_arithmetic3A_440 : vector<16xi32>
      %and3A_442 = arith.constant 7 : i32
      %and3A_443 = vector.broadcast %and3A_442 : i32 to vector<16xi32>
      %and3A_444 = arith.andi %xor3A_437, %and3A_443 : vector<16xi32>
      tpu.vector_store_idx %arg8[%shift_right_arithmetic3A_441, %add3A_191, %and3A_444, %add3A_197], %gather3A_438 : memref<4x4x8x128xf32, #tpu.memory_space<vmem>>[vector<16xi32>, vector<16xi32>, vector<16xi32>, vector<16xi32>], vector<16xf32>,
      %xor3A_445 = arith.constant 25 : i32
      %xor3A_446 = vector.broadcast %xor3A_445 : i32 to vector<16xi32>
      %xor3A_447 = arith.xori %iota3A, %xor3A_446 : vector<16xi32>
      %gather3A_448 = tpu.vector_load_idx %arg6[%add3A_173, %xor3A_447] : memref<512x32xf32, #tpu.memory_space<vmem>>[vector<16xi32>, vector<16xi32>], vector<16xf32>,
      %shift_right_arithmetic3A_449 = arith.constant 3 : i32
      %shift_right_arithmetic3A_450 = vector.broadcast %shift_right_arithmetic3A_449 : i32 to vector<16xi32>
      %shift_right_arithmetic3A_451 = arith.shrsi %xor3A_447, %shift_right_arithmetic3A_450 : vector<16xi32>
      %and3A_452 = arith.constant 7 : i32
      %and3A_453 = vector.broadcast %and3A_452 : i32 to vector<16xi32>
      %and3A_454 = arith.andi %xor3A_447, %and3A_453 : vector<16xi32>
      tpu.vector_store_idx %arg8[%shift_right_arithmetic3A_451, %add3A_191, %and3A_454, %add3A_197], %gather3A_448 : memref<4x4x8x128xf32, #tpu.memory_space<vmem>>[vector<16xi32>, vector<16xi32>, vector<16xi32>, vector<16xi32>], vector<16xf32>,
      %xor3A_455 = arith.constant 26 : i32
      %xor3A_456 = vector.broadcast %xor3A_455 : i32 to vector<16xi32>
      %xor3A_457 = arith.xori %iota3A, %xor3A_456 : vector<16xi32>
      %gather3A_458 = tpu.vector_load_idx %arg6[%add3A_173, %xor3A_457] : memref<512x32xf32, #tpu.memory_space<vmem>>[vector<16xi32>, vector<16xi32>], vector<16xf32>,
      %shift_right_arithmetic3A_459 = arith.constant 3 : i32
      %shift_right_arithmetic3A_460 = vector.broadcast %shift_right_arithmetic3A_459 : i32 to vector<16xi32>
      %shift_right_arithmetic3A_461 = arith.shrsi %xor3A_457, %shift_right_arithmetic3A_460 : vector<16xi32>
      %and3A_462 = arith.constant 7 : i32
      %and3A_463 = vector.broadcast %and3A_462 : i32 to vector<16xi32>
      %and3A_464 = arith.andi %xor3A_457, %and3A_463 : vector<16xi32>
      tpu.vector_store_idx %arg8[%shift_right_arithmetic3A_461, %add3A_191, %and3A_464, %add3A_197], %gather3A_458 : memref<4x4x8x128xf32, #tpu.memory_space<vmem>>[vector<16xi32>, vector<16xi32>, vector<16xi32>, vector<16xi32>], vector<16xf32>,
      %xor3A_465 = arith.constant 27 : i32
      %xor3A_466 = vector.broadcast %xor3A_465 : i32 to vector<16xi32>
      %xor3A_467 = arith.xori %iota3A, %xor3A_466 : vector<16xi32>
      %gather3A_468 = tpu.vector_load_idx %arg6[%add3A_173, %xor3A_467] : memref<512x32xf32, #tpu.memory_space<vmem>>[vector<16xi32>, vector<16xi32>], vector<16xf32>,
      %shift_right_arithmetic3A_469 = arith.constant 3 : i32
      %shift_right_arithmetic3A_470 = vector.broadcast %shift_right_arithmetic3A_469 : i32 to vector<16xi32>
      %shift_right_arithmetic3A_471 = arith.shrsi %xor3A_467, %shift_right_arithmetic3A_470 : vector<16xi32>
      %and3A_472 = arith.constant 7 : i32
      %and3A_473 = vector.broadcast %and3A_472 : i32 to vector<16xi32>
      %and3A_474 = arith.andi %xor3A_467, %and3A_473 : vector<16xi32>
      tpu.vector_store_idx %arg8[%shift_right_arithmetic3A_471, %add3A_191, %and3A_474, %add3A_197], %gather3A_468 : memref<4x4x8x128xf32, #tpu.memory_space<vmem>>[vector<16xi32>, vector<16xi32>, vector<16xi32>, vector<16xi32>], vector<16xf32>,
      %xor3A_475 = arith.constant 28 : i32
      %xor3A_476 = vector.broadcast %xor3A_475 : i32 to vector<16xi32>
      %xor3A_477 = arith.xori %iota3A, %xor3A_476 : vector<16xi32>
      %gather3A_478 = tpu.vector_load_idx %arg6[%add3A_173, %xor3A_477] : memref<512x32xf32, #tpu.memory_space<vmem>>[vector<16xi32>, vector<16xi32>], vector<16xf32>,
      %shift_right_arithmetic3A_479 = arith.constant 3 : i32
      %shift_right_arithmetic3A_480 = vector.broadcast %shift_right_arithmetic3A_479 : i32 to vector<16xi32>
      %shift_right_arithmetic3A_481 = arith.shrsi %xor3A_477, %shift_right_arithmetic3A_480 : vector<16xi32>
      %and3A_482 = arith.constant 7 : i32
      %and3A_483 = vector.broadcast %and3A_482 : i32 to vector<16xi32>
      %and3A_484 = arith.andi %xor3A_477, %and3A_483 : vector<16xi32>
      tpu.vector_store_idx %arg8[%shift_right_arithmetic3A_481, %add3A_191, %and3A_484, %add3A_197], %gather3A_478 : memref<4x4x8x128xf32, #tpu.memory_space<vmem>>[vector<16xi32>, vector<16xi32>, vector<16xi32>, vector<16xi32>], vector<16xf32>,
      %xor3A_485 = arith.constant 29 : i32
      %xor3A_486 = vector.broadcast %xor3A_485 : i32 to vector<16xi32>
      %xor3A_487 = arith.xori %iota3A, %xor3A_486 : vector<16xi32>
      %gather3A_488 = tpu.vector_load_idx %arg6[%add3A_173, %xor3A_487] : memref<512x32xf32, #tpu.memory_space<vmem>>[vector<16xi32>, vector<16xi32>], vector<16xf32>,
      %shift_right_arithmetic3A_489 = arith.constant 3 : i32
      %shift_right_arithmetic3A_490 = vector.broadcast %shift_right_arithmetic3A_489 : i32 to vector<16xi32>
      %shift_right_arithmetic3A_491 = arith.shrsi %xor3A_487, %shift_right_arithmetic3A_490 : vector<16xi32>
      %and3A_492 = arith.constant 7 : i32
      %and3A_493 = vector.broadcast %and3A_492 : i32 to vector<16xi32>
      %and3A_494 = arith.andi %xor3A_487, %and3A_493 : vector<16xi32>
      tpu.vector_store_idx %arg8[%shift_right_arithmetic3A_491, %add3A_191, %and3A_494, %add3A_197], %gather3A_488 : memref<4x4x8x128xf32, #tpu.memory_space<vmem>>[vector<16xi32>, vector<16xi32>, vector<16xi32>, vector<16xi32>], vector<16xf32>,
      %xor3A_495 = arith.constant 30 : i32
      %xor3A_496 = vector.broadcast %xor3A_495 : i32 to vector<16xi32>
      %xor3A_497 = arith.xori %iota3A, %xor3A_496 : vector<16xi32>
      %gather3A_498 = tpu.vector_load_idx %arg6[%add3A_173, %xor3A_497] : memref<512x32xf32, #tpu.memory_space<vmem>>[vector<16xi32>, vector<16xi32>], vector<16xf32>,
      %shift_right_arithmetic3A_499 = arith.constant 3 : i32
      %shift_right_arithmetic3A_500 = vector.broadcast %shift_right_arithmetic3A_499 : i32 to vector<16xi32>
      %shift_right_arithmetic3A_501 = arith.shrsi %xor3A_497, %shift_right_arithmetic3A_500 : vector<16xi32>
      %and3A_502 = arith.constant 7 : i32
      %and3A_503 = vector.broadcast %and3A_502 : i32 to vector<16xi32>
      %and3A_504 = arith.andi %xor3A_497, %and3A_503 : vector<16xi32>
      tpu.vector_store_idx %arg8[%shift_right_arithmetic3A_501, %add3A_191, %and3A_504, %add3A_197], %gather3A_498 : memref<4x4x8x128xf32, #tpu.memory_space<vmem>>[vector<16xi32>, vector<16xi32>, vector<16xi32>, vector<16xi32>], vector<16xf32>,
      %xor3A_505 = arith.constant 31 : i32
      %xor3A_506 = vector.broadcast %xor3A_505 : i32 to vector<16xi32>
      %xor3A_507 = arith.xori %iota3A, %xor3A_506 : vector<16xi32>
      %gather3A_508 = tpu.vector_load_idx %arg6[%add3A_173, %xor3A_507] : memref<512x32xf32, #tpu.memory_space<vmem>>[vector<16xi32>, vector<16xi32>], vector<16xf32>,
      %shift_right_arithmetic3A_509 = arith.constant 3 : i32
      %shift_right_arithmetic3A_510 = vector.broadcast %shift_right_arithmetic3A_509 : i32 to vector<16xi32>
      %shift_right_arithmetic3A_511 = arith.shrsi %xor3A_507, %shift_right_arithmetic3A_510 : vector<16xi32>
      %and3A_512 = arith.constant 7 : i32
      %and3A_513 = vector.broadcast %and3A_512 : i32 to vector<16xi32>
      %and3A_514 = arith.andi %xor3A_507, %and3A_513 : vector<16xi32>
      tpu.vector_store_idx %arg8[%shift_right_arithmetic3A_511, %add3A_191, %and3A_514, %add3A_197], %gather3A_508 : memref<4x4x8x128xf32, #tpu.memory_space<vmem>>[vector<16xi32>, vector<16xi32>, vector<16xi32>, vector<16xi32>], vector<16xf32>,
    }
    %scan3A_105 = arith.constant 32 : i32
    %mul3A_106 = arith.constant 4 : i32
    %mul3A_107 = arith.muli %add3A, %mul3A_106 : i32
    %dma_start3A_108 = arith.constant 192 : i32
    %dma_start3A_109 = arith.constant 0 : i32
    %dma_start3A_110 = arith.constant 0 : i32
    %dma_start3A_111 = tpu.memref_slice %arg4[%dma_start3A_108, %mul3A_107, %dma_start3A_109, %dma_start3A_110] : memref<200x128x8x128xf32, #tpu.memory_space<hbm>> -> memref<4x4x8x128xf32, #tpu.memory_space<hbm>>
    %dma_start3A_112 = arith.constant 192 : i32
    %dma_start3A_113 = arith.constant 0 : i32
    %dma_start3A_114 = arith.constant 0 : i32
    %dma_start3A_115 = tpu.memref_slice %arg4[%dma_start3A_112, %mul3A_107, %dma_start3A_113, %dma_start3A_114] : memref<200x128x8x128xf32, #tpu.memory_space<hbm>> -> memref<4x4x8x128xf32, #tpu.memory_space<hbm>>
    tpu.enqueue_dma source(%arg8 : memref<4x4x8x128xf32, #tpu.memory_space<vmem>>) target(%dma_start3A_115 : memref<4x4x8x128xf32, #tpu.memory_space<hbm>>) target_semaphore(%arg12 : memref<!tpu.dma_semaphore, #tpu.memory_space<semaphore_mem>>)
    %dma_wait3A_116 = arith.constant 49 : i32
    %dma_wait3A_117 = arith.constant 0 : i32
    %dma_wait3A_118 = tpu.memref_slice %arg5[%dma_wait3A_116, %dma_wait3A_117] : memref<50x512xi32, #tpu.memory_space<vmem>> -> memref<1x512xi32, #tpu.memory_space<vmem>>
    %dma_wait3A_119 = tpu.memref_squeeze %dma_wait3A_118 : memref<1x512xi32, #tpu.memory_space<vmem>> -> memref<512xi32, #tpu.memory_space<vmem>>
    %dma_wait3A_120 = arith.constant 0 : i32
    %dma_wait3A_121 = arith.constant 0 : i32
    %dma_wait3A_122 = tpu.memref_slice %arg3[%dma_wait3A_120, %dma_wait3A_121] : memref<1000000x32xf32, #tpu.memory_space<hbm>> -> memref<1000000x32xf32, #tpu.memory_space<hbm>>
    tpu.wait_indirect_dma semaphore(%arg11 : memref<!tpu.dma_semaphore, #tpu.memory_space<semaphore_mem>>) src(%dma_wait3A_122 : memref<1000000x32xf32, #tpu.memory_space<hbm>>) dst(%arg7 : memref<512x32xf32, #tpu.memory_space<vmem>>)
    %mul3A_123 = arith.constant 4 : i32
    %mul3A_124 = arith.muli %add3A, %mul3A_123 : i32
    %dma_wait3A_125 = arith.constant 188 : i32
    %dma_wait3A_126 = arith.constant 0 : i32
    %dma_wait3A_127 = arith.constant 0 : i32
    %dma_wait3A_128 = tpu.memref_slice %arg4[%dma_wait3A_125, %mul3A_124, %dma_wait3A_126, %dma_wait3A_127] : memref<200x128x8x128xf32, #tpu.memory_space<hbm>> -> memref<4x4x8x128xf32, #tpu.memory_space<hbm>>
    %dma_wait3A_129 = arith.constant 188 : i32
    %dma_wait3A_130 = arith.constant 0 : i32
    %dma_wait3A_131 = arith.constant 0 : i32
    %dma_wait3A_132 = tpu.memref_slice %arg4[%dma_wait3A_129, %mul3A_124, %dma_wait3A_130, %dma_wait3A_131] : memref<200x128x8x128xf32, #tpu.memory_space<hbm>> -> memref<4x4x8x128xf32, #tpu.memory_space<hbm>>
    tpu.wait_dma2 semaphore(%arg13 : memref<!tpu.dma_semaphore, #tpu.memory_space<semaphore_mem>>) src(%arg9 : memref<4x4x8x128xf32, #tpu.memory_space<vmem>>) dst(%dma_wait3A_132 : memref<4x4x8x128xf32, #tpu.memory_space<hbm>>)
    %scan3A_133 = arith.constant 0 : i32
    %scan3A_134 = arith.constant 0 : i32
    %scan3A_135 = arith.constant 32 : i32
    %scan3A_136 = arith.addi %scan3A_134, %scan3A_135 : i32
    %scan3A_137 = arith.constant 1 : i32
    scf.for %scan3A_169 = %scan3A_134 to %scan3A_136 step %scan3A_137  : i32 {
      %mul3A_170 = arith.constant 16 : i32
      %mul3A_171 = arith.muli %scan3A_169, %mul3A_170 : i32
      %add3A_172 = vector.broadcast %mul3A_171 : i32 to vector<16xi32>
      %add3A_173 = arith.addi %iota3A, %add3A_172 : vector<16xi32>
      %jit3A = arith.constant 8 : i32
      %div3A = arith.divsi %scan3A_169, %jit3A : i32
      %sign3A = arith.constant 0 : i32
      %sign3A_174 = arith.cmpi sgt, %scan3A_169, %sign3A : i32
      %sign3A_175 = arith.extui %sign3A_174 : i1 to i32
      %sign3A_176 = arith.constant 0 : i32
      %sign3A_177 = arith.cmpi slt, %scan3A_169, %sign3A_176 : i32
      %sign3A_178 = arith.extui %sign3A_177 : i1 to i32
      %sign3A_179 = arith.subi %sign3A_175, %sign3A_178 : i32
      %sign3A_180 = arith.constant 0 : i32
      %sign3A_181 = arith.cmpi sgt, %jit3A, %sign3A_180 : i32
      %sign3A_182 = arith.extui %sign3A_181 : i1 to i32
      %sign3A_183 = arith.constant 0 : i32
      %sign3A_184 = arith.cmpi slt, %jit3A, %sign3A_183 : i32
      %sign3A_185 = arith.extui %sign3A_184 : i1 to i32
      %sign3A_186 = arith.subi %sign3A_182, %sign3A_185 : i32
      %ne3A = arith.cmpi ne, %sign3A_179, %sign3A_186 : i32
      %rem3A = arith.remsi %scan3A_169, %jit3A : i32
      %ne3A_187 = arith.constant 0 : i32
      %ne3A_188 = arith.cmpi ne, %rem3A, %ne3A_187 : i32
      %and3A = arith.andi %ne3A, %ne3A_188 : i1
      %sub3A = arith.constant 1 : i32
      %sub3A_189 = arith.subi %div3A, %sub3A : i32
      %select_n3A = arith.select %and3A, %sub3A_189, %div3A : i32
      %add3A_190 = vector.broadcast %select_n3A : i32 to vector<16xi32>
      %add3A_191 = arith.addi %mul3A_5, %add3A_190 : vector<16xi32>
      %and3A_192 = arith.constant 7 : i32
      %and3A_193 = arith.andi %scan3A_169, %and3A_192 : i32
      %mul3A_194 = arith.constant 16 : i32
      %mul3A_195 = arith.muli %and3A_193, %mul3A_194 : i32
      %add3A_196 = vector.broadcast %mul3A_195 : i32 to vector<16xi32>
      %add3A_197 = arith.addi %iota3A, %add3A_196 : vector<16xi32>
      %xor3A = arith.constant 0 : i32
      %xor3A_198 = vector.broadcast %xor3A : i32 to vector<16xi32>
      %xor3A_199 = arith.xori %iota3A, %xor3A_198 : vector<16xi32>
      %gather3A = tpu.vector_load_idx %arg7[%add3A_173, %xor3A_199] : memref<512x32xf32, #tpu.memory_space<vmem>>[vector<16xi32>, vector<16xi32>], vector<16xf32>,
      %shift_right_arithmetic3A = arith.constant 3 : i32
      %shift_right_arithmetic3A_200 = vector.broadcast %shift_right_arithmetic3A : i32 to vector<16xi32>
      %shift_right_arithmetic3A_201 = arith.shrsi %xor3A_199, %shift_right_arithmetic3A_200 : vector<16xi32>
      %and3A_202 = arith.constant 7 : i32
      %and3A_203 = vector.broadcast %and3A_202 : i32 to vector<16xi32>
      %and3A_204 = arith.andi %xor3A_199, %and3A_203 : vector<16xi32>
      tpu.vector_store_idx %arg9[%shift_right_arithmetic3A_201, %add3A_191, %and3A_204, %add3A_197], %gather3A : memref<4x4x8x128xf32, #tpu.memory_space<vmem>>[vector<16xi32>, vector<16xi32>, vector<16xi32>, vector<16xi32>], vector<16xf32>,
      %xor3A_205 = arith.constant 1 : i32
      %xor3A_206 = vector.broadcast %xor3A_205 : i32 to vector<16xi32>
      %xor3A_207 = arith.xori %iota3A, %xor3A_206 : vector<16xi32>
      %gather3A_208 = tpu.vector_load_idx %arg7[%add3A_173, %xor3A_207] : memref<512x32xf32, #tpu.memory_space<vmem>>[vector<16xi32>, vector<16xi32>], vector<16xf32>,
      %shift_right_arithmetic3A_209 = arith.constant 3 : i32
      %shift_right_arithmetic3A_210 = vector.broadcast %shift_right_arithmetic3A_209 : i32 to vector<16xi32>
      %shift_right_arithmetic3A_211 = arith.shrsi %xor3A_207, %shift_right_arithmetic3A_210 : vector<16xi32>
      %and3A_212 = arith.constant 7 : i32
      %and3A_213 = vector.broadcast %and3A_212 : i32 to vector<16xi32>
      %and3A_214 = arith.andi %xor3A_207, %and3A_213 : vector<16xi32>
      tpu.vector_store_idx %arg9[%shift_right_arithmetic3A_211, %add3A_191, %and3A_214, %add3A_197], %gather3A_208 : memref<4x4x8x128xf32, #tpu.memory_space<vmem>>[vector<16xi32>, vector<16xi32>, vector<16xi32>, vector<16xi32>], vector<16xf32>,
      %xor3A_215 = arith.constant 2 : i32
      %xor3A_216 = vector.broadcast %xor3A_215 : i32 to vector<16xi32>
      %xor3A_217 = arith.xori %iota3A, %xor3A_216 : vector<16xi32>
      %gather3A_218 = tpu.vector_load_idx %arg7[%add3A_173, %xor3A_217] : memref<512x32xf32, #tpu.memory_space<vmem>>[vector<16xi32>, vector<16xi32>], vector<16xf32>,
      %shift_right_arithmetic3A_219 = arith.constant 3 : i32
      %shift_right_arithmetic3A_220 = vector.broadcast %shift_right_arithmetic3A_219 : i32 to vector<16xi32>
      %shift_right_arithmetic3A_221 = arith.shrsi %xor3A_217, %shift_right_arithmetic3A_220 : vector<16xi32>
      %and3A_222 = arith.constant 7 : i32
      %and3A_223 = vector.broadcast %and3A_222 : i32 to vector<16xi32>
      %and3A_224 = arith.andi %xor3A_217, %and3A_223 : vector<16xi32>
      tpu.vector_store_idx %arg9[%shift_right_arithmetic3A_221, %add3A_191, %and3A_224, %add3A_197], %gather3A_218 : memref<4x4x8x128xf32, #tpu.memory_space<vmem>>[vector<16xi32>, vector<16xi32>, vector<16xi32>, vector<16xi32>], vector<16xf32>,
      %xor3A_225 = arith.constant 3 : i32
      %xor3A_226 = vector.broadcast %xor3A_225 : i32 to vector<16xi32>
      %xor3A_227 = arith.xori %iota3A, %xor3A_226 : vector<16xi32>
      %gather3A_228 = tpu.vector_load_idx %arg7[%add3A_173, %xor3A_227] : memref<512x32xf32, #tpu.memory_space<vmem>>[vector<16xi32>, vector<16xi32>], vector<16xf32>,
      %shift_right_arithmetic3A_229 = arith.constant 3 : i32
      %shift_right_arithmetic3A_230 = vector.broadcast %shift_right_arithmetic3A_229 : i32 to vector<16xi32>
      %shift_right_arithmetic3A_231 = arith.shrsi %xor3A_227, %shift_right_arithmetic3A_230 : vector<16xi32>
      %and3A_232 = arith.constant 7 : i32
      %and3A_233 = vector.broadcast %and3A_232 : i32 to vector<16xi32>
      %and3A_234 = arith.andi %xor3A_227, %and3A_233 : vector<16xi32>
      tpu.vector_store_idx %arg9[%shift_right_arithmetic3A_231, %add3A_191, %and3A_234, %add3A_197], %gather3A_228 : memref<4x4x8x128xf32, #tpu.memory_space<vmem>>[vector<16xi32>, vector<16xi32>, vector<16xi32>, vector<16xi32>], vector<16xf32>,
      %xor3A_235 = arith.constant 4 : i32
      %xor3A_236 = vector.broadcast %xor3A_235 : i32 to vector<16xi32>
      %xor3A_237 = arith.xori %iota3A, %xor3A_236 : vector<16xi32>
      %gather3A_238 = tpu.vector_load_idx %arg7[%add3A_173, %xor3A_237] : memref<512x32xf32, #tpu.memory_space<vmem>>[vector<16xi32>, vector<16xi32>], vector<16xf32>,
      %shift_right_arithmetic3A_239 = arith.constant 3 : i32
      %shift_right_arithmetic3A_240 = vector.broadcast %shift_right_arithmetic3A_239 : i32 to vector<16xi32>
      %shift_right_arithmetic3A_241 = arith.shrsi %xor3A_237, %shift_right_arithmetic3A_240 : vector<16xi32>
      %and3A_242 = arith.constant 7 : i32
      %and3A_243 = vector.broadcast %and3A_242 : i32 to vector<16xi32>
      %and3A_244 = arith.andi %xor3A_237, %and3A_243 : vector<16xi32>
      tpu.vector_store_idx %arg9[%shift_right_arithmetic3A_241, %add3A_191, %and3A_244, %add3A_197], %gather3A_238 : memref<4x4x8x128xf32, #tpu.memory_space<vmem>>[vector<16xi32>, vector<16xi32>, vector<16xi32>, vector<16xi32>], vector<16xf32>,
      %xor3A_245 = arith.constant 5 : i32
      %xor3A_246 = vector.broadcast %xor3A_245 : i32 to vector<16xi32>
      %xor3A_247 = arith.xori %iota3A, %xor3A_246 : vector<16xi32>
      %gather3A_248 = tpu.vector_load_idx %arg7[%add3A_173, %xor3A_247] : memref<512x32xf32, #tpu.memory_space<vmem>>[vector<16xi32>, vector<16xi32>], vector<16xf32>,
      %shift_right_arithmetic3A_249 = arith.constant 3 : i32
      %shift_right_arithmetic3A_250 = vector.broadcast %shift_right_arithmetic3A_249 : i32 to vector<16xi32>
      %shift_right_arithmetic3A_251 = arith.shrsi %xor3A_247, %shift_right_arithmetic3A_250 : vector<16xi32>
      %and3A_252 = arith.constant 7 : i32
      %and3A_253 = vector.broadcast %and3A_252 : i32 to vector<16xi32>
      %and3A_254 = arith.andi %xor3A_247, %and3A_253 : vector<16xi32>
      tpu.vector_store_idx %arg9[%shift_right_arithmetic3A_251, %add3A_191, %and3A_254, %add3A_197], %gather3A_248 : memref<4x4x8x128xf32, #tpu.memory_space<vmem>>[vector<16xi32>, vector<16xi32>, vector<16xi32>, vector<16xi32>], vector<16xf32>,
      %xor3A_255 = arith.constant 6 : i32
      %xor3A_256 = vector.broadcast %xor3A_255 : i32 to vector<16xi32>
      %xor3A_257 = arith.xori %iota3A, %xor3A_256 : vector<16xi32>
      %gather3A_258 = tpu.vector_load_idx %arg7[%add3A_173, %xor3A_257] : memref<512x32xf32, #tpu.memory_space<vmem>>[vector<16xi32>, vector<16xi32>], vector<16xf32>,
      %shift_right_arithmetic3A_259 = arith.constant 3 : i32
      %shift_right_arithmetic3A_260 = vector.broadcast %shift_right_arithmetic3A_259 : i32 to vector<16xi32>
      %shift_right_arithmetic3A_261 = arith.shrsi %xor3A_257, %shift_right_arithmetic3A_260 : vector<16xi32>
      %and3A_262 = arith.constant 7 : i32
      %and3A_263 = vector.broadcast %and3A_262 : i32 to vector<16xi32>
      %and3A_264 = arith.andi %xor3A_257, %and3A_263 : vector<16xi32>
      tpu.vector_store_idx %arg9[%shift_right_arithmetic3A_261, %add3A_191, %and3A_264, %add3A_197], %gather3A_258 : memref<4x4x8x128xf32, #tpu.memory_space<vmem>>[vector<16xi32>, vector<16xi32>, vector<16xi32>, vector<16xi32>], vector<16xf32>,
      %xor3A_265 = arith.constant 7 : i32
      %xor3A_266 = vector.broadcast %xor3A_265 : i32 to vector<16xi32>
      %xor3A_267 = arith.xori %iota3A, %xor3A_266 : vector<16xi32>
      %gather3A_268 = tpu.vector_load_idx %arg7[%add3A_173, %xor3A_267] : memref<512x32xf32, #tpu.memory_space<vmem>>[vector<16xi32>, vector<16xi32>], vector<16xf32>,
      %shift_right_arithmetic3A_269 = arith.constant 3 : i32
      %shift_right_arithmetic3A_270 = vector.broadcast %shift_right_arithmetic3A_269 : i32 to vector<16xi32>
      %shift_right_arithmetic3A_271 = arith.shrsi %xor3A_267, %shift_right_arithmetic3A_270 : vector<16xi32>
      %and3A_272 = arith.constant 7 : i32
      %and3A_273 = vector.broadcast %and3A_272 : i32 to vector<16xi32>
      %and3A_274 = arith.andi %xor3A_267, %and3A_273 : vector<16xi32>
      tpu.vector_store_idx %arg9[%shift_right_arithmetic3A_271, %add3A_191, %and3A_274, %add3A_197], %gather3A_268 : memref<4x4x8x128xf32, #tpu.memory_space<vmem>>[vector<16xi32>, vector<16xi32>, vector<16xi32>, vector<16xi32>], vector<16xf32>,
      %xor3A_275 = arith.constant 8 : i32
      %xor3A_276 = vector.broadcast %xor3A_275 : i32 to vector<16xi32>
      %xor3A_277 = arith.xori %iota3A, %xor3A_276 : vector<16xi32>
      %gather3A_278 = tpu.vector_load_idx %arg7[%add3A_173, %xor3A_277] : memref<512x32xf32, #tpu.memory_space<vmem>>[vector<16xi32>, vector<16xi32>], vector<16xf32>,
      %shift_right_arithmetic3A_279 = arith.constant 3 : i32
      %shift_right_arithmetic3A_280 = vector.broadcast %shift_right_arithmetic3A_279 : i32 to vector<16xi32>
      %shift_right_arithmetic3A_281 = arith.shrsi %xor3A_277, %shift_right_arithmetic3A_280 : vector<16xi32>
      %and3A_282 = arith.constant 7 : i32
      %and3A_283 = vector.broadcast %and3A_282 : i32 to vector<16xi32>
      %and3A_284 = arith.andi %xor3A_277, %and3A_283 : vector<16xi32>
      tpu.vector_store_idx %arg9[%shift_right_arithmetic3A_281, %add3A_191, %and3A_284, %add3A_197], %gather3A_278 : memref<4x4x8x128xf32, #tpu.memory_space<vmem>>[vector<16xi32>, vector<16xi32>, vector<16xi32>, vector<16xi32>], vector<16xf32>,
      %xor3A_285 = arith.constant 9 : i32
      %xor3A_286 = vector.broadcast %xor3A_285 : i32 to vector<16xi32>
      %xor3A_287 = arith.xori %iota3A, %xor3A_286 : vector<16xi32>
      %gather3A_288 = tpu.vector_load_idx %arg7[%add3A_173, %xor3A_287] : memref<512x32xf32, #tpu.memory_space<vmem>>[vector<16xi32>, vector<16xi32>], vector<16xf32>,
      %shift_right_arithmetic3A_289 = arith.constant 3 : i32
      %shift_right_arithmetic3A_290 = vector.broadcast %shift_right_arithmetic3A_289 : i32 to vector<16xi32>
      %shift_right_arithmetic3A_291 = arith.shrsi %xor3A_287, %shift_right_arithmetic3A_290 : vector<16xi32>
      %and3A_292 = arith.constant 7 : i32
      %and3A_293 = vector.broadcast %and3A_292 : i32 to vector<16xi32>
      %and3A_294 = arith.andi %xor3A_287, %and3A_293 : vector<16xi32>
      tpu.vector_store_idx %arg9[%shift_right_arithmetic3A_291, %add3A_191, %and3A_294, %add3A_197], %gather3A_288 : memref<4x4x8x128xf32, #tpu.memory_space<vmem>>[vector<16xi32>, vector<16xi32>, vector<16xi32>, vector<16xi32>], vector<16xf32>,
      %xor3A_295 = arith.constant 10 : i32
      %xor3A_296 = vector.broadcast %xor3A_295 : i32 to vector<16xi32>
      %xor3A_297 = arith.xori %iota3A, %xor3A_296 : vector<16xi32>
      %gather3A_298 = tpu.vector_load_idx %arg7[%add3A_173, %xor3A_297] : memref<512x32xf32, #tpu.memory_space<vmem>>[vector<16xi32>, vector<16xi32>], vector<16xf32>,
      %shift_right_arithmetic3A_299 = arith.constant 3 : i32
      %shift_right_arithmetic3A_300 = vector.broadcast %shift_right_arithmetic3A_299 : i32 to vector<16xi32>
      %shift_right_arithmetic3A_301 = arith.shrsi %xor3A_297, %shift_right_arithmetic3A_300 : vector<16xi32>
      %and3A_302 = arith.constant 7 : i32
      %and3A_303 = vector.broadcast %and3A_302 : i32 to vector<16xi32>
      %and3A_304 = arith.andi %xor3A_297, %and3A_303 : vector<16xi32>
      tpu.vector_store_idx %arg9[%shift_right_arithmetic3A_301, %add3A_191, %and3A_304, %add3A_197], %gather3A_298 : memref<4x4x8x128xf32, #tpu.memory_space<vmem>>[vector<16xi32>, vector<16xi32>, vector<16xi32>, vector<16xi32>], vector<16xf32>,
      %xor3A_305 = arith.constant 11 : i32
      %xor3A_306 = vector.broadcast %xor3A_305 : i32 to vector<16xi32>
      %xor3A_307 = arith.xori %iota3A, %xor3A_306 : vector<16xi32>
      %gather3A_308 = tpu.vector_load_idx %arg7[%add3A_173, %xor3A_307] : memref<512x32xf32, #tpu.memory_space<vmem>>[vector<16xi32>, vector<16xi32>], vector<16xf32>,
      %shift_right_arithmetic3A_309 = arith.constant 3 : i32
      %shift_right_arithmetic3A_310 = vector.broadcast %shift_right_arithmetic3A_309 : i32 to vector<16xi32>
      %shift_right_arithmetic3A_311 = arith.shrsi %xor3A_307, %shift_right_arithmetic3A_310 : vector<16xi32>
      %and3A_312 = arith.constant 7 : i32
      %and3A_313 = vector.broadcast %and3A_312 : i32 to vector<16xi32>
      %and3A_314 = arith.andi %xor3A_307, %and3A_313 : vector<16xi32>
      tpu.vector_store_idx %arg9[%shift_right_arithmetic3A_311, %add3A_191, %and3A_314, %add3A_197], %gather3A_308 : memref<4x4x8x128xf32, #tpu.memory_space<vmem>>[vector<16xi32>, vector<16xi32>, vector<16xi32>, vector<16xi32>], vector<16xf32>,
      %xor3A_315 = arith.constant 12 : i32
      %xor3A_316 = vector.broadcast %xor3A_315 : i32 to vector<16xi32>
      %xor3A_317 = arith.xori %iota3A, %xor3A_316 : vector<16xi32>
      %gather3A_318 = tpu.vector_load_idx %arg7[%add3A_173, %xor3A_317] : memref<512x32xf32, #tpu.memory_space<vmem>>[vector<16xi32>, vector<16xi32>], vector<16xf32>,
      %shift_right_arithmetic3A_319 = arith.constant 3 : i32
      %shift_right_arithmetic3A_320 = vector.broadcast %shift_right_arithmetic3A_319 : i32 to vector<16xi32>
      %shift_right_arithmetic3A_321 = arith.shrsi %xor3A_317, %shift_right_arithmetic3A_320 : vector<16xi32>
      %and3A_322 = arith.constant 7 : i32
      %and3A_323 = vector.broadcast %and3A_322 : i32 to vector<16xi32>
      %and3A_324 = arith.andi %xor3A_317, %and3A_323 : vector<16xi32>
      tpu.vector_store_idx %arg9[%shift_right_arithmetic3A_321, %add3A_191, %and3A_324, %add3A_197], %gather3A_318 : memref<4x4x8x128xf32, #tpu.memory_space<vmem>>[vector<16xi32>, vector<16xi32>, vector<16xi32>, vector<16xi32>], vector<16xf32>,
      %xor3A_325 = arith.constant 13 : i32
      %xor3A_326 = vector.broadcast %xor3A_325 : i32 to vector<16xi32>
      %xor3A_327 = arith.xori %iota3A, %xor3A_326 : vector<16xi32>
      %gather3A_328 = tpu.vector_load_idx %arg7[%add3A_173, %xor3A_327] : memref<512x32xf32, #tpu.memory_space<vmem>>[vector<16xi32>, vector<16xi32>], vector<16xf32>,
      %shift_right_arithmetic3A_329 = arith.constant 3 : i32
      %shift_right_arithmetic3A_330 = vector.broadcast %shift_right_arithmetic3A_329 : i32 to vector<16xi32>
      %shift_right_arithmetic3A_331 = arith.shrsi %xor3A_327, %shift_right_arithmetic3A_330 : vector<16xi32>
      %and3A_332 = arith.constant 7 : i32
      %and3A_333 = vector.broadcast %and3A_332 : i32 to vector<16xi32>
      %and3A_334 = arith.andi %xor3A_327, %and3A_333 : vector<16xi32>
      tpu.vector_store_idx %arg9[%shift_right_arithmetic3A_331, %add3A_191, %and3A_334, %add3A_197], %gather3A_328 : memref<4x4x8x128xf32, #tpu.memory_space<vmem>>[vector<16xi32>, vector<16xi32>, vector<16xi32>, vector<16xi32>], vector<16xf32>,
      %xor3A_335 = arith.constant 14 : i32
      %xor3A_336 = vector.broadcast %xor3A_335 : i32 to vector<16xi32>
      %xor3A_337 = arith.xori %iota3A, %xor3A_336 : vector<16xi32>
      %gather3A_338 = tpu.vector_load_idx %arg7[%add3A_173, %xor3A_337] : memref<512x32xf32, #tpu.memory_space<vmem>>[vector<16xi32>, vector<16xi32>], vector<16xf32>,
      %shift_right_arithmetic3A_339 = arith.constant 3 : i32
      %shift_right_arithmetic3A_340 = vector.broadcast %shift_right_arithmetic3A_339 : i32 to vector<16xi32>
      %shift_right_arithmetic3A_341 = arith.shrsi %xor3A_337, %shift_right_arithmetic3A_340 : vector<16xi32>
      %and3A_342 = arith.constant 7 : i32
      %and3A_343 = vector.broadcast %and3A_342 : i32 to vector<16xi32>
      %and3A_344 = arith.andi %xor3A_337, %and3A_343 : vector<16xi32>
      tpu.vector_store_idx %arg9[%shift_right_arithmetic3A_341, %add3A_191, %and3A_344, %add3A_197], %gather3A_338 : memref<4x4x8x128xf32, #tpu.memory_space<vmem>>[vector<16xi32>, vector<16xi32>, vector<16xi32>, vector<16xi32>], vector<16xf32>,
      %xor3A_345 = arith.constant 15 : i32
      %xor3A_346 = vector.broadcast %xor3A_345 : i32 to vector<16xi32>
      %xor3A_347 = arith.xori %iota3A, %xor3A_346 : vector<16xi32>
      %gather3A_348 = tpu.vector_load_idx %arg7[%add3A_173, %xor3A_347] : memref<512x32xf32, #tpu.memory_space<vmem>>[vector<16xi32>, vector<16xi32>], vector<16xf32>,
      %shift_right_arithmetic3A_349 = arith.constant 3 : i32
      %shift_right_arithmetic3A_350 = vector.broadcast %shift_right_arithmetic3A_349 : i32 to vector<16xi32>
      %shift_right_arithmetic3A_351 = arith.shrsi %xor3A_347, %shift_right_arithmetic3A_350 : vector<16xi32>
      %and3A_352 = arith.constant 7 : i32
      %and3A_353 = vector.broadcast %and3A_352 : i32 to vector<16xi32>
      %and3A_354 = arith.andi %xor3A_347, %and3A_353 : vector<16xi32>
      tpu.vector_store_idx %arg9[%shift_right_arithmetic3A_351, %add3A_191, %and3A_354, %add3A_197], %gather3A_348 : memref<4x4x8x128xf32, #tpu.memory_space<vmem>>[vector<16xi32>, vector<16xi32>, vector<16xi32>, vector<16xi32>], vector<16xf32>,
      %xor3A_355 = arith.constant 16 : i32
      %xor3A_356 = vector.broadcast %xor3A_355 : i32 to vector<16xi32>
      %xor3A_357 = arith.xori %iota3A, %xor3A_356 : vector<16xi32>
      %gather3A_358 = tpu.vector_load_idx %arg7[%add3A_173, %xor3A_357] : memref<512x32xf32, #tpu.memory_space<vmem>>[vector<16xi32>, vector<16xi32>], vector<16xf32>,
      %shift_right_arithmetic3A_359 = arith.constant 3 : i32
      %shift_right_arithmetic3A_360 = vector.broadcast %shift_right_arithmetic3A_359 : i32 to vector<16xi32>
      %shift_right_arithmetic3A_361 = arith.shrsi %xor3A_357, %shift_right_arithmetic3A_360 : vector<16xi32>
      %and3A_362 = arith.constant 7 : i32
      %and3A_363 = vector.broadcast %and3A_362 : i32 to vector<16xi32>
      %and3A_364 = arith.andi %xor3A_357, %and3A_363 : vector<16xi32>
      tpu.vector_store_idx %arg9[%shift_right_arithmetic3A_361, %add3A_191, %and3A_364, %add3A_197], %gather3A_358 : memref<4x4x8x128xf32, #tpu.memory_space<vmem>>[vector<16xi32>, vector<16xi32>, vector<16xi32>, vector<16xi32>], vector<16xf32>,
      %xor3A_365 = arith.constant 17 : i32
      %xor3A_366 = vector.broadcast %xor3A_365 : i32 to vector<16xi32>
      %xor3A_367 = arith.xori %iota3A, %xor3A_366 : vector<16xi32>
      %gather3A_368 = tpu.vector_load_idx %arg7[%add3A_173, %xor3A_367] : memref<512x32xf32, #tpu.memory_space<vmem>>[vector<16xi32>, vector<16xi32>], vector<16xf32>,
      %shift_right_arithmetic3A_369 = arith.constant 3 : i32
      %shift_right_arithmetic3A_370 = vector.broadcast %shift_right_arithmetic3A_369 : i32 to vector<16xi32>
      %shift_right_arithmetic3A_371 = arith.shrsi %xor3A_367, %shift_right_arithmetic3A_370 : vector<16xi32>
      %and3A_372 = arith.constant 7 : i32
      %and3A_373 = vector.broadcast %and3A_372 : i32 to vector<16xi32>
      %and3A_374 = arith.andi %xor3A_367, %and3A_373 : vector<16xi32>
      tpu.vector_store_idx %arg9[%shift_right_arithmetic3A_371, %add3A_191, %and3A_374, %add3A_197], %gather3A_368 : memref<4x4x8x128xf32, #tpu.memory_space<vmem>>[vector<16xi32>, vector<16xi32>, vector<16xi32>, vector<16xi32>], vector<16xf32>,
      %xor3A_375 = arith.constant 18 : i32
      %xor3A_376 = vector.broadcast %xor3A_375 : i32 to vector<16xi32>
      %xor3A_377 = arith.xori %iota3A, %xor3A_376 : vector<16xi32>
      %gather3A_378 = tpu.vector_load_idx %arg7[%add3A_173, %xor3A_377] : memref<512x32xf32, #tpu.memory_space<vmem>>[vector<16xi32>, vector<16xi32>], vector<16xf32>,
      %shift_right_arithmetic3A_379 = arith.constant 3 : i32
      %shift_right_arithmetic3A_380 = vector.broadcast %shift_right_arithmetic3A_379 : i32 to vector<16xi32>
      %shift_right_arithmetic3A_381 = arith.shrsi %xor3A_377, %shift_right_arithmetic3A_380 : vector<16xi32>
      %and3A_382 = arith.constant 7 : i32
      %and3A_383 = vector.broadcast %and3A_382 : i32 to vector<16xi32>
      %and3A_384 = arith.andi %xor3A_377, %and3A_383 : vector<16xi32>
      tpu.vector_store_idx %arg9[%shift_right_arithmetic3A_381, %add3A_191, %and3A_384, %add3A_197], %gather3A_378 : memref<4x4x8x128xf32, #tpu.memory_space<vmem>>[vector<16xi32>, vector<16xi32>, vector<16xi32>, vector<16xi32>], vector<16xf32>,
      %xor3A_385 = arith.constant 19 : i32
      %xor3A_386 = vector.broadcast %xor3A_385 : i32 to vector<16xi32>
      %xor3A_387 = arith.xori %iota3A, %xor3A_386 : vector<16xi32>
      %gather3A_388 = tpu.vector_load_idx %arg7[%add3A_173, %xor3A_387] : memref<512x32xf32, #tpu.memory_space<vmem>>[vector<16xi32>, vector<16xi32>], vector<16xf32>,
      %shift_right_arithmetic3A_389 = arith.constant 3 : i32
      %shift_right_arithmetic3A_390 = vector.broadcast %shift_right_arithmetic3A_389 : i32 to vector<16xi32>
      %shift_right_arithmetic3A_391 = arith.shrsi %xor3A_387, %shift_right_arithmetic3A_390 : vector<16xi32>
      %and3A_392 = arith.constant 7 : i32
      %and3A_393 = vector.broadcast %and3A_392 : i32 to vector<16xi32>
      %and3A_394 = arith.andi %xor3A_387, %and3A_393 : vector<16xi32>
      tpu.vector_store_idx %arg9[%shift_right_arithmetic3A_391, %add3A_191, %and3A_394, %add3A_197], %gather3A_388 : memref<4x4x8x128xf32, #tpu.memory_space<vmem>>[vector<16xi32>, vector<16xi32>, vector<16xi32>, vector<16xi32>], vector<16xf32>,
      %xor3A_395 = arith.constant 20 : i32
      %xor3A_396 = vector.broadcast %xor3A_395 : i32 to vector<16xi32>
      %xor3A_397 = arith.xori %iota3A, %xor3A_396 : vector<16xi32>
      %gather3A_398 = tpu.vector_load_idx %arg7[%add3A_173, %xor3A_397] : memref<512x32xf32, #tpu.memory_space<vmem>>[vector<16xi32>, vector<16xi32>], vector<16xf32>,
      %shift_right_arithmetic3A_399 = arith.constant 3 : i32
      %shift_right_arithmetic3A_400 = vector.broadcast %shift_right_arithmetic3A_399 : i32 to vector<16xi32>
      %shift_right_arithmetic3A_401 = arith.shrsi %xor3A_397, %shift_right_arithmetic3A_400 : vector<16xi32>
      %and3A_402 = arith.constant 7 : i32
      %and3A_403 = vector.broadcast %and3A_402 : i32 to vector<16xi32>
      %and3A_404 = arith.andi %xor3A_397, %and3A_403 : vector<16xi32>
      tpu.vector_store_idx %arg9[%shift_right_arithmetic3A_401, %add3A_191, %and3A_404, %add3A_197], %gather3A_398 : memref<4x4x8x128xf32, #tpu.memory_space<vmem>>[vector<16xi32>, vector<16xi32>, vector<16xi32>, vector<16xi32>], vector<16xf32>,
      %xor3A_405 = arith.constant 21 : i32
      %xor3A_406 = vector.broadcast %xor3A_405 : i32 to vector<16xi32>
      %xor3A_407 = arith.xori %iota3A, %xor3A_406 : vector<16xi32>
      %gather3A_408 = tpu.vector_load_idx %arg7[%add3A_173, %xor3A_407] : memref<512x32xf32, #tpu.memory_space<vmem>>[vector<16xi32>, vector<16xi32>], vector<16xf32>,
      %shift_right_arithmetic3A_409 = arith.constant 3 : i32
      %shift_right_arithmetic3A_410 = vector.broadcast %shift_right_arithmetic3A_409 : i32 to vector<16xi32>
      %shift_right_arithmetic3A_411 = arith.shrsi %xor3A_407, %shift_right_arithmetic3A_410 : vector<16xi32>
      %and3A_412 = arith.constant 7 : i32
      %and3A_413 = vector.broadcast %and3A_412 : i32 to vector<16xi32>
      %and3A_414 = arith.andi %xor3A_407, %and3A_413 : vector<16xi32>
      tpu.vector_store_idx %arg9[%shift_right_arithmetic3A_411, %add3A_191, %and3A_414, %add3A_197], %gather3A_408 : memref<4x4x8x128xf32, #tpu.memory_space<vmem>>[vector<16xi32>, vector<16xi32>, vector<16xi32>, vector<16xi32>], vector<16xf32>,
      %xor3A_415 = arith.constant 22 : i32
      %xor3A_416 = vector.broadcast %xor3A_415 : i32 to vector<16xi32>
      %xor3A_417 = arith.xori %iota3A, %xor3A_416 : vector<16xi32>
      %gather3A_418 = tpu.vector_load_idx %arg7[%add3A_173, %xor3A_417] : memref<512x32xf32, #tpu.memory_space<vmem>>[vector<16xi32>, vector<16xi32>], vector<16xf32>,
      %shift_right_arithmetic3A_419 = arith.constant 3 : i32
      %shift_right_arithmetic3A_420 = vector.broadcast %shift_right_arithmetic3A_419 : i32 to vector<16xi32>
      %shift_right_arithmetic3A_421 = arith.shrsi %xor3A_417, %shift_right_arithmetic3A_420 : vector<16xi32>
      %and3A_422 = arith.constant 7 : i32
      %and3A_423 = vector.broadcast %and3A_422 : i32 to vector<16xi32>
      %and3A_424 = arith.andi %xor3A_417, %and3A_423 : vector<16xi32>
      tpu.vector_store_idx %arg9[%shift_right_arithmetic3A_421, %add3A_191, %and3A_424, %add3A_197], %gather3A_418 : memref<4x4x8x128xf32, #tpu.memory_space<vmem>>[vector<16xi32>, vector<16xi32>, vector<16xi32>, vector<16xi32>], vector<16xf32>,
      %xor3A_425 = arith.constant 23 : i32
      %xor3A_426 = vector.broadcast %xor3A_425 : i32 to vector<16xi32>
      %xor3A_427 = arith.xori %iota3A, %xor3A_426 : vector<16xi32>
      %gather3A_428 = tpu.vector_load_idx %arg7[%add3A_173, %xor3A_427] : memref<512x32xf32, #tpu.memory_space<vmem>>[vector<16xi32>, vector<16xi32>], vector<16xf32>,
      %shift_right_arithmetic3A_429 = arith.constant 3 : i32
      %shift_right_arithmetic3A_430 = vector.broadcast %shift_right_arithmetic3A_429 : i32 to vector<16xi32>
      %shift_right_arithmetic3A_431 = arith.shrsi %xor3A_427, %shift_right_arithmetic3A_430 : vector<16xi32>
      %and3A_432 = arith.constant 7 : i32
      %and3A_433 = vector.broadcast %and3A_432 : i32 to vector<16xi32>
      %and3A_434 = arith.andi %xor3A_427, %and3A_433 : vector<16xi32>
      tpu.vector_store_idx %arg9[%shift_right_arithmetic3A_431, %add3A_191, %and3A_434, %add3A_197], %gather3A_428 : memref<4x4x8x128xf32, #tpu.memory_space<vmem>>[vector<16xi32>, vector<16xi32>, vector<16xi32>, vector<16xi32>], vector<16xf32>,
      %xor3A_435 = arith.constant 24 : i32
      %xor3A_436 = vector.broadcast %xor3A_435 : i32 to vector<16xi32>
      %xor3A_437 = arith.xori %iota3A, %xor3A_436 : vector<16xi32>
      %gather3A_438 = tpu.vector_load_idx %arg7[%add3A_173, %xor3A_437] : memref<512x32xf32, #tpu.memory_space<vmem>>[vector<16xi32>, vector<16xi32>], vector<16xf32>,
      %shift_right_arithmetic3A_439 = arith.constant 3 : i32
      %shift_right_arithmetic3A_440 = vector.broadcast %shift_right_arithmetic3A_439 : i32 to vector<16xi32>
      %shift_right_arithmetic3A_441 = arith.shrsi %xor3A_437, %shift_right_arithmetic3A_440 : vector<16xi32>
      %and3A_442 = arith.constant 7 : i32
      %and3A_443 = vector.broadcast %and3A_442 : i32 to vector<16xi32>
      %and3A_444 = arith.andi %xor3A_437, %and3A_443 : vector<16xi32>
      tpu.vector_store_idx %arg9[%shift_right_arithmetic3A_441, %add3A_191, %and3A_444, %add3A_197], %gather3A_438 : memref<4x4x8x128xf32, #tpu.memory_space<vmem>>[vector<16xi32>, vector<16xi32>, vector<16xi32>, vector<16xi32>], vector<16xf32>,
      %xor3A_445 = arith.constant 25 : i32
      %xor3A_446 = vector.broadcast %xor3A_445 : i32 to vector<16xi32>
      %xor3A_447 = arith.xori %iota3A, %xor3A_446 : vector<16xi32>
      %gather3A_448 = tpu.vector_load_idx %arg7[%add3A_173, %xor3A_447] : memref<512x32xf32, #tpu.memory_space<vmem>>[vector<16xi32>, vector<16xi32>], vector<16xf32>,
      %shift_right_arithmetic3A_449 = arith.constant 3 : i32
      %shift_right_arithmetic3A_450 = vector.broadcast %shift_right_arithmetic3A_449 : i32 to vector<16xi32>
      %shift_right_arithmetic3A_451 = arith.shrsi %xor3A_447, %shift_right_arithmetic3A_450 : vector<16xi32>
      %and3A_452 = arith.constant 7 : i32
      %and3A_453 = vector.broadcast %and3A_452 : i32 to vector<16xi32>
      %and3A_454 = arith.andi %xor3A_447, %and3A_453 : vector<16xi32>
      tpu.vector_store_idx %arg9[%shift_right_arithmetic3A_451, %add3A_191, %and3A_454, %add3A_197], %gather3A_448 : memref<4x4x8x128xf32, #tpu.memory_space<vmem>>[vector<16xi32>, vector<16xi32>, vector<16xi32>, vector<16xi32>], vector<16xf32>,
      %xor3A_455 = arith.constant 26 : i32
      %xor3A_456 = vector.broadcast %xor3A_455 : i32 to vector<16xi32>
      %xor3A_457 = arith.xori %iota3A, %xor3A_456 : vector<16xi32>
      %gather3A_458 = tpu.vector_load_idx %arg7[%add3A_173, %xor3A_457] : memref<512x32xf32, #tpu.memory_space<vmem>>[vector<16xi32>, vector<16xi32>], vector<16xf32>,
      %shift_right_arithmetic3A_459 = arith.constant 3 : i32
      %shift_right_arithmetic3A_460 = vector.broadcast %shift_right_arithmetic3A_459 : i32 to vector<16xi32>
      %shift_right_arithmetic3A_461 = arith.shrsi %xor3A_457, %shift_right_arithmetic3A_460 : vector<16xi32>
      %and3A_462 = arith.constant 7 : i32
      %and3A_463 = vector.broadcast %and3A_462 : i32 to vector<16xi32>
      %and3A_464 = arith.andi %xor3A_457, %and3A_463 : vector<16xi32>
      tpu.vector_store_idx %arg9[%shift_right_arithmetic3A_461, %add3A_191, %and3A_464, %add3A_197], %gather3A_458 : memref<4x4x8x128xf32, #tpu.memory_space<vmem>>[vector<16xi32>, vector<16xi32>, vector<16xi32>, vector<16xi32>], vector<16xf32>,
      %xor3A_465 = arith.constant 27 : i32
      %xor3A_466 = vector.broadcast %xor3A_465 : i32 to vector<16xi32>
      %xor3A_467 = arith.xori %iota3A, %xor3A_466 : vector<16xi32>
      %gather3A_468 = tpu.vector_load_idx %arg7[%add3A_173, %xor3A_467] : memref<512x32xf32, #tpu.memory_space<vmem>>[vector<16xi32>, vector<16xi32>], vector<16xf32>,
      %shift_right_arithmetic3A_469 = arith.constant 3 : i32
      %shift_right_arithmetic3A_470 = vector.broadcast %shift_right_arithmetic3A_469 : i32 to vector<16xi32>
      %shift_right_arithmetic3A_471 = arith.shrsi %xor3A_467, %shift_right_arithmetic3A_470 : vector<16xi32>
      %and3A_472 = arith.constant 7 : i32
      %and3A_473 = vector.broadcast %and3A_472 : i32 to vector<16xi32>
      %and3A_474 = arith.andi %xor3A_467, %and3A_473 : vector<16xi32>
      tpu.vector_store_idx %arg9[%shift_right_arithmetic3A_471, %add3A_191, %and3A_474, %add3A_197], %gather3A_468 : memref<4x4x8x128xf32, #tpu.memory_space<vmem>>[vector<16xi32>, vector<16xi32>, vector<16xi32>, vector<16xi32>], vector<16xf32>,
      %xor3A_475 = arith.constant 28 : i32
      %xor3A_476 = vector.broadcast %xor3A_475 : i32 to vector<16xi32>
      %xor3A_477 = arith.xori %iota3A, %xor3A_476 : vector<16xi32>
      %gather3A_478 = tpu.vector_load_idx %arg7[%add3A_173, %xor3A_477] : memref<512x32xf32, #tpu.memory_space<vmem>>[vector<16xi32>, vector<16xi32>], vector<16xf32>,
      %shift_right_arithmetic3A_479 = arith.constant 3 : i32
      %shift_right_arithmetic3A_480 = vector.broadcast %shift_right_arithmetic3A_479 : i32 to vector<16xi32>
      %shift_right_arithmetic3A_481 = arith.shrsi %xor3A_477, %shift_right_arithmetic3A_480 : vector<16xi32>
      %and3A_482 = arith.constant 7 : i32
      %and3A_483 = vector.broadcast %and3A_482 : i32 to vector<16xi32>
      %and3A_484 = arith.andi %xor3A_477, %and3A_483 : vector<16xi32>
      tpu.vector_store_idx %arg9[%shift_right_arithmetic3A_481, %add3A_191, %and3A_484, %add3A_197], %gather3A_478 : memref<4x4x8x128xf32, #tpu.memory_space<vmem>>[vector<16xi32>, vector<16xi32>, vector<16xi32>, vector<16xi32>], vector<16xf32>,
      %xor3A_485 = arith.constant 29 : i32
      %xor3A_486 = vector.broadcast %xor3A_485 : i32 to vector<16xi32>
      %xor3A_487 = arith.xori %iota3A, %xor3A_486 : vector<16xi32>
      %gather3A_488 = tpu.vector_load_idx %arg7[%add3A_173, %xor3A_487] : memref<512x32xf32, #tpu.memory_space<vmem>>[vector<16xi32>, vector<16xi32>], vector<16xf32>,
      %shift_right_arithmetic3A_489 = arith.constant 3 : i32
      %shift_right_arithmetic3A_490 = vector.broadcast %shift_right_arithmetic3A_489 : i32 to vector<16xi32>
      %shift_right_arithmetic3A_491 = arith.shrsi %xor3A_487, %shift_right_arithmetic3A_490 : vector<16xi32>
      %and3A_492 = arith.constant 7 : i32
      %and3A_493 = vector.broadcast %and3A_492 : i32 to vector<16xi32>
      %and3A_494 = arith.andi %xor3A_487, %and3A_493 : vector<16xi32>
      tpu.vector_store_idx %arg9[%shift_right_arithmetic3A_491, %add3A_191, %and3A_494, %add3A_197], %gather3A_488 : memref<4x4x8x128xf32, #tpu.memory_space<vmem>>[vector<16xi32>, vector<16xi32>, vector<16xi32>, vector<16xi32>], vector<16xf32>,
      %xor3A_495 = arith.constant 30 : i32
      %xor3A_496 = vector.broadcast %xor3A_495 : i32 to vector<16xi32>
      %xor3A_497 = arith.xori %iota3A, %xor3A_496 : vector<16xi32>
      %gather3A_498 = tpu.vector_load_idx %arg7[%add3A_173, %xor3A_497] : memref<512x32xf32, #tpu.memory_space<vmem>>[vector<16xi32>, vector<16xi32>], vector<16xf32>,
      %shift_right_arithmetic3A_499 = arith.constant 3 : i32
      %shift_right_arithmetic3A_500 = vector.broadcast %shift_right_arithmetic3A_499 : i32 to vector<16xi32>
      %shift_right_arithmetic3A_501 = arith.shrsi %xor3A_497, %shift_right_arithmetic3A_500 : vector<16xi32>
      %and3A_502 = arith.constant 7 : i32
      %and3A_503 = vector.broadcast %and3A_502 : i32 to vector<16xi32>
      %and3A_504 = arith.andi %xor3A_497, %and3A_503 : vector<16xi32>
      tpu.vector_store_idx %arg9[%shift_right_arithmetic3A_501, %add3A_191, %and3A_504, %add3A_197], %gather3A_498 : memref<4x4x8x128xf32, #tpu.memory_space<vmem>>[vector<16xi32>, vector<16xi32>, vector<16xi32>, vector<16xi32>], vector<16xf32>,
      %xor3A_505 = arith.constant 31 : i32
      %xor3A_506 = vector.broadcast %xor3A_505 : i32 to vector<16xi32>
      %xor3A_507 = arith.xori %iota3A, %xor3A_506 : vector<16xi32>
      %gather3A_508 = tpu.vector_load_idx %arg7[%add3A_173, %xor3A_507] : memref<512x32xf32, #tpu.memory_space<vmem>>[vector<16xi32>, vector<16xi32>], vector<16xf32>,
      %shift_right_arithmetic3A_509 = arith.constant 3 : i32
      %shift_right_arithmetic3A_510 = vector.broadcast %shift_right_arithmetic3A_509 : i32 to vector<16xi32>
      %shift_right_arithmetic3A_511 = arith.shrsi %xor3A_507, %shift_right_arithmetic3A_510 : vector<16xi32>
      %and3A_512 = arith.constant 7 : i32
      %and3A_513 = vector.broadcast %and3A_512 : i32 to vector<16xi32>
      %and3A_514 = arith.andi %xor3A_507, %and3A_513 : vector<16xi32>
      tpu.vector_store_idx %arg9[%shift_right_arithmetic3A_511, %add3A_191, %and3A_514, %add3A_197], %gather3A_508 : memref<4x4x8x128xf32, #tpu.memory_space<vmem>>[vector<16xi32>, vector<16xi32>, vector<16xi32>, vector<16xi32>], vector<16xf32>,
    }
    %scan3A_138 = arith.constant 32 : i32
    %mul3A_139 = arith.constant 4 : i32
    %mul3A_140 = arith.muli %add3A, %mul3A_139 : i32
    %dma_start3A_141 = arith.constant 196 : i32
    %dma_start3A_142 = arith.constant 0 : i32
    %dma_start3A_143 = arith.constant 0 : i32
    %dma_start3A_144 = tpu.memref_slice %arg4[%dma_start3A_141, %mul3A_140, %dma_start3A_142, %dma_start3A_143] : memref<200x128x8x128xf32, #tpu.memory_space<hbm>> -> memref<4x4x8x128xf32, #tpu.memory_space<hbm>>
    %dma_start3A_145 = arith.constant 196 : i32
    %dma_start3A_146 = arith.constant 0 : i32
    %dma_start3A_147 = arith.constant 0 : i32
    %dma_start3A_148 = tpu.memref_slice %arg4[%dma_start3A_145, %mul3A_140, %dma_start3A_146, %dma_start3A_147] : memref<200x128x8x128xf32, #tpu.memory_space<hbm>> -> memref<4x4x8x128xf32, #tpu.memory_space<hbm>>
    tpu.enqueue_dma source(%arg9 : memref<4x4x8x128xf32, #tpu.memory_space<vmem>>) target(%dma_start3A_148 : memref<4x4x8x128xf32, #tpu.memory_space<hbm>>) target_semaphore(%arg13 : memref<!tpu.dma_semaphore, #tpu.memory_space<semaphore_mem>>)
    %mul3A_149 = arith.constant 4 : i32
    %mul3A_150 = arith.muli %add3A, %mul3A_149 : i32
    %dma_wait3A_151 = arith.constant 192 : i32
    %dma_wait3A_152 = arith.constant 0 : i32
    %dma_wait3A_153 = arith.constant 0 : i32
    %dma_wait3A_154 = tpu.memref_slice %arg4[%dma_wait3A_151, %mul3A_150, %dma_wait3A_152, %dma_wait3A_153] : memref<200x128x8x128xf32, #tpu.memory_space<hbm>> -> memref<4x4x8x128xf32, #tpu.memory_space<hbm>>
    %dma_wait3A_155 = arith.constant 192 : i32
    %dma_wait3A_156 = arith.constant 0 : i32
    %dma_wait3A_157 = arith.constant 0 : i32
    %dma_wait3A_158 = tpu.memref_slice %arg4[%dma_wait3A_155, %mul3A_150, %dma_wait3A_156, %dma_wait3A_157] : memref<200x128x8x128xf32, #tpu.memory_space<hbm>> -> memref<4x4x8x128xf32, #tpu.memory_space<hbm>>
    tpu.wait_dma2 semaphore(%arg12 : memref<!tpu.dma_semaphore, #tpu.memory_space<semaphore_mem>>) src(%arg8 : memref<4x4x8x128xf32, #tpu.memory_space<vmem>>) dst(%dma_wait3A_158 : memref<4x4x8x128xf32, #tpu.memory_space<hbm>>)
    %mul3A_159 = arith.constant 4 : i32
    %mul3A_160 = arith.muli %add3A, %mul3A_159 : i32
    %dma_wait3A_161 = arith.constant 196 : i32
    %dma_wait3A_162 = arith.constant 0 : i32
    %dma_wait3A_163 = arith.constant 0 : i32
    %dma_wait3A_164 = tpu.memref_slice %arg4[%dma_wait3A_161, %mul3A_160, %dma_wait3A_162, %dma_wait3A_163] : memref<200x128x8x128xf32, #tpu.memory_space<hbm>> -> memref<4x4x8x128xf32, #tpu.memory_space<hbm>>
    %dma_wait3A_165 = arith.constant 196 : i32
    %dma_wait3A_166 = arith.constant 0 : i32
    %dma_wait3A_167 = arith.constant 0 : i32
    %dma_wait3A_168 = tpu.memref_slice %arg4[%dma_wait3A_165, %mul3A_160, %dma_wait3A_166, %dma_wait3A_167] : memref<200x128x8x128xf32, #tpu.memory_space<hbm>> -> memref<4x4x8x128xf32, #tpu.memory_space<hbm>>
    tpu.wait_dma2 semaphore(%arg13 : memref<!tpu.dma_semaphore, #tpu.memory_space<semaphore_mem>>) src(%arg9 : memref<4x4x8x128xf32, #tpu.memory_space<vmem>>) dst(%dma_wait3A_168 : memref<4x4x8x128xf32, #tpu.memory_space<hbm>>)
    return
  }
}

</mosaic_0001>

<sc_bundles>
// kernel: kernel.3.cloned.1.call-start
scs
__scs_entry_jumppad:
0x0: {  	(pc) =	sbr.rel $0x88, $3  }
0x1: {  	(tag) =	ssettag $0x0;
	lr =	simm.s32 $0x1  }
0x2: {  	[smem:$0x3F9F] =	sst lr;
	_ =	strace $0xD0000000  }
0x3: {  	_ = 	snop  }
0x4: {  	_ = 	snop  }
0x5: {  	_ = 	snop  }
0x6: {  	_ = 	snop  }
0x7: {  	_ = 	snop  }
__scs_overlays_trampoline_lowered:
0x8: {  	[smem:$0x3FAE] =	sst s0  }
0x9: {  	[smem:$0x3FAF] =	sst s1  }
0xa: {  	[smem:$0x3FB0] =	sst s2  }
0xb: {  	[smem:$0x3FB1] =	sst s3  }
0xc: {  	[smem:$0x3FB2] =	sst s4  }
0xd: {  	[smem:$0x3FB3] =	sst s5  }
0xe: {  	[smem:$0x3FB4] =	sst s6  }
0xf: {  	[smem:$0x3FB5] =	sst s7  }
0x10: {  	[smem:$0x3FB6] =	sst s8  }
0x11: {  	[smem:$0x3FB7] =	sst s9;
	s0 =	simm.s32 @!p0 $0x0  }
0x12: {  	s1 =	sld [smem:$0x3F9D];
	s0 =	simm.s32 @p0 $0x1  }
0x13: {  	[smem:$0x3FB8] =	sst s0;
	s0 =	simm.s32 @!p1 $0x0  }
0x14: {  	s2 =	sld [smem:$0x3F9C];
	s0 =	simm.s32 @p1 $0x1  }
0x15: {  	[smem:$0x3FB9] =	sst s0;
	s0 =	simm.s32 @!p2 $0x0  }
0x16: {  	s3 =	sld [smem:$0x3FDB];
	s0 =	simm.s32 @p2 $0x1  }
0x17: {  	s4 =	simm.s32 $0x1BF5;
	[smem:$0x3FBB] =	sst s0  }
0x18: {  	s0 =	sld [smem:$0x3F9E];
	_ =	swait.ge [sflag:s4], $0x0  }
0x19: {  	s7 =	sld [smem:$0x3F9F]  }
0x1a: {  	s8 =	sadd.s32 $0xFFFFE003, lr  }
0x1b: {  	s9 =	sadd.s32 $0xFFFFFEF7, lr;
	s5 =	simm.s32 $0xFFFFFFFF;
	p2 =	slt.u32 s8, $0xFFFFF086  }
0x1c: {  	p1 =	slt.u32 s9, $0xF7A;
	s5 =	simm.s32 @!p2 $0x0  }
0x1d: {  	s5 =	simm.s32 @p1 $0x1;
	p0 =	seq.s32 s7, s2  }
0x1e: {  	s7 =	smul.u32 @!p0 $0xF7A, s2;
	p2 =	seq.s32 @!p0 s5, $0x0  }
0x1f: {  	s9 =	smul.u32 $0xF7A, s1;
	s8 =	simm.s32 @!p0 $0x1BF5;
	p2 =	por !p2, p0  }
0x20: {  	[sflag:s8] =	ssyncset.s32 @!p0 $0xFFFFF086;
	s6 =	sadd.s32 @!p0 s3, s7;
	s7 =	simm.s32 @!p0 $0x108  }
0x21: {  	s3 =	sadd.s32 s3, s9;
	s6 =	sadd.s32 @!p0 $0x88, s6;
	s7 =	simm.s32 @p2 $0x1082  }
0x22: {  	[simem:s7], [sflag:s8] =	dma.local @!p0 [hbm:s6], $0xF7A  }
0x23: {  	s9 =	sor.u32 $0xD0000000, s2;
	s6 =	simm.s32 $0x108;
	_ =	swait.ge @!p0 [sflag:s8], $0x0  }
0x24: {  	s3 =	sadd.s32 $0x88, s3;
	s6 =	simm.s32 @!p1 $0x1082;
	[sflag:s4] =	ssyncset.s32 $0xFFFFF086  }
0x25: {  	[simem:s6], [sflag:s4] =	dma.local [hbm:s3], $0xF7A  }
0x26: {  	[smem:$0x3F9F] =	sst s1;
	(tag) =	ssettag s2;
	_ =	strace s9  }
0x27: {  	s1 =	sld [smem:$0x3FAF]  }
0x28: {  	s2 =	sld [smem:$0x3FB0]  }
0x29: {  	s4 =	sld [smem:$0x3FB2]  }
0x2a: {  	p0 =	seq.s32 s5, $0x0;
	s5 =	sld [smem:$0x3FB3]  }
0x2b: {  	s6 =	sld [smem:$0x3FB4]  }
0x2c: {  	s7 =	sld [smem:$0x3FB5]  }
0x2d: {  	s3 =	simm.s32 $0x108;
	s8 =	sld [smem:$0x3FB6]  }
0x2e: {  	s3 =	simm.s32 @!p0 $0x1082;
	s9 =	sld [smem:$0x3FB7]  }
0x2f: {  	lr =	sadd.s32 s0, s3;
	s0 =	sld [smem:$0x3FAE]  }
0x30: {  	s3 =	sld [smem:$0x3FB1]  }
0x31: {  	[smem:$0x3FBA] =	sst s10  }
0x32: {  	s10 =	sld [smem:$0x3FB8];
	_ =	sdelay $0x3  }
0x33: {  	p0 =	seq.s32 s10, $0x1;
	s10 =	sld [smem:$0x3FBA];
	_ =	sdelay $0x3  }
0x34: {  	[smem:$0x3FBA] =	sst s10  }
0x35: {  	s10 =	sld [smem:$0x3FB9];
	_ =	sdelay $0x3  }
0x36: {  	p1 =	seq.s32 s10, $0x1;
	s10 =	sld [smem:$0x3FBA];
	_ =	sdelay $0x3  }
0x37: {  	[smem:$0x3FBA] =	sst s10  }
0x38: {  	s10 =	sld [smem:$0x3FBB]  }
0x39: {  	_ = 	snop;
	(pc) =	sbr.ind lr, $3  }
0x3a: {  	_ = 	snop  }
0x3b: {  	_ = 	snop  }
0x3c: {  	p2 =	seq.s32 s10, $0x1;
	s10 =	sld [smem:$0x3FBA]  }
0x3d: {  	_ =	shalt  }
0x3e: {  	_ =	shalt  }
0x3f: {  	_ =	shalt  }
0x40: {  	_ =	shalt  }
0x41: {  	_ =	shalt  }
0x42: {  	_ =	shalt  }
0x43: {  	_ =	shalt  }
0x44: {  	_ =	shalt  }
0x45: {  	_ =	shalt  }
0x46: {  	_ =	shalt  }
0x47: {  	_ =	shalt  }
0x48: {  	_ =	shalt  }
0x49: {  	_ =	shalt  }
0x4a: {  	_ =	shalt  }
0x4b: {  	_ =	shalt  }
0x4c: {  	_ =	shalt  }
0x4d: {  	_ =	shalt  }
0x4e: {  	_ =	shalt  }
0x4f: {  	_ =	shalt  }
0x50: {  	_ =	shalt  }
0x51: {  	_ =	shalt  }
0x52: {  	_ =	shalt  }
0x53: {  	_ =	shalt  }
0x54: {  	_ =	shalt  }
0x55: {  	_ =	shalt  }
0x56: {  	_ =	shalt  }
0x57: {  	_ =	shalt  }
0x58: {  	_ =	shalt  }
0x59: {  	_ =	shalt  }
0x5a: {  	_ =	shalt  }
0x5b: {  	_ =	shalt  }
0x5c: {  	_ =	shalt  }
0x5d: {  	_ =	shalt  }
0x5e: {  	_ =	shalt  }
0x5f: {  	_ =	shalt  }
0x60: {  	_ =	shalt  }
0x61: {  	_ =	shalt  }
0x62: {  	_ =	shalt  }
0x63: {  	_ =	shalt  }
0x64: {  	_ =	shalt  }
0x65: {  	_ =	shalt  }
0x66: {  	_ =	shalt  }
0x67: {  	_ =	shalt  }
0x68: {  	_ =	shalt  }
0x69: {  	_ =	shalt  }
0x6a: {  	_ =	shalt  }
0x6b: {  	_ =	shalt  }
0x6c: {  	_ =	shalt  }
0x6d: {  	_ =	shalt  }
0x6e: {  	_ =	shalt  }
0x6f: {  	_ =	shalt  }
0x70: {  	_ =	shalt  }
0x71: {  	_ =	shalt  }
0x72: {  	_ =	shalt  }
0x73: {  	_ =	shalt  }
0x74: {  	_ =	shalt  }
0x75: {  	_ =	shalt  }
0x76: {  	_ =	shalt  }
0x77: {  	_ =	shalt  }
0x78: {  	_ =	shalt  }
0x79: {  	_ =	shalt  }
0x7a: {  	_ =	shalt  }
0x7b: {  	_ =	shalt  }
0x7c: {  	_ =	shalt  }
0x7d: {  	_ =	shalt  }
0x7e: {  	_ =	shalt  }
0x7f: {  	_ =	shalt  }
0x80: {  	_ =	shalt  }
0x81: {  	_ =	shalt  }
0x82: {  	_ =	shalt  }
0x83: {  	_ =	shalt  }
0x84: {  	_ =	shalt  }
0x85: {  	_ =	shalt  }
0x86: {  	_ =	shalt  }
0x87: {  	_ =	shalt  }
.Lfunc_end0:
.L_simem_size_0:
called_computation_lowered:
.L_overlay_start_0:
0x88: {  	s2 =	sld [smem:$0x3FD9]  }
0x89: {  	s3 =	sld [smem:$0x3FFE];
	_ =	sdelay $0x1  }
0x8a: {  	s1 =	srdreg.scid  }
0x8b: {  	s0 =	sand.u32 $0x1, s1  }
0x8c: {  	s17 =	sshll.u32 s0, $0xA;
	s2 =	sadd.s32 s3, s2  }
0x8d: {  	s2 =	sadd.s32 s2, s17  }
0x8e: {  	[smem:$0x3FC6] =	sst s2  }
0x8f: {  	_ = 	snop  }
0x90: {  	s2 =	sld [smem:$0x3FD0];
	(tm) =	ssettm $0x1  }
0x91: {  	s18 =	sld [smem:$0x3FFB];
	_ =	sdelay $0x3  }
0x92: {  	_ =	strace s18  }
0x93: {  	s3 =	sld [smem:$0x3FFC];
	_ =	sdelay $0x3  }
0x94: {  	_ =	strace s3  }
0x95: {  	s3 =	sld [smem:$0x3FFD];
	_ =	sdelay $0x3  }
0x96: {  	_ =	strace s3  }
0x97: {  	_ =	strace $0x8FFFFFFF  }
0x98: {  	s19 =	sld [smem:$0x3FDB];
	_ =	sdelay $0x1  }
0x99: {  	s4 =	simm.s32 $_scs_section_size  }
0x9a: {  	s5 =	simm.s32 $_size__tile_overlayer_lowered;
	s6 =	simm.s32 $_tile_overlayer_lowered  }
0x9b: {  	s22 =	simm.s32 $0x1BFF;
	s21 =	sshll.u32 s6, $0x1;
	s3 =	sadd.s32 s4, s19  }
0x9c: {  	s7 =	simm.s32 $0x0;
	s20 =	sshll.u32 s5, $0x1;
	s5 =	sadd.s32 s21, s3  }
0x9d: {  	[timem:s7], [sflag:s22] =	dma.local [hbm:s5], s20  }
0x9e: {  	_ =	swait.ge [sflag:s22], s20  }
0x9f: {  	s4 =	ssub.s32 $0x0, s20;
	[sflag:s22] =	ssyncset.done $0x0  }
0xa0: {  	[sflag:s22] =	ssyncadd.s32 s4;
	_ =	sdelay $0x1  }
0xa1: {  	s23 =	simm.s32 $0x1B8B  }
0xa2: {  	_ =	swait.ge [sflag:s23], $0x1  }
0xa3: {  	[sflag:s23] =	ssyncset.done $0x0  }
0xa4: {  	s25 =	simm.s32 $0x1B8E;
	s24 =	sld [smem:$0x3FFE];
	[sflag:s23] =	ssyncadd.s32 $0xFFFFFFFF  }
0xa5: {  	s26 =	simm.s32 $execute0_lowered;
	[smem:$0x3FD2] =	sst s25  }
0xa6: {  	s5 =	sshll.u32 s26, $0x1;
	_ =	strace $0x80000046;
	[dreg:$0x1] =	wrdreg $0xFFFFFFFF  }
0xa7: {  	s28 =	simm.s32 $_size_execute0_lowered;
	s3 =	sadd.s32 s3, s5;
	[dreg:$0x0] =	wrdreg $0x0  }
0xa8: {  	s5 =	sshll.u32 s28, $0x1;
	[dreg:$0x2] =	wrdreg s3  }
0xa9: {  	[dreg:$0x3] =	wrdreg s5  }
0xaa: {  	[dreg:$0x4] =	wrdreg $0xC0  }
0xab: {  	_ =	task [dreg:s7], $0x5FFFF  }
0xac: {  	[dreg:$0x1] =	wrdreg $0xFFFFFFFF  }
0xad: {  	[dreg:$0x0] =	wrdreg $0x60  }
0xae: {  	[dreg:$0x2] =	wrdreg s24  }
0xaf: {  	[dreg:$0x3] =	wrdreg s2  }
0xb0: {  	[dreg:$0x4] =	wrdreg $0x9  }
0xb1: {  	_ =	task.clear_ibuf [dreg:s7], $0x5FFFF;
	_ =	strace $0x90000046  }
0xb2: {  	s29 =	simm.s32 $0x9;
	_ =	strace $0x80000048  }
0xb3: {  	_ =	swait.ge [sflag:s29], $0x1  }
0xb4: {  	[sflag:s29] =	ssyncadd.s32 $0xFFFFFFFF  }
0xb5: {  	_ =	strace $0x90000048  }
0xb6: {  	_ =	sfence  }
0xb7: {  	s30 =	sld [smem:$0x0];
	_ =	sdelay $0x2  }
0xb8: {  	s31 =	sshll.u32 s1, $0xD;
	s1 =	sshrl.u32 s1, $0x2  }
0xb9: {  	s3 =	sand.u32 $0x4000, s31;
	s1 =	sadd.s32 s1, s30  }
0xba: {  	s0 =	sor.u32 s3, s0;
	s1 =	sshll.u32 s1, $0x11  }
0xbb: {  	s0 =	sor.u32 s1, s0  }
0xbc: {  	s0 =	sadd.s32 $0x8F2B, s0  }
0xbd: {  	[sflag:s0] =	ssyncadd.remote.s32 $0x1  }
0xbe: {  	_ =	sfence.sel $0xFFFF  }
0xbf: {  	[dreg:$0x0] =	wrdreg $0xFFFFFFFF;
	(pc) =	sbr.abs _section_cstart, $3  }
0xc0: {  	[dreg:$0x1] =	wrdreg $0xFFFFFFFF  }
0xc1: {  	_ =	task.clear_ibuf [dreg:s7], $0x2FFFF;
	_ =	strace $0x9FFFFFFF  }
0xc2: {  	(tm) =	ssettm $0x7FFFFFFF  }
0xc3: {  	_ =	shalt  }
tec
execute0_lowered:
.L_overlay_start_1:
0x0: {  	(tag) =	ssettag $0x1  }
0x1: {  	v0 =	vimm.s32 $0x138F;
	vm15 =	vcmask $0x300;
	vm14 =	vcmask $0x704  }
0x2: {  	vm13 =	vcmask $0xB08;
	vm12 =	vcmask $0xF0C;
	vm11 =	vcmask $0x1310  }
0x3: {  	vm10 =	vcmask $0x1714;
	vm9 =	vcmask $0x1B18;
	vm8 =	vcmask $0x1F1C  }
0x4: {  	vm7 =	vcmask $0x2320;
	vm6 =	vcmask $0x2724;
	vm4 =	vcmask $0x2B28  }
0x5: {  	v1 =	vimm.s32 $0x130F;
	vm3 =	vcmask $0x2F2C;
	vm2 =	vcmask $0x3330  }
0x6: {  	v34 =	vlaneseq.u32;
	vm1 =	vcmask $0x3734;
	v2 =	vimm.s32 $0xEFCDAB89  }
0x7: {  	v3 =	vimm.s32 $0x67452301;
	v5 =	vimm.s32 $0x128F;
	vm5 =	vcmask $0x3B38  }
0x8: {  	v7 =	vimm.s32 $0x45670123;
	v9 =	vimm.s32 $0x32107654;
	v11 =	vimm.s32 $0x23016745  }
0x9: {  	v12 =	vimm.s32 $0x108F;
	v49 =	vimm.s32 $0x98BADCFE;
	v13 =	vimm.s32 $0x100F  }
0xa: {  	v14 =	vimm.s32 $0x10325476;
	v17 =	vimm.s32 $0x76543210;
	v57 =	vimm.s32 $0x20F  }
0xb: {  	v62 =	vimm.s32 $0x18F;
	v32 =	vimm.s32 $0x10F;
	v37 =	vimm.s32 $0x8F  }
0xc: {  	vm0 =	vcmask $0x1F10;
	v0 =	vsel vm15, $0x0, v0;
	v1 =	vsel vm15, $0x80, v1  }
0xd: {  	v2 =	vunpack.c.l.s4.s8 v2;
	v3 =	vunpack.c.l.s4.s8 v3;
	v7 =	vunpack.c.l.s4.s8 v7  }
0xe: {  	v9 =	vunpack.c.l.s4.s8 v9;
	v11 =	vunpack.c.l.s4.s8 v11;
	v13 =	vsel vm15, $0x380, v13  }
0xf: {  	v14 =	vunpack.c.l.s4.s8 v14;
	v17 =	vunpack.c.l.s4.s8 v17;
	v30 =	vmul.u32 $0x20, v34  }
0x10: {  	v0 =	vsel vm14, $0x81, v0;
	v1 =	vsel vm14, $0x1, v1;
	v13 =	vsel vm14, $0x301, v13  }
0x11: {  	v0 =	vsel vm13, $0x102, v0;
	v1 =	vsel vm13, $0x182, v1;
	v42 =	vunpack.c.0.s8.s32 v2  }
0x12: {  	v44 =	vunpack.c.0.s8.s32 v3;
	v3 =	vsel vm15, $0x100, v5;
	v22 =	vunpack.c.0.s8.s32 v7  }
0x13: {  	v25 =	vunpack.c.0.s8.s32 v9;
	v27 =	vunpack.c.0.s8.s32 v11;
	v0 =	vsel vm12, $0x183, v0  }
0x14: {  	v29 =	vunpack.c.0.s8.s32 v14;
	v14 =	vimm.s32 $0x1234567;
	v0 =	vsel vm11, $0x204, v0  }
0x15: {  	v17 =	vunpack.c.0.s8.s32 v17;
	v1 =	vsel vm12, $0x103, v1;
	v0 =	vsel vm10, $0x285, v0  }
0x16: {  	v3 =	vsel vm14, $0x181, v3;
	v14 =	vunpack.c.l.s4.s8 v14;
	v0 =	vsel vm9, $0x306, v0  }
0x17: {  	v1 =	vsel vm11, $0x284, v1;
	v5 =	vcombine.low v44, v42;
	v0 =	vsel vm8, $0x387, v0  }
0x18: {  	v3 =	vsel vm13, $0x2, v3;
	v1 =	vsel vm10, $0x205, v1;
	v0 =	vsel vm7, $0x1008, v0  }
0x19: {  	v3 =	vsel vm12, $0x83, v3;
	v14 =	vunpack.c.0.s8.s32 v14;
	v0 =	vsel vm6, $0x1089, v0  }
0x1a: {  	v43 =	vsel vm9, $0x386, v1;
	v3 =	vsel vm11, $0x304, v3;
	v0 =	vsel vm4, $0x110A, v0  }
0x1b: {  	v2 =	vsel vm8, $0x307, v43;
	v3 =	vsel vm10, $0x385, v3;
	v0 =	vsel vm3, $0x118B, v0  }
0x1c: {  	v43 =	vimm.s32 $0xF;
	v2 =	vsel vm7, $0x1088, v2;
	v0 =	vsel vm2, $0x120C, v0  }
0x1d: {  	v3 =	vsel vm9, $0x206, v3;
	v2 =	vsel vm6, $0x1009, v2;
	v4 =	vsel vm1, $0x128D, v0  }
0x1e: {  	v3 =	vsel vm8, $0x287, v3;
	v2 =	vsel vm4, $0x118A, v2;
	v4 =	vsel vm5, $0x130E, v4  }
0x1f: {  	v2 =	vsel vm3, $0x110B, v2;
	[tilespmem:$0x1FE30] =	vst v4;
	v4 =	vand.u32 $0xF, v5;
	v5 =	vimm.s32 $0x54761032  }
0x20: {  	v2 =	vsel vm2, $0x128C, v2;
	[tilespmem:$0x1FE40] =	vst v4;
	v4 =	vimm.s32 $0xDCFE98BA;
	v5 =	vunpack.c.l.s4.s8 v5  }
0x21: {  	v3 =	vsel vm7, $0x1108, v3;
	v2 =	vsel vm1, $0x120D, v2;
	v4 =	vunpack.c.l.s4.s8 v4  }
0x22: {  	v0 =	vand.u32 $0xF, v42;
	v2 =	vsel vm5, $0x138E, v2;
	v21 =	vunpack.c.0.s8.s32 v5  }
0x23: {  	v5 =	vsel vm6, $0x1189, v3;
	v20 =	vunpack.c.0.s8.s32 v4;
	v4 =	vimm.s32 $0x120F  }
0x24: {  	v3 =	vimm.s32 $0xCDEF89AB;
	v45 =	vsel vm4, $0x100A, v5;
	v4 =	vsel vm15, $0x180, v4  }
0x25: {  	[tilespmem:$0x1FE50] =	vst v2;
	v3 =	vunpack.c.l.s4.s8 v3;
	v2 =	vsel vm3, $0x108B, v45;
	v4 =	vsel vm14, $0x101, v4  }
0x26: {  	v5 =	vcombine.low v21, v20;
	v2 =	vsel vm2, $0x130C, v2;
	v4 =	vsel vm13, $0x82, v4  }
0x27: {  	v23 =	vunpack.c.0.s8.s32 v3;
	v3 =	vimm.s32 $0x118F;
	v4 =	vsel vm12, $0x3, v4  }
0x28: {  	v60 =	vand.u32 $0xF, v20;
	v2 =	vsel vm1, $0x138D, v2;
	v8 =	vsel vm11, $0x384, v4  }
0x29: {  	v3 =	vsel vm15, $0x200, v3;
	v4 =	vand.u32 $0xF, v5;
	v5 =	vsel vm10, $0x305, v8  }
0x2a: {  	v20 =	vcombine.low v60, v21;
	v3 =	vsel vm14, $0x281, v3;
	v5 =	vsel vm9, $0x286, v5  }
0x2b: {  	v3 =	vsel vm13, $0x302, v3;
	[tilespmem:$0x1FE60] =	vst v4;
	v4 =	vcombine.low v22, v23;
	v5 =	vsel vm8, $0x207, v5  }
0x2c: {  	v60 =	vimm.s32 $0x19181B1A;
	v3 =	vsel vm12, $0x383, v3;
	v8 =	vsel vm7, $0x1188, v5  }
0x2d: {  	v46 =	vsel vm6, $0x1109, v8;
	v8 =	vand.u32 $0xF, v4;
	v4 =	vimm.s32 $0xBA98FEDC  }
0x2e: {  	v63 =	vand.u32 $0xF, v23;
	v3 =	vsel vm11, $0x4, v3;
	v4 =	vunpack.c.l.s4.s8 v4  }
0x2f: {  	v2 =	vsel vm5, $0x120E, v2;
	v22 =	vcombine.low v63, v22;
	v3 =	vsel vm10, $0x85, v3  }
0x30: {  	v3 =	vsel vm9, $0x106, v3;
	v24 =	vunpack.c.0.s8.s32 v4;
	v4 =	vimm.s32 $0x110F  }
0x31: {  	v63 =	vimm.s32 $0x15141716;
	v3 =	vsel vm8, $0x187, v3;
	v4 =	vsel vm15, $0x280, v4  }
0x32: {  	[tilespmem:$0x1FE70] =	vst v2;
	v2 =	vsel vm4, $0x108A, v46;
	v3 =	vsel vm7, $0x1208, v3;
	v4 =	vsel vm14, $0x201, v4  }
0x33: {  	v10 =	vsel vm6, $0x1289, v3;
	v9 =	vcombine.low v25, v24;
	v3 =	vsel vm13, $0x382, v4  }
0x34: {  	v2 =	vsel vm3, $0x100B, v2;
	v47 =	vsel vm4, $0x130A, v10;
	v10 =	vsel vm12, $0x303, v3  }
0x35: {  	v2 =	vsel vm2, $0x138C, v2;
	v7 =	vand.u32 $0xF, v9;
	v9 =	vsel vm11, $0x84, v10  }
0x36: {  	v2 =	vsel vm1, $0x130D, v2;
	v10 =	vimm.s32 $0xAB89EFCD;
	v9 =	vsel vm10, $0x5, v9  }
0x37: {  	v6 =	vsel vm5, $0x128E, v2;
	v10 =	vunpack.c.l.s4.s8 v10;
	v9 =	vsel vm9, $0x186, v9  }
0x38: {  	v2 =	vsel vm3, $0x138B, v47;
	v36 =	vand.u32 $0xF, v24;
	v9 =	vsel vm8, $0x107, v9  }
0x39: {  	v26 =	vunpack.c.0.s8.s32 v10;
	v10 =	vsel vm15, $0x300, v12;
	v9 =	vsel vm7, $0x1288, v9  }
0x3a: {  	v47 =	vimm.s32 $0x330F;
	v10 =	vsel vm14, $0x381, v10;
	v9 =	vsel vm6, $0x1209, v9  }
0x3b: {  	v2 =	vsel vm2, $0x100C, v2;
	v10 =	vsel vm13, $0x202, v10;
	v9 =	vsel vm4, $0x138A, v9  }
0x3c: {  	v2 =	vsel vm1, $0x108D, v2;
	v10 =	vsel vm12, $0x283, v10;
	v12 =	vsel vm3, $0x130B, v9  }
0x3d: {  	v11 =	vcombine.low v27, v26;
	v48 =	vsel vm2, $0x108C, v12;
	v12 =	vsel vm11, $0x104, v10  }
0x3e: {  	v24 =	vcombine.low v36, v25;
	v9 =	vsel vm5, $0x110E, v2;
	v12 =	vsel vm10, $0x185, v12  }
0x3f: {  	v10 =	vand.u32 $0xF, v11;
	v2 =	vsel vm1, $0x100D, v48;
	v12 =	vsel vm9, $0x6, v12  }
0x40: {  	v11 =	vsel vm5, $0x118E, v2;
	v2 =	vunpack.c.l.s4.s8 v49;
	v12 =	vsel vm8, $0x87, v12  }
0x41: {  	v3 =	vmul.u32 $0xFFFFFFFF, v34;
	v40 =	vand.u32 $0xF, v26;
	v12 =	vsel vm7, $0x1308, v12  }
0x42: {  	v26 =	vcombine.low v40, v27;
	v28 =	vunpack.c.0.s8.s32 v2;
	v12 =	vsel vm6, $0x1389, v12  }
0x43: {  	v50 =	vsel vm4, $0x120A, v12;
	v12 =	vsel vm13, $0x282, v13;
	v13 =	vimm.s32 $0x89ABCDEF  }
0x44: {  	v15 =	vcombine.low v29, v28;
	v41 =	vand.u32 $0xF, v28;
	v12 =	vsel vm12, $0x203, v12  }
0x45: {  	v2 =	vsel vm3, $0x128B, v50;
	v13 =	vunpack.c.l.s4.s8 v13;
	v12 =	vsel vm11, $0x184, v12  }
0x46: {  	v28 =	vcombine.low v41, v29;
	v41 =	vunpack.c.0.s8.s32 v63;
	v12 =	vsel vm10, $0x105, v12  }
0x47: {  	v2 =	vsel vm2, $0x110C, v2;
	v13 =	vunpack.c.0.s8.s32 v13;
	v12 =	vsel vm9, $0x86, v12  }
0x48: {  	v63 =	vimm.s32 $0x230F;
	v2 =	vsel vm1, $0x118D, v2;
	v16 =	vsel vm8, $0x7, v12  }
0x49: {  	v12 =	vand.u32 $0xF, v15;
	v14 =	vcombine.low v14, v13;
	v15 =	vsel vm7, $0x1388, v16  }
0x4a: {  	v13 =	vsel vm5, $0x100E, v2;
	v16 =	vimm.s32 $0x38F;
	v15 =	vsel vm6, $0x1309, v15  }
0x4b: {  	v14 =	vand.u32 $0xF, v14;
	v51 =	vsel vm4, $0x128A, v15;
	v15 =	vsel vm15, $0x1000, v16  }
0x4c: {  	v16 =	vimm.s32 $0xFEDCBA98;
	v2 =	vsel vm3, $0x120B, v51;
	v15 =	vsel vm14, $0x1081, v15  }
0x4d: {  	v16 =	vunpack.c.l.s4.s8 v16;
	v51 =	vimm.s32 $0x1A1B1819;
	v15 =	vsel vm13, $0x1102, v15  }
0x4e: {  	v2 =	vsel vm2, $0x118C, v2;
	v4 =	vunpack.c.0.s8.s32 v51;
	v15 =	vsel vm12, $0x1183, v15  }
0x4f: {  	v2 =	vsel vm1, $0x110D, v2;
	v52 =	vunpack.c.0.s8.s32 v16;
	v18 =	vsel vm11, $0x1204, v15  }
0x50: {  	v51 =	vimm.s32 $0x1F1E1D1C;
	v15 =	vsel vm5, $0x108E, v2;
	v16 =	vsel vm10, $0x1285, v18  }
0x51: {  	v18 =	vimm.s32 $0x30F;
	v2 =	vand.u32 $0xF, v52;
	v52 =	vimm.s32 $0x1E1F1C1D  }
0x52: {  	v16 =	vsel vm9, $0x1306, v16;
	v18 =	vsel vm15, $0x1080, v18;
	v5 =	vunpack.c.0.s8.s32 v52  }
0x53: {  	v52 =	vunpack.c.0.s8.s32 v51;
	v19 =	vsel vm8, $0x1387, v16;
	v16 =	vcombine.low v2, v17  }
0x54: {  	v17 =	vsel vm14, $0x1001, v18;
	v18 =	vimm.s32 $0x28F;
	v53 =	vsel vm7, $0x8, v19  }
0x55: {  	v17 =	vsel vm13, $0x1182, v17;
	v18 =	vsel vm15, $0x1100, v18;
	v2 =	vsel vm6, $0x89, v53  }
0x56: {  	v17 =	vsel vm12, $0x1103, v17;
	v18 =	vsel vm14, $0x1181, v18;
	v53 =	vimm.s32 $0x12131011  }
0x57: {  	v2 =	vsel vm4, $0x10A, v2;
	v17 =	vsel vm11, $0x1284, v17;
	v18 =	vsel vm13, $0x1002, v18  }
0x58: {  	v2 =	vsel vm3, $0x18B, v2;
	v17 =	vsel vm10, $0x1205, v17;
	v18 =	vsel vm12, $0x1083, v18  }
0x59: {  	v2 =	vsel vm2, $0x20C, v2;
	v19 =	vsel vm9, $0x1386, v17;
	v18 =	vsel vm11, $0x1304, v18  }
0x5a: {  	v2 =	vsel vm1, $0x28D, v2;
	v54 =	vsel vm8, $0x1307, v19;
	v19 =	vsel vm10, $0x1385, v18  }
0x5b: {  	v18 =	vcombine.low v0, v44;
	v44 =	vimm.s32 $0x338F;
	v17 =	vsel vm5, $0x30E, v2  }
0x5c: {  	v2 =	vsel vm7, $0x88, v54;
	v56 =	vsel vm9, $0x1206, v19;
	v54 =	vimm.s32 $0x328F  }
0x5d: {  	v55 =	vsel vm6, $0x9, v2;
	v1 =	vsel vm8, $0x1287, v56;
	v2 =	vsel vm15, $0x1180, v57  }
0x5e: {  	v56 =	vimm.s32 $0x16171415;
	v57 =	vimm.s32 $0x320F;
	v0 =	vsel vm4, $0x18A, v55  }
0x5f: {  	v1 =	vsel vm7, $0x108, v1;
	v2 =	vsel vm14, $0x1101, v2;
	v55 =	vsel vm15, $0x2100, v54  }
0x60: {  	v36 =	vunpack.c.0.s8.s32 v56;
	v54 =	vimm.s32 $0x17161514;
	v0 =	vsel vm3, $0x10B, v0  }
0x61: {  	v1 =	vsel vm6, $0x189, v1;
	v2 =	vsel vm13, $0x1082, v2;
	v56 =	vunpack.c.0.s8.s32 v54  }
0x62: {  	v0 =	vsel vm2, $0x28C, v0;
	v1 =	vsel vm4, $0xA, v1;
	v59 =	vsel vm12, $0x1003, v2  }
0x63: {  	v2 =	vsel vm15, $0x1280, v32;
	v0 =	vsel vm1, $0x20D, v0;
	v58 =	vsel vm3, $0x8B, v1  }
0x64: {  	v1 =	vsel vm11, $0x1384, v59;
	v2 =	vsel vm14, $0x1201, v2;
	v59 =	vsel vm15, $0x2180, v57  }
0x65: {  	v19 =	vsel vm5, $0x38E, v0;
	v0 =	vsel vm2, $0x30C, v58;
	v1 =	vsel vm10, $0x1305, v1  }
0x66: {  	v2 =	vsel vm13, $0x1382, v2;
	v0 =	vsel vm1, $0x38D, v0;
	v61 =	vsel vm9, $0x1286, v1  }
0x67: {  	v1 =	vsel vm15, $0x1200, v62;
	v2 =	vsel vm12, $0x1303, v2;
	v62 =	vimm.s32 $0x11101312  }
0x68: {  	v21 =	vsel vm5, $0x20E, v0;
	v0 =	vsel vm8, $0x1207, v61;
	v1 =	vsel vm14, $0x1281, v1  }
0x69: {  	v35 =	vsel vm11, $0x1084, v2;
	v2 =	vsel vm15, $0x1300, v37;
	v61 =	vimm.s32 $0x1D1C1F1E  }
0x6a: {  	v40 =	vunpack.c.0.s8.s32 v62;
	v62 =	vimm.s32 $0x238F;
	v0 =	vsel vm7, $0x188, v0  }
0x6b: {  	v1 =	vsel vm13, $0x1302, v1;
	v2 =	vsel vm14, $0x1381, v2;
	v0 =	vsel vm6, $0x109, v0  }
0x6c: {  	v1 =	vsel vm12, $0x1383, v1;
	v2 =	vsel vm13, $0x1202, v2;
	v0 =	vsel vm4, $0x8A, v0  }
0x6d: {  	v1 =	vsel vm11, $0x1004, v1;
	v39 =	vsel vm12, $0x1283, v2;
	v2 =	vsel vm15, $0x2000, v44  }
0x6e: {  	v44 =	vimm.s32 $0x218F;
	v0 =	vsel vm3, $0xB, v0;
	v1 =	vsel vm10, $0x1085, v1  }
0x6f: {  	v2 =	vsel vm14, $0x2081, v2;
	v0 =	vsel vm2, $0x38C, v0;
	v1 =	vsel vm9, $0x1106, v1  }
0x70: {  	v2 =	vsel vm13, $0x2102, v2;
	v0 =	vsel vm1, $0x30D, v0;
	v33 =	vsel vm8, $0x1187, v1  }
0x71: {  	v1 =	vsel vm10, $0x1005, v35;
	v2 =	vsel vm12, $0x2183, v2;
	v35 =	vunpack.c.0.s8.s32 v53  }
0x72: {  	v53 =	vimm.s32 $0x1B1A1918;
	v23 =	vsel vm5, $0x28E, v0;
	v0 =	vsel vm7, $0x208, v33  }
0x73: {  	v1 =	vsel vm9, $0x1186, v1;
	v2 =	vsel vm11, $0x2204, v2;
	v33 =	vimm.s32 $0x18191A1B  }
0x74: {  	v0 =	vsel vm6, $0x289, v0;
	v1 =	vsel vm8, $0x1107, v1;
	v46 =	vsel vm10, $0x2285, v2  }
0x75: {  	v2 =	vsel vm15, $0x2080, v47;
	v47 =	vimm.s32 $0x1C1D1E1F;
	v0 =	vsel vm4, $0x30A, v0  }
0x76: {  	v1 =	vsel vm7, $0x288, v1;
	v2 =	vsel vm14, $0x2001, v2;
	v0 =	vsel vm3, $0x38B, v0  }
0x77: {  	v1 =	vsel vm6, $0x209, v1;
	v2 =	vsel vm13, $0x2182, v2;
	v0 =	vsel vm2, $0xC, v0  }
0x78: {  	v1 =	vsel vm4, $0x38A, v1;
	v2 =	vsel vm12, $0x2103, v2;
	v0 =	vsel vm1, $0x8D, v0  }
0x79: {  	v38 =	vsel vm3, $0x30B, v1;
	v1 =	vsel vm11, $0x1104, v39;
	v2 =	vsel vm11, $0x2284, v2  }
0x7a: {  	v39 =	vunpack.c.0.s8.s32 v61;
	v61 =	vimm.s32 $0x300F;
	v25 =	vsel vm5, $0x10E, v0  }
0x7b: {  	v0 =	vsel vm2, $0x8C, v38;
	v1 =	vsel vm10, $0x1185, v1;
	v49 =	vsel vm10, $0x2205, v2  }
0x7c: {  	v38 =	vunpack.c.0.s8.s32 v60;
	v60 =	vimm.s32 $0x308F;
	v1 =	vsel vm9, $0x1006, v1  }
0x7d: {  	v0 =	vsel vm1, $0xD, v0;
	v42 =	vsel vm8, $0x1087, v1;
	v1 =	vsel vm15, $0x1380, v43  }
0x7e: {  	v27 =	vsel vm5, $0x18E, v0;
	v0 =	vsel vm7, $0x308, v42;
	v1 =	vsel vm14, $0x1301, v1  }
0x7f: {  	v50 =	vsel vm9, $0x2386, v49;
	v0 =	vsel vm6, $0x389, v0;
	v1 =	vsel vm13, $0x1282, v1  }
0x80: {  	v2 =	vsel vm15, $0x2300, v60;
	v0 =	vsel vm4, $0x20A, v0;
	v1 =	vsel vm12, $0x1203, v1  }
0x81: {  	v2 =	vsel vm14, $0x2381, v2;
	v0 =	vsel vm3, $0x28B, v0;
	v1 =	vsel vm11, $0x1184, v1  }
0x82: {  	v2 =	vsel vm13, $0x2202, v2;
	v0 =	vsel vm2, $0x10C, v0;
	v1 =	vsel vm10, $0x1105, v1  }
0x83: {  	v2 =	vsel vm12, $0x2283, v2;
	v0 =	vsel vm1, $0x18D, v0;
	v45 =	vsel vm9, $0x1086, v1  }
0x84: {  	v2 =	vsel vm11, $0x2104, v2;
	v29 =	vsel vm5, $0xE, v0;
	v0 =	vsel vm8, $0x1007, v45  }
0x85: {  	v43 =	vimm.s32 $0x220F;
	v2 =	vsel vm10, $0x2185, v2;
	v0 =	vsel vm7, $0x388, v0  }
0x86: {  	v51 =	vsel vm0, v39, v38;
	v2 =	vsel vm9, $0x2006, v2;
	v0 =	vsel vm6, $0x309, v0  }
0x87: {  	v1 =	vsel vm9, $0x2306, v46;
	v2 =	vsel vm8, $0x2087, v2;
	v0 =	vsel vm4, $0x28A, v0  }
0x88: {  	v1 =	vsel vm8, $0x2387, v1;
	v45 =	vunpack.c.0.s8.s32 v33;
	v0 =	vsel vm3, $0x20B, v0  }
0x89: {  	v2 =	vsel vm7, $0x3308, v2;
	v1 =	vsel vm7, $0x3008, v1;
	v0 =	vsel vm2, $0x18C, v0  }
0x8a: {  	v33 =	vimm.s32 $0x228F;
	v1 =	vsel vm6, $0x3089, v1;
	v0 =	vsel vm1, $0x10D, v0  }
0x8b: {  	v1 =	vsel vm4, $0x310A, v1;
	v31 =	vsel vm5, $0x8E, v0;
	v0 =	vsel vm8, $0x2307, v50  }
0x8c: {  	v2 =	vsel vm6, $0x3389, v2;
	v1 =	vsel vm3, $0x318B, v1;
	v0 =	vsel vm7, $0x3088, v0  }
0x8d: {  	v2 =	vsel vm4, $0x320A, v2;
	v1 =	vsel vm2, $0x320C, v1;
	v0 =	vsel vm6, $0x3009, v0  }
0x8e: {  	v48 =	vsel vm1, $0x328D, v1;
	v1 =	vsel vm14, $0x2181, v55;
	v0 =	vsel vm4, $0x318A, v0  }
0x8f: {  	[tilespmem:$0x1FE80] =	vst v45;
	v45 =	vimm.s32 $0x210F;
	v1 =	vsel vm13, $0x2002, v1;
	v0 =	vsel vm3, $0x310B, v0  }
0x90: {  	v2 =	vsel vm3, $0x328B, v2;
	v1 =	vsel vm12, $0x2083, v1;
	v0 =	vsel vm2, $0x328C, v0  }
0x91: {  	v58 =	vsel vm11, $0x2304, v1;
	v1 =	vsel vm14, $0x2101, v59;
	v0 =	vsel vm1, $0x320D, v0  }
0x92: {  	v1 =	vsel vm13, $0x2082, v1;
	v37 =	vsel vm5, $0x338E, v0;
	v0 =	vsel vm10, $0x2385, v58  }
0x93: {  	v2 =	vsel vm2, $0x310C, v2;
	v1 =	vsel vm12, $0x2003, v1;
	v0 =	vsel vm9, $0x2206, v0  }
0x94: {  	v2 =	vsel vm1, $0x318D, v2;
	v1 =	vsel vm11, $0x2384, v1;
	v0 =	vsel vm8, $0x2287, v0  }
0x95: {  	v55 =	vimm.s32 $0x13121110;
	v1 =	vsel vm10, $0x2305, v1;
	v0 =	vsel vm7, $0x3108, v0  }
0x96: {  	v54 =	vsel vm5, $0x300E, v2;
	v1 =	vsel vm9, $0x2286, v1;
	v0 =	vsel vm6, $0x3189, v0  }
0x97: {  	v2 =	vsel vm15, $0x3080, v63;
	v1 =	vsel vm8, $0x2207, v1;
	v0 =	vsel vm4, $0x300A, v0  }
0x98: {  	v32 =	vsel vm5, $0x330E, v48;
	v1 =	vsel vm7, $0x3188, v1;
	v0 =	vsel vm3, $0x308B, v0  }
0x99: {  	v48 =	vimm.s32 $0x10111213;
	v1 =	vsel vm6, $0x3109, v1;
	v0 =	vsel vm2, $0x330C, v0  }
0x9a: {  	v50 =	vimm.s32 $0x14151617;
	v46 =	vsel vm4, $0x308A, v1;
	v0 =	vsel vm1, $0x338D, v0  }
0x9b: {  	v1 =	vunpack.c.0.s8.s32 v47;
	v42 =	vsel vm5, $0x320E, v0;
	v0 =	vsel vm3, $0x300B, v46  }
0x9c: {  	v57 =	vunpack.c.0.s8.s32 v55;
	v2 =	vsel vm14, $0x3001, v2;
	v0 =	vsel vm2, $0x338C, v0  }
0x9d: {  	v49 =	vunpack.c.0.s8.s32 v48;
	[tilespmem:$0x1FE90] =	vst v1;
	v1 =	vunpack.c.0.s8.s32 v50;
	v0 =	vsel vm1, $0x330D, v0  }
0x9e: {  	v59 =	vimm.s32 $0x310F;
	v47 =	vsel vm5, $0x328E, v0;
	v0 =	vunpack.c.0.s8.s32 v53  }
0x9f: {  	v2 =	vsel vm13, $0x3182, v2;
	v58 =	vimm.s32 $0x318F;
	[tilespmem:$0x1FEB0] =	vst v1;
	v1 =	vsel vm15, $0x2280, v59  }
0xa0: {  	v48 =	vimm.s32 $0x200F;
	v1 =	vsel vm14, $0x2201, v1;
	[tilespmem:$0x1FED0] =	vst v0;
	v0 =	vsel vm15, $0x2200, v58  }
0xa1: {  	v2 =	vsel vm12, $0x3103, v2;
	v1 =	vsel vm13, $0x2382, v1;
	v0 =	vsel vm14, $0x2281, v0  }
0xa2: {  	v2 =	vsel vm11, $0x3284, v2;
	v1 =	vsel vm12, $0x2303, v1;
	v0 =	vsel vm13, $0x2302, v0  }
0xa3: {  	[tilespmem:$0x1FEA0] =	vst v49;
	v49 =	vsel vm0, v5, v4;
	v1 =	vsel vm11, $0x2084, v1;
	v0 =	vsel vm12, $0x2383, v0  }
0xa4: {  	v2 =	vsel vm10, $0x3205, v2;
	v1 =	vsel vm10, $0x2005, v1;
	v0 =	vsel vm11, $0x2004, v0  }
0xa5: {  	v2 =	vsel vm9, $0x3386, v2;
	v1 =	vsel vm9, $0x2186, v1;
	v0 =	vsel vm10, $0x2085, v0  }
0xa6: {  	v2 =	vsel vm8, $0x3307, v2;
	v1 =	vsel vm8, $0x2107, v1;
	v0 =	vsel vm9, $0x2106, v0  }
0xa7: {  	v2 =	vsel vm7, $0x2088, v2;
	v1 =	vsel vm7, $0x3288, v1;
	v0 =	vsel vm8, $0x2187, v0  }
0xa8: {  	v2 =	vsel vm6, $0x2009, v2;
	v1 =	vsel vm6, $0x3209, v1;
	v0 =	vsel vm7, $0x3208, v0  }
0xa9: {  	v2 =	vsel vm4, $0x218A, v2;
	v1 =	vsel vm4, $0x338A, v1;
	v0 =	vsel vm6, $0x3289, v0  }
0xaa: {  	v2 =	vsel vm3, $0x210B, v2;
	v1 =	vsel vm3, $0x330B, v1;
	v0 =	vsel vm4, $0x330A, v0  }
0xab: {  	v2 =	vsel vm2, $0x228C, v2;
	v1 =	vsel vm2, $0x308C, v1;
	v0 =	vsel vm3, $0x338B, v0  }
0xac: {  	v2 =	vsel vm1, $0x220D, v2;
	v1 =	vsel vm1, $0x300D, v1;
	v0 =	vsel vm2, $0x300C, v0  }
0xad: {  	v53 =	vsel vm5, $0x318E, v1;
	v1 =	vsel vm15, $0x3000, v62;
	v0 =	vsel vm1, $0x308D, v0  }
0xae: {  	[tilespmem:$0x1FEC0] =	vst v52;
	v1 =	vsel vm14, $0x3081, v1;
	v52 =	vsel vm5, $0x310E, v0;
	v0 =	vsel vm15, $0x2380, v61  }
0xaf: {  	[tilespmem:$0x1FEF0] =	vst v57;
	v57 =	vsel vm5, $0x238E, v2;
	v1 =	vsel vm13, $0x3102, v1;
	v0 =	vsel vm14, $0x2301, v0  }
0xb0: {  	v2 =	vsel vm15, $0x3200, v44;
	v1 =	vsel vm12, $0x3183, v1;
	v0 =	vsel vm13, $0x2282, v0  }
0xb1: {  	v50 =	vsel vm0, v36, v35;
	v1 =	vsel vm11, $0x3204, v1;
	v0 =	vsel vm12, $0x2203, v0  }
0xb2: {  	v2 =	vsel vm14, $0x3281, v2;
	v1 =	vsel vm10, $0x3285, v1;
	v0 =	vsel vm11, $0x2184, v0  }
0xb3: {  	v2 =	vsel vm13, $0x3302, v2;
	v1 =	vsel vm9, $0x3306, v1;
	v0 =	vsel vm10, $0x2105, v0  }
0xb4: {  	v2 =	vsel vm12, $0x3383, v2;
	v1 =	vsel vm8, $0x3387, v1;
	v0 =	vsel vm9, $0x2086, v0  }
0xb5: {  	v46 =	vimm.s32 $0x208F;
	v1 =	vsel vm7, $0x2008, v1;
	v0 =	vsel vm8, $0x2007, v0  }
0xb6: {  	v2 =	vsel vm11, $0x3004, v2;
	v1 =	vsel vm6, $0x2089, v1;
	v0 =	vsel vm7, $0x3388, v0  }
0xb7: {  	v2 =	vsel vm10, $0x3085, v2;
	v1 =	vsel vm4, $0x210A, v1;
	v0 =	vsel vm6, $0x3309, v0  }
0xb8: {  	v2 =	vsel vm9, $0x3106, v2;
	v1 =	vsel vm3, $0x218B, v1;
	v0 =	vsel vm4, $0x328A, v0  }
0xb9: {  	v2 =	vsel vm8, $0x3187, v2;
	v1 =	vsel vm2, $0x220C, v1;
	v0 =	vsel vm3, $0x320B, v0  }
0xba: {  	v2 =	vsel vm7, $0x2208, v2;
	v1 =	vsel vm1, $0x228D, v1;
	v0 =	vsel vm2, $0x318C, v0  }
0xbb: {  	[tilespmem:$0x1FEE0] =	vst v56;
	v56 =	vsel vm5, $0x230E, v1;
	v1 =	vsel vm15, $0x3180, v43;
	v0 =	vsel vm1, $0x310D, v0  }
0xbc: {  	s0 =	rddreg [dreg:$0x0];
	s3 =	simm.s32 $0x0;
	v1 =	vsel vm14, $0x3101, v1;
	v55 =	vsel vm5, $0x308E, v0;
	v0 =	vsel vm15, $0x3100, v33  }
0xbd: {  	[smem:$0x7FF] =	sst s3;
	v2 =	vsel vm6, $0x2289, v2;
	v1 =	vsel vm13, $0x3082, v1;
	v0 =	vsel vm14, $0x3181, v0  }
0xbe: {  	s1 =	rddreg [dreg:$0x1];
	_ =	strace $0x80000047;
	[tilespmem:$0x1FF20] =	vst v5;
	v5 =	vlaneseq.u32;
	v1 =	vsel vm12, $0x3003, v1;
	v0 =	vsel vm13, $0x3002, v0  }
0xbf: {  	[tilespmem:$0x1FF60] =	vst v39;
	v39 =	vor.u32 $0x10, v34;
	v1 =	vsel vm11, $0x3384, v1;
	v0 =	vsel vm12, $0x3083, v0  }
0xc0: {  	v2 =	vsel vm4, $0x230A, v2;
	v1 =	vsel vm10, $0x3305, v1;
	v0 =	vsel vm11, $0x3304, v0  }
0xc1: {  	v2 =	vsel vm3, $0x238B, v2;
	v1 =	vsel vm9, $0x3286, v1;
	v0 =	vsel vm10, $0x3385, v0  }
0xc2: {  	v2 =	vsel vm2, $0x200C, v2;
	v1 =	vsel vm8, $0x3207, v1;
	v0 =	vsel vm9, $0x3206, v0  }
0xc3: {  	v2 =	vsel vm1, $0x208D, v2;
	v1 =	vsel vm7, $0x2188, v1;
	v0 =	vsel vm8, $0x3287, v0  }
0xc4: {  	v60 =	vsel vm5, $0x210E, v2;
	v1 =	vsel vm6, $0x2109, v1;
	v0 =	vsel vm7, $0x2108, v0  }
0xc5: {  	v2 =	vsel vm15, $0x3380, v48;
	v1 =	vsel vm4, $0x208A, v1;
	v0 =	vsel vm6, $0x2189, v0  }
0xc6: {  	v2 =	vsel vm14, $0x3301, v2;
	v1 =	vsel vm3, $0x200B, v1;
	v0 =	vsel vm4, $0x200A, v0  }
0xc7: {  	v2 =	vsel vm13, $0x3282, v2;
	v1 =	vsel vm2, $0x238C, v1;
	v0 =	vsel vm3, $0x208B, v0  }
0xc8: {  	v2 =	vsel vm12, $0x3203, v2;
	v1 =	vsel vm1, $0x230D, v1;
	v0 =	vsel vm2, $0x230C, v0  }
0xc9: {  	v2 =	vsel vm11, $0x3184, v2;
	v59 =	vsel vm5, $0x228E, v1;
	v0 =	vsel vm1, $0x238D, v0  }
0xca: {  	v1 =	vsel vm15, $0x3300, v46;
	v58 =	vsel vm5, $0x220E, v0;
	v0 =	vsel vm15, $0x3280, v45  }
0xcb: {  	[tilespmem:$0x1FF00] =	vst v3;
	v2 =	vsel vm10, $0x3105, v2;
	v1 =	vsel vm14, $0x3381, v1;
	v0 =	vsel vm14, $0x3201, v0  }
0xcc: {  	s2 =	srdreg.scid;
	[tilespmem:$0x1FF10] =	vst v4;
	v2 =	vsel vm9, $0x3086, v2;
	v1 =	vsel vm13, $0x3202, v1;
	v0 =	vsel vm13, $0x3382, v0  }
0xcd: {  	s4 =	stileid.u32;
	s13 =	simm.s32 $0x200;
	s16 =	simm.s32 $0x6400;
	[tilespmem:$0x1FF30] =	vst v35;
	v2 =	vsel vm8, $0x3007, v2;
	v1 =	vsel vm12, $0x3283, v1;
	v0 =	vsel vm12, $0x3303, v0  }
0xce: {  	s15 =	simm.s32 $0x5;
	s17 =	simm.s32 $0xA400;
	s19 =	simm.s32 $0xE400;
	[tilespmem:$0x1FF40] =	vst v36;
	v2 =	vsel vm7, $0x2388, v2;
	v1 =	vsel vm11, $0x3104, v1;
	v0 =	vsel vm11, $0x3084, v0  }
0xcf: {  	s18 =	simm.s32 $0x1;
	s20 =	simm.s32 $0x1000;
	s21 =	simm.s32 $0x20000;
	[tilespmem:$0x1FF50] =	vst v38;
	v2 =	vsel vm6, $0x2309, v2;
	v1 =	vsel vm10, $0x3185, v1;
	v0 =	vsel vm10, $0x3005, v0  }
0xd0: {  	s23 =	simm.s32 $0x2;
	s2 =	sand.u32 $0x1, s2;
	s4 =	sshll.u32 s4, $0x1;
	[tilespmem:$0x1FF70] =	vst v40;
	v2 =	vsel vm4, $0x228A, v2;
	v1 =	vsel vm9, $0x3006, v1;
	v0 =	vsel vm9, $0x3186, v0  }
0xd1: {  	s28 =	simm.s32 $0x4;
	s29 =	simm.s32 $0x0;
	s6 =	sor.u32 s2, s4;
	[tilespmem:$0x1FF80] =	vst v41;
	v2 =	vsel vm3, $0x220B, v2;
	v1 =	vsel vm8, $0x3087, v1;
	v0 =	vsel vm8, $0x3107, v0  }
0xd2: {  	s30 =	simm.s32 $0x0;
	s2 =	ssub.s32 $0x2, s2;
	s4 =	sshll.u32 s6, $0x6;
	[tilespmem:$0x1FF90] =	vst v49;
	v2 =	vsel vm2, $0x218C, v2;
	v1 =	vsel vm7, $0x2308, v1;
	v0 =	vsel vm7, $0x2288, v0  }
0xd3: {  	s5 =	sshrl.u32 s2, $0x1;
	s8 =	sshll.u32 s6, $0x9;
	s26 =	sshll.u32 s6, $0xC;
	[tilespmem:$0x1FFA0] =	vst v50;
	v2 =	vsel vm1, $0x210D, v2;
	v1 =	vsel vm6, $0x2389, v1;
	v0 =	vsel vm6, $0x2209, v0  }
0xd4: {  	s7 =	sadd.s32 s4, s0;
	s4 =	sadd.s32 $0xF42A00, s0;
	s24 =	ssub.s32 s2, s5;
	[tilespmem:$0x1FFB0] =	vst v51;
	v63 =	vsel vm5, $0x208E, v2;
	v1 =	vsel vm4, $0x220A, v1;
	v0 =	vsel vm4, $0x238A, v0  }
0xd5: {  	s5 =	sadd.s32 s1, s8;
	s8 =	sor.u32 $0x100000, s26;
	s9 =	sor.u32 $0x180000, s26;
	[tilespmem:$0x1FFD0] =	vst v6;
	v33 =	vadd.s32 $0xF, v3;
	v1 =	vsel vm3, $0x228B, v1;
	v0 =	vsel vm3, $0x230B, v0  }
0xd6: {  	s26 =	simm.s32 $0x3;
	s25 =	sadd.s32 $0x600, s7;
	s31 =	sadd.s32 $0x10000, s5;
	[tilespmem:$0x1FFE0] =	vst v8;
	v3 =	vsel vm0, v41, v40;
	v1 =	vsel vm2, $0x210C, v1;
	v0 =	vsel vm2, $0x208C, v0  }
0xd7: {  	s10 =	sadd.s32 $0x300000, s5;
	s11 =	sadd.s32 $0x310000, s5;
	[dreg:$0x3] =	wrdreg s25;
	[tilespmem:$0x1FFF0] =	vst v7;
	v40 =	vcombine.low v50, v49;
	v1 =	vsel vm1, $0x218D, v1;
	v0 =	vsel vm1, $0x200D, v0  }
0xd8: {  	s12 =	smax.u32 s24, $0x1;
	s24 =	simm.s32 $0x12400;
	[dreg:$0x4] =	wrdreg s31;
	[tilespmem:$0x1FFC0] =	vst v3;
	v41 =	vcombine.low v3, v51;
	v62 =	vsel vm5, $0x200E, v1;
	v61 =	vsel vm5, $0x218E, v0  }
.LBB2_1:
0xd9: {  	s0 =	rddreg [dreg:$0x3];
	s2 =	simm.s32 $0x4000  }
0xda: {  	[tilespmem:s3], [sflag:$0x5] =	stream.strided.gather [hbm4b:s0+s13], $0x6400, s2, s13, $0x38;
	[tilespmem:$0x16400] =	vst v63  }
0xdb: {  	_ =	swait.ge [sflag:s15], $0x6400  }
0xdc: {  	[sflag:s15] =	ssyncset.done $0x0  }
0xdd: {  	[sflag:s15] =	ssyncadd.s32 $0xFFFF9C00  }
0xde: {  	[tilespmem:s16], [sflag:$0x1] =	stream.indirect.gather [hbm4b:s4+s13], $0x20, s3, s13, $0xb8;
	[tilespmem:$0x16400] =	vst v63  }
0xdf: {  	v0 =	vmov s3  }
0xe0: {  	v0 =	vshll.u32 v0, $0x5;
	[tilespmem:s17], [sflag:$0x2] =	stream.indirect.gather [hbm4b:s4+s13], $0x20, s13, s13, $0xb8;
	[tilespmem:$0x16400] =	vst v63  }
0xe1: {  	v1 =	vor.u32 v30, v0;
	_ =	swait.ge [sflag:s18], $0x4000  }
0xe2: {  	v0 =	vor.u32 v5, v1;
	v2 =	vld [tilespmem:$0x1FE30];
	_ =	sdelay $0x1  }
0xe3: {  	s25 =	simm.s32 $0x0  }
0xe4: {  	s31 =	sand.u32 $0x70, s3;
	s0 =	sand.u32 $0xFFFFFC00, s25;
	[sflag:s18] =	ssyncset.done $0x0  }
0xe5: {  	s0 =	sor.u32 s31, s0;
	v3 =	vld [tilespmem:$0x1FE40];
	[sflag:s18] =	ssyncadd.s32 $0xFFFFC000  }
0xe6: {  	v0 =	vld.idx.msk [tilespmem:v0+s16+$0x0], $0xffff;
	v2 =	vor.u32 s0, v2;
	_ =	sdelay $0x4  }
0xe7: {  	v34 =	vor.u32 v3, v1;
	[tilespmem:v2+s19+$0x0] =	vst.idx.msk $0xffff, v0;
	v2 =	vld [tilespmem:$0x1FE50];
	_ =	sdelay $0x3  }
0xe8: {  	v3 =	vld [tilespmem:$0x1FE60]  }
0xe9: {  	v0 =	vld.idx.msk [tilespmem:v34+s16+$0x0], $0xffff;
	v2 =	vor.u32 s0, v2;
	_ =	sdelay $0x4  }
0xea: {  	v49 =	vor.u32 v3, v1;
	[tilespmem:v2+s19+$0x0] =	vst.idx.msk $0xffff, v0;
	v2 =	vld [tilespmem:$0x1FE70];
	_ =	sdelay $0x4  }
0xeb: {  	v0 =	vld.idx.msk [tilespmem:v49+s16+$0x0], $0xffff;
	v2 =	vor.u32 s0, v2  }
0xec: {  	v50 =	vor.u32 v8, v1;
	_ =	sdelay $0x3  }
0xed: {  	[tilespmem:v2+s19+$0x0] =	vst.idx.msk $0xffff, v0  }
0xee: {  	v2 =	vor.u32 s0, v6;
	v0 =	vld.idx.msk [tilespmem:v50+s16+$0x0], $0xffff  }
0xef: {  	v51 =	vor.u32 v7, v1;
	_ =	sdelay $0x3  }
0xf0: {  	[tilespmem:v2+s19+$0x0] =	vst.idx.msk $0xffff, v0  }
0xf1: {  	v2 =	vor.u32 s0, v9;
	v0 =	vld.idx.msk [tilespmem:v51+s16+$0x0], $0xffff  }
0xf2: {  	v36 =	vor.u32 v10, v1;
	_ =	sdelay $0x3  }
0xf3: {  	[tilespmem:v2+s19+$0x0] =	vst.idx.msk $0xffff, v0  }
0xf4: {  	v2 =	vor.u32 s0, v11;
	v0 =	vld.idx.msk [tilespmem:v36+s16+$0x0], $0xffff  }
0xf5: {  	v38 =	vor.u32 v12, v1;
	_ =	sdelay $0x3  }
0xf6: {  	[tilespmem:v2+s19+$0x0] =	vst.idx.msk $0xffff, v0  }
0xf7: {  	v2 =	vor.u32 s0, v13;
	v0 =	vld.idx.msk [tilespmem:v38+s16+$0x0], $0xffff  }
0xf8: {  	v43 =	vor.u32 v14, v1;
	_ =	sdelay $0x3  }
0xf9: {  	[tilespmem:v2+s19+$0x0] =	vst.idx.msk $0xffff, v0  }
0xfa: {  	v2 =	vor.u32 s0, v15;
	v0 =	vld.idx.msk [tilespmem:v43+s16+$0x0], $0xffff  }
0xfb: {  	v44 =	vor.u32 v16, v1;
	_ =	sdelay $0x3  }
0xfc: {  	[tilespmem:v2+s19+$0x0] =	vst.idx.msk $0xffff, v0  }
0xfd: {  	v2 =	vor.u32 s0, v17;
	v0 =	vld.idx.msk [tilespmem:v44+s16+$0x0], $0xffff  }
0xfe: {  	v45 =	vor.u32 v18, v1;
	_ =	sdelay $0x3  }
0xff: {  	[tilespmem:v2+s19+$0x0] =	vst.idx.msk $0xffff, v0  }
0x100: {  	v2 =	vor.u32 s0, v19;
	v0 =	vld.idx.msk [tilespmem:v45+s16+$0x0], $0xffff  }
0x101: {  	v46 =	vor.u32 v20, v1;
	_ =	sdelay $0x3  }
0x102: {  	[tilespmem:v2+s19+$0x0] =	vst.idx.msk $0xffff, v0  }
0x103: {  	v2 =	vor.u32 s0, v21;
	v0 =	vld.idx.msk [tilespmem:v46+s16+$0x0], $0xffff  }
0x104: {  	v48 =	vor.u32 v22, v1;
	_ =	sdelay $0x3  }
0x105: {  	[tilespmem:v2+s19+$0x0] =	vst.idx.msk $0xffff, v0  }
0x106: {  	v2 =	vor.u32 s0, v23;
	v0 =	vld.idx.msk [tilespmem:v48+s16+$0x0], $0xffff  }
0x107: {  	v49 =	vor.u32 v24, v1;
	_ =	sdelay $0x3  }
0x108: {  	[tilespmem:v2+s19+$0x0] =	vst.idx.msk $0xffff, v0  }
0x109: {  	v2 =	vor.u32 s0, v25;
	v0 =	vld.idx.msk [tilespmem:v49+s16+$0x0], $0xffff  }
0x10a: {  	v50 =	vor.u32 v26, v1;
	_ =	sdelay $0x3  }
0x10b: {  	[tilespmem:v2+s19+$0x0] =	vst.idx.msk $0xffff, v0  }
0x10c: {  	v2 =	vor.u32 s0, v27;
	v0 =	vld.idx.msk [tilespmem:v50+s16+$0x0], $0xffff  }
0x10d: {  	v51 =	vor.u32 v28, v1;
	_ =	sdelay $0x3  }
0x10e: {  	[tilespmem:v2+s19+$0x0] =	vst.idx.msk $0xffff, v0  }
0x10f: {  	v2 =	vor.u32 s0, v29;
	v0 =	vld.idx.msk [tilespmem:v51+s16+$0x0], $0xffff  }
0x110: {  	v36 =	vor.u32 v33, v1;
	_ =	sdelay $0x3  }
0x111: {  	[tilespmem:v2+s19+$0x0] =	vst.idx.msk $0xffff, v0  }
0x112: {  	v2 =	vor.u32 s0, v31;
	v0 =	vld.idx.msk [tilespmem:v36+s16+$0x0], $0xffff  }
0x113: {  	v38 =	vor.u32 v39, v1  }
0x114: {  	v45 =	vld [tilespmem:$0x1FE90]  }
0x115: {  	v49 =	vld [tilespmem:$0x1FEB0]  }
0x116: {  	v51 =	vld [tilespmem:$0x1FEA0]  }
0x117: {  	v50 =	vld [tilespmem:$0x1FE80];
	[tilespmem:v2+s19+$0x0] =	vst.idx.msk $0xffff, v0  }
0x118: {  	v2 =	vor.u32 s0, v32;
	v0 =	vld.idx.msk [tilespmem:v38+s16+$0x0], $0xffff  }
0x119: {  	v43 =	vor.u32 v40, v1;
	_ =	sdelay $0x1  }
0x11a: {  	v46 =	vld [tilespmem:$0x1FEF0];
	v4 =	vsel vm0, v49, v51  }
0x11b: {  	v48 =	vld [tilespmem:$0x1FEE0];
	v3 =	vsel vm0, v45, v50;
	[tilespmem:$0x1FDC0] =	vst v4  }
0x11c: {  	v34 =	vcombine.low v4, v3;
	v4 =	vld [tilespmem:$0x1FEC0];
	[tilespmem:v2+s19+$0x0] =	vst.idx.msk $0xffff, v0  }
0x11d: {  	v2 =	vor.u32 s0, v37;
	v0 =	vld.idx.msk [tilespmem:v43+s16+$0x0], $0xffff  }
0x11e: {  	v35 =	vor.u32 v41, v1;
	[tilespmem:$0x1FDD0] =	vst v3;
	v3 =	vld [tilespmem:$0x1FED0];
	_ =	sdelay $0x3  }
0x11f: {  	[tilespmem:v2+s19+$0x0] =	vst.idx.msk $0xffff, v0  }
0x120: {  	v3 =	vsel vm0, v3, v4;
	v4 =	vsel vm0, v46, v48;
	v0 =	vld.idx.msk [tilespmem:v35+s16+$0x0], $0xffff  }
0x121: {  	[tilespmem:$0x1FDF0] =	vst v3;
	v35 =	vcombine.low v4, v3;
	v3 =	vld [tilespmem:$0x1FF10]  }
0x122: {  	[tilespmem:$0x1FDE0] =	vst v4;
	v4 =	vld [tilespmem:$0x1FF20];
	_ =	sdelay $0x3  }
0x123: {  	v2 =	vor.u32 s0, v42  }
0x124: {  	v36 =	vor.u32 v34, v1;
	v44 =	vsel vm0, v3, v4;
	v3 =	vld [tilespmem:$0x1FF30]  }
0x125: {  	v4 =	vld [tilespmem:$0x1FF40];
	_ =	sdelay $0x2  }
0x126: {  	[tilespmem:v2+s19+$0x0] =	vst.idx.msk $0xffff, v0  }
0x127: {  	v0 =	vld.idx.msk [tilespmem:v36+s16+$0x0], $0xffff  }
0x128: {  	v3 =	vsel vm0, v3, v4;
	v4 =	vld [tilespmem:$0x1FF60]  }
0x129: {  	[tilespmem:$0x1FE00] =	vst v3;
	v36 =	vcombine.low v3, v44;
	v3 =	vld [tilespmem:$0x1FF50]  }
0x12a: {  	v2 =	vor.u32 s0, v47  }
0x12b: {  	v38 =	vor.u32 v35, v1;
	_ =	sdelay $0x2  }
0x12c: {  	[tilespmem:$0x1FE10] =	vst v44;
	v44 =	vsel vm0, v3, v4;
	v3 =	vld [tilespmem:$0x1FF70]  }
0x12d: {  	[tilespmem:v2+s19+$0x0] =	vst.idx.msk $0xffff, v0;
	v4 =	vld [tilespmem:$0x1FF80]  }
0x12e: {  	v2 =	vor.u32 s0, v52;
	v0 =	vld.idx.msk [tilespmem:v38+s16+$0x0], $0xffff  }
0x12f: {  	v43 =	vor.u32 v36, v1;
	_ =	sdelay $0x2  }
0x130: {  	v4 =	vsel vm0, v3, v4  }
0x131: {  	[tilespmem:v2+s19+$0x0] =	vst.idx.msk $0xffff, v0;
	v38 =	vcombine.low v4, v44  }
0x132: {  	v2 =	vor.u32 s0, v53;
	v0 =	vld.idx.msk [tilespmem:v43+s16+$0x0], $0xffff  }
0x133: {  	v3 =	vmov v44;
	v44 =	vor.u32 v38, v1;
	_ =	sdelay $0x2  }
0x134: {  	v50 =	vsel vm0, v50, v45;
	v51 =	vsel vm0, v51, v49  }
0x135: {  	v43 =	vcombine.low v51, v50;
	[tilespmem:v2+s19+$0x0] =	vst.idx.msk $0xffff, v0  }
0x136: {  	v2 =	vor.u32 s0, v54;
	v0 =	vld.idx.msk [tilespmem:v44+s16+$0x0], $0xffff  }
0x137: {  	v45 =	vor.u32 v43, v1;
	_ =	sdelay $0x1  }
0x138: {  	v44 =	vsel vm0, v48, v46;
	v46 =	vld [tilespmem:$0x1FED0]  }
0x139: {  	v48 =	vld [tilespmem:$0x1FEC0]  }
0x13a: {  	[tilespmem:v2+s19+$0x0] =	vst.idx.msk $0xffff, v0  }
0x13b: {  	v2 =	vor.u32 s0, v55;
	v0 =	vld.idx.msk [tilespmem:v45+s16+$0x0], $0xffff;
	_ =	sdelay $0x2  }
0x13c: {  	v46 =	vsel vm0, v48, v46  }
0x13d: {  	v44 =	vcombine.low v46, v44  }
0x13e: {  	[tilespmem:v2+s19+$0x0] =	vst.idx.msk $0xffff, v0;
	v0 =	vld [tilespmem:$0x1FF90]  }
0x13f: {  	v46 =	vor.u32 v44, v1;
	v2 =	vld [tilespmem:$0x1FFA0];
	_ =	sdelay $0x4  }
0x140: {  	v45 =	vcombine.low v0, v2;
	v0 =	vld.idx.msk [tilespmem:v46+s16+$0x0], $0xffff;
	v2 =	vor.u32 s0, v56;
	_ =	sdelay $0x4  }
0x141: {  	[tilespmem:v2+s19+$0x0] =	vst.idx.msk $0xffff, v0;
	v0 =	vld [tilespmem:$0x1FFB0]  }
0x142: {  	v48 =	vor.u32 v45, v1;
	v2 =	vld [tilespmem:$0x1FFC0];
	_ =	sdelay $0x4  }
0x143: {  	v46 =	vcombine.low v0, v2;
	v0 =	vld.idx.msk [tilespmem:v48+s16+$0x0], $0xffff;
	v2 =	vor.u32 s0, v57;
	_ =	sdelay $0x4  }
0x144: {  	[tilespmem:v2+s19+$0x0] =	vst.idx.msk $0xffff, v0;
	v0 =	vld [tilespmem:$0x1FDC0]  }
0x145: {  	v49 =	vor.u32 v46, v1;
	v2 =	vld [tilespmem:$0x1FDD0];
	_ =	sdelay $0x4  }
0x146: {  	v48 =	vcombine.low v2, v0;
	v0 =	vld.idx.msk [tilespmem:v49+s16+$0x0], $0xffff;
	v2 =	vor.u32 s0, v58;
	_ =	sdelay $0x4  }
0x147: {  	[tilespmem:v2+s19+$0x0] =	vst.idx.msk $0xffff, v0;
	v0 =	vld [tilespmem:$0x1FDE0]  }
0x148: {  	v50 =	vor.u32 v48, v1;
	v2 =	vld [tilespmem:$0x1FDF0];
	_ =	sdelay $0x4  }
0x149: {  	v49 =	vcombine.low v2, v0;
	v0 =	vld.idx.msk [tilespmem:v50+s16+$0x0], $0xffff;
	v2 =	vor.u32 s0, v59;
	_ =	sdelay $0x4  }
0x14a: {  	[tilespmem:v2+s19+$0x0] =	vst.idx.msk $0xffff, v0;
	v0 =	vld [tilespmem:$0x1FE00]  }
0x14b: {  	v51 =	vor.u32 v49, v1;
	v2 =	vld [tilespmem:$0x1FE10];
	_ =	sdelay $0x4  }
0x14c: {  	v50 =	vcombine.low v2, v0;
	v0 =	vld.idx.msk [tilespmem:v51+s16+$0x0], $0xffff;
	v2 =	vor.u32 s0, v60;
	_ =	sdelay $0x2  }
0x14d: {  	v51 =	vor.u32 v50, v1  }
0x14e: {  	[tilespmem:$0x1FE20] =	vst v51  }
0x14f: {  	[tilespmem:v2+s19+$0x0] =	vst.idx.msk $0xffff, v0;
	v0 =	vld [tilespmem:$0x1FE20];
	_ =	sdelay $0x6  }
0x150: {  	v51 =	vcombine.low v3, v4  }
0x151: {  	v2 =	vor.u32 s0, v61;
	v3 =	vld.idx.msk [tilespmem:v0+s16+$0x0], $0xffff  }
0x152: {  	v0 =	vor.u32 v51, v1;
	_ =	sdelay $0x3  }
0x153: {  	[tilespmem:v2+s19+$0x0] =	vst.idx.msk $0xffff, v3  }
0x154: {  	v3 =	vld.idx.msk [tilespmem:v0+s16+$0x0], $0xffff  }
0x155: {  	v0 =	vld [tilespmem:$0x1FF00]  }
0x156: {  	v2 =	vor.u32 s0, v62;
	_ =	sdelay $0x3  }
0x157: {  	s2 =	simm.s32 $0x10;
	v0 =	vadd.s32 $0x1F, v0  }
0x158: {  	s14 =	simm.s32 $0x1;
	s22 =	simm.s32 $0x2;
	[tilespmem:v2+s19+$0x0] =	vst.idx.msk $0xffff, v3;
	v2 =	vmov s2;
	v1 =	vor.u32 v0, v1  }
.LBB2_2:
0x159: {  	_ =	sdelay $0x2  }
0x15a: {  	v2 =	vshll.u32 v2, $0x5  }
0x15b: {  	v3 =	vld.idx.msk [tilespmem:v1+s16+$0x0], $0xffff;
	v1 =	vor.u32 v30, v2;
	v2 =	vor.u32 s0, v63;
	_ =	sdelay $0x2  }
0x15c: {  	v4 =	vor.u32 v5, v1;
	_ =	sdelay $0x1  }
0x15d: {  	[tilespmem:v2+s19+$0x0] =	vst.idx.msk $0xffff, v3;
	v3 =	vld [tilespmem:$0x1FE30];
	_ =	sdelay $0x1  }
0x15e: {  	s31 =	sshll.u32 s14, $0x7  }
0x15f: {  	s6 =	sand.u32 $0x70, s2;
	s0 =	sand.u32 $0xFFFFFC00, s31;
	v2 =	vld.idx.msk [tilespmem:v4+s16+$0x0], $0xffff  }
0x160: {  	s0 =	sor.u32 s6, s0;
	v4 =	vld [tilespmem:$0x1FE40]  }
0x161: {  	v3 =	vor.u32 s0, v3;
	_ =	sdelay $0x3  }
0x162: {  	v4 =	vor.u32 v4, v1  }
0x163: {  	[tilespmem:v3+s19+$0x0] =	vst.idx.msk $0xffff, v2;
	v3 =	vld [tilespmem:$0x1FE50];
	_ =	sdelay $0x3  }
0x164: {  	v2 =	vld.idx.msk [tilespmem:v4+s16+$0x0], $0xffff  }
0x165: {  	v4 =	vld [tilespmem:$0x1FE60];
	v3 =	vor.u32 s0, v3;
	_ =	sdelay $0x4  }
0x166: {  	v4 =	vor.u32 v4, v1;
	[tilespmem:v3+s19+$0x0] =	vst.idx.msk $0xffff, v2;
	v3 =	vld [tilespmem:$0x1FE70];
	_ =	sdelay $0x4  }
0x167: {  	v2 =	vld.idx.msk [tilespmem:v4+s16+$0x0], $0xffff;
	v3 =	vor.u32 s0, v3  }
0x168: {  	v4 =	vor.u32 v8, v1;
	_ =	sdelay $0x3  }
0x169: {  	[tilespmem:v3+s19+$0x0] =	vst.idx.msk $0xffff, v2  }
0x16a: {  	v3 =	vor.u32 s0, v6;
	v2 =	vld.idx.msk [tilespmem:v4+s16+$0x0], $0xffff  }
0x16b: {  	v4 =	vor.u32 v7, v1;
	_ =	sdelay $0x3  }
0x16c: {  	[tilespmem:v3+s19+$0x0] =	vst.idx.msk $0xffff, v2  }
0x16d: {  	v3 =	vor.u32 s0, v9;
	v2 =	vld.idx.msk [tilespmem:v4+s16+$0x0], $0xffff  }
0x16e: {  	v4 =	vor.u32 v10, v1;
	_ =	sdelay $0x3  }
0x16f: {  	[tilespmem:v3+s19+$0x0] =	vst.idx.msk $0xffff, v2  }
0x170: {  	v3 =	vor.u32 s0, v11;
	v2 =	vld.idx.msk [tilespmem:v4+s16+$0x0], $0xffff  }
0x171: {  	v4 =	vor.u32 v12, v1;
	_ =	sdelay $0x3  }
0x172: {  	[tilespmem:v3+s19+$0x0] =	vst.idx.msk $0xffff, v2  }
0x173: {  	v3 =	vor.u32 s0, v13;
	v2 =	vld.idx.msk [tilespmem:v4+s16+$0x0], $0xffff  }
0x174: {  	v4 =	vor.u32 v14, v1;
	_ =	sdelay $0x3  }
0x175: {  	[tilespmem:v3+s19+$0x0] =	vst.idx.msk $0xffff, v2  }
0x176: {  	v3 =	vor.u32 s0, v15;
	v2 =	vld.idx.msk [tilespmem:v4+s16+$0x0], $0xffff  }
0x177: {  	v4 =	vor.u32 v16, v1;
	_ =	sdelay $0x3  }
0x178: {  	[tilespmem:v3+s19+$0x0] =	vst.idx.msk $0xffff, v2  }
0x179: {  	v3 =	vor.u32 s0, v17;
	v2 =	vld.idx.msk [tilespmem:v4+s16+$0x0], $0xffff  }
0x17a: {  	v4 =	vor.u32 v18, v1;
	_ =	sdelay $0x3  }
0x17b: {  	[tilespmem:v3+s19+$0x0] =	vst.idx.msk $0xffff, v2  }
0x17c: {  	v3 =	vor.u32 s0, v19;
	v2 =	vld.idx.msk [tilespmem:v4+s16+$0x0], $0xffff  }
0x17d: {  	v4 =	vor.u32 v20, v1;
	_ =	sdelay $0x3  }
0x17e: {  	[tilespmem:v3+s19+$0x0] =	vst.idx.msk $0xffff, v2  }
0x17f: {  	v3 =	vor.u32 s0, v21;
	v2 =	vld.idx.msk [tilespmem:v4+s16+$0x0], $0xffff  }
0x180: {  	v4 =	vor.u32 v22, v1;
	_ =	sdelay $0x3  }
0x181: {  	[tilespmem:v3+s19+$0x0] =	vst.idx.msk $0xffff, v2  }
0x182: {  	v3 =	vor.u32 s0, v23;
	v2 =	vld.idx.msk [tilespmem:v4+s16+$0x0], $0xffff  }
0x183: {  	v4 =	vor.u32 v24, v1;
	_ =	sdelay $0x3  }
0x184: {  	[tilespmem:v3+s19+$0x0] =	vst.idx.msk $0xffff, v2  }
0x185: {  	v3 =	vor.u32 s0, v25;
	v2 =	vld.idx.msk [tilespmem:v4+s16+$0x0], $0xffff  }
0x186: {  	v4 =	vor.u32 v26, v1;
	_ =	sdelay $0x3  }
0x187: {  	[tilespmem:v3+s19+$0x0] =	vst.idx.msk $0xffff, v2  }
0x188: {  	v3 =	vor.u32 s0, v27;
	v2 =	vld.idx.msk [tilespmem:v4+s16+$0x0], $0xffff  }
0x189: {  	v4 =	vor.u32 v28, v1;
	_ =	sdelay $0x3  }
0x18a: {  	[tilespmem:v3+s19+$0x0] =	vst.idx.msk $0xffff, v2  }
0x18b: {  	v3 =	vor.u32 s0, v29;
	v2 =	vld.idx.msk [tilespmem:v4+s16+$0x0], $0xffff  }
0x18c: {  	v4 =	vor.u32 v33, v1;
	_ =	sdelay $0x3  }
0x18d: {  	[tilespmem:v3+s19+$0x0] =	vst.idx.msk $0xffff, v2  }
0x18e: {  	v3 =	vor.u32 s0, v31;
	v2 =	vld.idx.msk [tilespmem:v4+s16+$0x0], $0xffff  }
0x18f: {  	v4 =	vor.u32 v39, v1;
	_ =	sdelay $0x3  }
0x190: {  	[tilespmem:v3+s19+$0x0] =	vst.idx.msk $0xffff, v2  }
0x191: {  	v3 =	vor.u32 s0, v32;
	v2 =	vld.idx.msk [tilespmem:v4+s16+$0x0], $0xffff  }
0x192: {  	v4 =	vor.u32 v40, v1;
	_ =	sdelay $0x3  }
0x193: {  	[tilespmem:v3+s19+$0x0] =	vst.idx.msk $0xffff, v2  }
0x194: {  	v3 =	vor.u32 s0, v37;
	v2 =	vld.idx.msk [tilespmem:v4+s16+$0x0], $0xffff  }
0x195: {  	v4 =	vor.u32 v41, v1;
	_ =	sdelay $0x3  }
0x196: {  	[tilespmem:v3+s19+$0x0] =	vst.idx.msk $0xffff, v2  }
0x197: {  	v3 =	vor.u32 s0, v42;
	v2 =	vld.idx.msk [tilespmem:v4+s16+$0x0], $0xffff  }
0x198: {  	v4 =	vor.u32 v34, v1;
	_ =	sdelay $0x3  }
0x199: {  	[tilespmem:v3+s19+$0x0] =	vst.idx.msk $0xffff, v2  }
0x19a: {  	v3 =	vor.u32 s0, v47;
	v2 =	vld.idx.msk [tilespmem:v4+s16+$0x0], $0xffff  }
0x19b: {  	v4 =	vor.u32 v35, v1;
	_ =	sdelay $0x3  }
0x19c: {  	[tilespmem:v3+s19+$0x0] =	vst.idx.msk $0xffff, v2  }
0x19d: {  	v3 =	vor.u32 s0, v52;
	v2 =	vld.idx.msk [tilespmem:v4+s16+$0x0], $0xffff  }
0x19e: {  	v4 =	vor.u32 v36, v1;
	_ =	sdelay $0x3  }
0x19f: {  	[tilespmem:v3+s19+$0x0] =	vst.idx.msk $0xffff, v2  }
0x1a0: {  	v3 =	vor.u32 s0, v53;
	v2 =	vld.idx.msk [tilespmem:v4+s16+$0x0], $0xffff  }
0x1a1: {  	v4 =	vor.u32 v38, v1;
	_ =	sdelay $0x3  }
0x1a2: {  	[tilespmem:v3+s19+$0x0] =	vst.idx.msk $0xffff, v2  }
0x1a3: {  	v3 =	vor.u32 s0, v54;
	v2 =	vld.idx.msk [tilespmem:v4+s16+$0x0], $0xffff  }
0x1a4: {  	v4 =	vor.u32 v43, v1;
	_ =	sdelay $0x3  }
0x1a5: {  	[tilespmem:v3+s19+$0x0] =	vst.idx.msk $0xffff, v2  }
0x1a6: {  	v3 =	vor.u32 s0, v55;
	v2 =	vld.idx.msk [tilespmem:v4+s16+$0x0], $0xffff  }
0x1a7: {  	v4 =	vor.u32 v44, v1;
	_ =	sdelay $0x3  }
0x1a8: {  	[tilespmem:v3+s19+$0x0] =	vst.idx.msk $0xffff, v2  }
0x1a9: {  	v3 =	vor.u32 s0, v56;
	v2 =	vld.idx.msk [tilespmem:v4+s16+$0x0], $0xffff  }
0x1aa: {  	v4 =	vor.u32 v45, v1;
	_ =	sdelay $0x3  }
0x1ab: {  	[tilespmem:v3+s19+$0x0] =	vst.idx.msk $0xffff, v2  }
0x1ac: {  	v3 =	vor.u32 s0, v57;
	v2 =	vld.idx.msk [tilespmem:v4+s16+$0x0], $0xffff  }
0x1ad: {  	v4 =	vor.u32 v46, v1;
	_ =	sdelay $0x3  }
0x1ae: {  	[tilespmem:v3+s19+$0x0] =	vst.idx.msk $0xffff, v2  }
0x1af: {  	v3 =	vor.u32 s0, v58;
	v2 =	vld.idx.msk [tilespmem:v4+s16+$0x0], $0xffff  }
0x1b0: {  	v4 =	vor.u32 v48, v1;
	_ =	sdelay $0x3  }
0x1b1: {  	[tilespmem:v3+s19+$0x0] =	vst.idx.msk $0xffff, v2  }
0x1b2: {  	v3 =	vor.u32 s0, v59;
	v2 =	vld.idx.msk [tilespmem:v4+s16+$0x0], $0xffff  }
0x1b3: {  	v4 =	vor.u32 v49, v1;
	_ =	sdelay $0x3  }
0x1b4: {  	[tilespmem:v3+s19+$0x0] =	vst.idx.msk $0xffff, v2  }
0x1b5: {  	v3 =	vor.u32 s0, v60;
	v2 =	vld.idx.msk [tilespmem:v4+s16+$0x0], $0xffff  }
0x1b6: {  	v4 =	vor.u32 v50, v1;
	_ =	sdelay $0x3  }
0x1b7: {  	[tilespmem:v3+s19+$0x0] =	vst.idx.msk $0xffff, v2  }
0x1b8: {  	v3 =	vor.u32 s0, v61;
	v2 =	vld.idx.msk [tilespmem:v4+s16+$0x0], $0xffff  }
0x1b9: {  	v4 =	vor.u32 v51, v1;
	_ =	sdelay $0x3  }
0x1ba: {  	[tilespmem:v3+s19+$0x0] =	vst.idx.msk $0xffff, v2  }
0x1bb: {  	p0 =	sne.s32 s22, $0x1F;
	v3 =	vld.idx.msk [tilespmem:v4+s16+$0x0], $0xffff;
	v4 =	vor.u32 s0, v62  }
.Ltmp0:
0x1bc: {  	_ = 	snop;
	(pc) =	sbr.rel @p0 .LBB2_2-.Ltmp0, $3  }
0x1bd: {  	_ =	sdelay $0x1  }
0x1be: {  	s2 =	sadd.s32 $0x10, s2  }
0x1bf: {  	s14 =	smov.u32 s22;
	s22 =	sadd.s32 $0x1, s22;
	v1 =	vor.u32 v0, v1;
	v2 =	vmov s2;
	[tilespmem:v4+s19+$0x0] =	vst.idx.msk $0xffff, v3  }
0x1c0: {  	_ =	sdelay $0x2  }
0x1c1: {  	v2 =	vshll.u32 v2, $0x5  }
0x1c2: {  	v3 =	vld.idx.msk [tilespmem:v1+s16+$0x0], $0xffff;
	v1 =	vor.u32 v30, v2;
	v2 =	vor.u32 s0, v63;
	_ =	sdelay $0x1  }
0x1c3: {  	v4 =	vlaneseq.u32  }
0x1c4: {  	v4 =	vor.u32 v4, v1;
	_ =	sdelay $0x1  }
0x1c5: {  	[tilespmem:v2+s19+$0x0] =	vst.idx.msk $0xffff, v3;
	v3 =	vld [tilespmem:$0x1FE30];
	_ =	sdelay $0x1  }
0x1c6: {  	s14 =	sshll.u32 s14, $0x7  }
0x1c7: {  	s2 =	sand.u32 $0x70, s2;
	s0 =	sand.u32 $0xFFFFFC00, s14;
	v2 =	vld.idx.msk [tilespmem:v4+s16+$0x0], $0xffff  }
0x1c8: {  	s0 =	sor.u32 s2, s0;
	v4 =	vld [tilespmem:$0x1FE40]  }
0x1c9: {  	v3 =	vor.u32 s0, v3;
	_ =	sdelay $0x3  }
0x1ca: {  	v4 =	vor.u32 v4, v1  }
0x1cb: {  	[tilespmem:v3+s19+$0x0] =	vst.idx.msk $0xffff, v2;
	v3 =	vld [tilespmem:$0x1FE50];
	_ =	sdelay $0x3  }
0x1cc: {  	v2 =	vld.idx.msk [tilespmem:v4+s16+$0x0], $0xffff  }
0x1cd: {  	v4 =	vld [tilespmem:$0x1FE60];
	v3 =	vor.u32 s0, v3;
	_ =	sdelay $0x4  }
0x1ce: {  	v4 =	vor.u32 v4, v1;
	[tilespmem:v3+s19+$0x0] =	vst.idx.msk $0xffff, v2;
	v3 =	vld [tilespmem:$0x1FE70];
	_ =	sdelay $0x4  }
0x1cf: {  	v2 =	vld.idx.msk [tilespmem:v4+s16+$0x0], $0xffff;
	v3 =	vor.u32 s0, v3  }
0x1d0: {  	v4 =	vor.u32 v8, v1;
	_ =	sdelay $0x3  }
0x1d1: {  	[tilespmem:v3+s19+$0x0] =	vst.idx.msk $0xffff, v2  }
0x1d2: {  	v3 =	vor.u32 s0, v6;
	v2 =	vld.idx.msk [tilespmem:v4+s16+$0x0], $0xffff  }
0x1d3: {  	v4 =	vor.u32 v7, v1;
	_ =	sdelay $0x3  }
0x1d4: {  	[tilespmem:v3+s19+$0x0] =	vst.idx.msk $0xffff, v2  }
0x1d5: {  	v3 =	vor.u32 s0, v9;
	v2 =	vld.idx.msk [tilespmem:v4+s16+$0x0], $0xffff  }
0x1d6: {  	v4 =	vor.u32 v10, v1;
	_ =	sdelay $0x3  }
0x1d7: {  	[tilespmem:v3+s19+$0x0] =	vst.idx.msk $0xffff, v2  }
0x1d8: {  	v3 =	vor.u32 s0, v11;
	v2 =	vld.idx.msk [tilespmem:v4+s16+$0x0], $0xffff  }
0x1d9: {  	v4 =	vor.u32 v12, v1;
	_ =	sdelay $0x3  }
0x1da: {  	[tilespmem:v3+s19+$0x0] =	vst.idx.msk $0xffff, v2  }
0x1db: {  	v3 =	vor.u32 s0, v13;
	v2 =	vld.idx.msk [tilespmem:v4+s16+$0x0], $0xffff  }
0x1dc: {  	v4 =	vor.u32 v14, v1;
	_ =	sdelay $0x3  }
0x1dd: {  	[tilespmem:v3+s19+$0x0] =	vst.idx.msk $0xffff, v2  }
0x1de: {  	v3 =	vor.u32 s0, v15;
	v2 =	vld.idx.msk [tilespmem:v4+s16+$0x0], $0xffff  }
0x1df: {  	v4 =	vor.u32 v16, v1;
	_ =	sdelay $0x3  }
0x1e0: {  	[tilespmem:v3+s19+$0x0] =	vst.idx.msk $0xffff, v2  }
0x1e1: {  	v3 =	vor.u32 s0, v17;
	v2 =	vld.idx.msk [tilespmem:v4+s16+$0x0], $0xffff  }
0x1e2: {  	v4 =	vor.u32 v18, v1;
	_ =	sdelay $0x3  }
0x1e3: {  	[tilespmem:v3+s19+$0x0] =	vst.idx.msk $0xffff, v2  }
0x1e4: {  	v3 =	vor.u32 s0, v19;
	v2 =	vld.idx.msk [tilespmem:v4+s16+$0x0], $0xffff  }
0x1e5: {  	v4 =	vor.u32 v20, v1;
	_ =	sdelay $0x3  }
0x1e6: {  	[tilespmem:v3+s19+$0x0] =	vst.idx.msk $0xffff, v2  }
0x1e7: {  	v3 =	vor.u32 s0, v21;
	v2 =	vld.idx.msk [tilespmem:v4+s16+$0x0], $0xffff  }
0x1e8: {  	v4 =	vor.u32 v22, v1;
	_ =	sdelay $0x3  }
0x1e9: {  	[tilespmem:v3+s19+$0x0] =	vst.idx.msk $0xffff, v2  }
0x1ea: {  	v3 =	vor.u32 s0, v23;
	v2 =	vld.idx.msk [tilespmem:v4+s16+$0x0], $0xffff  }
0x1eb: {  	v4 =	vor.u32 v24, v1;
	_ =	sdelay $0x3  }
0x1ec: {  	[tilespmem:v3+s19+$0x0] =	vst.idx.msk $0xffff, v2  }
0x1ed: {  	v3 =	vor.u32 s0, v25;
	v2 =	vld.idx.msk [tilespmem:v4+s16+$0x0], $0xffff  }
0x1ee: {  	v4 =	vor.u32 v26, v1;
	_ =	sdelay $0x3  }
0x1ef: {  	[tilespmem:v3+s19+$0x0] =	vst.idx.msk $0xffff, v2  }
0x1f0: {  	v3 =	vor.u32 s0, v27;
	v2 =	vld.idx.msk [tilespmem:v4+s16+$0x0], $0xffff  }
0x1f1: {  	v4 =	vor.u32 v28, v1;
	_ =	sdelay $0x3  }
0x1f2: {  	[tilespmem:v3+s19+$0x0] =	vst.idx.msk $0xffff, v2  }
0x1f3: {  	v3 =	vor.u32 s0, v29;
	v2 =	vld.idx.msk [tilespmem:v4+s16+$0x0], $0xffff  }
0x1f4: {  	v4 =	vor.u32 v33, v1;
	_ =	sdelay $0x3  }
0x1f5: {  	[tilespmem:v3+s19+$0x0] =	vst.idx.msk $0xffff, v2  }
0x1f6: {  	v3 =	vor.u32 s0, v31;
	v2 =	vld.idx.msk [tilespmem:v4+s16+$0x0], $0xffff  }
0x1f7: {  	v4 =	vor.u32 v39, v1;
	_ =	sdelay $0x3  }
0x1f8: {  	[tilespmem:v3+s19+$0x0] =	vst.idx.msk $0xffff, v2  }
0x1f9: {  	v3 =	vor.u32 s0, v32;
	v2 =	vld.idx.msk [tilespmem:v4+s16+$0x0], $0xffff  }
0x1fa: {  	v4 =	vor.u32 v40, v1;
	_ =	sdelay $0x3  }
0x1fb: {  	[tilespmem:v3+s19+$0x0] =	vst.idx.msk $0xffff, v2  }
0x1fc: {  	v3 =	vor.u32 s0, v37;
	v2 =	vld.idx.msk [tilespmem:v4+s16+$0x0], $0xffff  }
0x1fd: {  	v4 =	vor.u32 v41, v1;
	_ =	sdelay $0x3  }
0x1fe: {  	[tilespmem:v3+s19+$0x0] =	vst.idx.msk $0xffff, v2  }
0x1ff: {  	v3 =	vor.u32 s0, v42;
	v2 =	vld.idx.msk [tilespmem:v4+s16+$0x0], $0xffff  }
0x200: {  	v4 =	vor.u32 v34, v1;
	_ =	sdelay $0x3  }
0x201: {  	[tilespmem:v3+s19+$0x0] =	vst.idx.msk $0xffff, v2  }
0x202: {  	v3 =	vor.u32 s0, v47;
	v2 =	vld.idx.msk [tilespmem:v4+s16+$0x0], $0xffff  }
0x203: {  	v4 =	vor.u32 v35, v1;
	_ =	sdelay $0x3  }
0x204: {  	[tilespmem:v3+s19+$0x0] =	vst.idx.msk $0xffff, v2  }
0x205: {  	v3 =	vor.u32 s0, v52;
	v2 =	vld.idx.msk [tilespmem:v4+s16+$0x0], $0xffff  }
0x206: {  	v4 =	vor.u32 v36, v1;
	_ =	sdelay $0x3  }
0x207: {  	[tilespmem:v3+s19+$0x0] =	vst.idx.msk $0xffff, v2  }
0x208: {  	v3 =	vor.u32 s0, v53;
	v2 =	vld.idx.msk [tilespmem:v4+s16+$0x0], $0xffff  }
0x209: {  	v4 =	vor.u32 v38, v1;
	_ =	sdelay $0x3  }
0x20a: {  	[tilespmem:v3+s19+$0x0] =	vst.idx.msk $0xffff, v2  }
0x20b: {  	v3 =	vor.u32 s0, v54;
	v2 =	vld.idx.msk [tilespmem:v4+s16+$0x0], $0xffff  }
0x20c: {  	v4 =	vor.u32 v43, v1;
	_ =	sdelay $0x3  }
0x20d: {  	[tilespmem:v3+s19+$0x0] =	vst.idx.msk $0xffff, v2  }
0x20e: {  	v3 =	vor.u32 s0, v55;
	v2 =	vld.idx.msk [tilespmem:v4+s16+$0x0], $0xffff  }
0x20f: {  	v4 =	vor.u32 v44, v1;
	_ =	sdelay $0x3  }
0x210: {  	[tilespmem:v3+s19+$0x0] =	vst.idx.msk $0xffff, v2  }
0x211: {  	v3 =	vor.u32 s0, v56;
	v2 =	vld.idx.msk [tilespmem:v4+s16+$0x0], $0xffff  }
0x212: {  	v4 =	vor.u32 v45, v1;
	_ =	sdelay $0x3  }
0x213: {  	[tilespmem:v3+s19+$0x0] =	vst.idx.msk $0xffff, v2  }
0x214: {  	v3 =	vor.u32 s0, v57;
	v2 =	vld.idx.msk [tilespmem:v4+s16+$0x0], $0xffff  }
0x215: {  	v4 =	vor.u32 v46, v1;
	_ =	sdelay $0x3  }
0x216: {  	[tilespmem:v3+s19+$0x0] =	vst.idx.msk $0xffff, v2  }
0x217: {  	v3 =	vor.u32 s0, v58;
	v2 =	vld.idx.msk [tilespmem:v4+s16+$0x0], $0xffff  }
0x218: {  	v4 =	vor.u32 v48, v1;
	_ =	sdelay $0x3  }
0x219: {  	[tilespmem:v3+s19+$0x0] =	vst.idx.msk $0xffff, v2  }
0x21a: {  	v3 =	vor.u32 s0, v59;
	v2 =	vld.idx.msk [tilespmem:v4+s16+$0x0], $0xffff  }
0x21b: {  	v4 =	vor.u32 v49, v1;
	_ =	sdelay $0x3  }
0x21c: {  	[tilespmem:v3+s19+$0x0] =	vst.idx.msk $0xffff, v2  }
0x21d: {  	v3 =	vor.u32 s0, v60;
	v2 =	vld.idx.msk [tilespmem:v4+s16+$0x0], $0xffff  }
0x21e: {  	v4 =	vor.u32 v50, v1;
	_ =	sdelay $0x3  }
0x21f: {  	[tilespmem:v3+s19+$0x0] =	vst.idx.msk $0xffff, v2  }
0x220: {  	v3 =	vor.u32 s0, v61;
	v2 =	vld.idx.msk [tilespmem:v4+s16+$0x0], $0xffff  }
0x221: {  	v4 =	vor.u32 v51, v1;
	_ =	sdelay $0x3  }
0x222: {  	[tilespmem:v3+s19+$0x0] =	vst.idx.msk $0xffff, v2  }
0x223: {  	v3 =	vor.u32 s0, v62;
	v2 =	vld.idx.msk [tilespmem:v4+s16+$0x0], $0xffff  }
0x224: {  	v1 =	vor.u32 v0, v1;
	_ =	sdelay $0x3  }
0x225: {  	[tilespmem:v3+s19+$0x0] =	vst.idx.msk $0xffff, v2  }
0x226: {  	v2 =	vor.u32 s0, v63;
	v1 =	vld.idx.msk [tilespmem:v1+s16+$0x0], $0xffff;
	_ =	sdelay $0x4  }
0x227: {  	s22 =	simm.s32 $0x0;
	[tilespmem:v2+s19+$0x0] =	vst.idx.msk $0xffff, v1  }
0x228: {  	[hbm4b:s5+s20] =	stream.strided.scatter [tilespmem:s19], [sflag:$0x3], $0x4000, s21, s20, $0x38;
	[tilespmem:$0x16400] =	vst v63  }
0x229: {  	s25 =	simm.s32 $0x400;
	v3 =	vmov s22  }
0x22a: {  	v1 =	vshll.u32 v3, $0x5;
	[tilespmem:s16], [sflag:$0x1] =	stream.indirect.gather [hbm4b:s4+s13], $0x20, s25, s13, $0xb8;
	[tilespmem:$0x16400] =	vst v63  }
0x22b: {  	v2 =	vlaneseq.u32;
	v1 =	vor.u32 v30, v1;
	_ =	swait.ge [sflag:s23], $0x4000  }
0x22c: {  	v2 =	vor.u32 v2, v1;
	v3 =	vld [tilespmem:$0x1FE30]  }
0x22d: {  	v4 =	vld [tilespmem:$0x1FE40]  }
0x22e: {  	s31 =	simm.s32 $0x0  }
0x22f: {  	s2 =	sand.u32 $0xFFFFFC00, s31;
	s0 =	sand.u32 $0x70, s22;
	[sflag:s23] =	ssyncset.done $0x0  }
0x230: {  	s0 =	sor.u32 s0, s2;
	[sflag:s23] =	ssyncadd.s32 $0xFFFFC000  }
0x231: {  	v2 =	vld.idx.msk [tilespmem:v2+s17+$0x0], $0xffff;
	v3 =	vor.u32 s0, v3  }
0x232: {  	v4 =	vor.u32 v4, v1;
	_ =	sdelay $0x3  }
0x233: {  	[tilespmem:v3+s24+$0x0] =	vst.idx.msk $0xffff, v2;
	v3 =	vld [tilespmem:$0x1FE50]  }
0x234: {  	v2 =	vld.idx.msk [tilespmem:v4+s17+$0x0], $0xffff  }
0x235: {  	v4 =	vld [tilespmem:$0x1FE60];
	_ =	sdelay $0x3  }
0x236: {  	v3 =	vor.u32 s0, v3  }
0x237: {  	v4 =	vor.u32 v4, v1;
	_ =	sdelay $0x3  }
0x238: {  	[tilespmem:v3+s24+$0x0] =	vst.idx.msk $0xffff, v2;
	v3 =	vld [tilespmem:$0x1FE70]  }
0x239: {  	v2 =	vld.idx.msk [tilespmem:v4+s17+$0x0], $0xffff  }
0x23a: {  	v4 =	vld [tilespmem:$0x1FFE0];
	_ =	sdelay $0x3  }
0x23b: {  	v3 =	vor.u32 s0, v3  }
0x23c: {  	v4 =	vor.u32 v4, v1;
	_ =	sdelay $0x3  }
0x23d: {  	[tilespmem:v3+s24+$0x0] =	vst.idx.msk $0xffff, v2;
	v3 =	vld [tilespmem:$0x1FFD0]  }
0x23e: {  	v2 =	vld.idx.msk [tilespmem:v4+s17+$0x0], $0xffff  }
0x23f: {  	v4 =	vld [tilespmem:$0x1FFF0];
	_ =	sdelay $0x3  }
0x240: {  	v3 =	vor.u32 s0, v3  }
0x241: {  	v4 =	vor.u32 v4, v1;
	_ =	sdelay $0x3  }
0x242: {  	[tilespmem:v3+s24+$0x0] =	vst.idx.msk $0xffff, v2  }
0x243: {  	v3 =	vor.u32 s0, v9;
	v2 =	vld.idx.msk [tilespmem:v4+s17+$0x0], $0xffff  }
0x244: {  	v4 =	vor.u32 v10, v1;
	_ =	sdelay $0x3  }
0x245: {  	[tilespmem:v3+s24+$0x0] =	vst.idx.msk $0xffff, v2  }
0x246: {  	v3 =	vor.u32 s0, v11;
	v2 =	vld.idx.msk [tilespmem:v4+s17+$0x0], $0xffff  }
0x247: {  	v4 =	vor.u32 v12, v1;
	_ =	sdelay $0x3  }
0x248: {  	[tilespmem:v3+s24+$0x0] =	vst.idx.msk $0xffff, v2  }
0x249: {  	v3 =	vor.u32 s0, v13;
	v2 =	vld.idx.msk [tilespmem:v4+s17+$0x0], $0xffff  }
0x24a: {  	v4 =	vor.u32 v14, v1;
	_ =	sdelay $0x3  }
0x24b: {  	[tilespmem:v3+s24+$0x0] =	vst.idx.msk $0xffff, v2  }
0x24c: {  	v3 =	vor.u32 s0, v15;
	v2 =	vld.idx.msk [tilespmem:v4+s17+$0x0], $0xffff  }
0x24d: {  	v4 =	vor.u32 v16, v1;
	_ =	sdelay $0x3  }
0x24e: {  	[tilespmem:v3+s24+$0x0] =	vst.idx.msk $0xffff, v2  }
0x24f: {  	v3 =	vor.u32 s0, v17;
	v2 =	vld.idx.msk [tilespmem:v4+s17+$0x0], $0xffff  }
0x250: {  	v4 =	vor.u32 v18, v1;
	_ =	sdelay $0x3  }
0x251: {  	[tilespmem:v3+s24+$0x0] =	vst.idx.msk $0xffff, v2  }
0x252: {  	v3 =	vor.u32 s0, v19;
	v2 =	vld.idx.msk [tilespmem:v4+s17+$0x0], $0xffff  }
0x253: {  	v4 =	vor.u32 v20, v1;
	_ =	sdelay $0x3  }
0x254: {  	[tilespmem:v3+s24+$0x0] =	vst.idx.msk $0xffff, v2  }
0x255: {  	v3 =	vor.u32 s0, v21;
	v2 =	vld.idx.msk [tilespmem:v4+s17+$0x0], $0xffff  }
0x256: {  	v4 =	vor.u32 v22, v1;
	_ =	sdelay $0x3  }
0x257: {  	[tilespmem:v3+s24+$0x0] =	vst.idx.msk $0xffff, v2  }
0x258: {  	v3 =	vor.u32 s0, v23;
	v2 =	vld.idx.msk [tilespmem:v4+s17+$0x0], $0xffff  }
0x259: {  	v4 =	vor.u32 v24, v1;
	_ =	sdelay $0x3  }
0x25a: {  	[tilespmem:v3+s24+$0x0] =	vst.idx.msk $0xffff, v2  }
0x25b: {  	v3 =	vor.u32 s0, v25;
	v2 =	vld.idx.msk [tilespmem:v4+s17+$0x0], $0xffff  }
0x25c: {  	v4 =	vor.u32 v26, v1;
	_ =	sdelay $0x3  }
0x25d: {  	[tilespmem:v3+s24+$0x0] =	vst.idx.msk $0xffff, v2  }
0x25e: {  	v3 =	vor.u32 s0, v27;
	v2 =	vld.idx.msk [tilespmem:v4+s17+$0x0], $0xffff  }
0x25f: {  	v4 =	vor.u32 v28, v1;
	_ =	sdelay $0x3  }
0x260: {  	[tilespmem:v3+s24+$0x0] =	vst.idx.msk $0xffff, v2  }
0x261: {  	v3 =	vor.u32 s0, v29;
	v2 =	vld.idx.msk [tilespmem:v4+s17+$0x0], $0xffff  }
0x262: {  	v4 =	vor.u32 v33, v1;
	_ =	sdelay $0x3  }
0x263: {  	[tilespmem:v3+s24+$0x0] =	vst.idx.msk $0xffff, v2  }
0x264: {  	v3 =	vor.u32 s0, v31;
	v2 =	vld.idx.msk [tilespmem:v4+s17+$0x0], $0xffff  }
0x265: {  	v4 =	vor.u32 v39, v1;
	_ =	sdelay $0x3  }
0x266: {  	[tilespmem:v3+s24+$0x0] =	vst.idx.msk $0xffff, v2  }
0x267: {  	v3 =	vor.u32 s0, v32;
	v2 =	vld.idx.msk [tilespmem:v4+s17+$0x0], $0xffff  }
0x268: {  	v4 =	vor.u32 v40, v1;
	_ =	sdelay $0x3  }
0x269: {  	[tilespmem:v3+s24+$0x0] =	vst.idx.msk $0xffff, v2  }
0x26a: {  	v3 =	vor.u32 s0, v37;
	v2 =	vld.idx.msk [tilespmem:v4+s17+$0x0], $0xffff  }
0x26b: {  	v4 =	vor.u32 v41, v1;
	_ =	sdelay $0x3  }
0x26c: {  	[tilespmem:v3+s24+$0x0] =	vst.idx.msk $0xffff, v2  }
0x26d: {  	v3 =	vor.u32 s0, v42;
	v2 =	vld.idx.msk [tilespmem:v4+s17+$0x0], $0xffff  }
0x26e: {  	v4 =	vor.u32 v34, v1;
	_ =	sdelay $0x3  }
0x26f: {  	[tilespmem:v3+s24+$0x0] =	vst.idx.msk $0xffff, v2  }
0x270: {  	v3 =	vor.u32 s0, v47;
	v2 =	vld.idx.msk [tilespmem:v4+s17+$0x0], $0xffff  }
0x271: {  	v4 =	vor.u32 v35, v1;
	_ =	sdelay $0x3  }
0x272: {  	[tilespmem:v3+s24+$0x0] =	vst.idx.msk $0xffff, v2  }
0x273: {  	v3 =	vor.u32 s0, v52;
	v2 =	vld.idx.msk [tilespmem:v4+s17+$0x0], $0xffff  }
0x274: {  	v4 =	vor.u32 v36, v1;
	_ =	sdelay $0x3  }
0x275: {  	[tilespmem:v3+s24+$0x0] =	vst.idx.msk $0xffff, v2  }
0x276: {  	v3 =	vor.u32 s0, v53;
	v2 =	vld.idx.msk [tilespmem:v4+s17+$0x0], $0xffff  }
0x277: {  	v4 =	vor.u32 v38, v1;
	_ =	sdelay $0x3  }
0x278: {  	[tilespmem:v3+s24+$0x0] =	vst.idx.msk $0xffff, v2  }
0x279: {  	v3 =	vor.u32 s0, v54;
	v2 =	vld.idx.msk [tilespmem:v4+s17+$0x0], $0xffff  }
0x27a: {  	v4 =	vor.u32 v43, v1;
	_ =	sdelay $0x3  }
0x27b: {  	[tilespmem:v3+s24+$0x0] =	vst.idx.msk $0xffff, v2  }
0x27c: {  	v3 =	vor.u32 s0, v55;
	v2 =	vld.idx.msk [tilespmem:v4+s17+$0x0], $0xffff  }
0x27d: {  	v4 =	vor.u32 v44, v1;
	_ =	sdelay $0x3  }
0x27e: {  	[tilespmem:v3+s24+$0x0] =	vst.idx.msk $0xffff, v2  }
0x27f: {  	v3 =	vor.u32 s0, v56;
	v2 =	vld.idx.msk [tilespmem:v4+s17+$0x0], $0xffff  }
0x280: {  	v4 =	vor.u32 v45, v1;
	_ =	sdelay $0x3  }
0x281: {  	[tilespmem:v3+s24+$0x0] =	vst.idx.msk $0xffff, v2  }
0x282: {  	v3 =	vor.u32 s0, v57;
	v2 =	vld.idx.msk [tilespmem:v4+s17+$0x0], $0xffff  }
0x283: {  	v4 =	vor.u32 v46, v1;
	_ =	sdelay $0x3  }
0x284: {  	[tilespmem:v3+s24+$0x0] =	vst.idx.msk $0xffff, v2  }
0x285: {  	v3 =	vor.u32 s0, v58;
	v2 =	vld.idx.msk [tilespmem:v4+s17+$0x0], $0xffff  }
0x286: {  	v4 =	vor.u32 v48, v1;
	_ =	sdelay $0x3  }
0x287: {  	[tilespmem:v3+s24+$0x0] =	vst.idx.msk $0xffff, v2  }
0x288: {  	v3 =	vor.u32 s0, v59;
	v2 =	vld.idx.msk [tilespmem:v4+s17+$0x0], $0xffff  }
0x289: {  	v4 =	vor.u32 v49, v1;
	_ =	sdelay $0x3  }
0x28a: {  	[tilespmem:v3+s24+$0x0] =	vst.idx.msk $0xffff, v2  }
0x28b: {  	v3 =	vor.u32 s0, v60;
	v2 =	vld.idx.msk [tilespmem:v4+s17+$0x0], $0xffff  }
0x28c: {  	v4 =	vor.u32 v50, v1;
	_ =	sdelay $0x3  }
0x28d: {  	[tilespmem:v3+s24+$0x0] =	vst.idx.msk $0xffff, v2  }
0x28e: {  	v3 =	vor.u32 s0, v61;
	v2 =	vld.idx.msk [tilespmem:v4+s17+$0x0], $0xffff  }
0x28f: {  	v4 =	vor.u32 v51, v1;
	_ =	sdelay $0x3  }
0x290: {  	[tilespmem:v3+s24+$0x0] =	vst.idx.msk $0xffff, v2  }
0x291: {  	v3 =	vor.u32 s0, v62;
	v2 =	vld.idx.msk [tilespmem:v4+s17+$0x0], $0xffff;
	_ =	sdelay $0x3  }
0x292: {  	s2 =	simm.s32 $0x10  }
0x293: {  	v5 =	vlaneseq.u32;
	s14 =	simm.s32 $0x1;
	s22 =	simm.s32 $0x2;
	v1 =	vor.u32 v0, v1;
	[tilespmem:v3+s24+$0x0] =	vst.idx.msk $0xffff, v2;
	v2 =	vmov s2  }
.LBB2_4:
0x294: {  	_ =	sdelay $0x2  }
0x295: {  	v2 =	vshll.u32 v2, $0x5  }
0x296: {  	v3 =	vld.idx.msk [tilespmem:v1+s17+$0x0], $0xffff;
	v1 =	vor.u32 v30, v2;
	v2 =	vor.u32 s0, v63;
	_ =	sdelay $0x2  }
0x297: {  	v4 =	vor.u32 v5, v1;
	_ =	sdelay $0x1  }
0x298: {  	[tilespmem:v2+s24+$0x0] =	vst.idx.msk $0xffff, v3;
	v3 =	vld [tilespmem:$0x1FE30];
	_ =	sdelay $0x1  }
0x299: {  	s31 =	sshll.u32 s14, $0x7  }
0x29a: {  	s6 =	sand.u32 $0x70, s2;
	s0 =	sand.u32 $0xFFFFFC00, s31;
	v2 =	vld.idx.msk [tilespmem:v4+s17+$0x0], $0xffff  }
0x29b: {  	s0 =	sor.u32 s6, s0;
	v4 =	vld [tilespmem:$0x1FE40]  }
0x29c: {  	v3 =	vor.u32 s0, v3;
	_ =	sdelay $0x3  }
0x29d: {  	v4 =	vor.u32 v4, v1  }
0x29e: {  	[tilespmem:v3+s24+$0x0] =	vst.idx.msk $0xffff, v2;
	v3 =	vld [tilespmem:$0x1FE50];
	_ =	sdelay $0x3  }
0x29f: {  	v2 =	vld.idx.msk [tilespmem:v4+s17+$0x0], $0xffff  }
0x2a0: {  	v4 =	vld [tilespmem:$0x1FE60];
	v3 =	vor.u32 s0, v3;
	_ =	sdelay $0x4  }
0x2a1: {  	v4 =	vor.u32 v4, v1;
	[tilespmem:v3+s24+$0x0] =	vst.idx.msk $0xffff, v2;
	v3 =	vld [tilespmem:$0x1FE70];
	_ =	sdelay $0x4  }
0x2a2: {  	v2 =	vld.idx.msk [tilespmem:v4+s17+$0x0], $0xffff;
	v3 =	vor.u32 s0, v3  }
0x2a3: {  	v4 =	vor.u32 v8, v1;
	_ =	sdelay $0x3  }
0x2a4: {  	[tilespmem:v3+s24+$0x0] =	vst.idx.msk $0xffff, v2  }
0x2a5: {  	v3 =	vor.u32 s0, v6;
	v2 =	vld.idx.msk [tilespmem:v4+s17+$0x0], $0xffff  }
0x2a6: {  	v4 =	vor.u32 v7, v1;
	_ =	sdelay $0x3  }
0x2a7: {  	[tilespmem:v3+s24+$0x0] =	vst.idx.msk $0xffff, v2  }
0x2a8: {  	v3 =	vor.u32 s0, v9;
	v2 =	vld.idx.msk [tilespmem:v4+s17+$0x0], $0xffff  }
0x2a9: {  	v4 =	vor.u32 v10, v1;
	_ =	sdelay $0x3  }
0x2aa: {  	[tilespmem:v3+s24+$0x0] =	vst.idx.msk $0xffff, v2  }
0x2ab: {  	v3 =	vor.u32 s0, v11;
	v2 =	vld.idx.msk [tilespmem:v4+s17+$0x0], $0xffff  }
0x2ac: {  	v4 =	vor.u32 v12, v1;
	_ =	sdelay $0x3  }
0x2ad: {  	[tilespmem:v3+s24+$0x0] =	vst.idx.msk $0xffff, v2  }
0x2ae: {  	v3 =	vor.u32 s0, v13;
	v2 =	vld.idx.msk [tilespmem:v4+s17+$0x0], $0xffff  }
0x2af: {  	v4 =	vor.u32 v14, v1;
	_ =	sdelay $0x3  }
0x2b0: {  	[tilespmem:v3+s24+$0x0] =	vst.idx.msk $0xffff, v2  }
0x2b1: {  	v3 =	vor.u32 s0, v15;
	v2 =	vld.idx.msk [tilespmem:v4+s17+$0x0], $0xffff  }
0x2b2: {  	v4 =	vor.u32 v16, v1;
	_ =	sdelay $0x3  }
0x2b3: {  	[tilespmem:v3+s24+$0x0] =	vst.idx.msk $0xffff, v2  }
0x2b4: {  	v3 =	vor.u32 s0, v17;
	v2 =	vld.idx.msk [tilespmem:v4+s17+$0x0], $0xffff  }
0x2b5: {  	v4 =	vor.u32 v18, v1;
	_ =	sdelay $0x3  }
0x2b6: {  	[tilespmem:v3+s24+$0x0] =	vst.idx.msk $0xffff, v2  }
0x2b7: {  	v3 =	vor.u32 s0, v19;
	v2 =	vld.idx.msk [tilespmem:v4+s17+$0x0], $0xffff  }
0x2b8: {  	v4 =	vor.u32 v20, v1;
	_ =	sdelay $0x3  }
0x2b9: {  	[tilespmem:v3+s24+$0x0] =	vst.idx.msk $0xffff, v2  }
0x2ba: {  	v3 =	vor.u32 s0, v21;
	v2 =	vld.idx.msk [tilespmem:v4+s17+$0x0], $0xffff  }
0x2bb: {  	v4 =	vor.u32 v22, v1;
	_ =	sdelay $0x3  }
0x2bc: {  	[tilespmem:v3+s24+$0x0] =	vst.idx.msk $0xffff, v2  }
0x2bd: {  	v3 =	vor.u32 s0, v23;
	v2 =	vld.idx.msk [tilespmem:v4+s17+$0x0], $0xffff  }
0x2be: {  	v4 =	vor.u32 v24, v1;
	_ =	sdelay $0x3  }
0x2bf: {  	[tilespmem:v3+s24+$0x0] =	vst.idx.msk $0xffff, v2  }
0x2c0: {  	v3 =	vor.u32 s0, v25;
	v2 =	vld.idx.msk [tilespmem:v4+s17+$0x0], $0xffff  }
0x2c1: {  	v4 =	vor.u32 v26, v1;
	_ =	sdelay $0x3  }
0x2c2: {  	[tilespmem:v3+s24+$0x0] =	vst.idx.msk $0xffff, v2  }
0x2c3: {  	v3 =	vor.u32 s0, v27;
	v2 =	vld.idx.msk [tilespmem:v4+s17+$0x0], $0xffff  }
0x2c4: {  	v4 =	vor.u32 v28, v1;
	_ =	sdelay $0x3  }
0x2c5: {  	[tilespmem:v3+s24+$0x0] =	vst.idx.msk $0xffff, v2  }
0x2c6: {  	v3 =	vor.u32 s0, v29;
	v2 =	vld.idx.msk [tilespmem:v4+s17+$0x0], $0xffff  }
0x2c7: {  	v4 =	vor.u32 v33, v1;
	_ =	sdelay $0x3  }
0x2c8: {  	[tilespmem:v3+s24+$0x0] =	vst.idx.msk $0xffff, v2  }
0x2c9: {  	v3 =	vor.u32 s0, v31;
	v2 =	vld.idx.msk [tilespmem:v4+s17+$0x0], $0xffff  }
0x2ca: {  	v4 =	vor.u32 v39, v1;
	_ =	sdelay $0x3  }
0x2cb: {  	[tilespmem:v3+s24+$0x0] =	vst.idx.msk $0xffff, v2  }
0x2cc: {  	v3 =	vor.u32 s0, v32;
	v2 =	vld.idx.msk [tilespmem:v4+s17+$0x0], $0xffff  }
0x2cd: {  	v4 =	vor.u32 v40, v1;
	_ =	sdelay $0x3  }
0x2ce: {  	[tilespmem:v3+s24+$0x0] =	vst.idx.msk $0xffff, v2  }
0x2cf: {  	v3 =	vor.u32 s0, v37;
	v2 =	vld.idx.msk [tilespmem:v4+s17+$0x0], $0xffff  }
0x2d0: {  	v4 =	vor.u32 v41, v1;
	_ =	sdelay $0x3  }
0x2d1: {  	[tilespmem:v3+s24+$0x0] =	vst.idx.msk $0xffff, v2  }
0x2d2: {  	v3 =	vor.u32 s0, v42;
	v2 =	vld.idx.msk [tilespmem:v4+s17+$0x0], $0xffff  }
0x2d3: {  	v4 =	vor.u32 v34, v1;
	_ =	sdelay $0x3  }
0x2d4: {  	[tilespmem:v3+s24+$0x0] =	vst.idx.msk $0xffff, v2  }
0x2d5: {  	v3 =	vor.u32 s0, v47;
	v2 =	vld.idx.msk [tilespmem:v4+s17+$0x0], $0xffff  }
0x2d6: {  	v4 =	vor.u32 v35, v1;
	_ =	sdelay $0x3  }
0x2d7: {  	[tilespmem:v3+s24+$0x0] =	vst.idx.msk $0xffff, v2  }
0x2d8: {  	v3 =	vor.u32 s0, v52;
	v2 =	vld.idx.msk [tilespmem:v4+s17+$0x0], $0xffff  }
0x2d9: {  	v4 =	vor.u32 v36, v1;
	_ =	sdelay $0x3  }
0x2da: {  	[tilespmem:v3+s24+$0x0] =	vst.idx.msk $0xffff, v2  }
0x2db: {  	v3 =	vor.u32 s0, v53;
	v2 =	vld.idx.msk [tilespmem:v4+s17+$0x0], $0xffff  }
0x2dc: {  	v4 =	vor.u32 v38, v1;
	_ =	sdelay $0x3  }
0x2dd: {  	[tilespmem:v3+s24+$0x0] =	vst.idx.msk $0xffff, v2  }
0x2de: {  	v3 =	vor.u32 s0, v54;
	v2 =	vld.idx.msk [tilespmem:v4+s17+$0x0], $0xffff  }
0x2df: {  	v4 =	vor.u32 v43, v1;
	_ =	sdelay $0x3  }
0x2e0: {  	[tilespmem:v3+s24+$0x0] =	vst.idx.msk $0xffff, v2  }
0x2e1: {  	v3 =	vor.u32 s0, v55;
	v2 =	vld.idx.msk [tilespmem:v4+s17+$0x0], $0xffff  }
0x2e2: {  	v4 =	vor.u32 v44, v1;
	_ =	sdelay $0x3  }
0x2e3: {  	[tilespmem:v3+s24+$0x0] =	vst.idx.msk $0xffff, v2  }
0x2e4: {  	v3 =	vor.u32 s0, v56;
	v2 =	vld.idx.msk [tilespmem:v4+s17+$0x0], $0xffff  }
0x2e5: {  	v4 =	vor.u32 v45, v1;
	_ =	sdelay $0x3  }
0x2e6: {  	[tilespmem:v3+s24+$0x0] =	vst.idx.msk $0xffff, v2  }
0x2e7: {  	v3 =	vor.u32 s0, v57;
	v2 =	vld.idx.msk [tilespmem:v4+s17+$0x0], $0xffff  }
0x2e8: {  	v4 =	vor.u32 v46, v1;
	_ =	sdelay $0x3  }
0x2e9: {  	[tilespmem:v3+s24+$0x0] =	vst.idx.msk $0xffff, v2  }
0x2ea: {  	v3 =	vor.u32 s0, v58;
	v2 =	vld.idx.msk [tilespmem:v4+s17+$0x0], $0xffff  }
0x2eb: {  	v4 =	vor.u32 v48, v1;
	_ =	sdelay $0x3  }
0x2ec: {  	[tilespmem:v3+s24+$0x0] =	vst.idx.msk $0xffff, v2  }
0x2ed: {  	v3 =	vor.u32 s0, v59;
	v2 =	vld.idx.msk [tilespmem:v4+s17+$0x0], $0xffff  }
0x2ee: {  	v4 =	vor.u32 v49, v1;
	_ =	sdelay $0x3  }
0x2ef: {  	[tilespmem:v3+s24+$0x0] =	vst.idx.msk $0xffff, v2  }
0x2f0: {  	v3 =	vor.u32 s0, v60;
	v2 =	vld.idx.msk [tilespmem:v4+s17+$0x0], $0xffff  }
0x2f1: {  	v4 =	vor.u32 v50, v1;
	_ =	sdelay $0x3  }
0x2f2: {  	[tilespmem:v3+s24+$0x0] =	vst.idx.msk $0xffff, v2  }
0x2f3: {  	v3 =	vor.u32 s0, v61;
	v2 =	vld.idx.msk [tilespmem:v4+s17+$0x0], $0xffff  }
0x2f4: {  	v4 =	vor.u32 v51, v1;
	_ =	sdelay $0x3  }
0x2f5: {  	[tilespmem:v3+s24+$0x0] =	vst.idx.msk $0xffff, v2  }
0x2f6: {  	p0 =	sne.s32 s22, $0x1F;
	v3 =	vld.idx.msk [tilespmem:v4+s17+$0x0], $0xffff;
	v4 =	vor.u32 s0, v62  }
.Ltmp1:
0x2f7: {  	_ = 	snop;
	(pc) =	sbr.rel @p0 .LBB2_4-.Ltmp1, $3  }
0x2f8: {  	_ =	sdelay $0x1  }
0x2f9: {  	s2 =	sadd.s32 $0x10, s2  }
0x2fa: {  	s14 =	smov.u32 s22;
	s22 =	sadd.s32 $0x1, s22;
	v1 =	vor.u32 v0, v1;
	v2 =	vmov s2;
	[tilespmem:v4+s24+$0x0] =	vst.idx.msk $0xffff, v3  }
0x2fb: {  	_ =	sdelay $0x2  }
0x2fc: {  	v2 =	vshll.u32 v2, $0x5  }
0x2fd: {  	v3 =	vld.idx.msk [tilespmem:v1+s17+$0x0], $0xffff;
	v1 =	vor.u32 v30, v2;
	v2 =	vor.u32 s0, v63;
	_ =	sdelay $0x2  }
0x2fe: {  	v4 =	vor.u32 v5, v1;
	_ =	sdelay $0x1  }
0x2ff: {  	[tilespmem:v2+s24+$0x0] =	vst.idx.msk $0xffff, v3;
	v3 =	vld [tilespmem:$0x1FE30];
	_ =	sdelay $0x1  }
0x300: {  	s14 =	sshll.u32 s14, $0x7  }
0x301: {  	s2 =	sand.u32 $0x70, s2;
	s0 =	sand.u32 $0xFFFFFC00, s14;
	v2 =	vld.idx.msk [tilespmem:v4+s17+$0x0], $0xffff  }
0x302: {  	s0 =	sor.u32 s2, s0;
	v4 =	vld [tilespmem:$0x1FE40]  }
0x303: {  	v3 =	vor.u32 s0, v3;
	_ =	sdelay $0x3  }
0x304: {  	v4 =	vor.u32 v4, v1  }
0x305: {  	[tilespmem:v3+s24+$0x0] =	vst.idx.msk $0xffff, v2;
	v3 =	vld [tilespmem:$0x1FE50];
	_ =	sdelay $0x3  }
0x306: {  	v2 =	vld.idx.msk [tilespmem:v4+s17+$0x0], $0xffff  }
0x307: {  	v4 =	vld [tilespmem:$0x1FE60];
	v3 =	vor.u32 s0, v3;
	_ =	sdelay $0x4  }
0x308: {  	v4 =	vor.u32 v4, v1;
	[tilespmem:v3+s24+$0x0] =	vst.idx.msk $0xffff, v2;
	v3 =	vld [tilespmem:$0x1FE70];
	_ =	sdelay $0x4  }
0x309: {  	v2 =	vld.idx.msk [tilespmem:v4+s17+$0x0], $0xffff;
	v3 =	vor.u32 s0, v3  }
0x30a: {  	v4 =	vor.u32 v8, v1;
	_ =	sdelay $0x3  }
0x30b: {  	[tilespmem:v3+s24+$0x0] =	vst.idx.msk $0xffff, v2  }
0x30c: {  	v3 =	vor.u32 s0, v6;
	v2 =	vld.idx.msk [tilespmem:v4+s17+$0x0], $0xffff  }
0x30d: {  	v4 =	vor.u32 v7, v1;
	_ =	sdelay $0x3  }
0x30e: {  	[tilespmem:v3+s24+$0x0] =	vst.idx.msk $0xffff, v2  }
0x30f: {  	v3 =	vor.u32 s0, v9;
	v2 =	vld.idx.msk [tilespmem:v4+s17+$0x0], $0xffff  }
0x310: {  	v4 =	vor.u32 v10, v1;
	_ =	sdelay $0x3  }
0x311: {  	[tilespmem:v3+s24+$0x0] =	vst.idx.msk $0xffff, v2  }
0x312: {  	v3 =	vor.u32 s0, v11;
	v2 =	vld.idx.msk [tilespmem:v4+s17+$0x0], $0xffff  }
0x313: {  	v4 =	vor.u32 v12, v1;
	_ =	sdelay $0x3  }
0x314: {  	[tilespmem:v3+s24+$0x0] =	vst.idx.msk $0xffff, v2  }
0x315: {  	v3 =	vor.u32 s0, v13;
	v2 =	vld.idx.msk [tilespmem:v4+s17+$0x0], $0xffff  }
0x316: {  	v4 =	vor.u32 v14, v1;
	_ =	sdelay $0x3  }
0x317: {  	[tilespmem:v3+s24+$0x0] =	vst.idx.msk $0xffff, v2  }
0x318: {  	v3 =	vor.u32 s0, v15;
	v2 =	vld.idx.msk [tilespmem:v4+s17+$0x0], $0xffff  }
0x319: {  	v4 =	vor.u32 v16, v1;
	_ =	sdelay $0x3  }
0x31a: {  	[tilespmem:v3+s24+$0x0] =	vst.idx.msk $0xffff, v2  }
0x31b: {  	v3 =	vor.u32 s0, v17;
	v2 =	vld.idx.msk [tilespmem:v4+s17+$0x0], $0xffff  }
0x31c: {  	v4 =	vor.u32 v18, v1;
	_ =	sdelay $0x3  }
0x31d: {  	[tilespmem:v3+s24+$0x0] =	vst.idx.msk $0xffff, v2  }
0x31e: {  	v3 =	vor.u32 s0, v19;
	v2 =	vld.idx.msk [tilespmem:v4+s17+$0x0], $0xffff  }
0x31f: {  	v4 =	vor.u32 v20, v1;
	_ =	sdelay $0x3  }
0x320: {  	[tilespmem:v3+s24+$0x0] =	vst.idx.msk $0xffff, v2  }
0x321: {  	v3 =	vor.u32 s0, v21;
	v2 =	vld.idx.msk [tilespmem:v4+s17+$0x0], $0xffff  }
0x322: {  	v4 =	vor.u32 v22, v1;
	_ =	sdelay $0x3  }
0x323: {  	[tilespmem:v3+s24+$0x0] =	vst.idx.msk $0xffff, v2  }
0x324: {  	v3 =	vor.u32 s0, v23;
	v2 =	vld.idx.msk [tilespmem:v4+s17+$0x0], $0xffff  }
0x325: {  	v4 =	vor.u32 v24, v1;
	_ =	sdelay $0x3  }
0x326: {  	[tilespmem:v3+s24+$0x0] =	vst.idx.msk $0xffff, v2  }
0x327: {  	v3 =	vor.u32 s0, v25;
	v2 =	vld.idx.msk [tilespmem:v4+s17+$0x0], $0xffff  }
0x328: {  	v4 =	vor.u32 v26, v1;
	_ =	sdelay $0x3  }
0x329: {  	[tilespmem:v3+s24+$0x0] =	vst.idx.msk $0xffff, v2  }
0x32a: {  	v3 =	vor.u32 s0, v27;
	v2 =	vld.idx.msk [tilespmem:v4+s17+$0x0], $0xffff  }
0x32b: {  	v4 =	vor.u32 v28, v1;
	_ =	sdelay $0x3  }
0x32c: {  	[tilespmem:v3+s24+$0x0] =	vst.idx.msk $0xffff, v2  }
0x32d: {  	v3 =	vor.u32 s0, v29;
	v2 =	vld.idx.msk [tilespmem:v4+s17+$0x0], $0xffff  }
0x32e: {  	v4 =	vor.u32 v33, v1;
	_ =	sdelay $0x3  }
0x32f: {  	[tilespmem:v3+s24+$0x0] =	vst.idx.msk $0xffff, v2  }
0x330: {  	v3 =	vor.u32 s0, v31;
	v2 =	vld.idx.msk [tilespmem:v4+s17+$0x0], $0xffff  }
0x331: {  	v4 =	vor.u32 v39, v1;
	_ =	sdelay $0x3  }
0x332: {  	[tilespmem:v3+s24+$0x0] =	vst.idx.msk $0xffff, v2  }
0x333: {  	v3 =	vor.u32 s0, v32;
	v2 =	vld.idx.msk [tilespmem:v4+s17+$0x0], $0xffff  }
0x334: {  	v4 =	vor.u32 v40, v1;
	_ =	sdelay $0x3  }
0x335: {  	[tilespmem:v3+s24+$0x0] =	vst.idx.msk $0xffff, v2  }
0x336: {  	v3 =	vor.u32 s0, v37;
	v2 =	vld.idx.msk [tilespmem:v4+s17+$0x0], $0xffff  }
0x337: {  	v4 =	vor.u32 v41, v1;
	_ =	sdelay $0x3  }
0x338: {  	[tilespmem:v3+s24+$0x0] =	vst.idx.msk $0xffff, v2  }
0x339: {  	v3 =	vor.u32 s0, v42;
	v2 =	vld.idx.msk [tilespmem:v4+s17+$0x0], $0xffff  }
0x33a: {  	v4 =	vor.u32 v34, v1;
	_ =	sdelay $0x3  }
0x33b: {  	[tilespmem:v3+s24+$0x0] =	vst.idx.msk $0xffff, v2  }
0x33c: {  	v3 =	vor.u32 s0, v47;
	v2 =	vld.idx.msk [tilespmem:v4+s17+$0x0], $0xffff  }
0x33d: {  	v4 =	vor.u32 v35, v1;
	_ =	sdelay $0x3  }
0x33e: {  	[tilespmem:v3+s24+$0x0] =	vst.idx.msk $0xffff, v2  }
0x33f: {  	v3 =	vor.u32 s0, v52;
	v2 =	vld.idx.msk [tilespmem:v4+s17+$0x0], $0xffff  }
0x340: {  	v4 =	vor.u32 v36, v1;
	_ =	sdelay $0x3  }
0x341: {  	[tilespmem:v3+s24+$0x0] =	vst.idx.msk $0xffff, v2  }
0x342: {  	v3 =	vor.u32 s0, v53;
	v2 =	vld.idx.msk [tilespmem:v4+s17+$0x0], $0xffff  }
0x343: {  	v4 =	vor.u32 v38, v1;
	_ =	sdelay $0x3  }
0x344: {  	[tilespmem:v3+s24+$0x0] =	vst.idx.msk $0xffff, v2  }
0x345: {  	v3 =	vor.u32 s0, v54;
	v2 =	vld.idx.msk [tilespmem:v4+s17+$0x0], $0xffff  }
0x346: {  	v4 =	vor.u32 v43, v1;
	_ =	sdelay $0x3  }
0x347: {  	[tilespmem:v3+s24+$0x0] =	vst.idx.msk $0xffff, v2  }
0x348: {  	v3 =	vor.u32 s0, v55;
	v2 =	vld.idx.msk [tilespmem:v4+s17+$0x0], $0xffff  }
0x349: {  	v4 =	vor.u32 v44, v1;
	_ =	sdelay $0x3  }
0x34a: {  	[tilespmem:v3+s24+$0x0] =	vst.idx.msk $0xffff, v2  }
0x34b: {  	v3 =	vor.u32 s0, v56;
	v2 =	vld.idx.msk [tilespmem:v4+s17+$0x0], $0xffff  }
0x34c: {  	v4 =	vor.u32 v45, v1;
	_ =	sdelay $0x3  }
0x34d: {  	[tilespmem:v3+s24+$0x0] =	vst.idx.msk $0xffff, v2  }
0x34e: {  	v3 =	vor.u32 s0, v57;
	v2 =	vld.idx.msk [tilespmem:v4+s17+$0x0], $0xffff  }
0x34f: {  	v4 =	vor.u32 v46, v1;
	_ =	sdelay $0x3  }
0x350: {  	[tilespmem:v3+s24+$0x0] =	vst.idx.msk $0xffff, v2  }
0x351: {  	v3 =	vor.u32 s0, v58;
	v2 =	vld.idx.msk [tilespmem:v4+s17+$0x0], $0xffff  }
0x352: {  	v4 =	vor.u32 v48, v1;
	_ =	sdelay $0x3  }
0x353: {  	[tilespmem:v3+s24+$0x0] =	vst.idx.msk $0xffff, v2  }
0x354: {  	v3 =	vor.u32 s0, v59;
	v2 =	vld.idx.msk [tilespmem:v4+s17+$0x0], $0xffff  }
0x355: {  	v4 =	vor.u32 v49, v1;
	_ =	sdelay $0x3  }
0x356: {  	[tilespmem:v3+s24+$0x0] =	vst.idx.msk $0xffff, v2  }
0x357: {  	v3 =	vor.u32 s0, v60;
	v2 =	vld.idx.msk [tilespmem:v4+s17+$0x0], $0xffff  }
0x358: {  	v4 =	vor.u32 v50, v1;
	_ =	sdelay $0x3  }
0x359: {  	[tilespmem:v3+s24+$0x0] =	vst.idx.msk $0xffff, v2  }
0x35a: {  	v3 =	vor.u32 s0, v61;
	v2 =	vld.idx.msk [tilespmem:v4+s17+$0x0], $0xffff  }
0x35b: {  	v4 =	vor.u32 v51, v1;
	_ =	sdelay $0x3  }
0x35c: {  	[tilespmem:v3+s24+$0x0] =	vst.idx.msk $0xffff, v2  }
0x35d: {  	v3 =	vor.u32 s0, v62;
	v2 =	vld.idx.msk [tilespmem:v4+s17+$0x0], $0xffff  }
0x35e: {  	v1 =	vor.u32 v0, v1;
	_ =	sdelay $0x3  }
0x35f: {  	[tilespmem:v3+s24+$0x0] =	vst.idx.msk $0xffff, v2  }
0x360: {  	v2 =	vor.u32 s0, v63;
	v1 =	vld.idx.msk [tilespmem:v1+s17+$0x0], $0xffff;
	_ =	sdelay $0x4  }
0x361: {  	s22 =	rddreg [dreg:$0x4];
	[tilespmem:v2+s24+$0x0] =	vst.idx.msk $0xffff, v1  }
0x362: {  	[hbm4b:s22+s20] =	stream.strided.scatter [tilespmem:s24], [sflag:$0x4], $0x4000, s21, s20, $0x38;
	[tilespmem:$0x16400] =	vst v63  }
0x363: {  	s25 =	simm.s32 $0x600;
	s31 =	simm.s32 $0x0  }
0x364: {  	[tilespmem:s17], [sflag:$0x2] =	stream.indirect.gather [hbm4b:s4+s13], $0x20, s25, s13, $0xb8;
	[tilespmem:$0x16400] =	vst v63  }
.LBB2_6:
0x365: {  	_ =	swait.ge [sflag:s18], $0x4000  }
0x366: {  	v1 =	vmov s30;
	[sflag:s18] =	ssyncset.done $0x0  }
0x367: {  	v1 =	vshll.u32 v1, $0x5;
	[sflag:s18] =	ssyncadd.s32 $0xFFFFC000  }
0x368: {  	v1 =	vor.u32 v30, v1;
	_ =	swait.ge [sflag:s26], $0x4000  }
0x369: {  	v2 =	vor.u32 v5, v1;
	v3 =	vld [tilespmem:$0x1FE30];
	_ =	sdelay $0x1  }
0x36a: {  	s0 =	simm.s32 $0x0  }
0x36b: {  	s2 =	sand.u32 $0x70, s30;
	s0 =	sand.u32 $0xFFFFFC00, s0;
	[sflag:s26] =	ssyncset.done $0x0  }
0x36c: {  	s0 =	sor.u32 s2, s0;
	v4 =	vld [tilespmem:$0x1FE40];
	[sflag:s26] =	ssyncadd.s32 $0xFFFFC000  }
0x36d: {  	v2 =	vld.idx.msk [tilespmem:v2+s16+$0x0], $0xffff;
	v3 =	vor.u32 s0, v3;
	_ =	sdelay $0x3  }
0x36e: {  	v4 =	vor.u32 v4, v1  }
0x36f: {  	[tilespmem:v3+s19+$0x0] =	vst.idx.msk $0xffff, v2;
	v3 =	vld [tilespmem:$0x1FE50];
	_ =	sdelay $0x3  }
0x370: {  	v2 =	vld.idx.msk [tilespmem:v4+s16+$0x0], $0xffff  }
0x371: {  	v4 =	vld [tilespmem:$0x1FE60];
	v3 =	vor.u32 s0, v3;
	_ =	sdelay $0x4  }
0x372: {  	v4 =	vor.u32 v4, v1;
	[tilespmem:v3+s19+$0x0] =	vst.idx.msk $0xffff, v2;
	v3 =	vld [tilespmem:$0x1FE70];
	_ =	sdelay $0x4  }
0x373: {  	v2 =	vld.idx.msk [tilespmem:v4+s16+$0x0], $0xffff;
	v3 =	vor.u32 s0, v3  }
0x374: {  	v4 =	vor.u32 v8, v1;
	_ =	sdelay $0x3  }
0x375: {  	[tilespmem:v3+s19+$0x0] =	vst.idx.msk $0xffff, v2  }
0x376: {  	v3 =	vor.u32 s0, v6;
	v2 =	vld.idx.msk [tilespmem:v4+s16+$0x0], $0xffff  }
0x377: {  	v4 =	vor.u32 v7, v1;
	_ =	sdelay $0x3  }
0x378: {  	[tilespmem:v3+s19+$0x0] =	vst.idx.msk $0xffff, v2  }
0x379: {  	v3 =	vor.u32 s0, v9;
	v2 =	vld.idx.msk [tilespmem:v4+s16+$0x0], $0xffff  }
0x37a: {  	v4 =	vor.u32 v10, v1;
	_ =	sdelay $0x3  }
0x37b: {  	[tilespmem:v3+s19+$0x0] =	vst.idx.msk $0xffff, v2  }
0x37c: {  	v3 =	vor.u32 s0, v11;
	v2 =	vld.idx.msk [tilespmem:v4+s16+$0x0], $0xffff  }
0x37d: {  	v4 =	vor.u32 v12, v1;
	_ =	sdelay $0x3  }
0x37e: {  	[tilespmem:v3+s19+$0x0] =	vst.idx.msk $0xffff, v2  }
0x37f: {  	v3 =	vor.u32 s0, v13;
	v2 =	vld.idx.msk [tilespmem:v4+s16+$0x0], $0xffff  }
0x380: {  	v4 =	vor.u32 v14, v1;
	_ =	sdelay $0x3  }
0x381: {  	[tilespmem:v3+s19+$0x0] =	vst.idx.msk $0xffff, v2  }
0x382: {  	v3 =	vor.u32 s0, v15;
	v2 =	vld.idx.msk [tilespmem:v4+s16+$0x0], $0xffff  }
0x383: {  	v4 =	vor.u32 v16, v1;
	_ =	sdelay $0x3  }
0x384: {  	[tilespmem:v3+s19+$0x0] =	vst.idx.msk $0xffff, v2  }
0x385: {  	v3 =	vor.u32 s0, v17;
	v2 =	vld.idx.msk [tilespmem:v4+s16+$0x0], $0xffff  }
0x386: {  	v4 =	vor.u32 v18, v1;
	_ =	sdelay $0x3  }
0x387: {  	[tilespmem:v3+s19+$0x0] =	vst.idx.msk $0xffff, v2  }
0x388: {  	v3 =	vor.u32 s0, v19;
	v2 =	vld.idx.msk [tilespmem:v4+s16+$0x0], $0xffff  }
0x389: {  	v4 =	vor.u32 v20, v1;
	_ =	sdelay $0x3  }
0x38a: {  	[tilespmem:v3+s19+$0x0] =	vst.idx.msk $0xffff, v2  }
0x38b: {  	v3 =	vor.u32 s0, v21;
	v2 =	vld.idx.msk [tilespmem:v4+s16+$0x0], $0xffff  }
0x38c: {  	v4 =	vor.u32 v22, v1;
	_ =	sdelay $0x3  }
0x38d: {  	[tilespmem:v3+s19+$0x0] =	vst.idx.msk $0xffff, v2  }
0x38e: {  	v3 =	vor.u32 s0, v23;
	v2 =	vld.idx.msk [tilespmem:v4+s16+$0x0], $0xffff  }
0x38f: {  	v4 =	vor.u32 v24, v1;
	_ =	sdelay $0x3  }
0x390: {  	[tilespmem:v3+s19+$0x0] =	vst.idx.msk $0xffff, v2  }
0x391: {  	v3 =	vor.u32 s0, v25;
	v2 =	vld.idx.msk [tilespmem:v4+s16+$0x0], $0xffff  }
0x392: {  	v4 =	vor.u32 v26, v1;
	_ =	sdelay $0x3  }
0x393: {  	[tilespmem:v3+s19+$0x0] =	vst.idx.msk $0xffff, v2  }
0x394: {  	v3 =	vor.u32 s0, v27;
	v2 =	vld.idx.msk [tilespmem:v4+s16+$0x0], $0xffff  }
0x395: {  	v4 =	vor.u32 v28, v1;
	_ =	sdelay $0x3  }
0x396: {  	[tilespmem:v3+s19+$0x0] =	vst.idx.msk $0xffff, v2  }
0x397: {  	v3 =	vor.u32 s0, v29;
	v2 =	vld.idx.msk [tilespmem:v4+s16+$0x0], $0xffff  }
0x398: {  	v4 =	vor.u32 v33, v1;
	_ =	sdelay $0x3  }
0x399: {  	[tilespmem:v3+s19+$0x0] =	vst.idx.msk $0xffff, v2  }
0x39a: {  	v3 =	vor.u32 s0, v31;
	v2 =	vld.idx.msk [tilespmem:v4+s16+$0x0], $0xffff  }
0x39b: {  	v4 =	vor.u32 v39, v1;
	_ =	sdelay $0x3  }
0x39c: {  	[tilespmem:v3+s19+$0x0] =	vst.idx.msk $0xffff, v2  }
0x39d: {  	v3 =	vor.u32 s0, v32;
	v2 =	vld.idx.msk [tilespmem:v4+s16+$0x0], $0xffff  }
0x39e: {  	v4 =	vor.u32 v40, v1;
	_ =	sdelay $0x3  }
0x39f: {  	[tilespmem:v3+s19+$0x0] =	vst.idx.msk $0xffff, v2  }
0x3a0: {  	v3 =	vor.u32 s0, v37;
	v2 =	vld.idx.msk [tilespmem:v4+s16+$0x0], $0xffff  }
0x3a1: {  	v4 =	vor.u32 v41, v1;
	_ =	sdelay $0x3  }
0x3a2: {  	[tilespmem:v3+s19+$0x0] =	vst.idx.msk $0xffff, v2  }
0x3a3: {  	v3 =	vor.u32 s0, v42;
	v2 =	vld.idx.msk [tilespmem:v4+s16+$0x0], $0xffff  }
0x3a4: {  	v4 =	vor.u32 v34, v1;
	_ =	sdelay $0x3  }
0x3a5: {  	[tilespmem:v3+s19+$0x0] =	vst.idx.msk $0xffff, v2  }
0x3a6: {  	v3 =	vor.u32 s0, v47;
	v2 =	vld.idx.msk [tilespmem:v4+s16+$0x0], $0xffff  }
0x3a7: {  	v4 =	vor.u32 v35, v1;
	_ =	sdelay $0x3  }
0x3a8: {  	[tilespmem:v3+s19+$0x0] =	vst.idx.msk $0xffff, v2  }
0x3a9: {  	v3 =	vor.u32 s0, v52;
	v2 =	vld.idx.msk [tilespmem:v4+s16+$0x0], $0xffff  }
0x3aa: {  	v4 =	vor.u32 v36, v1;
	_ =	sdelay $0x3  }
0x3ab: {  	[tilespmem:v3+s19+$0x0] =	vst.idx.msk $0xffff, v2  }
0x3ac: {  	v3 =	vor.u32 s0, v53;
	v2 =	vld.idx.msk [tilespmem:v4+s16+$0x0], $0xffff  }
0x3ad: {  	v4 =	vor.u32 v38, v1;
	_ =	sdelay $0x3  }
0x3ae: {  	[tilespmem:v3+s19+$0x0] =	vst.idx.msk $0xffff, v2  }
0x3af: {  	v3 =	vor.u32 s0, v54;
	v2 =	vld.idx.msk [tilespmem:v4+s16+$0x0], $0xffff  }
0x3b0: {  	v4 =	vor.u32 v43, v1;
	_ =	sdelay $0x3  }
0x3b1: {  	[tilespmem:v3+s19+$0x0] =	vst.idx.msk $0xffff, v2  }
0x3b2: {  	v3 =	vor.u32 s0, v55;
	v2 =	vld.idx.msk [tilespmem:v4+s16+$0x0], $0xffff  }
0x3b3: {  	v4 =	vor.u32 v44, v1;
	_ =	sdelay $0x3  }
0x3b4: {  	[tilespmem:v3+s19+$0x0] =	vst.idx.msk $0xffff, v2  }
0x3b5: {  	v3 =	vor.u32 s0, v56;
	v2 =	vld.idx.msk [tilespmem:v4+s16+$0x0], $0xffff  }
0x3b6: {  	v4 =	vor.u32 v45, v1;
	_ =	sdelay $0x3  }
0x3b7: {  	[tilespmem:v3+s19+$0x0] =	vst.idx.msk $0xffff, v2  }
0x3b8: {  	v3 =	vor.u32 s0, v57;
	v2 =	vld.idx.msk [tilespmem:v4+s16+$0x0], $0xffff  }
0x3b9: {  	v4 =	vor.u32 v46, v1;
	_ =	sdelay $0x3  }
0x3ba: {  	[tilespmem:v3+s19+$0x0] =	vst.idx.msk $0xffff, v2  }
0x3bb: {  	v3 =	vor.u32 s0, v58;
	v2 =	vld.idx.msk [tilespmem:v4+s16+$0x0], $0xffff  }
0x3bc: {  	v4 =	vor.u32 v48, v1;
	_ =	sdelay $0x3  }
0x3bd: {  	[tilespmem:v3+s19+$0x0] =	vst.idx.msk $0xffff, v2  }
0x3be: {  	v3 =	vor.u32 s0, v59;
	v2 =	vld.idx.msk [tilespmem:v4+s16+$0x0], $0xffff  }
0x3bf: {  	v4 =	vor.u32 v49, v1;
	_ =	sdelay $0x3  }
0x3c0: {  	[tilespmem:v3+s19+$0x0] =	vst.idx.msk $0xffff, v2  }
0x3c1: {  	v3 =	vor.u32 s0, v60;
	v2 =	vld.idx.msk [tilespmem:v4+s16+$0x0], $0xffff  }
0x3c2: {  	v4 =	vor.u32 v50, v1;
	_ =	sdelay $0x3  }
0x3c3: {  	[tilespmem:v3+s19+$0x0] =	vst.idx.msk $0xffff, v2  }
0x3c4: {  	v3 =	vor.u32 s0, v61;
	v2 =	vld.idx.msk [tilespmem:v4+s16+$0x0], $0xffff  }
0x3c5: {  	v4 =	vor.u32 v51, v1;
	_ =	sdelay $0x3  }
0x3c6: {  	[tilespmem:v3+s19+$0x0] =	vst.idx.msk $0xffff, v2  }
0x3c7: {  	v3 =	vor.u32 s0, v62;
	v2 =	vld.idx.msk [tilespmem:v4+s16+$0x0], $0xffff;
	_ =	sdelay $0x3  }
0x3c8: {  	s2 =	simm.s32 $0x10  }
0x3c9: {  	s14 =	simm.s32 $0x1;
	s22 =	simm.s32 $0x2;
	v1 =	vor.u32 v0, v1;
	[tilespmem:v3+s19+$0x0] =	vst.idx.msk $0xffff, v2;
	v2 =	vmov s2  }
.LBB2_7:
0x3ca: {  	_ =	sdelay $0x2  }
0x3cb: {  	v2 =	vshll.u32 v2, $0x5  }
0x3cc: {  	v3 =	vld.idx.msk [tilespmem:v1+s16+$0x0], $0xffff;
	v1 =	vor.u32 v30, v2;
	v2 =	vor.u32 s0, v63;
	_ =	sdelay $0x2  }
0x3cd: {  	v4 =	vor.u32 v5, v1;
	_ =	sdelay $0x1  }
0x3ce: {  	[tilespmem:v2+s19+$0x0] =	vst.idx.msk $0xffff, v3;
	v3 =	vld [tilespmem:$0x1FE30];
	_ =	sdelay $0x1  }
0x3cf: {  	s25 =	sshll.u32 s14, $0x7  }
0x3d0: {  	s6 =	sand.u32 $0x70, s2;
	s0 =	sand.u32 $0xFFFFFC00, s25;
	v2 =	vld.idx.msk [tilespmem:v4+s16+$0x0], $0xffff  }
0x3d1: {  	s0 =	sor.u32 s6, s0;
	v4 =	vld [tilespmem:$0x1FE40]  }
0x3d2: {  	v3 =	vor.u32 s0, v3;
	_ =	sdelay $0x3  }
0x3d3: {  	v4 =	vor.u32 v4, v1  }
0x3d4: {  	[tilespmem:v3+s19+$0x0] =	vst.idx.msk $0xffff, v2;
	v3 =	vld [tilespmem:$0x1FE50];
	_ =	sdelay $0x3  }
0x3d5: {  	v2 =	vld.idx.msk [tilespmem:v4+s16+$0x0], $0xffff  }
0x3d6: {  	v4 =	vld [tilespmem:$0x1FE60];
	v3 =	vor.u32 s0, v3;
	_ =	sdelay $0x4  }
0x3d7: {  	v4 =	vor.u32 v4, v1;
	[tilespmem:v3+s19+$0x0] =	vst.idx.msk $0xffff, v2;
	v3 =	vld [tilespmem:$0x1FE70];
	_ =	sdelay $0x4  }
0x3d8: {  	v2 =	vld.idx.msk [tilespmem:v4+s16+$0x0], $0xffff;
	v3 =	vor.u32 s0, v3  }
0x3d9: {  	v4 =	vor.u32 v8, v1;
	_ =	sdelay $0x3  }
0x3da: {  	[tilespmem:v3+s19+$0x0] =	vst.idx.msk $0xffff, v2  }
0x3db: {  	v3 =	vor.u32 s0, v6;
	v2 =	vld.idx.msk [tilespmem:v4+s16+$0x0], $0xffff  }
0x3dc: {  	v4 =	vor.u32 v7, v1;
	_ =	sdelay $0x3  }
0x3dd: {  	[tilespmem:v3+s19+$0x0] =	vst.idx.msk $0xffff, v2  }
0x3de: {  	v3 =	vor.u32 s0, v9;
	v2 =	vld.idx.msk [tilespmem:v4+s16+$0x0], $0xffff  }
0x3df: {  	v4 =	vor.u32 v10, v1;
	_ =	sdelay $0x3  }
0x3e0: {  	[tilespmem:v3+s19+$0x0] =	vst.idx.msk $0xffff, v2  }
0x3e1: {  	v3 =	vor.u32 s0, v11;
	v2 =	vld.idx.msk [tilespmem:v4+s16+$0x0], $0xffff  }
0x3e2: {  	v4 =	vor.u32 v12, v1;
	_ =	sdelay $0x3  }
0x3e3: {  	[tilespmem:v3+s19+$0x0] =	vst.idx.msk $0xffff, v2  }
0x3e4: {  	v3 =	vor.u32 s0, v13;
	v2 =	vld.idx.msk [tilespmem:v4+s16+$0x0], $0xffff  }
0x3e5: {  	v4 =	vor.u32 v14, v1;
	_ =	sdelay $0x3  }
0x3e6: {  	[tilespmem:v3+s19+$0x0] =	vst.idx.msk $0xffff, v2  }
0x3e7: {  	v3 =	vor.u32 s0, v15;
	v2 =	vld.idx.msk [tilespmem:v4+s16+$0x0], $0xffff  }
0x3e8: {  	v4 =	vor.u32 v16, v1;
	_ =	sdelay $0x3  }
0x3e9: {  	[tilespmem:v3+s19+$0x0] =	vst.idx.msk $0xffff, v2  }
0x3ea: {  	v3 =	vor.u32 s0, v17;
	v2 =	vld.idx.msk [tilespmem:v4+s16+$0x0], $0xffff  }
0x3eb: {  	v4 =	vor.u32 v18, v1;
	_ =	sdelay $0x3  }
0x3ec: {  	[tilespmem:v3+s19+$0x0] =	vst.idx.msk $0xffff, v2  }
0x3ed: {  	v3 =	vor.u32 s0, v19;
	v2 =	vld.idx.msk [tilespmem:v4+s16+$0x0], $0xffff  }
0x3ee: {  	v4 =	vor.u32 v20, v1;
	_ =	sdelay $0x3  }
0x3ef: {  	[tilespmem:v3+s19+$0x0] =	vst.idx.msk $0xffff, v2  }
0x3f0: {  	v3 =	vor.u32 s0, v21;
	v2 =	vld.idx.msk [tilespmem:v4+s16+$0x0], $0xffff  }
0x3f1: {  	v4 =	vor.u32 v22, v1;
	_ =	sdelay $0x3  }
0x3f2: {  	[tilespmem:v3+s19+$0x0] =	vst.idx.msk $0xffff, v2  }
0x3f3: {  	v3 =	vor.u32 s0, v23;
	v2 =	vld.idx.msk [tilespmem:v4+s16+$0x0], $0xffff  }
0x3f4: {  	v4 =	vor.u32 v24, v1;
	_ =	sdelay $0x3  }
0x3f5: {  	[tilespmem:v3+s19+$0x0] =	vst.idx.msk $0xffff, v2  }
0x3f6: {  	v3 =	vor.u32 s0, v25;
	v2 =	vld.idx.msk [tilespmem:v4+s16+$0x0], $0xffff  }
0x3f7: {  	v4 =	vor.u32 v26, v1;
	_ =	sdelay $0x3  }
0x3f8: {  	[tilespmem:v3+s19+$0x0] =	vst.idx.msk $0xffff, v2  }
0x3f9: {  	v3 =	vor.u32 s0, v27;
	v2 =	vld.idx.msk [tilespmem:v4+s16+$0x0], $0xffff  }
0x3fa: {  	v4 =	vor.u32 v28, v1;
	_ =	sdelay $0x3  }
0x3fb: {  	[tilespmem:v3+s19+$0x0] =	vst.idx.msk $0xffff, v2  }
0x3fc: {  	v3 =	vor.u32 s0, v29;
	v2 =	vld.idx.msk [tilespmem:v4+s16+$0x0], $0xffff  }
0x3fd: {  	v4 =	vor.u32 v33, v1;
	_ =	sdelay $0x3  }
0x3fe: {  	[tilespmem:v3+s19+$0x0] =	vst.idx.msk $0xffff, v2  }
0x3ff: {  	v3 =	vor.u32 s0, v31;
	v2 =	vld.idx.msk [tilespmem:v4+s16+$0x0], $0xffff  }
0x400: {  	v4 =	vor.u32 v39, v1;
	_ =	sdelay $0x3  }
0x401: {  	[tilespmem:v3+s19+$0x0] =	vst.idx.msk $0xffff, v2  }
0x402: {  	v3 =	vor.u32 s0, v32;
	v2 =	vld.idx.msk [tilespmem:v4+s16+$0x0], $0xffff  }
0x403: {  	v4 =	vor.u32 v40, v1;
	_ =	sdelay $0x3  }
0x404: {  	[tilespmem:v3+s19+$0x0] =	vst.idx.msk $0xffff, v2  }
0x405: {  	v3 =	vor.u32 s0, v37;
	v2 =	vld.idx.msk [tilespmem:v4+s16+$0x0], $0xffff  }
0x406: {  	v4 =	vor.u32 v41, v1;
	_ =	sdelay $0x3  }
0x407: {  	[tilespmem:v3+s19+$0x0] =	vst.idx.msk $0xffff, v2  }
0x408: {  	v3 =	vor.u32 s0, v42;
	v2 =	vld.idx.msk [tilespmem:v4+s16+$0x0], $0xffff  }
0x409: {  	v4 =	vor.u32 v34, v1;
	_ =	sdelay $0x3  }
0x40a: {  	[tilespmem:v3+s19+$0x0] =	vst.idx.msk $0xffff, v2  }
0x40b: {  	v3 =	vor.u32 s0, v47;
	v2 =	vld.idx.msk [tilespmem:v4+s16+$0x0], $0xffff  }
0x40c: {  	v4 =	vor.u32 v35, v1;
	_ =	sdelay $0x3  }
0x40d: {  	[tilespmem:v3+s19+$0x0] =	vst.idx.msk $0xffff, v2  }
0x40e: {  	v3 =	vor.u32 s0, v52;
	v2 =	vld.idx.msk [tilespmem:v4+s16+$0x0], $0xffff  }
0x40f: {  	v4 =	vor.u32 v36, v1;
	_ =	sdelay $0x3  }
0x410: {  	[tilespmem:v3+s19+$0x0] =	vst.idx.msk $0xffff, v2  }
0x411: {  	v3 =	vor.u32 s0, v53;
	v2 =	vld.idx.msk [tilespmem:v4+s16+$0x0], $0xffff  }
0x412: {  	v4 =	vor.u32 v38, v1;
	_ =	sdelay $0x3  }
0x413: {  	[tilespmem:v3+s19+$0x0] =	vst.idx.msk $0xffff, v2  }
0x414: {  	v3 =	vor.u32 s0, v54;
	v2 =	vld.idx.msk [tilespmem:v4+s16+$0x0], $0xffff  }
0x415: {  	v4 =	vor.u32 v43, v1;
	_ =	sdelay $0x3  }
0x416: {  	[tilespmem:v3+s19+$0x0] =	vst.idx.msk $0xffff, v2  }
0x417: {  	v3 =	vor.u32 s0, v55;
	v2 =	vld.idx.msk [tilespmem:v4+s16+$0x0], $0xffff  }
0x418: {  	v4 =	vor.u32 v44, v1;
	_ =	sdelay $0x3  }
0x419: {  	[tilespmem:v3+s19+$0x0] =	vst.idx.msk $0xffff, v2  }
0x41a: {  	v3 =	vor.u32 s0, v56;
	v2 =	vld.idx.msk [tilespmem:v4+s16+$0x0], $0xffff  }
0x41b: {  	v4 =	vor.u32 v45, v1;
	_ =	sdelay $0x3  }
0x41c: {  	[tilespmem:v3+s19+$0x0] =	vst.idx.msk $0xffff, v2  }
0x41d: {  	v3 =	vor.u32 s0, v57;
	v2 =	vld.idx.msk [tilespmem:v4+s16+$0x0], $0xffff  }
0x41e: {  	v4 =	vor.u32 v46, v1;
	_ =	sdelay $0x3  }
0x41f: {  	[tilespmem:v3+s19+$0x0] =	vst.idx.msk $0xffff, v2  }
0x420: {  	v3 =	vor.u32 s0, v58;
	v2 =	vld.idx.msk [tilespmem:v4+s16+$0x0], $0xffff  }
0x421: {  	v4 =	vor.u32 v48, v1;
	_ =	sdelay $0x3  }
0x422: {  	[tilespmem:v3+s19+$0x0] =	vst.idx.msk $0xffff, v2  }
0x423: {  	v3 =	vor.u32 s0, v59;
	v2 =	vld.idx.msk [tilespmem:v4+s16+$0x0], $0xffff  }
0x424: {  	v4 =	vor.u32 v49, v1;
	_ =	sdelay $0x3  }
0x425: {  	[tilespmem:v3+s19+$0x0] =	vst.idx.msk $0xffff, v2  }
0x426: {  	v3 =	vor.u32 s0, v60;
	v2 =	vld.idx.msk [tilespmem:v4+s16+$0x0], $0xffff  }
0x427: {  	v4 =	vor.u32 v50, v1;
	_ =	sdelay $0x3  }
0x428: {  	[tilespmem:v3+s19+$0x0] =	vst.idx.msk $0xffff, v2  }
0x429: {  	v3 =	vor.u32 s0, v61;
	v2 =	vld.idx.msk [tilespmem:v4+s16+$0x0], $0xffff  }
0x42a: {  	v4 =	vor.u32 v51, v1;
	_ =	sdelay $0x3  }
0x42b: {  	[tilespmem:v3+s19+$0x0] =	vst.idx.msk $0xffff, v2  }
0x42c: {  	p0 =	sne.s32 s22, $0x1F;
	v3 =	vld.idx.msk [tilespmem:v4+s16+$0x0], $0xffff;
	v4 =	vor.u32 s0, v62  }
.Ltmp2:
0x42d: {  	_ = 	snop;
	(pc) =	sbr.rel @p0 .LBB2_7-.Ltmp2, $3  }
0x42e: {  	_ =	sdelay $0x1  }
0x42f: {  	s2 =	sadd.s32 $0x10, s2  }
0x430: {  	s14 =	smov.u32 s22;
	s22 =	sadd.s32 $0x1, s22;
	v1 =	vor.u32 v0, v1;
	v2 =	vmov s2;
	[tilespmem:v4+s19+$0x0] =	vst.idx.msk $0xffff, v3  }
0x431: {  	_ =	sdelay $0x2  }
0x432: {  	v2 =	vshll.u32 v2, $0x5  }
0x433: {  	v3 =	vld.idx.msk [tilespmem:v1+s16+$0x0], $0xffff;
	v1 =	vor.u32 v30, v2;
	v2 =	vor.u32 s0, v63;
	_ =	sdelay $0x1  }
0x434: {  	v4 =	vlaneseq.u32  }
0x435: {  	v4 =	vor.u32 v4, v1;
	_ =	sdelay $0x1  }
0x436: {  	[tilespmem:v2+s19+$0x0] =	vst.idx.msk $0xffff, v3;
	v3 =	vld [tilespmem:$0x1FE30];
	_ =	sdelay $0x1  }
0x437: {  	s6 =	sshll.u32 s14, $0x7  }
0x438: {  	s2 =	sand.u32 $0x70, s2;
	s0 =	sand.u32 $0xFFFFFC00, s6;
	v2 =	vld.idx.msk [tilespmem:v4+s16+$0x0], $0xffff  }
0x439: {  	s0 =	sor.u32 s2, s0;
	v4 =	vld [tilespmem:$0x1FE40]  }
0x43a: {  	v3 =	vor.u32 s0, v3;
	_ =	sdelay $0x3  }
0x43b: {  	v4 =	vor.u32 v4, v1  }
0x43c: {  	[tilespmem:v3+s19+$0x0] =	vst.idx.msk $0xffff, v2;
	v3 =	vld [tilespmem:$0x1FE50];
	_ =	sdelay $0x3  }
0x43d: {  	v2 =	vld.idx.msk [tilespmem:v4+s16+$0x0], $0xffff  }
0x43e: {  	v4 =	vld [tilespmem:$0x1FE60];
	v3 =	vor.u32 s0, v3;
	_ =	sdelay $0x4  }
0x43f: {  	v4 =	vor.u32 v4, v1;
	[tilespmem:v3+s19+$0x0] =	vst.idx.msk $0xffff, v2;
	v3 =	vld [tilespmem:$0x1FE70];
	_ =	sdelay $0x4  }
0x440: {  	v2 =	vld.idx.msk [tilespmem:v4+s16+$0x0], $0xffff;
	v3 =	vor.u32 s0, v3  }
0x441: {  	v4 =	vor.u32 v8, v1;
	_ =	sdelay $0x3  }
0x442: {  	[tilespmem:v3+s19+$0x0] =	vst.idx.msk $0xffff, v2  }
0x443: {  	v3 =	vor.u32 s0, v6;
	v2 =	vld.idx.msk [tilespmem:v4+s16+$0x0], $0xffff  }
0x444: {  	v4 =	vor.u32 v7, v1;
	_ =	sdelay $0x3  }
0x445: {  	[tilespmem:v3+s19+$0x0] =	vst.idx.msk $0xffff, v2  }
0x446: {  	v3 =	vor.u32 s0, v9;
	v2 =	vld.idx.msk [tilespmem:v4+s16+$0x0], $0xffff  }
0x447: {  	v4 =	vor.u32 v10, v1;
	_ =	sdelay $0x3  }
0x448: {  	[tilespmem:v3+s19+$0x0] =	vst.idx.msk $0xffff, v2  }
0x449: {  	v3 =	vor.u32 s0, v11;
	v2 =	vld.idx.msk [tilespmem:v4+s16+$0x0], $0xffff  }
0x44a: {  	v4 =	vor.u32 v12, v1;
	_ =	sdelay $0x3  }
0x44b: {  	[tilespmem:v3+s19+$0x0] =	vst.idx.msk $0xffff, v2  }
0x44c: {  	v3 =	vor.u32 s0, v13;
	v2 =	vld.idx.msk [tilespmem:v4+s16+$0x0], $0xffff  }
0x44d: {  	v4 =	vor.u32 v14, v1;
	_ =	sdelay $0x3  }
0x44e: {  	[tilespmem:v3+s19+$0x0] =	vst.idx.msk $0xffff, v2  }
0x44f: {  	v3 =	vor.u32 s0, v15;
	v2 =	vld.idx.msk [tilespmem:v4+s16+$0x0], $0xffff  }
0x450: {  	v4 =	vor.u32 v16, v1;
	_ =	sdelay $0x3  }
0x451: {  	[tilespmem:v3+s19+$0x0] =	vst.idx.msk $0xffff, v2  }
0x452: {  	v3 =	vor.u32 s0, v17;
	v2 =	vld.idx.msk [tilespmem:v4+s16+$0x0], $0xffff  }
0x453: {  	v4 =	vor.u32 v18, v1;
	_ =	sdelay $0x3  }
0x454: {  	[tilespmem:v3+s19+$0x0] =	vst.idx.msk $0xffff, v2  }
0x455: {  	v3 =	vor.u32 s0, v19;
	v2 =	vld.idx.msk [tilespmem:v4+s16+$0x0], $0xffff  }
0x456: {  	v4 =	vor.u32 v20, v1;
	_ =	sdelay $0x3  }
0x457: {  	[tilespmem:v3+s19+$0x0] =	vst.idx.msk $0xffff, v2  }
0x458: {  	v3 =	vor.u32 s0, v21;
	v2 =	vld.idx.msk [tilespmem:v4+s16+$0x0], $0xffff  }
0x459: {  	v4 =	vor.u32 v22, v1;
	_ =	sdelay $0x3  }
0x45a: {  	[tilespmem:v3+s19+$0x0] =	vst.idx.msk $0xffff, v2  }
0x45b: {  	v3 =	vor.u32 s0, v23;
	v2 =	vld.idx.msk [tilespmem:v4+s16+$0x0], $0xffff  }
0x45c: {  	v4 =	vor.u32 v24, v1;
	_ =	sdelay $0x3  }
0x45d: {  	[tilespmem:v3+s19+$0x0] =	vst.idx.msk $0xffff, v2  }
0x45e: {  	v3 =	vor.u32 s0, v25;
	v2 =	vld.idx.msk [tilespmem:v4+s16+$0x0], $0xffff  }
0x45f: {  	v4 =	vor.u32 v26, v1;
	_ =	sdelay $0x3  }
0x460: {  	[tilespmem:v3+s19+$0x0] =	vst.idx.msk $0xffff, v2  }
0x461: {  	v3 =	vor.u32 s0, v27;
	v2 =	vld.idx.msk [tilespmem:v4+s16+$0x0], $0xffff  }
0x462: {  	v4 =	vor.u32 v28, v1;
	_ =	sdelay $0x3  }
0x463: {  	[tilespmem:v3+s19+$0x0] =	vst.idx.msk $0xffff, v2  }
0x464: {  	v3 =	vor.u32 s0, v29;
	v2 =	vld.idx.msk [tilespmem:v4+s16+$0x0], $0xffff  }
0x465: {  	v4 =	vor.u32 v33, v1;
	_ =	sdelay $0x3  }
0x466: {  	[tilespmem:v3+s19+$0x0] =	vst.idx.msk $0xffff, v2  }
0x467: {  	v3 =	vor.u32 s0, v31;
	v2 =	vld.idx.msk [tilespmem:v4+s16+$0x0], $0xffff  }
0x468: {  	v4 =	vor.u32 v39, v1;
	_ =	sdelay $0x3  }
0x469: {  	[tilespmem:v3+s19+$0x0] =	vst.idx.msk $0xffff, v2  }
0x46a: {  	v3 =	vor.u32 s0, v32;
	v2 =	vld.idx.msk [tilespmem:v4+s16+$0x0], $0xffff  }
0x46b: {  	v4 =	vor.u32 v40, v1;
	_ =	sdelay $0x3  }
0x46c: {  	[tilespmem:v3+s19+$0x0] =	vst.idx.msk $0xffff, v2  }
0x46d: {  	v3 =	vor.u32 s0, v37;
	v2 =	vld.idx.msk [tilespmem:v4+s16+$0x0], $0xffff  }
0x46e: {  	v4 =	vor.u32 v41, v1;
	_ =	sdelay $0x3  }
0x46f: {  	[tilespmem:v3+s19+$0x0] =	vst.idx.msk $0xffff, v2  }
0x470: {  	v3 =	vor.u32 s0, v42;
	v2 =	vld.idx.msk [tilespmem:v4+s16+$0x0], $0xffff  }
0x471: {  	v4 =	vor.u32 v34, v1;
	_ =	sdelay $0x3  }
0x472: {  	[tilespmem:v3+s19+$0x0] =	vst.idx.msk $0xffff, v2  }
0x473: {  	v3 =	vor.u32 s0, v47;
	v2 =	vld.idx.msk [tilespmem:v4+s16+$0x0], $0xffff  }
0x474: {  	v4 =	vor.u32 v35, v1;
	_ =	sdelay $0x3  }
0x475: {  	[tilespmem:v3+s19+$0x0] =	vst.idx.msk $0xffff, v2  }
0x476: {  	v3 =	vor.u32 s0, v52;
	v2 =	vld.idx.msk [tilespmem:v4+s16+$0x0], $0xffff  }
0x477: {  	v4 =	vor.u32 v36, v1;
	_ =	sdelay $0x3  }
0x478: {  	[tilespmem:v3+s19+$0x0] =	vst.idx.msk $0xffff, v2  }
0x479: {  	v3 =	vor.u32 s0, v53;
	v2 =	vld.idx.msk [tilespmem:v4+s16+$0x0], $0xffff  }
0x47a: {  	v4 =	vor.u32 v38, v1;
	_ =	sdelay $0x3  }
0x47b: {  	[tilespmem:v3+s19+$0x0] =	vst.idx.msk $0xffff, v2  }
0x47c: {  	v3 =	vor.u32 s0, v54;
	v2 =	vld.idx.msk [tilespmem:v4+s16+$0x0], $0xffff  }
0x47d: {  	v4 =	vor.u32 v43, v1;
	_ =	sdelay $0x3  }
0x47e: {  	[tilespmem:v3+s19+$0x0] =	vst.idx.msk $0xffff, v2  }
0x47f: {  	v3 =	vor.u32 s0, v55;
	v2 =	vld.idx.msk [tilespmem:v4+s16+$0x0], $0xffff  }
0x480: {  	v4 =	vor.u32 v44, v1;
	_ =	sdelay $0x3  }
0x481: {  	[tilespmem:v3+s19+$0x0] =	vst.idx.msk $0xffff, v2  }
0x482: {  	v3 =	vor.u32 s0, v56;
	v2 =	vld.idx.msk [tilespmem:v4+s16+$0x0], $0xffff  }
0x483: {  	v4 =	vor.u32 v45, v1;
	_ =	sdelay $0x3  }
0x484: {  	[tilespmem:v3+s19+$0x0] =	vst.idx.msk $0xffff, v2  }
0x485: {  	v3 =	vor.u32 s0, v57;
	v2 =	vld.idx.msk [tilespmem:v4+s16+$0x0], $0xffff  }
0x486: {  	v4 =	vor.u32 v46, v1;
	_ =	sdelay $0x3  }
0x487: {  	[tilespmem:v3+s19+$0x0] =	vst.idx.msk $0xffff, v2  }
0x488: {  	v3 =	vor.u32 s0, v58;
	v2 =	vld.idx.msk [tilespmem:v4+s16+$0x0], $0xffff  }
0x489: {  	v4 =	vor.u32 v48, v1;
	_ =	sdelay $0x3  }
0x48a: {  	[tilespmem:v3+s19+$0x0] =	vst.idx.msk $0xffff, v2  }
0x48b: {  	v3 =	vor.u32 s0, v59;
	v2 =	vld.idx.msk [tilespmem:v4+s16+$0x0], $0xffff  }
0x48c: {  	v4 =	vor.u32 v49, v1;
	_ =	sdelay $0x3  }
0x48d: {  	[tilespmem:v3+s19+$0x0] =	vst.idx.msk $0xffff, v2  }
0x48e: {  	v3 =	vor.u32 s0, v60;
	v2 =	vld.idx.msk [tilespmem:v4+s16+$0x0], $0xffff  }
0x48f: {  	v4 =	vor.u32 v50, v1;
	_ =	sdelay $0x3  }
0x490: {  	[tilespmem:v3+s19+$0x0] =	vst.idx.msk $0xffff, v2  }
0x491: {  	v3 =	vor.u32 s0, v61;
	v2 =	vld.idx.msk [tilespmem:v4+s16+$0x0], $0xffff  }
0x492: {  	v4 =	vor.u32 v51, v1;
	_ =	sdelay $0x3  }
0x493: {  	[tilespmem:v3+s19+$0x0] =	vst.idx.msk $0xffff, v2  }
0x494: {  	v3 =	vor.u32 s0, v62;
	v2 =	vld.idx.msk [tilespmem:v4+s16+$0x0], $0xffff  }
0x495: {  	v1 =	vor.u32 v0, v1;
	_ =	sdelay $0x3  }
0x496: {  	[tilespmem:v3+s19+$0x0] =	vst.idx.msk $0xffff, v2  }
0x497: {  	v2 =	vor.u32 s0, v63;
	v1 =	vld.idx.msk [tilespmem:v1+s16+$0x0], $0xffff;
	_ =	sdelay $0x1  }
0x498: {  	s0 =	sshll.u32 s31, $0x14  }
0x499: {  	s7 =	sadd.s32 s8, s0  }
0x49a: {  	s2 =	sshrl.u32 s7, $0x3  }
0x49b: {  	s14 =	sshll.u32 s31, $0xA;
	s2 =	sadd.s32 s1, s2;
	[tilespmem:v2+s19+$0x0] =	vst.idx.msk $0xffff, v1  }
0x49c: {  	[hbm4b:s2+s20] =	stream.strided.scatter [tilespmem:s19], [sflag:$0x3], $0x4000, s21, s20, $0x38;
	[tilespmem:$0x16400] =	vst v63  }
0x49d: {  	s2 =	sand.u32 $0x3FFFFC00, s14  }
0x49e: {  	s22 =	sadd.s32 $0x800, s2  }
0x49f: {  	[tilespmem:s16], [sflag:$0x1] =	stream.indirect.gather [hbm4b:s4+s13], $0x20, s22, s13, $0xb8;
	[tilespmem:$0x16400] =	vst v63  }
0x4a0: {  	s6 =	simm.s32 $0x0;
	_ =	swait.ge [sflag:s23], $0x4000  }
0x4a1: {  	v1 =	vmov s6;
	[sflag:s23] =	ssyncset.done $0x0  }
0x4a2: {  	v1 =	vshll.u32 v1, $0x5;
	[sflag:s23] =	ssyncadd.s32 $0xFFFFC000  }
0x4a3: {  	v2 =	vlaneseq.u32;
	v1 =	vor.u32 v30, v1;
	_ =	swait.ge [sflag:s28], $0x4000  }
0x4a4: {  	v2 =	vor.u32 v2, v1;
	v3 =	vld [tilespmem:$0x1FE30]  }
0x4a5: {  	v4 =	vld [tilespmem:$0x1FE40]  }
0x4a6: {  	s25 =	simm.s32 $0x0  }
0x4a7: {  	s6 =	sand.u32 $0x70, s6;
	s14 =	sand.u32 $0xFFFFFC00, s25;
	[sflag:s28] =	ssyncset.done $0x0  }
0x4a8: {  	s14 =	sor.u32 s6, s14;
	[sflag:s28] =	ssyncadd.s32 $0xFFFFC000  }
0x4a9: {  	v2 =	vld.idx.msk [tilespmem:v2+s17+$0x0], $0xffff;
	v3 =	vor.u32 s14, v3  }
0x4aa: {  	v4 =	vor.u32 v4, v1;
	_ =	sdelay $0x3  }
0x4ab: {  	[tilespmem:v3+s24+$0x0] =	vst.idx.msk $0xffff, v2;
	v3 =	vld [tilespmem:$0x1FE50]  }
0x4ac: {  	v2 =	vld.idx.msk [tilespmem:v4+s17+$0x0], $0xffff  }
0x4ad: {  	v4 =	vld [tilespmem:$0x1FE60];
	_ =	sdelay $0x3  }
0x4ae: {  	v3 =	vor.u32 s14, v3  }
0x4af: {  	v4 =	vor.u32 v4, v1;
	_ =	sdelay $0x3  }
0x4b0: {  	[tilespmem:v3+s24+$0x0] =	vst.idx.msk $0xffff, v2;
	v3 =	vld [tilespmem:$0x1FE70]  }
0x4b1: {  	v2 =	vld.idx.msk [tilespmem:v4+s17+$0x0], $0xffff  }
0x4b2: {  	v4 =	vld [tilespmem:$0x1FFE0];
	_ =	sdelay $0x3  }
0x4b3: {  	v3 =	vor.u32 s14, v3  }
0x4b4: {  	v4 =	vor.u32 v4, v1;
	_ =	sdelay $0x3  }
0x4b5: {  	[tilespmem:v3+s24+$0x0] =	vst.idx.msk $0xffff, v2;
	v3 =	vld [tilespmem:$0x1FFD0]  }
0x4b6: {  	v2 =	vld.idx.msk [tilespmem:v4+s17+$0x0], $0xffff  }
0x4b7: {  	v4 =	vld [tilespmem:$0x1FFF0];
	_ =	sdelay $0x3  }
0x4b8: {  	v3 =	vor.u32 s14, v3  }
0x4b9: {  	v4 =	vor.u32 v4, v1;
	_ =	sdelay $0x3  }
0x4ba: {  	[tilespmem:v3+s24+$0x0] =	vst.idx.msk $0xffff, v2  }
0x4bb: {  	v3 =	vor.u32 s14, v9;
	v2 =	vld.idx.msk [tilespmem:v4+s17+$0x0], $0xffff  }
0x4bc: {  	v4 =	vor.u32 v10, v1;
	_ =	sdelay $0x3  }
0x4bd: {  	[tilespmem:v3+s24+$0x0] =	vst.idx.msk $0xffff, v2  }
0x4be: {  	v3 =	vor.u32 s14, v11;
	v2 =	vld.idx.msk [tilespmem:v4+s17+$0x0], $0xffff  }
0x4bf: {  	v4 =	vor.u32 v12, v1;
	_ =	sdelay $0x3  }
0x4c0: {  	[tilespmem:v3+s24+$0x0] =	vst.idx.msk $0xffff, v2  }
0x4c1: {  	v3 =	vor.u32 s14, v13;
	v2 =	vld.idx.msk [tilespmem:v4+s17+$0x0], $0xffff  }
0x4c2: {  	v4 =	vor.u32 v14, v1;
	_ =	sdelay $0x3  }
0x4c3: {  	[tilespmem:v3+s24+$0x0] =	vst.idx.msk $0xffff, v2  }
0x4c4: {  	v3 =	vor.u32 s14, v15;
	v2 =	vld.idx.msk [tilespmem:v4+s17+$0x0], $0xffff  }
0x4c5: {  	v4 =	vor.u32 v16, v1;
	_ =	sdelay $0x3  }
0x4c6: {  	[tilespmem:v3+s24+$0x0] =	vst.idx.msk $0xffff, v2  }
0x4c7: {  	v3 =	vor.u32 s14, v17;
	v2 =	vld.idx.msk [tilespmem:v4+s17+$0x0], $0xffff  }
0x4c8: {  	v4 =	vor.u32 v18, v1;
	_ =	sdelay $0x3  }
0x4c9: {  	[tilespmem:v3+s24+$0x0] =	vst.idx.msk $0xffff, v2  }
0x4ca: {  	v3 =	vor.u32 s14, v19;
	v2 =	vld.idx.msk [tilespmem:v4+s17+$0x0], $0xffff  }
0x4cb: {  	v4 =	vor.u32 v20, v1;
	_ =	sdelay $0x3  }
0x4cc: {  	[tilespmem:v3+s24+$0x0] =	vst.idx.msk $0xffff, v2  }
0x4cd: {  	v3 =	vor.u32 s14, v21;
	v2 =	vld.idx.msk [tilespmem:v4+s17+$0x0], $0xffff  }
0x4ce: {  	v4 =	vor.u32 v22, v1;
	_ =	sdelay $0x3  }
0x4cf: {  	[tilespmem:v3+s24+$0x0] =	vst.idx.msk $0xffff, v2  }
0x4d0: {  	v3 =	vor.u32 s14, v23;
	v2 =	vld.idx.msk [tilespmem:v4+s17+$0x0], $0xffff  }
0x4d1: {  	v4 =	vor.u32 v24, v1;
	_ =	sdelay $0x3  }
0x4d2: {  	[tilespmem:v3+s24+$0x0] =	vst.idx.msk $0xffff, v2  }
0x4d3: {  	v3 =	vor.u32 s14, v25;
	v2 =	vld.idx.msk [tilespmem:v4+s17+$0x0], $0xffff  }
0x4d4: {  	v4 =	vor.u32 v26, v1;
	_ =	sdelay $0x3  }
0x4d5: {  	[tilespmem:v3+s24+$0x0] =	vst.idx.msk $0xffff, v2  }
0x4d6: {  	v3 =	vor.u32 s14, v27;
	v2 =	vld.idx.msk [tilespmem:v4+s17+$0x0], $0xffff  }
0x4d7: {  	v4 =	vor.u32 v28, v1;
	_ =	sdelay $0x3  }
0x4d8: {  	[tilespmem:v3+s24+$0x0] =	vst.idx.msk $0xffff, v2  }
0x4d9: {  	v3 =	vor.u32 s14, v29;
	v2 =	vld.idx.msk [tilespmem:v4+s17+$0x0], $0xffff  }
0x4da: {  	v4 =	vor.u32 v33, v1;
	_ =	sdelay $0x3  }
0x4db: {  	[tilespmem:v3+s24+$0x0] =	vst.idx.msk $0xffff, v2  }
0x4dc: {  	v3 =	vor.u32 s14, v31;
	v2 =	vld.idx.msk [tilespmem:v4+s17+$0x0], $0xffff  }
0x4dd: {  	v4 =	vor.u32 v39, v1;
	_ =	sdelay $0x3  }
0x4de: {  	[tilespmem:v3+s24+$0x0] =	vst.idx.msk $0xffff, v2  }
0x4df: {  	v3 =	vor.u32 s14, v32;
	v2 =	vld.idx.msk [tilespmem:v4+s17+$0x0], $0xffff  }
0x4e0: {  	v4 =	vor.u32 v40, v1;
	_ =	sdelay $0x3  }
0x4e1: {  	[tilespmem:v3+s24+$0x0] =	vst.idx.msk $0xffff, v2  }
0x4e2: {  	v3 =	vor.u32 s14, v37;
	v2 =	vld.idx.msk [tilespmem:v4+s17+$0x0], $0xffff  }
0x4e3: {  	v4 =	vor.u32 v41, v1;
	_ =	sdelay $0x3  }
0x4e4: {  	[tilespmem:v3+s24+$0x0] =	vst.idx.msk $0xffff, v2  }
0x4e5: {  	v3 =	vor.u32 s14, v42;
	v2 =	vld.idx.msk [tilespmem:v4+s17+$0x0], $0xffff  }
0x4e6: {  	v4 =	vor.u32 v34, v1;
	_ =	sdelay $0x3  }
0x4e7: {  	[tilespmem:v3+s24+$0x0] =	vst.idx.msk $0xffff, v2  }
0x4e8: {  	v3 =	vor.u32 s14, v47;
	v2 =	vld.idx.msk [tilespmem:v4+s17+$0x0], $0xffff  }
0x4e9: {  	v4 =	vor.u32 v35, v1;
	_ =	sdelay $0x3  }
0x4ea: {  	[tilespmem:v3+s24+$0x0] =	vst.idx.msk $0xffff, v2  }
0x4eb: {  	v3 =	vor.u32 s14, v52;
	v2 =	vld.idx.msk [tilespmem:v4+s17+$0x0], $0xffff  }
0x4ec: {  	v4 =	vor.u32 v36, v1;
	_ =	sdelay $0x3  }
0x4ed: {  	[tilespmem:v3+s24+$0x0] =	vst.idx.msk $0xffff, v2  }
0x4ee: {  	v3 =	vor.u32 s14, v53;
	v2 =	vld.idx.msk [tilespmem:v4+s17+$0x0], $0xffff  }
0x4ef: {  	v4 =	vor.u32 v38, v1;
	_ =	sdelay $0x3  }
0x4f0: {  	[tilespmem:v3+s24+$0x0] =	vst.idx.msk $0xffff, v2  }
0x4f1: {  	v3 =	vor.u32 s14, v54;
	v2 =	vld.idx.msk [tilespmem:v4+s17+$0x0], $0xffff  }
0x4f2: {  	v4 =	vor.u32 v43, v1;
	_ =	sdelay $0x3  }
0x4f3: {  	[tilespmem:v3+s24+$0x0] =	vst.idx.msk $0xffff, v2  }
0x4f4: {  	v3 =	vor.u32 s14, v55;
	v2 =	vld.idx.msk [tilespmem:v4+s17+$0x0], $0xffff  }
0x4f5: {  	v4 =	vor.u32 v44, v1;
	_ =	sdelay $0x3  }
0x4f6: {  	[tilespmem:v3+s24+$0x0] =	vst.idx.msk $0xffff, v2  }
0x4f7: {  	v3 =	vor.u32 s14, v56;
	v2 =	vld.idx.msk [tilespmem:v4+s17+$0x0], $0xffff  }
0x4f8: {  	v4 =	vor.u32 v45, v1;
	_ =	sdelay $0x3  }
0x4f9: {  	[tilespmem:v3+s24+$0x0] =	vst.idx.msk $0xffff, v2  }
0x4fa: {  	v3 =	vor.u32 s14, v57;
	v2 =	vld.idx.msk [tilespmem:v4+s17+$0x0], $0xffff  }
0x4fb: {  	v4 =	vor.u32 v46, v1;
	_ =	sdelay $0x3  }
0x4fc: {  	[tilespmem:v3+s24+$0x0] =	vst.idx.msk $0xffff, v2  }
0x4fd: {  	v3 =	vor.u32 s14, v58;
	v2 =	vld.idx.msk [tilespmem:v4+s17+$0x0], $0xffff  }
0x4fe: {  	v4 =	vor.u32 v48, v1;
	_ =	sdelay $0x3  }
0x4ff: {  	[tilespmem:v3+s24+$0x0] =	vst.idx.msk $0xffff, v2  }
0x500: {  	v3 =	vor.u32 s14, v59;
	v2 =	vld.idx.msk [tilespmem:v4+s17+$0x0], $0xffff  }
0x501: {  	v4 =	vor.u32 v49, v1;
	_ =	sdelay $0x3  }
0x502: {  	[tilespmem:v3+s24+$0x0] =	vst.idx.msk $0xffff, v2  }
0x503: {  	v3 =	vor.u32 s14, v60;
	v2 =	vld.idx.msk [tilespmem:v4+s17+$0x0], $0xffff  }
0x504: {  	v4 =	vor.u32 v50, v1;
	_ =	sdelay $0x3  }
0x505: {  	[tilespmem:v3+s24+$0x0] =	vst.idx.msk $0xffff, v2  }
0x506: {  	v3 =	vor.u32 s14, v61;
	v2 =	vld.idx.msk [tilespmem:v4+s17+$0x0], $0xffff  }
0x507: {  	v4 =	vor.u32 v51, v1;
	_ =	sdelay $0x3  }
0x508: {  	[tilespmem:v3+s24+$0x0] =	vst.idx.msk $0xffff, v2  }
0x509: {  	v3 =	vor.u32 s14, v62;
	v2 =	vld.idx.msk [tilespmem:v4+s17+$0x0], $0xffff;
	_ =	sdelay $0x3  }
0x50a: {  	s22 =	simm.s32 $0x10  }
0x50b: {  	v5 =	vlaneseq.u32;
	s25 =	simm.s32 $0x1;
	s6 =	simm.s32 $0x2;
	v1 =	vor.u32 v0, v1;
	[tilespmem:v3+s24+$0x0] =	vst.idx.msk $0xffff, v2;
	v2 =	vmov s22  }
.LBB2_9:
0x50c: {  	_ =	sdelay $0x2  }
0x50d: {  	v2 =	vshll.u32 v2, $0x5  }
0x50e: {  	v3 =	vld.idx.msk [tilespmem:v1+s17+$0x0], $0xffff;
	v1 =	vor.u32 v30, v2;
	v2 =	vor.u32 s14, v63;
	_ =	sdelay $0x2  }
0x50f: {  	v4 =	vor.u32 v5, v1;
	_ =	sdelay $0x1  }
0x510: {  	[tilespmem:v2+s24+$0x0] =	vst.idx.msk $0xffff, v3;
	v3 =	vld [tilespmem:$0x1FE30];
	_ =	sdelay $0x1  }
0x511: {  	s14 =	sshll.u32 s25, $0x7  }
0x512: {  	s7 =	sand.u32 $0x70, s22;
	s14 =	sand.u32 $0xFFFFFC00, s14;
	v2 =	vld.idx.msk [tilespmem:v4+s17+$0x0], $0xffff  }
0x513: {  	s14 =	sor.u32 s7, s14;
	v4 =	vld [tilespmem:$0x1FE40]  }
0x514: {  	v3 =	vor.u32 s14, v3;
	_ =	sdelay $0x3  }
0x515: {  	v4 =	vor.u32 v4, v1  }
0x516: {  	[tilespmem:v3+s24+$0x0] =	vst.idx.msk $0xffff, v2;
	v3 =	vld [tilespmem:$0x1FE50];
	_ =	sdelay $0x3  }
0x517: {  	v2 =	vld.idx.msk [tilespmem:v4+s17+$0x0], $0xffff  }
0x518: {  	v4 =	vld [tilespmem:$0x1FE60];
	v3 =	vor.u32 s14, v3;
	_ =	sdelay $0x4  }
0x519: {  	v4 =	vor.u32 v4, v1;
	[tilespmem:v3+s24+$0x0] =	vst.idx.msk $0xffff, v2;
	v3 =	vld [tilespmem:$0x1FE70];
	_ =	sdelay $0x4  }
0x51a: {  	v2 =	vld.idx.msk [tilespmem:v4+s17+$0x0], $0xffff;
	v3 =	vor.u32 s14, v3  }
0x51b: {  	v4 =	vor.u32 v8, v1;
	_ =	sdelay $0x3  }
0x51c: {  	[tilespmem:v3+s24+$0x0] =	vst.idx.msk $0xffff, v2  }
0x51d: {  	v3 =	vor.u32 s14, v6;
	v2 =	vld.idx.msk [tilespmem:v4+s17+$0x0], $0xffff  }
0x51e: {  	v4 =	vor.u32 v7, v1;
	_ =	sdelay $0x3  }
0x51f: {  	[tilespmem:v3+s24+$0x0] =	vst.idx.msk $0xffff, v2  }
0x520: {  	v3 =	vor.u32 s14, v9;
	v2 =	vld.idx.msk [tilespmem:v4+s17+$0x0], $0xffff  }
0x521: {  	v4 =	vor.u32 v10, v1;
	_ =	sdelay $0x3  }
0x522: {  	[tilespmem:v3+s24+$0x0] =	vst.idx.msk $0xffff, v2  }
0x523: {  	v3 =	vor.u32 s14, v11;
	v2 =	vld.idx.msk [tilespmem:v4+s17+$0x0], $0xffff  }
0x524: {  	v4 =	vor.u32 v12, v1;
	_ =	sdelay $0x3  }
0x525: {  	[tilespmem:v3+s24+$0x0] =	vst.idx.msk $0xffff, v2  }
0x526: {  	v3 =	vor.u32 s14, v13;
	v2 =	vld.idx.msk [tilespmem:v4+s17+$0x0], $0xffff  }
0x527: {  	v4 =	vor.u32 v14, v1;
	_ =	sdelay $0x3  }
0x528: {  	[tilespmem:v3+s24+$0x0] =	vst.idx.msk $0xffff, v2  }
0x529: {  	v3 =	vor.u32 s14, v15;
	v2 =	vld.idx.msk [tilespmem:v4+s17+$0x0], $0xffff  }
0x52a: {  	v4 =	vor.u32 v16, v1;
	_ =	sdelay $0x3  }
0x52b: {  	[tilespmem:v3+s24+$0x0] =	vst.idx.msk $0xffff, v2  }
0x52c: {  	v3 =	vor.u32 s14, v17;
	v2 =	vld.idx.msk [tilespmem:v4+s17+$0x0], $0xffff  }
0x52d: {  	v4 =	vor.u32 v18, v1;
	_ =	sdelay $0x3  }
0x52e: {  	[tilespmem:v3+s24+$0x0] =	vst.idx.msk $0xffff, v2  }
0x52f: {  	v3 =	vor.u32 s14, v19;
	v2 =	vld.idx.msk [tilespmem:v4+s17+$0x0], $0xffff  }
0x530: {  	v4 =	vor.u32 v20, v1;
	_ =	sdelay $0x3  }
0x531: {  	[tilespmem:v3+s24+$0x0] =	vst.idx.msk $0xffff, v2  }
0x532: {  	v3 =	vor.u32 s14, v21;
	v2 =	vld.idx.msk [tilespmem:v4+s17+$0x0], $0xffff  }
0x533: {  	v4 =	vor.u32 v22, v1;
	_ =	sdelay $0x3  }
0x534: {  	[tilespmem:v3+s24+$0x0] =	vst.idx.msk $0xffff, v2  }
0x535: {  	v3 =	vor.u32 s14, v23;
	v2 =	vld.idx.msk [tilespmem:v4+s17+$0x0], $0xffff  }
0x536: {  	v4 =	vor.u32 v24, v1;
	_ =	sdelay $0x3  }
0x537: {  	[tilespmem:v3+s24+$0x0] =	vst.idx.msk $0xffff, v2  }
0x538: {  	v3 =	vor.u32 s14, v25;
	v2 =	vld.idx.msk [tilespmem:v4+s17+$0x0], $0xffff  }
0x539: {  	v4 =	vor.u32 v26, v1;
	_ =	sdelay $0x3  }
0x53a: {  	[tilespmem:v3+s24+$0x0] =	vst.idx.msk $0xffff, v2  }
0x53b: {  	v3 =	vor.u32 s14, v27;
	v2 =	vld.idx.msk [tilespmem:v4+s17+$0x0], $0xffff  }
0x53c: {  	v4 =	vor.u32 v28, v1;
	_ =	sdelay $0x3  }
0x53d: {  	[tilespmem:v3+s24+$0x0] =	vst.idx.msk $0xffff, v2  }
0x53e: {  	v3 =	vor.u32 s14, v29;
	v2 =	vld.idx.msk [tilespmem:v4+s17+$0x0], $0xffff  }
0x53f: {  	v4 =	vor.u32 v33, v1;
	_ =	sdelay $0x3  }
0x540: {  	[tilespmem:v3+s24+$0x0] =	vst.idx.msk $0xffff, v2  }
0x541: {  	v3 =	vor.u32 s14, v31;
	v2 =	vld.idx.msk [tilespmem:v4+s17+$0x0], $0xffff  }
0x542: {  	v4 =	vor.u32 v39, v1;
	_ =	sdelay $0x3  }
0x543: {  	[tilespmem:v3+s24+$0x0] =	vst.idx.msk $0xffff, v2  }
0x544: {  	v3 =	vor.u32 s14, v32;
	v2 =	vld.idx.msk [tilespmem:v4+s17+$0x0], $0xffff  }
0x545: {  	v4 =	vor.u32 v40, v1;
	_ =	sdelay $0x3  }
0x546: {  	[tilespmem:v3+s24+$0x0] =	vst.idx.msk $0xffff, v2  }
0x547: {  	v3 =	vor.u32 s14, v37;
	v2 =	vld.idx.msk [tilespmem:v4+s17+$0x0], $0xffff  }
0x548: {  	v4 =	vor.u32 v41, v1;
	_ =	sdelay $0x3  }
0x549: {  	[tilespmem:v3+s24+$0x0] =	vst.idx.msk $0xffff, v2  }
0x54a: {  	v3 =	vor.u32 s14, v42;
	v2 =	vld.idx.msk [tilespmem:v4+s17+$0x0], $0xffff  }
0x54b: {  	v4 =	vor.u32 v34, v1;
	_ =	sdelay $0x3  }
0x54c: {  	[tilespmem:v3+s24+$0x0] =	vst.idx.msk $0xffff, v2  }
0x54d: {  	v3 =	vor.u32 s14, v47;
	v2 =	vld.idx.msk [tilespmem:v4+s17+$0x0], $0xffff  }
0x54e: {  	v4 =	vor.u32 v35, v1;
	_ =	sdelay $0x3  }
0x54f: {  	[tilespmem:v3+s24+$0x0] =	vst.idx.msk $0xffff, v2  }
0x550: {  	v3 =	vor.u32 s14, v52;
	v2 =	vld.idx.msk [tilespmem:v4+s17+$0x0], $0xffff  }
0x551: {  	v4 =	vor.u32 v36, v1;
	_ =	sdelay $0x3  }
0x552: {  	[tilespmem:v3+s24+$0x0] =	vst.idx.msk $0xffff, v2  }
0x553: {  	v3 =	vor.u32 s14, v53;
	v2 =	vld.idx.msk [tilespmem:v4+s17+$0x0], $0xffff  }
0x554: {  	v4 =	vor.u32 v38, v1;
	_ =	sdelay $0x3  }
0x555: {  	[tilespmem:v3+s24+$0x0] =	vst.idx.msk $0xffff, v2  }
0x556: {  	v3 =	vor.u32 s14, v54;
	v2 =	vld.idx.msk [tilespmem:v4+s17+$0x0], $0xffff  }
0x557: {  	v4 =	vor.u32 v43, v1;
	_ =	sdelay $0x3  }
0x558: {  	[tilespmem:v3+s24+$0x0] =	vst.idx.msk $0xffff, v2  }
0x559: {  	v3 =	vor.u32 s14, v55;
	v2 =	vld.idx.msk [tilespmem:v4+s17+$0x0], $0xffff  }
0x55a: {  	v4 =	vor.u32 v44, v1;
	_ =	sdelay $0x3  }
0x55b: {  	[tilespmem:v3+s24+$0x0] =	vst.idx.msk $0xffff, v2  }
0x55c: {  	v3 =	vor.u32 s14, v56;
	v2 =	vld.idx.msk [tilespmem:v4+s17+$0x0], $0xffff  }
0x55d: {  	v4 =	vor.u32 v45, v1;
	_ =	sdelay $0x3  }
0x55e: {  	[tilespmem:v3+s24+$0x0] =	vst.idx.msk $0xffff, v2  }
0x55f: {  	v3 =	vor.u32 s14, v57;
	v2 =	vld.idx.msk [tilespmem:v4+s17+$0x0], $0xffff  }
0x560: {  	v4 =	vor.u32 v46, v1;
	_ =	sdelay $0x3  }
0x561: {  	[tilespmem:v3+s24+$0x0] =	vst.idx.msk $0xffff, v2  }
0x562: {  	v3 =	vor.u32 s14, v58;
	v2 =	vld.idx.msk [tilespmem:v4+s17+$0x0], $0xffff  }
0x563: {  	v4 =	vor.u32 v48, v1;
	_ =	sdelay $0x3  }
0x564: {  	[tilespmem:v3+s24+$0x0] =	vst.idx.msk $0xffff, v2  }
0x565: {  	v3 =	vor.u32 s14, v59;
	v2 =	vld.idx.msk [tilespmem:v4+s17+$0x0], $0xffff  }
0x566: {  	v4 =	vor.u32 v49, v1;
	_ =	sdelay $0x3  }
0x567: {  	[tilespmem:v3+s24+$0x0] =	vst.idx.msk $0xffff, v2  }
0x568: {  	v3 =	vor.u32 s14, v60;
	v2 =	vld.idx.msk [tilespmem:v4+s17+$0x0], $0xffff  }
0x569: {  	v4 =	vor.u32 v50, v1;
	_ =	sdelay $0x3  }
0x56a: {  	[tilespmem:v3+s24+$0x0] =	vst.idx.msk $0xffff, v2  }
0x56b: {  	v3 =	vor.u32 s14, v61;
	v2 =	vld.idx.msk [tilespmem:v4+s17+$0x0], $0xffff  }
0x56c: {  	v4 =	vor.u32 v51, v1;
	_ =	sdelay $0x3  }
0x56d: {  	[tilespmem:v3+s24+$0x0] =	vst.idx.msk $0xffff, v2  }
0x56e: {  	p0 =	sne.s32 s6, $0x1F;
	v3 =	vld.idx.msk [tilespmem:v4+s17+$0x0], $0xffff;
	v4 =	vor.u32 s14, v62  }
.Ltmp3:
0x56f: {  	_ = 	snop;
	(pc) =	sbr.rel @p0 .LBB2_9-.Ltmp3, $3  }
0x570: {  	_ =	sdelay $0x1  }
0x571: {  	s22 =	sadd.s32 $0x10, s22  }
0x572: {  	s25 =	smov.u32 s6;
	s6 =	sadd.s32 $0x1, s6;
	v1 =	vor.u32 v0, v1;
	v2 =	vmov s22;
	[tilespmem:v4+s24+$0x0] =	vst.idx.msk $0xffff, v3  }
0x573: {  	_ =	sdelay $0x2  }
0x574: {  	v2 =	vshll.u32 v2, $0x5  }
0x575: {  	v3 =	vld.idx.msk [tilespmem:v1+s17+$0x0], $0xffff;
	v1 =	vor.u32 v30, v2;
	v2 =	vor.u32 s14, v63;
	_ =	sdelay $0x2  }
0x576: {  	v4 =	vor.u32 v5, v1;
	_ =	sdelay $0x1  }
0x577: {  	[tilespmem:v2+s24+$0x0] =	vst.idx.msk $0xffff, v3;
	v3 =	vld [tilespmem:$0x1FE30];
	_ =	sdelay $0x1  }
0x578: {  	s6 =	sshll.u32 s25, $0x7  }
0x579: {  	s7 =	sand.u32 $0x70, s22;
	s6 =	sand.u32 $0xFFFFFC00, s6;
	v2 =	vld.idx.msk [tilespmem:v4+s17+$0x0], $0xffff  }
0x57a: {  	s6 =	sor.u32 s7, s6;
	v4 =	vld [tilespmem:$0x1FE40]  }
0x57b: {  	v3 =	vor.u32 s6, v3;
	_ =	sdelay $0x3  }
0x57c: {  	v4 =	vor.u32 v4, v1  }
0x57d: {  	[tilespmem:v3+s24+$0x0] =	vst.idx.msk $0xffff, v2;
	v3 =	vld [tilespmem:$0x1FE50];
	_ =	sdelay $0x3  }
0x57e: {  	v2 =	vld.idx.msk [tilespmem:v4+s17+$0x0], $0xffff  }
0x57f: {  	v4 =	vld [tilespmem:$0x1FE60];
	v3 =	vor.u32 s6, v3;
	_ =	sdelay $0x4  }
0x580: {  	v4 =	vor.u32 v4, v1;
	[tilespmem:v3+s24+$0x0] =	vst.idx.msk $0xffff, v2;
	v3 =	vld [tilespmem:$0x1FE70];
	_ =	sdelay $0x4  }
0x581: {  	v2 =	vld.idx.msk [tilespmem:v4+s17+$0x0], $0xffff;
	v3 =	vor.u32 s6, v3  }
0x582: {  	v4 =	vor.u32 v8, v1;
	_ =	sdelay $0x3  }
0x583: {  	[tilespmem:v3+s24+$0x0] =	vst.idx.msk $0xffff, v2  }
0x584: {  	v3 =	vor.u32 s6, v6;
	v2 =	vld.idx.msk [tilespmem:v4+s17+$0x0], $0xffff  }
0x585: {  	v4 =	vor.u32 v7, v1;
	_ =	sdelay $0x3  }
0x586: {  	[tilespmem:v3+s24+$0x0] =	vst.idx.msk $0xffff, v2  }
0x587: {  	v3 =	vor.u32 s6, v9;
	v2 =	vld.idx.msk [tilespmem:v4+s17+$0x0], $0xffff  }
0x588: {  	v4 =	vor.u32 v10, v1;
	_ =	sdelay $0x3  }
0x589: {  	[tilespmem:v3+s24+$0x0] =	vst.idx.msk $0xffff, v2  }
0x58a: {  	v3 =	vor.u32 s6, v11;
	v2 =	vld.idx.msk [tilespmem:v4+s17+$0x0], $0xffff  }
0x58b: {  	v4 =	vor.u32 v12, v1;
	_ =	sdelay $0x3  }
0x58c: {  	[tilespmem:v3+s24+$0x0] =	vst.idx.msk $0xffff, v2  }
0x58d: {  	v3 =	vor.u32 s6, v13;
	v2 =	vld.idx.msk [tilespmem:v4+s17+$0x0], $0xffff  }
0x58e: {  	v4 =	vor.u32 v14, v1;
	_ =	sdelay $0x3  }
0x58f: {  	[tilespmem:v3+s24+$0x0] =	vst.idx.msk $0xffff, v2  }
0x590: {  	v3 =	vor.u32 s6, v15;
	v2 =	vld.idx.msk [tilespmem:v4+s17+$0x0], $0xffff  }
0x591: {  	v4 =	vor.u32 v16, v1;
	_ =	sdelay $0x3  }
0x592: {  	[tilespmem:v3+s24+$0x0] =	vst.idx.msk $0xffff, v2  }
0x593: {  	v3 =	vor.u32 s6, v17;
	v2 =	vld.idx.msk [tilespmem:v4+s17+$0x0], $0xffff  }
0x594: {  	v4 =	vor.u32 v18, v1;
	_ =	sdelay $0x3  }
0x595: {  	[tilespmem:v3+s24+$0x0] =	vst.idx.msk $0xffff, v2  }
0x596: {  	v3 =	vor.u32 s6, v19;
	v2 =	vld.idx.msk [tilespmem:v4+s17+$0x0], $0xffff  }
0x597: {  	v4 =	vor.u32 v20, v1;
	_ =	sdelay $0x3  }
0x598: {  	[tilespmem:v3+s24+$0x0] =	vst.idx.msk $0xffff, v2  }
0x599: {  	v3 =	vor.u32 s6, v21;
	v2 =	vld.idx.msk [tilespmem:v4+s17+$0x0], $0xffff  }
0x59a: {  	v4 =	vor.u32 v22, v1;
	_ =	sdelay $0x3  }
0x59b: {  	[tilespmem:v3+s24+$0x0] =	vst.idx.msk $0xffff, v2  }
0x59c: {  	v3 =	vor.u32 s6, v23;
	v2 =	vld.idx.msk [tilespmem:v4+s17+$0x0], $0xffff  }
0x59d: {  	v4 =	vor.u32 v24, v1;
	_ =	sdelay $0x3  }
0x59e: {  	[tilespmem:v3+s24+$0x0] =	vst.idx.msk $0xffff, v2  }
0x59f: {  	v3 =	vor.u32 s6, v25;
	v2 =	vld.idx.msk [tilespmem:v4+s17+$0x0], $0xffff  }
0x5a0: {  	v4 =	vor.u32 v26, v1;
	_ =	sdelay $0x3  }
0x5a1: {  	[tilespmem:v3+s24+$0x0] =	vst.idx.msk $0xffff, v2  }
0x5a2: {  	v3 =	vor.u32 s6, v27;
	v2 =	vld.idx.msk [tilespmem:v4+s17+$0x0], $0xffff  }
0x5a3: {  	v4 =	vor.u32 v28, v1;
	_ =	sdelay $0x3  }
0x5a4: {  	[tilespmem:v3+s24+$0x0] =	vst.idx.msk $0xffff, v2  }
0x5a5: {  	v3 =	vor.u32 s6, v29;
	v2 =	vld.idx.msk [tilespmem:v4+s17+$0x0], $0xffff  }
0x5a6: {  	v4 =	vor.u32 v33, v1;
	_ =	sdelay $0x3  }
0x5a7: {  	[tilespmem:v3+s24+$0x0] =	vst.idx.msk $0xffff, v2  }
0x5a8: {  	v3 =	vor.u32 s6, v31;
	v2 =	vld.idx.msk [tilespmem:v4+s17+$0x0], $0xffff  }
0x5a9: {  	v4 =	vor.u32 v39, v1;
	_ =	sdelay $0x3  }
0x5aa: {  	[tilespmem:v3+s24+$0x0] =	vst.idx.msk $0xffff, v2  }
0x5ab: {  	v3 =	vor.u32 s6, v32;
	v2 =	vld.idx.msk [tilespmem:v4+s17+$0x0], $0xffff  }
0x5ac: {  	v4 =	vor.u32 v40, v1;
	_ =	sdelay $0x3  }
0x5ad: {  	[tilespmem:v3+s24+$0x0] =	vst.idx.msk $0xffff, v2  }
0x5ae: {  	v3 =	vor.u32 s6, v37;
	v2 =	vld.idx.msk [tilespmem:v4+s17+$0x0], $0xffff  }
0x5af: {  	v4 =	vor.u32 v41, v1;
	_ =	sdelay $0x3  }
0x5b0: {  	[tilespmem:v3+s24+$0x0] =	vst.idx.msk $0xffff, v2  }
0x5b1: {  	v3 =	vor.u32 s6, v42;
	v2 =	vld.idx.msk [tilespmem:v4+s17+$0x0], $0xffff  }
0x5b2: {  	v4 =	vor.u32 v34, v1;
	_ =	sdelay $0x3  }
0x5b3: {  	[tilespmem:v3+s24+$0x0] =	vst.idx.msk $0xffff, v2  }
0x5b4: {  	v3 =	vor.u32 s6, v47;
	v2 =	vld.idx.msk [tilespmem:v4+s17+$0x0], $0xffff  }
0x5b5: {  	v4 =	vor.u32 v35, v1;
	_ =	sdelay $0x3  }
0x5b6: {  	[tilespmem:v3+s24+$0x0] =	vst.idx.msk $0xffff, v2  }
0x5b7: {  	v3 =	vor.u32 s6, v52;
	v2 =	vld.idx.msk [tilespmem:v4+s17+$0x0], $0xffff  }
0x5b8: {  	v4 =	vor.u32 v36, v1;
	_ =	sdelay $0x3  }
0x5b9: {  	[tilespmem:v3+s24+$0x0] =	vst.idx.msk $0xffff, v2  }
0x5ba: {  	v3 =	vor.u32 s6, v53;
	v2 =	vld.idx.msk [tilespmem:v4+s17+$0x0], $0xffff  }
0x5bb: {  	v4 =	vor.u32 v38, v1;
	_ =	sdelay $0x3  }
0x5bc: {  	[tilespmem:v3+s24+$0x0] =	vst.idx.msk $0xffff, v2  }
0x5bd: {  	v3 =	vor.u32 s6, v54;
	v2 =	vld.idx.msk [tilespmem:v4+s17+$0x0], $0xffff  }
0x5be: {  	v4 =	vor.u32 v43, v1;
	_ =	sdelay $0x3  }
0x5bf: {  	[tilespmem:v3+s24+$0x0] =	vst.idx.msk $0xffff, v2  }
0x5c0: {  	v3 =	vor.u32 s6, v55;
	v2 =	vld.idx.msk [tilespmem:v4+s17+$0x0], $0xffff  }
0x5c1: {  	v4 =	vor.u32 v44, v1;
	_ =	sdelay $0x3  }
0x5c2: {  	[tilespmem:v3+s24+$0x0] =	vst.idx.msk $0xffff, v2  }
0x5c3: {  	v3 =	vor.u32 s6, v56;
	v2 =	vld.idx.msk [tilespmem:v4+s17+$0x0], $0xffff  }
0x5c4: {  	v4 =	vor.u32 v45, v1;
	_ =	sdelay $0x3  }
0x5c5: {  	[tilespmem:v3+s24+$0x0] =	vst.idx.msk $0xffff, v2  }
0x5c6: {  	v3 =	vor.u32 s6, v57;
	v2 =	vld.idx.msk [tilespmem:v4+s17+$0x0], $0xffff  }
0x5c7: {  	v4 =	vor.u32 v46, v1;
	_ =	sdelay $0x3  }
0x5c8: {  	[tilespmem:v3+s24+$0x0] =	vst.idx.msk $0xffff, v2  }
0x5c9: {  	v3 =	vor.u32 s6, v58;
	v2 =	vld.idx.msk [tilespmem:v4+s17+$0x0], $0xffff  }
0x5ca: {  	v4 =	vor.u32 v48, v1;
	_ =	sdelay $0x3  }
0x5cb: {  	[tilespmem:v3+s24+$0x0] =	vst.idx.msk $0xffff, v2  }
0x5cc: {  	v3 =	vor.u32 s6, v59;
	v2 =	vld.idx.msk [tilespmem:v4+s17+$0x0], $0xffff  }
0x5cd: {  	v4 =	vor.u32 v49, v1;
	_ =	sdelay $0x3  }
0x5ce: {  	[tilespmem:v3+s24+$0x0] =	vst.idx.msk $0xffff, v2  }
0x5cf: {  	v3 =	vor.u32 s6, v60;
	v2 =	vld.idx.msk [tilespmem:v4+s17+$0x0], $0xffff  }
0x5d0: {  	v4 =	vor.u32 v50, v1;
	_ =	sdelay $0x3  }
0x5d1: {  	[tilespmem:v3+s24+$0x0] =	vst.idx.msk $0xffff, v2  }
0x5d2: {  	v3 =	vor.u32 s6, v61;
	v2 =	vld.idx.msk [tilespmem:v4+s17+$0x0], $0xffff  }
0x5d3: {  	v4 =	vor.u32 v51, v1;
	_ =	sdelay $0x3  }
0x5d4: {  	[tilespmem:v3+s24+$0x0] =	vst.idx.msk $0xffff, v2  }
0x5d5: {  	v3 =	vor.u32 s6, v62;
	v2 =	vld.idx.msk [tilespmem:v4+s17+$0x0], $0xffff  }
0x5d6: {  	v1 =	vor.u32 v0, v1;
	_ =	sdelay $0x3  }
0x5d7: {  	[tilespmem:v3+s24+$0x0] =	vst.idx.msk $0xffff, v2  }
0x5d8: {  	v2 =	vor.u32 s6, v63;
	v1 =	vld.idx.msk [tilespmem:v1+s17+$0x0], $0xffff;
	_ =	sdelay $0x1  }
0x5d9: {  	s31 =	sadd.s32 $0x1, s31  }
0x5da: {  	s0 =	sadd.s32 s9, s0;
	p0 =	sne.s32 s31, $0x17  }
.Ltmp4:
0x5db: {  	s0 =	sshrl.u32 s0, $0x3;
	(pc) =	sbr.rel @p0 .LBB2_6-.Ltmp4, $4  }
0x5dc: {  	s0 =	sadd.s32 s1, s0;
	[tilespmem:v2+s24+$0x0] =	vst.idx.msk $0xffff, v1  }
0x5dd: {  	[hbm4b:s0+s20] =	stream.strided.scatter [tilespmem:s24], [sflag:$0x4], $0x4000, s21, s20, $0x38;
	[tilespmem:$0x16400] =	vst v63  }
0x5de: {  	s25 =	sadd.s32 $0xA00, s2  }
0x5df: {  	[tilespmem:s17], [sflag:$0x2] =	stream.indirect.gather [hbm4b:s4+s13], $0x20, s25, s13, $0xb8;
	[tilespmem:$0x16400] =	vst v63  }
0x5e0: {  	s0 =	simm.s32 $0x0;
	_ =	swait.ge [sflag:s18], $0x4000  }
0x5e1: {  	v1 =	vmov s0;
	[sflag:s18] =	ssyncset.done $0x0  }
0x5e2: {  	v1 =	vshll.u32 v1, $0x5;
	[sflag:s18] =	ssyncadd.s32 $0xFFFFC000  }
0x5e3: {  	v1 =	vor.u32 v30, v1;
	_ =	swait.ge [sflag:s26], $0x4000  }
0x5e4: {  	v2 =	vor.u32 v5, v1;
	v3 =	vld [tilespmem:$0x1FE30];
	_ =	sdelay $0x1  }
0x5e5: {  	s2 =	simm.s32 $0x0  }
0x5e6: {  	s0 =	sand.u32 $0x70, s0;
	s2 =	sand.u32 $0xFFFFFC00, s2;
	[sflag:s26] =	ssyncset.done $0x0  }
0x5e7: {  	s0 =	sor.u32 s0, s2;
	v4 =	vld [tilespmem:$0x1FE40];
	[sflag:s26] =	ssyncadd.s32 $0xFFFFC000  }
0x5e8: {  	v2 =	vld.idx.msk [tilespmem:v2+s16+$0x0], $0xffff;
	v3 =	vor.u32 s0, v3;
	_ =	sdelay $0x3  }
0x5e9: {  	v4 =	vor.u32 v4, v1  }
0x5ea: {  	[tilespmem:v3+s19+$0x0] =	vst.idx.msk $0xffff, v2;
	v3 =	vld [tilespmem:$0x1FE50];
	_ =	sdelay $0x3  }
0x5eb: {  	v2 =	vld.idx.msk [tilespmem:v4+s16+$0x0], $0xffff  }
0x5ec: {  	v4 =	vld [tilespmem:$0x1FE60];
	v3 =	vor.u32 s0, v3;
	_ =	sdelay $0x4  }
0x5ed: {  	v4 =	vor.u32 v4, v1;
	[tilespmem:v3+s19+$0x0] =	vst.idx.msk $0xffff, v2;
	v3 =	vld [tilespmem:$0x1FE70];
	_ =	sdelay $0x4  }
0x5ee: {  	v2 =	vld.idx.msk [tilespmem:v4+s16+$0x0], $0xffff;
	v3 =	vor.u32 s0, v3  }
0x5ef: {  	v4 =	vor.u32 v8, v1;
	_ =	sdelay $0x3  }
0x5f0: {  	[tilespmem:v3+s19+$0x0] =	vst.idx.msk $0xffff, v2  }
0x5f1: {  	v3 =	vor.u32 s0, v6;
	v2 =	vld.idx.msk [tilespmem:v4+s16+$0x0], $0xffff  }
0x5f2: {  	v4 =	vor.u32 v7, v1;
	_ =	sdelay $0x3  }
0x5f3: {  	[tilespmem:v3+s19+$0x0] =	vst.idx.msk $0xffff, v2  }
0x5f4: {  	v3 =	vor.u32 s0, v9;
	v2 =	vld.idx.msk [tilespmem:v4+s16+$0x0], $0xffff  }
0x5f5: {  	v4 =	vor.u32 v10, v1;
	_ =	sdelay $0x3  }
0x5f6: {  	[tilespmem:v3+s19+$0x0] =	vst.idx.msk $0xffff, v2  }
0x5f7: {  	v3 =	vor.u32 s0, v11;
	v2 =	vld.idx.msk [tilespmem:v4+s16+$0x0], $0xffff  }
0x5f8: {  	v4 =	vor.u32 v12, v1;
	_ =	sdelay $0x3  }
0x5f9: {  	[tilespmem:v3+s19+$0x0] =	vst.idx.msk $0xffff, v2  }
0x5fa: {  	v3 =	vor.u32 s0, v13;
	v2 =	vld.idx.msk [tilespmem:v4+s16+$0x0], $0xffff  }
0x5fb: {  	v4 =	vor.u32 v14, v1;
	_ =	sdelay $0x3  }
0x5fc: {  	[tilespmem:v3+s19+$0x0] =	vst.idx.msk $0xffff, v2  }
0x5fd: {  	v3 =	vor.u32 s0, v15;
	v2 =	vld.idx.msk [tilespmem:v4+s16+$0x0], $0xffff  }
0x5fe: {  	v4 =	vor.u32 v16, v1;
	_ =	sdelay $0x3  }
0x5ff: {  	[tilespmem:v3+s19+$0x0] =	vst.idx.msk $0xffff, v2  }
0x600: {  	v3 =	vor.u32 s0, v17;
	v2 =	vld.idx.msk [tilespmem:v4+s16+$0x0], $0xffff  }
0x601: {  	v4 =	vor.u32 v18, v1;
	_ =	sdelay $0x3  }
0x602: {  	[tilespmem:v3+s19+$0x0] =	vst.idx.msk $0xffff, v2  }
0x603: {  	v3 =	vor.u32 s0, v19;
	v2 =	vld.idx.msk [tilespmem:v4+s16+$0x0], $0xffff  }
0x604: {  	v4 =	vor.u32 v20, v1;
	_ =	sdelay $0x3  }
0x605: {  	[tilespmem:v3+s19+$0x0] =	vst.idx.msk $0xffff, v2  }
0x606: {  	v3 =	vor.u32 s0, v21;
	v2 =	vld.idx.msk [tilespmem:v4+s16+$0x0], $0xffff  }
0x607: {  	v4 =	vor.u32 v22, v1;
	_ =	sdelay $0x3  }
0x608: {  	[tilespmem:v3+s19+$0x0] =	vst.idx.msk $0xffff, v2  }
0x609: {  	v3 =	vor.u32 s0, v23;
	v2 =	vld.idx.msk [tilespmem:v4+s16+$0x0], $0xffff  }
0x60a: {  	v4 =	vor.u32 v24, v1;
	_ =	sdelay $0x3  }
0x60b: {  	[tilespmem:v3+s19+$0x0] =	vst.idx.msk $0xffff, v2  }
0x60c: {  	v3 =	vor.u32 s0, v25;
	v2 =	vld.idx.msk [tilespmem:v4+s16+$0x0], $0xffff  }
0x60d: {  	v4 =	vor.u32 v26, v1;
	_ =	sdelay $0x3  }
0x60e: {  	[tilespmem:v3+s19+$0x0] =	vst.idx.msk $0xffff, v2  }
0x60f: {  	v3 =	vor.u32 s0, v27;
	v2 =	vld.idx.msk [tilespmem:v4+s16+$0x0], $0xffff  }
0x610: {  	v4 =	vor.u32 v28, v1;
	_ =	sdelay $0x3  }
0x611: {  	[tilespmem:v3+s19+$0x0] =	vst.idx.msk $0xffff, v2  }
0x612: {  	v3 =	vor.u32 s0, v29;
	v2 =	vld.idx.msk [tilespmem:v4+s16+$0x0], $0xffff  }
0x613: {  	v4 =	vor.u32 v33, v1;
	_ =	sdelay $0x3  }
0x614: {  	[tilespmem:v3+s19+$0x0] =	vst.idx.msk $0xffff, v2  }
0x615: {  	v3 =	vor.u32 s0, v31;
	v2 =	vld.idx.msk [tilespmem:v4+s16+$0x0], $0xffff  }
0x616: {  	v4 =	vor.u32 v39, v1;
	_ =	sdelay $0x3  }
0x617: {  	[tilespmem:v3+s19+$0x0] =	vst.idx.msk $0xffff, v2  }
0x618: {  	v3 =	vor.u32 s0, v32;
	v2 =	vld.idx.msk [tilespmem:v4+s16+$0x0], $0xffff  }
0x619: {  	v4 =	vor.u32 v40, v1;
	_ =	sdelay $0x3  }
0x61a: {  	[tilespmem:v3+s19+$0x0] =	vst.idx.msk $0xffff, v2  }
0x61b: {  	v3 =	vor.u32 s0, v37;
	v2 =	vld.idx.msk [tilespmem:v4+s16+$0x0], $0xffff  }
0x61c: {  	v4 =	vor.u32 v41, v1;
	_ =	sdelay $0x3  }
0x61d: {  	[tilespmem:v3+s19+$0x0] =	vst.idx.msk $0xffff, v2  }
0x61e: {  	v3 =	vor.u32 s0, v42;
	v2 =	vld.idx.msk [tilespmem:v4+s16+$0x0], $0xffff  }
0x61f: {  	v4 =	vor.u32 v34, v1;
	_ =	sdelay $0x3  }
0x620: {  	[tilespmem:v3+s19+$0x0] =	vst.idx.msk $0xffff, v2  }
0x621: {  	v3 =	vor.u32 s0, v47;
	v2 =	vld.idx.msk [tilespmem:v4+s16+$0x0], $0xffff  }
0x622: {  	v4 =	vor.u32 v35, v1;
	_ =	sdelay $0x3  }
0x623: {  	[tilespmem:v3+s19+$0x0] =	vst.idx.msk $0xffff, v2  }
0x624: {  	v3 =	vor.u32 s0, v52;
	v2 =	vld.idx.msk [tilespmem:v4+s16+$0x0], $0xffff  }
0x625: {  	v4 =	vor.u32 v36, v1;
	_ =	sdelay $0x3  }
0x626: {  	[tilespmem:v3+s19+$0x0] =	vst.idx.msk $0xffff, v2  }
0x627: {  	v3 =	vor.u32 s0, v53;
	v2 =	vld.idx.msk [tilespmem:v4+s16+$0x0], $0xffff  }
0x628: {  	v4 =	vor.u32 v38, v1;
	_ =	sdelay $0x3  }
0x629: {  	[tilespmem:v3+s19+$0x0] =	vst.idx.msk $0xffff, v2  }
0x62a: {  	v3 =	vor.u32 s0, v54;
	v2 =	vld.idx.msk [tilespmem:v4+s16+$0x0], $0xffff  }
0x62b: {  	v4 =	vor.u32 v43, v1;
	_ =	sdelay $0x3  }
0x62c: {  	[tilespmem:v3+s19+$0x0] =	vst.idx.msk $0xffff, v2  }
0x62d: {  	v3 =	vor.u32 s0, v55;
	v2 =	vld.idx.msk [tilespmem:v4+s16+$0x0], $0xffff  }
0x62e: {  	v4 =	vor.u32 v44, v1;
	_ =	sdelay $0x3  }
0x62f: {  	[tilespmem:v3+s19+$0x0] =	vst.idx.msk $0xffff, v2  }
0x630: {  	v3 =	vor.u32 s0, v56;
	v2 =	vld.idx.msk [tilespmem:v4+s16+$0x0], $0xffff  }
0x631: {  	v4 =	vor.u32 v45, v1;
	_ =	sdelay $0x3  }
0x632: {  	[tilespmem:v3+s19+$0x0] =	vst.idx.msk $0xffff, v2  }
0x633: {  	v3 =	vor.u32 s0, v57;
	v2 =	vld.idx.msk [tilespmem:v4+s16+$0x0], $0xffff  }
0x634: {  	v4 =	vor.u32 v46, v1;
	_ =	sdelay $0x3  }
0x635: {  	[tilespmem:v3+s19+$0x0] =	vst.idx.msk $0xffff, v2  }
0x636: {  	v3 =	vor.u32 s0, v58;
	v2 =	vld.idx.msk [tilespmem:v4+s16+$0x0], $0xffff  }
0x637: {  	v4 =	vor.u32 v48, v1;
	_ =	sdelay $0x3  }
0x638: {  	[tilespmem:v3+s19+$0x0] =	vst.idx.msk $0xffff, v2  }
0x639: {  	v3 =	vor.u32 s0, v59;
	v2 =	vld.idx.msk [tilespmem:v4+s16+$0x0], $0xffff  }
0x63a: {  	v4 =	vor.u32 v49, v1;
	_ =	sdelay $0x3  }
0x63b: {  	[tilespmem:v3+s19+$0x0] =	vst.idx.msk $0xffff, v2  }
0x63c: {  	v3 =	vor.u32 s0, v60;
	v2 =	vld.idx.msk [tilespmem:v4+s16+$0x0], $0xffff  }
0x63d: {  	v4 =	vor.u32 v50, v1;
	_ =	sdelay $0x3  }
0x63e: {  	[tilespmem:v3+s19+$0x0] =	vst.idx.msk $0xffff, v2  }
0x63f: {  	v3 =	vor.u32 s0, v61;
	v2 =	vld.idx.msk [tilespmem:v4+s16+$0x0], $0xffff  }
0x640: {  	v4 =	vor.u32 v51, v1;
	_ =	sdelay $0x3  }
0x641: {  	[tilespmem:v3+s19+$0x0] =	vst.idx.msk $0xffff, v2  }
0x642: {  	v3 =	vor.u32 s0, v62;
	v2 =	vld.idx.msk [tilespmem:v4+s16+$0x0], $0xffff;
	_ =	sdelay $0x3  }
0x643: {  	s2 =	simm.s32 $0x10  }
0x644: {  	s14 =	simm.s32 $0x1;
	s6 =	simm.s32 $0x2;
	v1 =	vor.u32 v0, v1;
	[tilespmem:v3+s19+$0x0] =	vst.idx.msk $0xffff, v2;
	v2 =	vmov s2  }
.LBB2_12:
0x645: {  	_ =	sdelay $0x2  }
0x646: {  	v2 =	vshll.u32 v2, $0x5  }
0x647: {  	v3 =	vld.idx.msk [tilespmem:v1+s16+$0x0], $0xffff;
	v1 =	vor.u32 v30, v2;
	v2 =	vor.u32 s0, v63;
	_ =	sdelay $0x2  }
0x648: {  	v4 =	vor.u32 v5, v1;
	_ =	sdelay $0x1  }
0x649: {  	[tilespmem:v2+s19+$0x0] =	vst.idx.msk $0xffff, v3;
	v3 =	vld [tilespmem:$0x1FE30];
	_ =	sdelay $0x1  }
0x64a: {  	s31 =	sshll.u32 s14, $0x7  }
0x64b: {  	s7 =	sand.u32 $0x70, s2;
	s0 =	sand.u32 $0xFFFFFC00, s31;
	v2 =	vld.idx.msk [tilespmem:v4+s16+$0x0], $0xffff  }
0x64c: {  	s0 =	sor.u32 s7, s0;
	v4 =	vld [tilespmem:$0x1FE40]  }
0x64d: {  	v3 =	vor.u32 s0, v3;
	_ =	sdelay $0x3  }
0x64e: {  	v4 =	vor.u32 v4, v1  }
0x64f: {  	[tilespmem:v3+s19+$0x0] =	vst.idx.msk $0xffff, v2;
	v3 =	vld [tilespmem:$0x1FE50];
	_ =	sdelay $0x3  }
0x650: {  	v2 =	vld.idx.msk [tilespmem:v4+s16+$0x0], $0xffff  }
0x651: {  	v4 =	vld [tilespmem:$0x1FE60];
	v3 =	vor.u32 s0, v3;
	_ =	sdelay $0x4  }
0x652: {  	v4 =	vor.u32 v4, v1;
	[tilespmem:v3+s19+$0x0] =	vst.idx.msk $0xffff, v2;
	v3 =	vld [tilespmem:$0x1FE70];
	_ =	sdelay $0x4  }
0x653: {  	v2 =	vld.idx.msk [tilespmem:v4+s16+$0x0], $0xffff;
	v3 =	vor.u32 s0, v3  }
0x654: {  	v4 =	vor.u32 v8, v1;
	_ =	sdelay $0x3  }
0x655: {  	[tilespmem:v3+s19+$0x0] =	vst.idx.msk $0xffff, v2  }
0x656: {  	v3 =	vor.u32 s0, v6;
	v2 =	vld.idx.msk [tilespmem:v4+s16+$0x0], $0xffff  }
0x657: {  	v4 =	vor.u32 v7, v1;
	_ =	sdelay $0x3  }
0x658: {  	[tilespmem:v3+s19+$0x0] =	vst.idx.msk $0xffff, v2  }
0x659: {  	v3 =	vor.u32 s0, v9;
	v2 =	vld.idx.msk [tilespmem:v4+s16+$0x0], $0xffff  }
0x65a: {  	v4 =	vor.u32 v10, v1;
	_ =	sdelay $0x3  }
0x65b: {  	[tilespmem:v3+s19+$0x0] =	vst.idx.msk $0xffff, v2  }
0x65c: {  	v3 =	vor.u32 s0, v11;
	v2 =	vld.idx.msk [tilespmem:v4+s16+$0x0], $0xffff  }
0x65d: {  	v4 =	vor.u32 v12, v1;
	_ =	sdelay $0x3  }
0x65e: {  	[tilespmem:v3+s19+$0x0] =	vst.idx.msk $0xffff, v2  }
0x65f: {  	v3 =	vor.u32 s0, v13;
	v2 =	vld.idx.msk [tilespmem:v4+s16+$0x0], $0xffff  }
0x660: {  	v4 =	vor.u32 v14, v1;
	_ =	sdelay $0x3  }
0x661: {  	[tilespmem:v3+s19+$0x0] =	vst.idx.msk $0xffff, v2  }
0x662: {  	v3 =	vor.u32 s0, v15;
	v2 =	vld.idx.msk [tilespmem:v4+s16+$0x0], $0xffff  }
0x663: {  	v4 =	vor.u32 v16, v1;
	_ =	sdelay $0x3  }
0x664: {  	[tilespmem:v3+s19+$0x0] =	vst.idx.msk $0xffff, v2  }
0x665: {  	v3 =	vor.u32 s0, v17;
	v2 =	vld.idx.msk [tilespmem:v4+s16+$0x0], $0xffff  }
0x666: {  	v4 =	vor.u32 v18, v1;
	_ =	sdelay $0x3  }
0x667: {  	[tilespmem:v3+s19+$0x0] =	vst.idx.msk $0xffff, v2  }
0x668: {  	v3 =	vor.u32 s0, v19;
	v2 =	vld.idx.msk [tilespmem:v4+s16+$0x0], $0xffff  }
0x669: {  	v4 =	vor.u32 v20, v1;
	_ =	sdelay $0x3  }
0x66a: {  	[tilespmem:v3+s19+$0x0] =	vst.idx.msk $0xffff, v2  }
0x66b: {  	v3 =	vor.u32 s0, v21;
	v2 =	vld.idx.msk [tilespmem:v4+s16+$0x0], $0xffff  }
0x66c: {  	v4 =	vor.u32 v22, v1;
	_ =	sdelay $0x3  }
0x66d: {  	[tilespmem:v3+s19+$0x0] =	vst.idx.msk $0xffff, v2  }
0x66e: {  	v3 =	vor.u32 s0, v23;
	v2 =	vld.idx.msk [tilespmem:v4+s16+$0x0], $0xffff  }
0x66f: {  	v4 =	vor.u32 v24, v1;
	_ =	sdelay $0x3  }
0x670: {  	[tilespmem:v3+s19+$0x0] =	vst.idx.msk $0xffff, v2  }
0x671: {  	v3 =	vor.u32 s0, v25;
	v2 =	vld.idx.msk [tilespmem:v4+s16+$0x0], $0xffff  }
0x672: {  	v4 =	vor.u32 v26, v1;
	_ =	sdelay $0x3  }
0x673: {  	[tilespmem:v3+s19+$0x0] =	vst.idx.msk $0xffff, v2  }
0x674: {  	v3 =	vor.u32 s0, v27;
	v2 =	vld.idx.msk [tilespmem:v4+s16+$0x0], $0xffff  }
0x675: {  	v4 =	vor.u32 v28, v1;
	_ =	sdelay $0x3  }
0x676: {  	[tilespmem:v3+s19+$0x0] =	vst.idx.msk $0xffff, v2  }
0x677: {  	v3 =	vor.u32 s0, v29;
	v2 =	vld.idx.msk [tilespmem:v4+s16+$0x0], $0xffff  }
0x678: {  	v4 =	vor.u32 v33, v1;
	_ =	sdelay $0x3  }
0x679: {  	[tilespmem:v3+s19+$0x0] =	vst.idx.msk $0xffff, v2  }
0x67a: {  	v3 =	vor.u32 s0, v31;
	v2 =	vld.idx.msk [tilespmem:v4+s16+$0x0], $0xffff  }
0x67b: {  	v4 =	vor.u32 v39, v1;
	_ =	sdelay $0x3  }
0x67c: {  	[tilespmem:v3+s19+$0x0] =	vst.idx.msk $0xffff, v2  }
0x67d: {  	v3 =	vor.u32 s0, v32;
	v2 =	vld.idx.msk [tilespmem:v4+s16+$0x0], $0xffff  }
0x67e: {  	v4 =	vor.u32 v40, v1;
	_ =	sdelay $0x3  }
0x67f: {  	[tilespmem:v3+s19+$0x0] =	vst.idx.msk $0xffff, v2  }
0x680: {  	v3 =	vor.u32 s0, v37;
	v2 =	vld.idx.msk [tilespmem:v4+s16+$0x0], $0xffff  }
0x681: {  	v4 =	vor.u32 v41, v1;
	_ =	sdelay $0x3  }
0x682: {  	[tilespmem:v3+s19+$0x0] =	vst.idx.msk $0xffff, v2  }
0x683: {  	v3 =	vor.u32 s0, v42;
	v2 =	vld.idx.msk [tilespmem:v4+s16+$0x0], $0xffff  }
0x684: {  	v4 =	vor.u32 v34, v1;
	_ =	sdelay $0x3  }
0x685: {  	[tilespmem:v3+s19+$0x0] =	vst.idx.msk $0xffff, v2  }
0x686: {  	v3 =	vor.u32 s0, v47;
	v2 =	vld.idx.msk [tilespmem:v4+s16+$0x0], $0xffff  }
0x687: {  	v4 =	vor.u32 v35, v1;
	_ =	sdelay $0x3  }
0x688: {  	[tilespmem:v3+s19+$0x0] =	vst.idx.msk $0xffff, v2  }
0x689: {  	v3 =	vor.u32 s0, v52;
	v2 =	vld.idx.msk [tilespmem:v4+s16+$0x0], $0xffff  }
0x68a: {  	v4 =	vor.u32 v36, v1;
	_ =	sdelay $0x3  }
0x68b: {  	[tilespmem:v3+s19+$0x0] =	vst.idx.msk $0xffff, v2  }
0x68c: {  	v3 =	vor.u32 s0, v53;
	v2 =	vld.idx.msk [tilespmem:v4+s16+$0x0], $0xffff  }
0x68d: {  	v4 =	vor.u32 v38, v1;
	_ =	sdelay $0x3  }
0x68e: {  	[tilespmem:v3+s19+$0x0] =	vst.idx.msk $0xffff, v2  }
0x68f: {  	v3 =	vor.u32 s0, v54;
	v2 =	vld.idx.msk [tilespmem:v4+s16+$0x0], $0xffff  }
0x690: {  	v4 =	vor.u32 v43, v1;
	_ =	sdelay $0x3  }
0x691: {  	[tilespmem:v3+s19+$0x0] =	vst.idx.msk $0xffff, v2  }
0x692: {  	v3 =	vor.u32 s0, v55;
	v2 =	vld.idx.msk [tilespmem:v4+s16+$0x0], $0xffff  }
0x693: {  	v4 =	vor.u32 v44, v1;
	_ =	sdelay $0x3  }
0x694: {  	[tilespmem:v3+s19+$0x0] =	vst.idx.msk $0xffff, v2  }
0x695: {  	v3 =	vor.u32 s0, v56;
	v2 =	vld.idx.msk [tilespmem:v4+s16+$0x0], $0xffff  }
0x696: {  	v4 =	vor.u32 v45, v1;
	_ =	sdelay $0x3  }
0x697: {  	[tilespmem:v3+s19+$0x0] =	vst.idx.msk $0xffff, v2  }
0x698: {  	v3 =	vor.u32 s0, v57;
	v2 =	vld.idx.msk [tilespmem:v4+s16+$0x0], $0xffff  }
0x699: {  	v4 =	vor.u32 v46, v1;
	_ =	sdelay $0x3  }
0x69a: {  	[tilespmem:v3+s19+$0x0] =	vst.idx.msk $0xffff, v2  }
0x69b: {  	v3 =	vor.u32 s0, v58;
	v2 =	vld.idx.msk [tilespmem:v4+s16+$0x0], $0xffff  }
0x69c: {  	v4 =	vor.u32 v48, v1;
	_ =	sdelay $0x3  }
0x69d: {  	[tilespmem:v3+s19+$0x0] =	vst.idx.msk $0xffff, v2  }
0x69e: {  	v3 =	vor.u32 s0, v59;
	v2 =	vld.idx.msk [tilespmem:v4+s16+$0x0], $0xffff  }
0x69f: {  	v4 =	vor.u32 v49, v1;
	_ =	sdelay $0x3  }
0x6a0: {  	[tilespmem:v3+s19+$0x0] =	vst.idx.msk $0xffff, v2  }
0x6a1: {  	v3 =	vor.u32 s0, v60;
	v2 =	vld.idx.msk [tilespmem:v4+s16+$0x0], $0xffff  }
0x6a2: {  	v4 =	vor.u32 v50, v1;
	_ =	sdelay $0x3  }
0x6a3: {  	[tilespmem:v3+s19+$0x0] =	vst.idx.msk $0xffff, v2  }
0x6a4: {  	v3 =	vor.u32 s0, v61;
	v2 =	vld.idx.msk [tilespmem:v4+s16+$0x0], $0xffff  }
0x6a5: {  	v4 =	vor.u32 v51, v1;
	_ =	sdelay $0x3  }
0x6a6: {  	[tilespmem:v3+s19+$0x0] =	vst.idx.msk $0xffff, v2  }
0x6a7: {  	p0 =	sne.s32 s6, $0x1F;
	v3 =	vld.idx.msk [tilespmem:v4+s16+$0x0], $0xffff;
	v4 =	vor.u32 s0, v62  }
.Ltmp5:
0x6a8: {  	_ = 	snop;
	(pc) =	sbr.rel @p0 .LBB2_12-.Ltmp5, $3  }
0x6a9: {  	_ =	sdelay $0x1  }
0x6aa: {  	s2 =	sadd.s32 $0x10, s2  }
0x6ab: {  	s14 =	smov.u32 s6;
	s6 =	sadd.s32 $0x1, s6;
	v1 =	vor.u32 v0, v1;
	v2 =	vmov s2;
	[tilespmem:v4+s19+$0x0] =	vst.idx.msk $0xffff, v3  }
0x6ac: {  	_ =	sdelay $0x2  }
0x6ad: {  	v2 =	vshll.u32 v2, $0x5  }
0x6ae: {  	v3 =	vld.idx.msk [tilespmem:v1+s16+$0x0], $0xffff;
	v1 =	vor.u32 v30, v2;
	v2 =	vor.u32 s0, v63;
	_ =	sdelay $0x1  }
0x6af: {  	v4 =	vlaneseq.u32  }
0x6b0: {  	v4 =	vor.u32 v4, v1;
	_ =	sdelay $0x1  }
0x6b1: {  	[tilespmem:v2+s19+$0x0] =	vst.idx.msk $0xffff, v3;
	v3 =	vld [tilespmem:$0x1FE30];
	_ =	sdelay $0x1  }
0x6b2: {  	s22 =	sshll.u32 s14, $0x7  }
0x6b3: {  	s2 =	sand.u32 $0x70, s2;
	s0 =	sand.u32 $0xFFFFFC00, s22;
	v2 =	vld.idx.msk [tilespmem:v4+s16+$0x0], $0xffff  }
0x6b4: {  	s0 =	sor.u32 s2, s0;
	v4 =	vld [tilespmem:$0x1FE40]  }
0x6b5: {  	v3 =	vor.u32 s0, v3;
	_ =	sdelay $0x3  }
0x6b6: {  	v4 =	vor.u32 v4, v1  }
0x6b7: {  	[tilespmem:v3+s19+$0x0] =	vst.idx.msk $0xffff, v2;
	v3 =	vld [tilespmem:$0x1FE50];
	_ =	sdelay $0x3  }
0x6b8: {  	v2 =	vld.idx.msk [tilespmem:v4+s16+$0x0], $0xffff  }
0x6b9: {  	v4 =	vld [tilespmem:$0x1FE60];
	v3 =	vor.u32 s0, v3;
	_ =	sdelay $0x4  }
0x6ba: {  	v4 =	vor.u32 v4, v1;
	[tilespmem:v3+s19+$0x0] =	vst.idx.msk $0xffff, v2;
	v3 =	vld [tilespmem:$0x1FE70];
	_ =	sdelay $0x4  }
0x6bb: {  	v2 =	vld.idx.msk [tilespmem:v4+s16+$0x0], $0xffff;
	v3 =	vor.u32 s0, v3  }
0x6bc: {  	v4 =	vor.u32 v8, v1;
	_ =	sdelay $0x3  }
0x6bd: {  	[tilespmem:v3+s19+$0x0] =	vst.idx.msk $0xffff, v2  }
0x6be: {  	v3 =	vor.u32 s0, v6;
	v2 =	vld.idx.msk [tilespmem:v4+s16+$0x0], $0xffff  }
0x6bf: {  	v4 =	vor.u32 v7, v1;
	_ =	sdelay $0x3  }
0x6c0: {  	[tilespmem:v3+s19+$0x0] =	vst.idx.msk $0xffff, v2  }
0x6c1: {  	v3 =	vor.u32 s0, v9;
	v2 =	vld.idx.msk [tilespmem:v4+s16+$0x0], $0xffff  }
0x6c2: {  	v4 =	vor.u32 v10, v1;
	_ =	sdelay $0x3  }
0x6c3: {  	[tilespmem:v3+s19+$0x0] =	vst.idx.msk $0xffff, v2  }
0x6c4: {  	v3 =	vor.u32 s0, v11;
	v2 =	vld.idx.msk [tilespmem:v4+s16+$0x0], $0xffff  }
0x6c5: {  	v4 =	vor.u32 v12, v1;
	_ =	sdelay $0x3  }
0x6c6: {  	[tilespmem:v3+s19+$0x0] =	vst.idx.msk $0xffff, v2  }
0x6c7: {  	v3 =	vor.u32 s0, v13;
	v2 =	vld.idx.msk [tilespmem:v4+s16+$0x0], $0xffff  }
0x6c8: {  	v4 =	vor.u32 v14, v1;
	_ =	sdelay $0x3  }
0x6c9: {  	[tilespmem:v3+s19+$0x0] =	vst.idx.msk $0xffff, v2  }
0x6ca: {  	v3 =	vor.u32 s0, v15;
	v2 =	vld.idx.msk [tilespmem:v4+s16+$0x0], $0xffff  }
0x6cb: {  	v4 =	vor.u32 v16, v1;
	_ =	sdelay $0x3  }
0x6cc: {  	[tilespmem:v3+s19+$0x0] =	vst.idx.msk $0xffff, v2  }
0x6cd: {  	v3 =	vor.u32 s0, v17;
	v2 =	vld.idx.msk [tilespmem:v4+s16+$0x0], $0xffff  }
0x6ce: {  	v4 =	vor.u32 v18, v1;
	_ =	sdelay $0x3  }
0x6cf: {  	[tilespmem:v3+s19+$0x0] =	vst.idx.msk $0xffff, v2  }
0x6d0: {  	v3 =	vor.u32 s0, v19;
	v2 =	vld.idx.msk [tilespmem:v4+s16+$0x0], $0xffff  }
0x6d1: {  	v4 =	vor.u32 v20, v1;
	_ =	sdelay $0x3  }
0x6d2: {  	[tilespmem:v3+s19+$0x0] =	vst.idx.msk $0xffff, v2  }
0x6d3: {  	v3 =	vor.u32 s0, v21;
	v2 =	vld.idx.msk [tilespmem:v4+s16+$0x0], $0xffff  }
0x6d4: {  	v4 =	vor.u32 v22, v1;
	_ =	sdelay $0x3  }
0x6d5: {  	[tilespmem:v3+s19+$0x0] =	vst.idx.msk $0xffff, v2  }
0x6d6: {  	v3 =	vor.u32 s0, v23;
	v2 =	vld.idx.msk [tilespmem:v4+s16+$0x0], $0xffff  }
0x6d7: {  	v4 =	vor.u32 v24, v1;
	_ =	sdelay $0x3  }
0x6d8: {  	[tilespmem:v3+s19+$0x0] =	vst.idx.msk $0xffff, v2  }
0x6d9: {  	v3 =	vor.u32 s0, v25;
	v2 =	vld.idx.msk [tilespmem:v4+s16+$0x0], $0xffff  }
0x6da: {  	v4 =	vor.u32 v26, v1;
	_ =	sdelay $0x3  }
0x6db: {  	[tilespmem:v3+s19+$0x0] =	vst.idx.msk $0xffff, v2  }
0x6dc: {  	v3 =	vor.u32 s0, v27;
	v2 =	vld.idx.msk [tilespmem:v4+s16+$0x0], $0xffff  }
0x6dd: {  	v4 =	vor.u32 v28, v1;
	_ =	sdelay $0x3  }
0x6de: {  	[tilespmem:v3+s19+$0x0] =	vst.idx.msk $0xffff, v2  }
0x6df: {  	v3 =	vor.u32 s0, v29;
	v2 =	vld.idx.msk [tilespmem:v4+s16+$0x0], $0xffff  }
0x6e0: {  	v4 =	vor.u32 v33, v1;
	_ =	sdelay $0x3  }
0x6e1: {  	[tilespmem:v3+s19+$0x0] =	vst.idx.msk $0xffff, v2  }
0x6e2: {  	v3 =	vor.u32 s0, v31;
	v2 =	vld.idx.msk [tilespmem:v4+s16+$0x0], $0xffff  }
0x6e3: {  	v4 =	vor.u32 v39, v1;
	_ =	sdelay $0x3  }
0x6e4: {  	[tilespmem:v3+s19+$0x0] =	vst.idx.msk $0xffff, v2  }
0x6e5: {  	v3 =	vor.u32 s0, v32;
	v2 =	vld.idx.msk [tilespmem:v4+s16+$0x0], $0xffff  }
0x6e6: {  	v4 =	vor.u32 v40, v1;
	_ =	sdelay $0x3  }
0x6e7: {  	[tilespmem:v3+s19+$0x0] =	vst.idx.msk $0xffff, v2  }
0x6e8: {  	v3 =	vor.u32 s0, v37;
	v2 =	vld.idx.msk [tilespmem:v4+s16+$0x0], $0xffff  }
0x6e9: {  	v4 =	vor.u32 v41, v1;
	_ =	sdelay $0x3  }
0x6ea: {  	[tilespmem:v3+s19+$0x0] =	vst.idx.msk $0xffff, v2  }
0x6eb: {  	v3 =	vor.u32 s0, v42;
	v2 =	vld.idx.msk [tilespmem:v4+s16+$0x0], $0xffff  }
0x6ec: {  	v4 =	vor.u32 v34, v1;
	_ =	sdelay $0x3  }
0x6ed: {  	[tilespmem:v3+s19+$0x0] =	vst.idx.msk $0xffff, v2  }
0x6ee: {  	v3 =	vor.u32 s0, v47;
	v2 =	vld.idx.msk [tilespmem:v4+s16+$0x0], $0xffff  }
0x6ef: {  	v4 =	vor.u32 v35, v1;
	_ =	sdelay $0x3  }
0x6f0: {  	[tilespmem:v3+s19+$0x0] =	vst.idx.msk $0xffff, v2  }
0x6f1: {  	v3 =	vor.u32 s0, v52;
	v2 =	vld.idx.msk [tilespmem:v4+s16+$0x0], $0xffff  }
0x6f2: {  	v4 =	vor.u32 v36, v1;
	_ =	sdelay $0x3  }
0x6f3: {  	[tilespmem:v3+s19+$0x0] =	vst.idx.msk $0xffff, v2  }
0x6f4: {  	v3 =	vor.u32 s0, v53;
	v2 =	vld.idx.msk [tilespmem:v4+s16+$0x0], $0xffff  }
0x6f5: {  	v4 =	vor.u32 v38, v1;
	_ =	sdelay $0x3  }
0x6f6: {  	[tilespmem:v3+s19+$0x0] =	vst.idx.msk $0xffff, v2  }
0x6f7: {  	v3 =	vor.u32 s0, v54;
	v2 =	vld.idx.msk [tilespmem:v4+s16+$0x0], $0xffff  }
0x6f8: {  	v4 =	vor.u32 v43, v1;
	_ =	sdelay $0x3  }
0x6f9: {  	[tilespmem:v3+s19+$0x0] =	vst.idx.msk $0xffff, v2  }
0x6fa: {  	v3 =	vor.u32 s0, v55;
	v2 =	vld.idx.msk [tilespmem:v4+s16+$0x0], $0xffff  }
0x6fb: {  	v4 =	vor.u32 v44, v1;
	_ =	sdelay $0x3  }
0x6fc: {  	[tilespmem:v3+s19+$0x0] =	vst.idx.msk $0xffff, v2  }
0x6fd: {  	v3 =	vor.u32 s0, v56;
	v2 =	vld.idx.msk [tilespmem:v4+s16+$0x0], $0xffff  }
0x6fe: {  	v4 =	vor.u32 v45, v1;
	_ =	sdelay $0x3  }
0x6ff: {  	[tilespmem:v3+s19+$0x0] =	vst.idx.msk $0xffff, v2  }
0x700: {  	v3 =	vor.u32 s0, v57;
	v2 =	vld.idx.msk [tilespmem:v4+s16+$0x0], $0xffff  }
0x701: {  	v4 =	vor.u32 v46, v1;
	_ =	sdelay $0x3  }
0x702: {  	[tilespmem:v3+s19+$0x0] =	vst.idx.msk $0xffff, v2  }
0x703: {  	v3 =	vor.u32 s0, v58;
	v2 =	vld.idx.msk [tilespmem:v4+s16+$0x0], $0xffff  }
0x704: {  	v4 =	vor.u32 v48, v1;
	_ =	sdelay $0x3  }
0x705: {  	[tilespmem:v3+s19+$0x0] =	vst.idx.msk $0xffff, v2  }
0x706: {  	v3 =	vor.u32 s0, v59;
	v2 =	vld.idx.msk [tilespmem:v4+s16+$0x0], $0xffff  }
0x707: {  	v4 =	vor.u32 v49, v1;
	_ =	sdelay $0x3  }
0x708: {  	[tilespmem:v3+s19+$0x0] =	vst.idx.msk $0xffff, v2  }
0x709: {  	v3 =	vor.u32 s0, v60;
	v2 =	vld.idx.msk [tilespmem:v4+s16+$0x0], $0xffff  }
0x70a: {  	v4 =	vor.u32 v50, v1;
	_ =	sdelay $0x3  }
0x70b: {  	[tilespmem:v3+s19+$0x0] =	vst.idx.msk $0xffff, v2  }
0x70c: {  	v3 =	vor.u32 s0, v61;
	v2 =	vld.idx.msk [tilespmem:v4+s16+$0x0], $0xffff  }
0x70d: {  	v4 =	vor.u32 v51, v1;
	_ =	sdelay $0x3  }
0x70e: {  	[tilespmem:v3+s19+$0x0] =	vst.idx.msk $0xffff, v2  }
0x70f: {  	v3 =	vor.u32 s0, v62;
	v2 =	vld.idx.msk [tilespmem:v4+s16+$0x0], $0xffff  }
0x710: {  	v1 =	vor.u32 v0, v1;
	_ =	sdelay $0x3  }
0x711: {  	[tilespmem:v3+s19+$0x0] =	vst.idx.msk $0xffff, v2  }
0x712: {  	v2 =	vor.u32 s0, v63;
	v1 =	vld.idx.msk [tilespmem:v1+s16+$0x0], $0xffff;
	_ =	sdelay $0x4  }
0x713: {  	[tilespmem:v2+s19+$0x0] =	vst.idx.msk $0xffff, v1  }
0x714: {  	[hbm4b:s10+s20] =	stream.strided.scatter [tilespmem:s19], [sflag:$0x3], $0x4000, s21, s20, $0x38;
	[tilespmem:$0x16400] =	vst v63  }
0x715: {  	s25 =	simm.s32 $0x0;
	_ =	swait.ge [sflag:s23], $0x4000  }
0x716: {  	v1 =	vmov s25;
	[sflag:s23] =	ssyncset.done $0x0  }
0x717: {  	v1 =	vshll.u32 v1, $0x5;
	[sflag:s23] =	ssyncadd.s32 $0xFFFFC000  }
0x718: {  	v2 =	vlaneseq.u32;
	v1 =	vor.u32 v30, v1;
	_ =	swait.ge [sflag:s28], $0x4000  }
0x719: {  	v2 =	vor.u32 v2, v1;
	v3 =	vld [tilespmem:$0x1FE30]  }
0x71a: {  	v4 =	vld [tilespmem:$0x1FE40]  }
0x71b: {  	s31 =	simm.s32 $0x0  }
0x71c: {  	s2 =	sand.u32 $0xFFFFFC00, s31;
	s0 =	sand.u32 $0x70, s25;
	[sflag:s28] =	ssyncset.done $0x0  }
0x71d: {  	s0 =	sor.u32 s0, s2;
	[sflag:s28] =	ssyncadd.s32 $0xFFFFC000  }
0x71e: {  	v2 =	vld.idx.msk [tilespmem:v2+s17+$0x0], $0xffff;
	v3 =	vor.u32 s0, v3  }
0x71f: {  	v4 =	vor.u32 v4, v1;
	_ =	sdelay $0x3  }
0x720: {  	[tilespmem:v3+s24+$0x0] =	vst.idx.msk $0xffff, v2;
	v3 =	vld [tilespmem:$0x1FE50]  }
0x721: {  	v2 =	vld.idx.msk [tilespmem:v4+s17+$0x0], $0xffff  }
0x722: {  	v4 =	vld [tilespmem:$0x1FE60];
	_ =	sdelay $0x3  }
0x723: {  	v3 =	vor.u32 s0, v3  }
0x724: {  	v4 =	vor.u32 v4, v1;
	_ =	sdelay $0x3  }
0x725: {  	[tilespmem:v3+s24+$0x0] =	vst.idx.msk $0xffff, v2;
	v3 =	vld [tilespmem:$0x1FE70]  }
0x726: {  	v2 =	vld.idx.msk [tilespmem:v4+s17+$0x0], $0xffff  }
0x727: {  	v4 =	vld [tilespmem:$0x1FFE0];
	_ =	sdelay $0x3  }
0x728: {  	v3 =	vor.u32 s0, v3  }
0x729: {  	v4 =	vor.u32 v4, v1;
	_ =	sdelay $0x3  }
0x72a: {  	[tilespmem:v3+s24+$0x0] =	vst.idx.msk $0xffff, v2;
	v3 =	vld [tilespmem:$0x1FFD0]  }
0x72b: {  	v2 =	vld.idx.msk [tilespmem:v4+s17+$0x0], $0xffff  }
0x72c: {  	v4 =	vld [tilespmem:$0x1FFF0];
	_ =	sdelay $0x3  }
0x72d: {  	v3 =	vor.u32 s0, v3  }
0x72e: {  	v4 =	vor.u32 v4, v1;
	_ =	sdelay $0x3  }
0x72f: {  	[tilespmem:v3+s24+$0x0] =	vst.idx.msk $0xffff, v2  }
0x730: {  	v3 =	vor.u32 s0, v9;
	v2 =	vld.idx.msk [tilespmem:v4+s17+$0x0], $0xffff  }
0x731: {  	v4 =	vor.u32 v10, v1;
	_ =	sdelay $0x3  }
0x732: {  	[tilespmem:v3+s24+$0x0] =	vst.idx.msk $0xffff, v2  }
0x733: {  	v3 =	vor.u32 s0, v11;
	v2 =	vld.idx.msk [tilespmem:v4+s17+$0x0], $0xffff  }
0x734: {  	v4 =	vor.u32 v12, v1;
	_ =	sdelay $0x3  }
0x735: {  	[tilespmem:v3+s24+$0x0] =	vst.idx.msk $0xffff, v2  }
0x736: {  	v3 =	vor.u32 s0, v13;
	v2 =	vld.idx.msk [tilespmem:v4+s17+$0x0], $0xffff  }
0x737: {  	v4 =	vor.u32 v14, v1;
	_ =	sdelay $0x3  }
0x738: {  	[tilespmem:v3+s24+$0x0] =	vst.idx.msk $0xffff, v2  }
0x739: {  	v3 =	vor.u32 s0, v15;
	v2 =	vld.idx.msk [tilespmem:v4+s17+$0x0], $0xffff  }
0x73a: {  	v4 =	vor.u32 v16, v1;
	_ =	sdelay $0x3  }
0x73b: {  	[tilespmem:v3+s24+$0x0] =	vst.idx.msk $0xffff, v2  }
0x73c: {  	v3 =	vor.u32 s0, v17;
	v2 =	vld.idx.msk [tilespmem:v4+s17+$0x0], $0xffff  }
0x73d: {  	v4 =	vor.u32 v18, v1;
	_ =	sdelay $0x3  }
0x73e: {  	[tilespmem:v3+s24+$0x0] =	vst.idx.msk $0xffff, v2  }
0x73f: {  	v3 =	vor.u32 s0, v19;
	v2 =	vld.idx.msk [tilespmem:v4+s17+$0x0], $0xffff  }
0x740: {  	v4 =	vor.u32 v20, v1;
	_ =	sdelay $0x3  }
0x741: {  	[tilespmem:v3+s24+$0x0] =	vst.idx.msk $0xffff, v2  }
0x742: {  	v3 =	vor.u32 s0, v21;
	v2 =	vld.idx.msk [tilespmem:v4+s17+$0x0], $0xffff  }
0x743: {  	v4 =	vor.u32 v22, v1;
	_ =	sdelay $0x3  }
0x744: {  	[tilespmem:v3+s24+$0x0] =	vst.idx.msk $0xffff, v2  }
0x745: {  	v3 =	vor.u32 s0, v23;
	v2 =	vld.idx.msk [tilespmem:v4+s17+$0x0], $0xffff  }
0x746: {  	v4 =	vor.u32 v24, v1;
	_ =	sdelay $0x3  }
0x747: {  	[tilespmem:v3+s24+$0x0] =	vst.idx.msk $0xffff, v2  }
0x748: {  	v3 =	vor.u32 s0, v25;
	v2 =	vld.idx.msk [tilespmem:v4+s17+$0x0], $0xffff  }
0x749: {  	v4 =	vor.u32 v26, v1;
	_ =	sdelay $0x3  }
0x74a: {  	[tilespmem:v3+s24+$0x0] =	vst.idx.msk $0xffff, v2  }
0x74b: {  	v3 =	vor.u32 s0, v27;
	v2 =	vld.idx.msk [tilespmem:v4+s17+$0x0], $0xffff  }
0x74c: {  	v4 =	vor.u32 v28, v1;
	_ =	sdelay $0x3  }
0x74d: {  	[tilespmem:v3+s24+$0x0] =	vst.idx.msk $0xffff, v2  }
0x74e: {  	v3 =	vor.u32 s0, v29;
	v2 =	vld.idx.msk [tilespmem:v4+s17+$0x0], $0xffff  }
0x74f: {  	v4 =	vor.u32 v33, v1;
	_ =	sdelay $0x3  }
0x750: {  	[tilespmem:v3+s24+$0x0] =	vst.idx.msk $0xffff, v2  }
0x751: {  	v3 =	vor.u32 s0, v31;
	v2 =	vld.idx.msk [tilespmem:v4+s17+$0x0], $0xffff  }
0x752: {  	v4 =	vor.u32 v39, v1;
	_ =	sdelay $0x3  }
0x753: {  	[tilespmem:v3+s24+$0x0] =	vst.idx.msk $0xffff, v2  }
0x754: {  	v3 =	vor.u32 s0, v32;
	v2 =	vld.idx.msk [tilespmem:v4+s17+$0x0], $0xffff  }
0x755: {  	v4 =	vor.u32 v40, v1;
	_ =	sdelay $0x3  }
0x756: {  	[tilespmem:v3+s24+$0x0] =	vst.idx.msk $0xffff, v2  }
0x757: {  	v3 =	vor.u32 s0, v37;
	v2 =	vld.idx.msk [tilespmem:v4+s17+$0x0], $0xffff  }
0x758: {  	v4 =	vor.u32 v41, v1;
	_ =	sdelay $0x3  }
0x759: {  	[tilespmem:v3+s24+$0x0] =	vst.idx.msk $0xffff, v2  }
0x75a: {  	v3 =	vor.u32 s0, v42;
	v2 =	vld.idx.msk [tilespmem:v4+s17+$0x0], $0xffff  }
0x75b: {  	v4 =	vor.u32 v34, v1;
	_ =	sdelay $0x3  }
0x75c: {  	[tilespmem:v3+s24+$0x0] =	vst.idx.msk $0xffff, v2  }
0x75d: {  	v3 =	vor.u32 s0, v47;
	v2 =	vld.idx.msk [tilespmem:v4+s17+$0x0], $0xffff  }
0x75e: {  	v4 =	vor.u32 v35, v1;
	_ =	sdelay $0x3  }
0x75f: {  	[tilespmem:v3+s24+$0x0] =	vst.idx.msk $0xffff, v2  }
0x760: {  	v3 =	vor.u32 s0, v52;
	v2 =	vld.idx.msk [tilespmem:v4+s17+$0x0], $0xffff  }
0x761: {  	v4 =	vor.u32 v36, v1;
	_ =	sdelay $0x3  }
0x762: {  	[tilespmem:v3+s24+$0x0] =	vst.idx.msk $0xffff, v2  }
0x763: {  	v3 =	vor.u32 s0, v53;
	v2 =	vld.idx.msk [tilespmem:v4+s17+$0x0], $0xffff  }
0x764: {  	v4 =	vor.u32 v38, v1;
	_ =	sdelay $0x3  }
0x765: {  	[tilespmem:v3+s24+$0x0] =	vst.idx.msk $0xffff, v2  }
0x766: {  	v3 =	vor.u32 s0, v54;
	v2 =	vld.idx.msk [tilespmem:v4+s17+$0x0], $0xffff  }
0x767: {  	v4 =	vor.u32 v43, v1;
	_ =	sdelay $0x3  }
0x768: {  	[tilespmem:v3+s24+$0x0] =	vst.idx.msk $0xffff, v2  }
0x769: {  	v3 =	vor.u32 s0, v55;
	v2 =	vld.idx.msk [tilespmem:v4+s17+$0x0], $0xffff  }
0x76a: {  	v4 =	vor.u32 v44, v1;
	_ =	sdelay $0x3  }
0x76b: {  	[tilespmem:v3+s24+$0x0] =	vst.idx.msk $0xffff, v2  }
0x76c: {  	v3 =	vor.u32 s0, v56;
	v2 =	vld.idx.msk [tilespmem:v4+s17+$0x0], $0xffff  }
0x76d: {  	v4 =	vor.u32 v45, v1;
	_ =	sdelay $0x3  }
0x76e: {  	[tilespmem:v3+s24+$0x0] =	vst.idx.msk $0xffff, v2  }
0x76f: {  	v3 =	vor.u32 s0, v57;
	v2 =	vld.idx.msk [tilespmem:v4+s17+$0x0], $0xffff  }
0x770: {  	v4 =	vor.u32 v46, v1;
	_ =	sdelay $0x3  }
0x771: {  	[tilespmem:v3+s24+$0x0] =	vst.idx.msk $0xffff, v2  }
0x772: {  	v3 =	vor.u32 s0, v58;
	v2 =	vld.idx.msk [tilespmem:v4+s17+$0x0], $0xffff  }
0x773: {  	v4 =	vor.u32 v48, v1;
	_ =	sdelay $0x3  }
0x774: {  	[tilespmem:v3+s24+$0x0] =	vst.idx.msk $0xffff, v2  }
0x775: {  	v3 =	vor.u32 s0, v59;
	v2 =	vld.idx.msk [tilespmem:v4+s17+$0x0], $0xffff  }
0x776: {  	v4 =	vor.u32 v49, v1;
	_ =	sdelay $0x3  }
0x777: {  	[tilespmem:v3+s24+$0x0] =	vst.idx.msk $0xffff, v2  }
0x778: {  	v3 =	vor.u32 s0, v60;
	v2 =	vld.idx.msk [tilespmem:v4+s17+$0x0], $0xffff  }
0x779: {  	v4 =	vor.u32 v50, v1;
	_ =	sdelay $0x3  }
0x77a: {  	[tilespmem:v3+s24+$0x0] =	vst.idx.msk $0xffff, v2  }
0x77b: {  	v3 =	vor.u32 s0, v61;
	v2 =	vld.idx.msk [tilespmem:v4+s17+$0x0], $0xffff  }
0x77c: {  	v4 =	vor.u32 v51, v1;
	_ =	sdelay $0x3  }
0x77d: {  	[tilespmem:v3+s24+$0x0] =	vst.idx.msk $0xffff, v2  }
0x77e: {  	v3 =	vor.u32 s0, v62;
	v2 =	vld.idx.msk [tilespmem:v4+s17+$0x0], $0xffff;
	_ =	sdelay $0x3  }
0x77f: {  	s2 =	simm.s32 $0x10  }
0x780: {  	v5 =	vlaneseq.u32;
	s14 =	simm.s32 $0x1;
	s6 =	simm.s32 $0x2;
	v1 =	vor.u32 v0, v1;
	[tilespmem:v3+s24+$0x0] =	vst.idx.msk $0xffff, v2;
	v2 =	vmov s2  }
.LBB2_14:
0x781: {  	_ =	sdelay $0x2  }
0x782: {  	v2 =	vshll.u32 v2, $0x5  }
0x783: {  	v3 =	vld.idx.msk [tilespmem:v1+s17+$0x0], $0xffff;
	v1 =	vor.u32 v30, v2;
	v2 =	vor.u32 s0, v63;
	_ =	sdelay $0x2  }
0x784: {  	v4 =	vor.u32 v5, v1;
	_ =	sdelay $0x1  }
0x785: {  	[tilespmem:v2+s24+$0x0] =	vst.idx.msk $0xffff, v3;
	v3 =	vld [tilespmem:$0x1FE30];
	_ =	sdelay $0x1  }
0x786: {  	s31 =	sshll.u32 s14, $0x7  }
0x787: {  	s7 =	sand.u32 $0x70, s2;
	s0 =	sand.u32 $0xFFFFFC00, s31;
	v2 =	vld.idx.msk [tilespmem:v4+s17+$0x0], $0xffff  }
0x788: {  	s0 =	sor.u32 s7, s0;
	v4 =	vld [tilespmem:$0x1FE40]  }
0x789: {  	v3 =	vor.u32 s0, v3;
	_ =	sdelay $0x3  }
0x78a: {  	v4 =	vor.u32 v4, v1  }
0x78b: {  	[tilespmem:v3+s24+$0x0] =	vst.idx.msk $0xffff, v2;
	v3 =	vld [tilespmem:$0x1FE50];
	_ =	sdelay $0x3  }
0x78c: {  	v2 =	vld.idx.msk [tilespmem:v4+s17+$0x0], $0xffff  }
0x78d: {  	v4 =	vld [tilespmem:$0x1FE60];
	v3 =	vor.u32 s0, v3;
	_ =	sdelay $0x4  }
0x78e: {  	v4 =	vor.u32 v4, v1;
	[tilespmem:v3+s24+$0x0] =	vst.idx.msk $0xffff, v2;
	v3 =	vld [tilespmem:$0x1FE70];
	_ =	sdelay $0x4  }
0x78f: {  	v2 =	vld.idx.msk [tilespmem:v4+s17+$0x0], $0xffff;
	v3 =	vor.u32 s0, v3  }
0x790: {  	v4 =	vor.u32 v8, v1;
	_ =	sdelay $0x3  }
0x791: {  	[tilespmem:v3+s24+$0x0] =	vst.idx.msk $0xffff, v2  }
0x792: {  	v3 =	vor.u32 s0, v6;
	v2 =	vld.idx.msk [tilespmem:v4+s17+$0x0], $0xffff  }
0x793: {  	v4 =	vor.u32 v7, v1;
	_ =	sdelay $0x3  }
0x794: {  	[tilespmem:v3+s24+$0x0] =	vst.idx.msk $0xffff, v2  }
0x795: {  	v3 =	vor.u32 s0, v9;
	v2 =	vld.idx.msk [tilespmem:v4+s17+$0x0], $0xffff  }
0x796: {  	v4 =	vor.u32 v10, v1;
	_ =	sdelay $0x3  }
0x797: {  	[tilespmem:v3+s24+$0x0] =	vst.idx.msk $0xffff, v2  }
0x798: {  	v3 =	vor.u32 s0, v11;
	v2 =	vld.idx.msk [tilespmem:v4+s17+$0x0], $0xffff  }
0x799: {  	v4 =	vor.u32 v12, v1;
	_ =	sdelay $0x3  }
0x79a: {  	[tilespmem:v3+s24+$0x0] =	vst.idx.msk $0xffff, v2  }
0x79b: {  	v3 =	vor.u32 s0, v13;
	v2 =	vld.idx.msk [tilespmem:v4+s17+$0x0], $0xffff  }
0x79c: {  	v4 =	vor.u32 v14, v1;
	_ =	sdelay $0x3  }
0x79d: {  	[tilespmem:v3+s24+$0x0] =	vst.idx.msk $0xffff, v2  }
0x79e: {  	v3 =	vor.u32 s0, v15;
	v2 =	vld.idx.msk [tilespmem:v4+s17+$0x0], $0xffff  }
0x79f: {  	v4 =	vor.u32 v16, v1;
	_ =	sdelay $0x3  }
0x7a0: {  	[tilespmem:v3+s24+$0x0] =	vst.idx.msk $0xffff, v2  }
0x7a1: {  	v3 =	vor.u32 s0, v17;
	v2 =	vld.idx.msk [tilespmem:v4+s17+$0x0], $0xffff  }
0x7a2: {  	v4 =	vor.u32 v18, v1;
	_ =	sdelay $0x3  }
0x7a3: {  	[tilespmem:v3+s24+$0x0] =	vst.idx.msk $0xffff, v2  }
0x7a4: {  	v3 =	vor.u32 s0, v19;
	v2 =	vld.idx.msk [tilespmem:v4+s17+$0x0], $0xffff  }
0x7a5: {  	v4 =	vor.u32 v20, v1;
	_ =	sdelay $0x3  }
0x7a6: {  	[tilespmem:v3+s24+$0x0] =	vst.idx.msk $0xffff, v2  }
0x7a7: {  	v3 =	vor.u32 s0, v21;
	v2 =	vld.idx.msk [tilespmem:v4+s17+$0x0], $0xffff  }
0x7a8: {  	v4 =	vor.u32 v22, v1;
	_ =	sdelay $0x3  }
0x7a9: {  	[tilespmem:v3+s24+$0x0] =	vst.idx.msk $0xffff, v2  }
0x7aa: {  	v3 =	vor.u32 s0, v23;
	v2 =	vld.idx.msk [tilespmem:v4+s17+$0x0], $0xffff  }
0x7ab: {  	v4 =	vor.u32 v24, v1;
	_ =	sdelay $0x3  }
0x7ac: {  	[tilespmem:v3+s24+$0x0] =	vst.idx.msk $0xffff, v2  }
0x7ad: {  	v3 =	vor.u32 s0, v25;
	v2 =	vld.idx.msk [tilespmem:v4+s17+$0x0], $0xffff  }
0x7ae: {  	v4 =	vor.u32 v26, v1;
	_ =	sdelay $0x3  }
0x7af: {  	[tilespmem:v3+s24+$0x0] =	vst.idx.msk $0xffff, v2  }
0x7b0: {  	v3 =	vor.u32 s0, v27;
	v2 =	vld.idx.msk [tilespmem:v4+s17+$0x0], $0xffff  }
0x7b1: {  	v4 =	vor.u32 v28, v1;
	_ =	sdelay $0x3  }
0x7b2: {  	[tilespmem:v3+s24+$0x0] =	vst.idx.msk $0xffff, v2  }
0x7b3: {  	v3 =	vor.u32 s0, v29;
	v2 =	vld.idx.msk [tilespmem:v4+s17+$0x0], $0xffff  }
0x7b4: {  	v4 =	vor.u32 v33, v1;
	_ =	sdelay $0x3  }
0x7b5: {  	[tilespmem:v3+s24+$0x0] =	vst.idx.msk $0xffff, v2  }
0x7b6: {  	v3 =	vor.u32 s0, v31;
	v2 =	vld.idx.msk [tilespmem:v4+s17+$0x0], $0xffff  }
0x7b7: {  	v4 =	vor.u32 v39, v1;
	_ =	sdelay $0x3  }
0x7b8: {  	[tilespmem:v3+s24+$0x0] =	vst.idx.msk $0xffff, v2  }
0x7b9: {  	v3 =	vor.u32 s0, v32;
	v2 =	vld.idx.msk [tilespmem:v4+s17+$0x0], $0xffff  }
0x7ba: {  	v4 =	vor.u32 v40, v1;
	_ =	sdelay $0x3  }
0x7bb: {  	[tilespmem:v3+s24+$0x0] =	vst.idx.msk $0xffff, v2  }
0x7bc: {  	v3 =	vor.u32 s0, v37;
	v2 =	vld.idx.msk [tilespmem:v4+s17+$0x0], $0xffff  }
0x7bd: {  	v4 =	vor.u32 v41, v1;
	_ =	sdelay $0x3  }
0x7be: {  	[tilespmem:v3+s24+$0x0] =	vst.idx.msk $0xffff, v2  }
0x7bf: {  	v3 =	vor.u32 s0, v42;
	v2 =	vld.idx.msk [tilespmem:v4+s17+$0x0], $0xffff  }
0x7c0: {  	v4 =	vor.u32 v34, v1;
	_ =	sdelay $0x3  }
0x7c1: {  	[tilespmem:v3+s24+$0x0] =	vst.idx.msk $0xffff, v2  }
0x7c2: {  	v3 =	vor.u32 s0, v47;
	v2 =	vld.idx.msk [tilespmem:v4+s17+$0x0], $0xffff  }
0x7c3: {  	v4 =	vor.u32 v35, v1;
	_ =	sdelay $0x3  }
0x7c4: {  	[tilespmem:v3+s24+$0x0] =	vst.idx.msk $0xffff, v2  }
0x7c5: {  	v3 =	vor.u32 s0, v52;
	v2 =	vld.idx.msk [tilespmem:v4+s17+$0x0], $0xffff  }
0x7c6: {  	v4 =	vor.u32 v36, v1;
	_ =	sdelay $0x3  }
0x7c7: {  	[tilespmem:v3+s24+$0x0] =	vst.idx.msk $0xffff, v2  }
0x7c8: {  	v3 =	vor.u32 s0, v53;
	v2 =	vld.idx.msk [tilespmem:v4+s17+$0x0], $0xffff  }
0x7c9: {  	v4 =	vor.u32 v38, v1;
	_ =	sdelay $0x3  }
0x7ca: {  	[tilespmem:v3+s24+$0x0] =	vst.idx.msk $0xffff, v2  }
0x7cb: {  	v3 =	vor.u32 s0, v54;
	v2 =	vld.idx.msk [tilespmem:v4+s17+$0x0], $0xffff  }
0x7cc: {  	v4 =	vor.u32 v43, v1;
	_ =	sdelay $0x3  }
0x7cd: {  	[tilespmem:v3+s24+$0x0] =	vst.idx.msk $0xffff, v2  }
0x7ce: {  	v3 =	vor.u32 s0, v55;
	v2 =	vld.idx.msk [tilespmem:v4+s17+$0x0], $0xffff  }
0x7cf: {  	v4 =	vor.u32 v44, v1;
	_ =	sdelay $0x3  }
0x7d0: {  	[tilespmem:v3+s24+$0x0] =	vst.idx.msk $0xffff, v2  }
0x7d1: {  	v3 =	vor.u32 s0, v56;
	v2 =	vld.idx.msk [tilespmem:v4+s17+$0x0], $0xffff  }
0x7d2: {  	v4 =	vor.u32 v45, v1;
	_ =	sdelay $0x3  }
0x7d3: {  	[tilespmem:v3+s24+$0x0] =	vst.idx.msk $0xffff, v2  }
0x7d4: {  	v3 =	vor.u32 s0, v57;
	v2 =	vld.idx.msk [tilespmem:v4+s17+$0x0], $0xffff  }
0x7d5: {  	v4 =	vor.u32 v46, v1;
	_ =	sdelay $0x3  }
0x7d6: {  	[tilespmem:v3+s24+$0x0] =	vst.idx.msk $0xffff, v2  }
0x7d7: {  	v3 =	vor.u32 s0, v58;
	v2 =	vld.idx.msk [tilespmem:v4+s17+$0x0], $0xffff  }
0x7d8: {  	v4 =	vor.u32 v48, v1;
	_ =	sdelay $0x3  }
0x7d9: {  	[tilespmem:v3+s24+$0x0] =	vst.idx.msk $0xffff, v2  }
0x7da: {  	v3 =	vor.u32 s0, v59;
	v2 =	vld.idx.msk [tilespmem:v4+s17+$0x0], $0xffff  }
0x7db: {  	v4 =	vor.u32 v49, v1;
	_ =	sdelay $0x3  }
0x7dc: {  	[tilespmem:v3+s24+$0x0] =	vst.idx.msk $0xffff, v2  }
0x7dd: {  	v3 =	vor.u32 s0, v60;
	v2 =	vld.idx.msk [tilespmem:v4+s17+$0x0], $0xffff  }
0x7de: {  	v4 =	vor.u32 v50, v1;
	_ =	sdelay $0x3  }
0x7df: {  	[tilespmem:v3+s24+$0x0] =	vst.idx.msk $0xffff, v2  }
0x7e0: {  	v3 =	vor.u32 s0, v61;
	v2 =	vld.idx.msk [tilespmem:v4+s17+$0x0], $0xffff  }
0x7e1: {  	v4 =	vor.u32 v51, v1;
	_ =	sdelay $0x3  }
0x7e2: {  	[tilespmem:v3+s24+$0x0] =	vst.idx.msk $0xffff, v2  }
0x7e3: {  	p0 =	sne.s32 s6, $0x1F;
	v3 =	vld.idx.msk [tilespmem:v4+s17+$0x0], $0xffff;
	v4 =	vor.u32 s0, v62  }
.Ltmp6:
0x7e4: {  	_ = 	snop;
	(pc) =	sbr.rel @p0 .LBB2_14-.Ltmp6, $3  }
0x7e5: {  	_ =	sdelay $0x1  }
0x7e6: {  	s2 =	sadd.s32 $0x10, s2  }
0x7e7: {  	s14 =	smov.u32 s6;
	s6 =	sadd.s32 $0x1, s6;
	v1 =	vor.u32 v0, v1;
	v2 =	vmov s2;
	[tilespmem:v4+s24+$0x0] =	vst.idx.msk $0xffff, v3  }
0x7e8: {  	_ =	sdelay $0x2  }
0x7e9: {  	v2 =	vshll.u32 v2, $0x5  }
0x7ea: {  	v3 =	vld.idx.msk [tilespmem:v1+s17+$0x0], $0xffff;
	v1 =	vor.u32 v30, v2;
	v2 =	vor.u32 s0, v63;
	_ =	sdelay $0x2  }
0x7eb: {  	v4 =	vor.u32 v5, v1;
	_ =	sdelay $0x1  }
0x7ec: {  	[tilespmem:v2+s24+$0x0] =	vst.idx.msk $0xffff, v3;
	v3 =	vld [tilespmem:$0x1FE30];
	_ =	sdelay $0x1  }
0x7ed: {  	s31 =	sshll.u32 s14, $0x7  }
0x7ee: {  	s2 =	sand.u32 $0x70, s2;
	s0 =	sand.u32 $0xFFFFFC00, s31;
	v2 =	vld.idx.msk [tilespmem:v4+s17+$0x0], $0xffff  }
0x7ef: {  	s0 =	sor.u32 s2, s0;
	v4 =	vld [tilespmem:$0x1FE40]  }
0x7f0: {  	v3 =	vor.u32 s0, v3;
	_ =	sdelay $0x3  }
0x7f1: {  	v4 =	vor.u32 v4, v1  }
0x7f2: {  	[tilespmem:v3+s24+$0x0] =	vst.idx.msk $0xffff, v2;
	v3 =	vld [tilespmem:$0x1FE50];
	_ =	sdelay $0x3  }
0x7f3: {  	v2 =	vld.idx.msk [tilespmem:v4+s17+$0x0], $0xffff  }
0x7f4: {  	v4 =	vld [tilespmem:$0x1FE60];
	v3 =	vor.u32 s0, v3;
	_ =	sdelay $0x4  }
0x7f5: {  	v4 =	vor.u32 v4, v1;
	[tilespmem:v3+s24+$0x0] =	vst.idx.msk $0xffff, v2;
	v3 =	vld [tilespmem:$0x1FE70];
	_ =	sdelay $0x4  }
0x7f6: {  	v2 =	vld.idx.msk [tilespmem:v4+s17+$0x0], $0xffff;
	v3 =	vor.u32 s0, v3  }
0x7f7: {  	v4 =	vor.u32 v8, v1;
	_ =	sdelay $0x3  }
0x7f8: {  	[tilespmem:v3+s24+$0x0] =	vst.idx.msk $0xffff, v2  }
0x7f9: {  	v3 =	vor.u32 s0, v6;
	v2 =	vld.idx.msk [tilespmem:v4+s17+$0x0], $0xffff  }
0x7fa: {  	v4 =	vor.u32 v7, v1;
	_ =	sdelay $0x3  }
0x7fb: {  	[tilespmem:v3+s24+$0x0] =	vst.idx.msk $0xffff, v2  }
0x7fc: {  	v3 =	vor.u32 s0, v9;
	v2 =	vld.idx.msk [tilespmem:v4+s17+$0x0], $0xffff  }
0x7fd: {  	v4 =	vor.u32 v10, v1;
	_ =	sdelay $0x3  }
0x7fe: {  	[tilespmem:v3+s24+$0x0] =	vst.idx.msk $0xffff, v2  }
0x7ff: {  	v3 =	vor.u32 s0, v11;
	v2 =	vld.idx.msk [tilespmem:v4+s17+$0x0], $0xffff  }
0x800: {  	v4 =	vor.u32 v12, v1;
	_ =	sdelay $0x3  }
0x801: {  	[tilespmem:v3+s24+$0x0] =	vst.idx.msk $0xffff, v2  }
0x802: {  	v3 =	vor.u32 s0, v13;
	v2 =	vld.idx.msk [tilespmem:v4+s17+$0x0], $0xffff  }
0x803: {  	v4 =	vor.u32 v14, v1;
	_ =	sdelay $0x3  }
0x804: {  	[tilespmem:v3+s24+$0x0] =	vst.idx.msk $0xffff, v2  }
0x805: {  	v3 =	vor.u32 s0, v15;
	v2 =	vld.idx.msk [tilespmem:v4+s17+$0x0], $0xffff  }
0x806: {  	v4 =	vor.u32 v16, v1;
	_ =	sdelay $0x3  }
0x807: {  	[tilespmem:v3+s24+$0x0] =	vst.idx.msk $0xffff, v2  }
0x808: {  	v3 =	vor.u32 s0, v17;
	v2 =	vld.idx.msk [tilespmem:v4+s17+$0x0], $0xffff  }
0x809: {  	v4 =	vor.u32 v18, v1;
	_ =	sdelay $0x3  }
0x80a: {  	[tilespmem:v3+s24+$0x0] =	vst.idx.msk $0xffff, v2  }
0x80b: {  	v3 =	vor.u32 s0, v19;
	v2 =	vld.idx.msk [tilespmem:v4+s17+$0x0], $0xffff  }
0x80c: {  	v4 =	vor.u32 v20, v1;
	_ =	sdelay $0x3  }
0x80d: {  	[tilespmem:v3+s24+$0x0] =	vst.idx.msk $0xffff, v2  }
0x80e: {  	v3 =	vor.u32 s0, v21;
	v2 =	vld.idx.msk [tilespmem:v4+s17+$0x0], $0xffff  }
0x80f: {  	v4 =	vor.u32 v22, v1;
	_ =	sdelay $0x3  }
0x810: {  	[tilespmem:v3+s24+$0x0] =	vst.idx.msk $0xffff, v2  }
0x811: {  	v3 =	vor.u32 s0, v23;
	v2 =	vld.idx.msk [tilespmem:v4+s17+$0x0], $0xffff  }
0x812: {  	v4 =	vor.u32 v24, v1;
	_ =	sdelay $0x3  }
0x813: {  	[tilespmem:v3+s24+$0x0] =	vst.idx.msk $0xffff, v2  }
0x814: {  	v3 =	vor.u32 s0, v25;
	v2 =	vld.idx.msk [tilespmem:v4+s17+$0x0], $0xffff  }
0x815: {  	v4 =	vor.u32 v26, v1;
	_ =	sdelay $0x3  }
0x816: {  	[tilespmem:v3+s24+$0x0] =	vst.idx.msk $0xffff, v2  }
0x817: {  	v3 =	vor.u32 s0, v27;
	v2 =	vld.idx.msk [tilespmem:v4+s17+$0x0], $0xffff  }
0x818: {  	v4 =	vor.u32 v28, v1;
	_ =	sdelay $0x3  }
0x819: {  	[tilespmem:v3+s24+$0x0] =	vst.idx.msk $0xffff, v2  }
0x81a: {  	v3 =	vor.u32 s0, v29;
	v2 =	vld.idx.msk [tilespmem:v4+s17+$0x0], $0xffff  }
0x81b: {  	v4 =	vor.u32 v33, v1;
	_ =	sdelay $0x3  }
0x81c: {  	[tilespmem:v3+s24+$0x0] =	vst.idx.msk $0xffff, v2  }
0x81d: {  	v3 =	vor.u32 s0, v31;
	v2 =	vld.idx.msk [tilespmem:v4+s17+$0x0], $0xffff  }
0x81e: {  	v4 =	vor.u32 v39, v1;
	_ =	sdelay $0x3  }
0x81f: {  	[tilespmem:v3+s24+$0x0] =	vst.idx.msk $0xffff, v2  }
0x820: {  	v3 =	vor.u32 s0, v32;
	v2 =	vld.idx.msk [tilespmem:v4+s17+$0x0], $0xffff  }
0x821: {  	v4 =	vor.u32 v40, v1;
	_ =	sdelay $0x3  }
0x822: {  	[tilespmem:v3+s24+$0x0] =	vst.idx.msk $0xffff, v2  }
0x823: {  	v3 =	vor.u32 s0, v37;
	v2 =	vld.idx.msk [tilespmem:v4+s17+$0x0], $0xffff  }
0x824: {  	v4 =	vor.u32 v41, v1;
	_ =	sdelay $0x3  }
0x825: {  	[tilespmem:v3+s24+$0x0] =	vst.idx.msk $0xffff, v2  }
0x826: {  	v3 =	vor.u32 s0, v42;
	v2 =	vld.idx.msk [tilespmem:v4+s17+$0x0], $0xffff  }
0x827: {  	v4 =	vor.u32 v34, v1;
	_ =	sdelay $0x3  }
0x828: {  	[tilespmem:v3+s24+$0x0] =	vst.idx.msk $0xffff, v2  }
0x829: {  	v3 =	vor.u32 s0, v47;
	v2 =	vld.idx.msk [tilespmem:v4+s17+$0x0], $0xffff  }
0x82a: {  	v4 =	vor.u32 v35, v1;
	_ =	sdelay $0x3  }
0x82b: {  	[tilespmem:v3+s24+$0x0] =	vst.idx.msk $0xffff, v2  }
0x82c: {  	v3 =	vor.u32 s0, v52;
	v2 =	vld.idx.msk [tilespmem:v4+s17+$0x0], $0xffff  }
0x82d: {  	v4 =	vor.u32 v36, v1;
	_ =	sdelay $0x3  }
0x82e: {  	[tilespmem:v3+s24+$0x0] =	vst.idx.msk $0xffff, v2  }
0x82f: {  	v3 =	vor.u32 s0, v53;
	v2 =	vld.idx.msk [tilespmem:v4+s17+$0x0], $0xffff  }
0x830: {  	v4 =	vor.u32 v38, v1;
	_ =	sdelay $0x3  }
0x831: {  	[tilespmem:v3+s24+$0x0] =	vst.idx.msk $0xffff, v2  }
0x832: {  	v3 =	vor.u32 s0, v54;
	v2 =	vld.idx.msk [tilespmem:v4+s17+$0x0], $0xffff  }
0x833: {  	v4 =	vor.u32 v43, v1;
	_ =	sdelay $0x3  }
0x834: {  	[tilespmem:v3+s24+$0x0] =	vst.idx.msk $0xffff, v2  }
0x835: {  	v3 =	vor.u32 s0, v55;
	v2 =	vld.idx.msk [tilespmem:v4+s17+$0x0], $0xffff  }
0x836: {  	v4 =	vor.u32 v44, v1;
	_ =	sdelay $0x3  }
0x837: {  	[tilespmem:v3+s24+$0x0] =	vst.idx.msk $0xffff, v2  }
0x838: {  	v3 =	vor.u32 s0, v56;
	v2 =	vld.idx.msk [tilespmem:v4+s17+$0x0], $0xffff  }
0x839: {  	v4 =	vor.u32 v45, v1;
	_ =	sdelay $0x3  }
0x83a: {  	[tilespmem:v3+s24+$0x0] =	vst.idx.msk $0xffff, v2  }
0x83b: {  	v3 =	vor.u32 s0, v57;
	v2 =	vld.idx.msk [tilespmem:v4+s17+$0x0], $0xffff  }
0x83c: {  	v4 =	vor.u32 v46, v1;
	_ =	sdelay $0x3  }
0x83d: {  	[tilespmem:v3+s24+$0x0] =	vst.idx.msk $0xffff, v2  }
0x83e: {  	v3 =	vor.u32 s0, v58;
	v2 =	vld.idx.msk [tilespmem:v4+s17+$0x0], $0xffff  }
0x83f: {  	v4 =	vor.u32 v48, v1;
	_ =	sdelay $0x3  }
0x840: {  	[tilespmem:v3+s24+$0x0] =	vst.idx.msk $0xffff, v2  }
0x841: {  	v3 =	vor.u32 s0, v59;
	v2 =	vld.idx.msk [tilespmem:v4+s17+$0x0], $0xffff  }
0x842: {  	v4 =	vor.u32 v49, v1;
	_ =	sdelay $0x3  }
0x843: {  	[tilespmem:v3+s24+$0x0] =	vst.idx.msk $0xffff, v2  }
0x844: {  	v3 =	vor.u32 s0, v60;
	v2 =	vld.idx.msk [tilespmem:v4+s17+$0x0], $0xffff  }
0x845: {  	v4 =	vor.u32 v50, v1;
	_ =	sdelay $0x3  }
0x846: {  	[tilespmem:v3+s24+$0x0] =	vst.idx.msk $0xffff, v2  }
0x847: {  	v3 =	vor.u32 s0, v61;
	v2 =	vld.idx.msk [tilespmem:v4+s17+$0x0], $0xffff  }
0x848: {  	v4 =	vor.u32 v51, v1;
	_ =	sdelay $0x3  }
0x849: {  	[tilespmem:v3+s24+$0x0] =	vst.idx.msk $0xffff, v2  }
0x84a: {  	v3 =	vor.u32 s0, v62;
	v2 =	vld.idx.msk [tilespmem:v4+s17+$0x0], $0xffff  }
0x84b: {  	v0 =	vor.u32 v0, v1;
	_ =	sdelay $0x3  }
0x84c: {  	[tilespmem:v3+s24+$0x0] =	vst.idx.msk $0xffff, v2  }
0x84d: {  	v51 =	vor.u32 s0, v63;
	v0 =	vld.idx.msk [tilespmem:v0+s17+$0x0], $0xffff;
	_ =	sdelay $0x4  }
0x84e: {  	s29 =	sadd.s32 $0x1, s29;
	[tilespmem:v51+s24+$0x0] =	vst.idx.msk $0xffff, v0  }
0x84f: {  	[hbm4b:s11+s20] =	stream.strided.scatter [tilespmem:s24], [sflag:$0x4], $0x4000, s21, s20, $0x38;
	[tilespmem:$0x16400] =	vst v63  }
0x850: {  	p0 =	sne.s32 s29, s12;
	_ =	swait.ge [sflag:s26], $0x4000  }
.Ltmp7:
0x851: {  	[sflag:s26] =	ssyncset.done $0x0;
	(pc) =	sbr.rel @p0 .LBB2_1-.Ltmp7, $4  }
0x852: {  	[sflag:s26] =	ssyncadd.s32 $0xFFFFC000  }
0x853: {  	_ =	swait.ge [sflag:s28], $0x4000  }
0x854: {  	[sflag:s28] =	ssyncset.done $0x0  }
0x855: {  	[sflag:s28] =	ssyncadd.s32 $0xFFFFC000  }
0x856: {  	_ =	sfence.sel $0x180000  }
0x857: {  	[bflag:$0x0] =	sbarrier.arrive $0xFFFF  }
0x858: {  	_ =	strace $0x90000047  }
0x859: {  	s0 =	stileid.u32;
	[bflag:$0x2] =	sbarrier.arrive $0xFFFF  }
0x85a: {  	p0 =	sne.s32 s0, $0x0;
	s0 =	rddreg [dreg:$0x2]  }
0x85b: {  	s0 =	sadd.s32 @!p0 $0x100000, s0  }
0x85c: {  	[sflag:s0] =	ssyncadd.tile.s32 @!p0 $0x1;
	_ =	shalt  }
.Lfunc_end2:
_tile_overlayer_lowered:
.L_overlay_start_2:
0x85d: {  	(tag) =	ssettag $0x2  }
0x85e: {  	s0 =	rddreg [dreg:$0x0];
	s2 =	stileid.u32  }
0x85f: {  	s1 =	rddreg [dreg:$0x1];
	p0 =	sne.s32 s2, $0x0  }
0x860: {  	s3 =	rddreg [dreg:$0x2];
	[bflag:$0x3] =	sbarrier.arrive $0xFFFF;
	s2 =	simm.s32 @!p0 $0x1C05  }
0x861: {  	[timem:s3], [sflag:s2] =	dma.local @!p0 [hbm:s0], s1  }
0x862: {  	s0 =	simm.s32 @!p0 $0x5  }
0x863: {  	_ =	swait.ge @!p0 [sflag:s0], s1  }
0x864: {  	s1 =	ssub.s32 @!p0 $0x0, s1;
	[sflag:s0] =	ssyncset.done @!p0 $0x0  }
0x865: {  	[sflag:s0] =	ssyncadd.s32 @!p0 s1  }
0x866: {  	[bflag:$0x3] =	sbarrier.arrive $0xFFFF  }
0x867: {  	_ =	shalt  }

</sc_bundles>
